<compile_context>
chip_gen: v7x
topology: tpu7x:2x2x1
jax: 0.10.2.dev20260603
libtpu: 0.0.44.dev20260713+nightly
codegen_flags: <defaults>
</compile_context>

<pallas_src>
import functools

import jax
import jax.numpy as jnp
from jax import lax
from jax.experimental import pallas as pl
from jax.experimental.pallas import tpu as pltpu
from jax.experimental.pallas import tpu_sc as plsc

N = 50000
E = 800000
F = 64
G = 20
BN = 128
FFN = 128
KOUT = 160000

NSC = 2
NT = 16
CH = 128
NCH = 56
BLKE = NCH * CH

EPT = 50176
CPT = EPT // CH
NBLK = CPT // NCH
EP = NT * EPT
SR = 8
SLAB = SR * CH
NSL = NCH // SR

NP1 = 50176
ZPT = NP1 // NT
ZR = 392

_mesh = plsc.VectorSubcoreMesh(core_axis_name="c", subcore_axis_name="s")
_sc_params = pltpu.CompilerParams(
    needs_layout_passes=False, use_tc_tiling_on_sc=False
)


def _elu(v):
    return jnp.where(v > 0, v, jnp.exp(v) - 1.0)


@functools.partial(
    pl.kernel,
    out_type=jax.ShapeDtypeStruct((NSC * NP1,), jnp.float32),
    mesh=_mesh,
    scratch_types=[
        pltpu.VMEM((NCH, CH), jnp.int32),
        pltpu.VMEM((BLKE,), jnp.float32),
        pltpu.VMEM((ZPT,), jnp.float32),
        pltpu.VMEM_SHARED((NP1,), jnp.float32),
    ],
)
def _deg_sc(col2_hbm, w_hbm, out_hbm, col_v, w_v, z_v, acc_sh):
    c = lax.axis_index("c")
    s = lax.axis_index("s")
    z16 = jnp.zeros((16,), jnp.float32)

    def zfill(i, _):
        z_v[pl.ds(i * 16, 16)] = z16
        return 0

    lax.fori_loop(0, ZPT // 16, zfill, 0)
    pltpu.sync_copy(z_v, acc_sh.at[pl.ds(s * ZPT, ZPT)])
    plsc.subcore_barrier()

    def blk(b, _):
        crb = s * CPT + b * NCH
        pltpu.sync_copy(col2_hbm.at[pl.ds(crb, NCH)], col_v)
        pltpu.sync_copy(w_hbm.at[pl.ds(crb * CH, BLKE)], w_v)

        def ch(j, _):
            pltpu.sync_copy(
                w_v.at[pl.ds(j * CH, CH)], acc_sh.at[col_v.at[j]], add=True
            )
            return 0

        lax.fori_loop(0, NCH, ch, 0)
        return 0

    lax.fori_loop(0, NBLK, blk, 0)
    plsc.subcore_barrier()
    pltpu.sync_copy(acc_sh.at[pl.ds(s * ZPT, ZPT)], z_v)
    pltpu.sync_copy(z_v, out_hbm.at[pl.ds(c * NP1 + s * ZPT, ZPT)])


QF = 16

_GDN = lax.GatherDimensionNumbers(
    offset_dims=(), collapsed_slice_dims=(0,), start_index_map=(0,)
)


@functools.partial(
    pl.kernel,
    out_type=jax.ShapeDtypeStruct((4, NP1, QF), jnp.float32),
    mesh=_mesh,
    scratch_types=[
        pltpu.VMEM((BLKE,), jnp.int32),
        pltpu.VMEM((BLKE,), jnp.int32),
        pltpu.VMEM((BLKE,), jnp.float32),
        pltpu.VMEM((SLAB, QF), jnp.float32),
        pltpu.VMEM((SLAB, QF), jnp.float32),
        pltpu.VMEM((ZR, QF), jnp.float32),
        pltpu.VMEM_SHARED((NP1, QF), jnp.float32),
        pltpu.SemaphoreType.DMA,
        pltpu.SemaphoreType.DMA,
        pltpu.SemaphoreType.DMA,
        pltpu.SemaphoreType.DMA,
    ],
    compiler_params=_sc_params,
)
def _conv_sc(xs_hbm, row1_hbm, col1_hbm, w_hbm, out_hbm,
             row_v, col_v, w_v, g_a, g_b, z_v, acc_sh,
             sem_a, sem_b, sem_sa, sem_sb):
    c = lax.axis_index("c")
    s = lax.axis_index("s")
    z16 = jnp.zeros((16,), jnp.float32)

    def zfill(i, _):
        z_v[i, pl.ds(0, 16)] = z16
        return 0

    def sweep(p, _):
        q = c * 2 + p
        lax.fori_loop(0, ZR, zfill, 0)

        def zcopy(k, _):
            pltpu.sync_copy(z_v, acc_sh.at[pl.ds(s * ZPT + k * ZR, ZR)])
            return 0

        lax.fori_loop(0, ZPT // ZR, zcopy, 0)
        plsc.subcore_barrier()

        qNv = jnp.full((16,), q * N, jnp.int32)

        def blk(b, _):
            eb = (s * CPT + b * NCH) * CH
            pltpu.sync_copy(row1_hbm.at[pl.ds(eb, BLKE)], row_v)
            pltpu.sync_copy(col1_hbm.at[pl.ds(eb, BLKE)], col_v)
            pltpu.sync_copy(w_hbm.at[pl.ds(eb, BLKE)], w_v)

            def adj(i, _):
                sl = pl.ds(i * 16, 16)
                row_v[sl] = row_v[sl] + qNv
                return 0

            lax.fori_loop(0, BLKE // 16, adj, 0, unroll=8)

            def scale(j, g):
                def grp(g8, _):
                    w16 = w_v[pl.ds(j * SLAB + g8 * 16, 16)]
                    e0 = g8 * 16
                    for k in range(16):
                        wb = lax.gather(
                            w16, jnp.full((16, 1), k, jnp.int32), _GDN, (1,),
                            mode=lax.GatherScatterMode.PROMISE_IN_BOUNDS,
                        )
                        g[e0 + k, pl.ds(0, 16)] = g[e0 + k, pl.ds(0, 16)] * wb
                    return 0

                lax.fori_loop(0, SLAB // 16, grp, 0, unroll=2)

            def gather(j, g, sem):
                pltpu.async_copy(
                    xs_hbm.at[row_v.at[pl.ds(j * SLAB, SLAB)]], g, sem
                )

            def gwait(j, g, sem):
                pltpu.make_async_copy(
                    xs_hbm.at[row_v.at[pl.ds(j * SLAB, SLAB)]], g, sem
                ).wait()

            def scatter(j, g, sem):
                pltpu.async_copy(
                    g, acc_sh.at[col_v.at[pl.ds(j * SLAB, SLAB)]], sem, add=True
                )

            def swait(j, g, sem):
                pltpu.make_async_copy(
                    g, acc_sh.at[col_v.at[pl.ds(j * SLAB, SLAB)]], sem
                ).wait()

            gather(0, g_a, sem_a)

            def slab_loop(j, _):
                @pl.when(j % 2 == 0)
                def _():
                    gwait(j, g_a, sem_a)

                    @pl.when(j < NSL - 1)
                    def _():
                        @pl.when(j >= 1)
                        def _():
                            swait(j - 1, g_b, sem_sb)

                        gather(j + 1, g_b, sem_b)

                    scale(j, g_a)
                    scatter(j, g_a, sem_sa)

                @pl.when(j % 2 == 1)
                def _():
                    gwait(j, g_b, sem_b)

                    @pl.when(j < NSL - 1)
                    def _():
                        swait(j - 1, g_a, sem_sa)
                        gather(j + 1, g_a, sem_a)

                    scale(j, g_b)
                    scatter(j, g_b, sem_sb)

                return 0

            lax.fori_loop(0, NSL, slab_loop, 0)
            swait(NSL - 2, g_b, sem_sb)
            swait(NSL - 1, g_a, sem_sa)
            return 0

        lax.fori_loop(0, NBLK, blk, 0)
        plsc.subcore_barrier()

        def ocopy(k, _):
            sl = pl.ds(s * ZPT + k * ZR, ZR)
            pltpu.sync_copy(acc_sh.at[sl], z_v)
            pltpu.sync_copy(z_v, out_hbm.at[q, sl])
            return 0

        lax.fori_loop(0, ZPT // ZR, ocopy, 0)
        return 0

    lax.fori_loop(0, 2, sweep, 0)


_BW = 1280
_R = 2048
_NRB = (N + _R - 1) // _R


def _dense_body(x_ref, W1_ref, b1_ref, W2_ref, b2_ref, o_ref, h0_ref):
    @pl.when(pl.program_id(0) == 0)
    def _():
        h0 = jnp.dot(x_ref[...], W1_ref[...], preferred_element_type=jnp.float32)
        h0_ref[...] = _elu(h0 + b1_ref[...])

    h = jnp.dot(h0_ref[...], W2_ref[...], preferred_element_type=jnp.float32)
    o_ref[...] = _elu(h + b2_ref[...])


_dense_tc = pl.pallas_call(
    _dense_body,
    grid=(KOUT // _BW,),
    in_specs=[
        pl.BlockSpec((G, BN), lambda i: (0, 0)),
        pl.BlockSpec((BN, FFN), lambda i: (0, 0)),
        pl.BlockSpec((FFN,), lambda i: (0,)),
        pl.BlockSpec((FFN, _BW), lambda i: (0, i)),
        pl.BlockSpec((1, _BW), lambda i: (0, i)),
    ],
    out_specs=pl.BlockSpec((G, _BW), lambda i: (0, i)),
    out_shape=jax.ShapeDtypeStruct((G, KOUT), jnp.float32),
    scratch_shapes=[pltpu.VMEM((G, FFN), jnp.float32)],
)


def _dis_block(deg_ref):
    dis = lax.rsqrt(1.0 + deg_ref[...])
    return lax.broadcast_in_dim(dis, (_R, F), (0,))


def _split_q(o_ref, xs):
    for q in range(4):
        o_ref[q, :, :] = xs[:, q * QF:(q + 1) * QF]


def _cat_q(ref):
    return jnp.concatenate([ref[q] for q in range(4)], axis=1)


def _pre_body(deg_ref, h_ref, Wc_ref, o_ref):
    disb = _dis_block(deg_ref)
    xh = jnp.dot(h_ref[...], Wc_ref[...], preferred_element_type=jnp.float32)
    _split_q(o_ref, disb * xh)


_pre_tc = pl.pallas_call(
    _pre_body,
    grid=(_NRB,),
    in_specs=[
        pl.BlockSpec((_R,), lambda i: (i,)),
        pl.BlockSpec((_R, F), lambda i: (i, 0)),
        pl.BlockSpec((F, F), lambda i: (0, 0)),
    ],
    out_specs=pl.BlockSpec((4, _R, QF), lambda i: (0, i, 0)),
    out_shape=jax.ShapeDtypeStruct((4, N, QF), jnp.float32),
)


def _mid_body(p_ref, xs_ref, deg_ref, bc_ref, h_ref, Wc_ref, o_ref):
    disb = _dis_block(deg_ref)
    acc = _cat_q(p_ref)
    xs = _cat_q(xs_ref)
    y = _elu(disb * (acc + xs) + bc_ref[...]) + h_ref[...]
    xh2 = jnp.dot(y, Wc_ref[...], preferred_element_type=jnp.float32)
    _split_q(o_ref, disb * xh2)


_mid_tc = pl.pallas_call(
    _mid_body,
    grid=(_NRB,),
    in_specs=[
        pl.BlockSpec((4, _R, QF), lambda i: (0, i, 0)),
        pl.BlockSpec((4, _R, QF), lambda i: (0, i, 0)),
        pl.BlockSpec((_R,), lambda i: (i,)),
        pl.BlockSpec((F,), lambda i: (0,)),
        pl.BlockSpec((_R, F), lambda i: (i, 0)),
        pl.BlockSpec((F, F), lambda i: (0, 0)),
    ],
    out_specs=pl.BlockSpec((4, _R, QF), lambda i: (0, i, 0)),
    out_shape=jax.ShapeDtypeStruct((4, N, QF), jnp.float32),
)


def _post_body(p_ref, xs_ref, deg_ref, bc_ref, h_ref, o_ref):
    disb = _dis_block(deg_ref)
    acc = _cat_q(p_ref)
    xs = _cat_q(xs_ref)
    o_ref[...] = disb * (acc + xs) + bc_ref[...] + h_ref[...]


_post_tc = pl.pallas_call(
    _post_body,
    grid=(_NRB,),
    in_specs=[
        pl.BlockSpec((4, _R, QF), lambda i: (0, i, 0)),
        pl.BlockSpec((4, _R, QF), lambda i: (0, i, 0)),
        pl.BlockSpec((_R,), lambda i: (i,)),
        pl.BlockSpec((F,), lambda i: (0,)),
        pl.BlockSpec((_R, F), lambda i: (i, 0)),
    ],
    out_specs=pl.BlockSpec((_R, F), lambda i: (i, 0)),
    out_shape=jax.ShapeDtypeStruct((N, F), jnp.float32),
)


def kernel(x, edge_index, edge_weight, W1, b1, W2, b2, Wc1, bc1, Wc2, bc2,
           num_graphs):
    del num_graphs
    ei = edge_index.astype(jnp.int32)
    pad = EP - E
    rowp = jnp.concatenate([ei[0], jnp.zeros((pad,), jnp.int32)])
    colp = jnp.concatenate([ei[1], jnp.zeros((pad,), jnp.int32)])
    wp = jnp.concatenate([edge_weight, jnp.zeros((pad,), jnp.float32)])
    col2 = colp.reshape(EP // CH, CH)

    degp = _deg_sc(col2, wp)
    H = _dense_tc(x, W1, b1, W2, b2.reshape(1, KOUT)).reshape(N, F)
    X1 = _pre_tc(degp, H, Wc1)
    P1 = _conv_sc(X1.reshape(4 * N, QF), rowp, colp, wp)
    X2 = _mid_tc(P1, X1, degp, bc1, H, Wc2)
    P2 = _conv_sc(X2.reshape(4 * N, QF), rowp, colp, wp)
    return _post_tc(P2, X2, degp, bc2, H)

# --- scband reference (transcript-rebuilt; emitter-appended) ---
"""Pipeline reference for scband-decoder-43301860278274 (READ-ONLY COPY).

The authoritative reference and input builder live on the scoring server;
editing this copy changes nothing except your own understanding.
"""

import jax, jax.numpy as jnp
import numpy as np

HIDDEN = [64, 64, 64]
BOTTLENECK = 128
FFN = 128
INPUT_SIZE = 2500
NUM_GRAPHS = 20
N_NODES = NUM_GRAPHS * INPUT_SIZE
N_EDGES = 800000


def setup_inputs(seed: int = 0) -> dict:
    key = jax.random.key(seed)
    ks = [jax.random.fold_in(key, i) for i in range(12)]
    x = jax.random.normal(ks[0], (NUM_GRAPHS, BOTTLENECK), dtype=jnp.float32)
    edge_index = jax.random.randint(ks[1], (2, N_EDGES), 0, N_NODES, dtype=jnp.int64)
    edge_weight = jax.random.uniform(ks[2], (N_EDGES,), dtype=jnp.float32)
    W1 = jax.random.normal(ks[3], (BOTTLENECK, FFN), dtype=jnp.float32) * 0.05
    b1 = jnp.zeros((FFN,), dtype=jnp.float32)
    W2 = jax.random.normal(ks[4], (FFN, INPUT_SIZE * HIDDEN[-1]), dtype=jnp.float32) * 0.05
    b2 = jnp.zeros((INPUT_SIZE * HIDDEN[-1],), dtype=jnp.float32)
    Wc1 = jax.random.normal(ks[5], (HIDDEN[2], HIDDEN[1]), dtype=jnp.float32) * 0.1
    bc1 = jnp.zeros((HIDDEN[1],), dtype=jnp.float32)
    Wc2 = jax.random.normal(ks[6], (HIDDEN[1], HIDDEN[0]), dtype=jnp.float32) * 0.1
    bc2 = jnp.zeros((HIDDEN[0],), dtype=jnp.float32)
    return {"x": x, "edge_index": edge_index, "edge_weight": edge_weight,
            "W1": W1, "b1": b1, "W2": W2, "b2": b2,
            "Wc1": Wc1, "bc1": bc1, "Wc2": Wc2, "bc2": bc2,
            "num_graphs": NUM_GRAPHS}


def _gcn_conv(x, edge_index, edge_weight, W, b, n_nodes):
    # PyG GCNConv: add self-loops (weight 1), symmetric normalization, linear, scatter-add, bias
    loop = jnp.arange(n_nodes, dtype=edge_index.dtype)
    row = jnp.concatenate([edge_index[0], loop])
    col = jnp.concatenate([edge_index[1], loop])
    w = jnp.concatenate([edge_weight, jnp.ones((n_nodes,), dtype=edge_weight.dtype)])
    deg = jax.ops.segment_sum(w, col, num_segments=n_nodes)
    deg_inv_sqrt = jnp.where(deg > 0, 1.0 / jnp.sqrt(deg), 0.0)
    norm = deg_inv_sqrt[row] * w * deg_inv_sqrt[col]
    xh = x @ W
    msg = xh[row] * norm[:, None]
    out = jax.ops.segment_sum(msg, col, num_segments=n_nodes)
    return out + b


def reference(x, edge_index, edge_weight, W1, b1, W2, b2, Wc1, bc1, Wc2, bc2, num_graphs):
    n_nodes = x.shape[0] * INPUT_SIZE
    act = jax.nn.elu
    h0 = act(x @ W1 + b1)
    h0 = act(h0 @ W2 + b2)
    h = h0.reshape(n_nodes, HIDDEN[-1])
    out = h
    # layer 0: conv -> act (idx 0 != depth-2) -> skip
    out = _gcn_conv(out, edge_index, edge_weight, Wc1, bc1, n_nodes)
    out = act(out)
    out = out + h
    # layer 1: conv (idx 1 == depth-2, no act) -> skip
    out = _gcn_conv(out, edge_index, edge_weight, Wc2, bc2, n_nodes)
    out = out + h
    out = out + jnp.zeros((), out.dtype) * num_graphs
    return out

if __name__ == "__main__":
    import jax
    _d = setup_inputs()
    print(jax.jit(kernel)(*tuple(_d.values())))

</pallas_src>

<mosaic_0001>
#map = affine_map<(d0, d1) -> (0, 0)>
#map1 = affine_map<(d0, d1) -> (0)>
module attributes {stable_mosaic.version = 14 : i64} {
  func.func @_deg_sc(%arg0: i32, %arg1: i32, %arg2: memref<6272x128xi32, #tpu.memory_space<hbm>>, %arg3: memref<802816xf32, #tpu.memory_space<hbm>>, %arg4: memref<100352xf32, #tpu.memory_space<hbm>>, %arg5: memref<56x128xi32, #tpu.memory_space<vmem>>, %arg6: memref<7168xf32, #tpu.memory_space<vmem>>, %arg7: memref<3136xf32, #tpu.memory_space<vmem>>, %arg8: memref<50176xf32, #tpu.memory_space<vmem_shared>>) attributes {dimension_semantics = [#tpu.dimension_semantics<core_parallel>, #tpu.dimension_semantics<subcore_parallel>], iteration_bounds = array<i64: 2, 16>, scalar_prefetch = 0 : i64, scratch_operands = 4 : i64, tpu.core_type = #tpu.core_type<sc_vector_subcore>, window_params = [{transform_indices = #map}, {transform_indices = #map1}, {transform_indices = #map1}]} {
    %broadcast_in_dim3A = arith.constant 0.000000e+00 : f32
    %broadcast_in_dim3A_0 = vector.broadcast %broadcast_in_dim3A : f32 to vector<16xf32>
    %scan3A = arith.constant 0 : i32
    %scan3A_1 = arith.constant 0 : i32
    %scan3A_2 = arith.constant 196 : i32
    %scan3A_3 = arith.addi %scan3A_1, %scan3A_2 : i32
    %scan3A_4 = arith.constant 1 : i32
    %scan3A_5 = scf.for %scan3A_22 = %scan3A_1 to %scan3A_3 step %scan3A_4 iter_args(%scan3A_23 = %scan3A) -> (i32)  : i32 {
      %mul3A_24 = arith.constant 16 : i32
      %mul3A_25 = arith.muli %scan3A_22, %mul3A_24 : i32
      %swap3A = arith.index_cast %mul3A_25 : i32 to index
      %swap3A_26 = tpu.vector_load %arg7[%swap3A] {strides = array<i32>} : memref<3136xf32, #tpu.memory_space<vmem>>, vector<16xf32>,
      %swap3A_27 = vector.shape_cast %swap3A_26 : vector<16xf32> to vector<16xf32>
      %swap3A_28 = vector.shape_cast %broadcast_in_dim3A_0 : vector<16xf32> to vector<16xf32>
      tpu.vector_store %arg7[%swap3A], %swap3A_28 {strides = array<i32>} : memref<3136xf32, #tpu.memory_space<vmem>>, vector<16xf32>,
      %scan3A_29 = arith.constant 0 : i32
      scf.yield %scan3A_29 : i32
    }
    %scan3A_6 = arith.constant 196 : i32
    %mul3A = arith.constant 3136 : i32
    %mul3A_7 = arith.muli %arg1, %mul3A : i32
    "tpu.region"() ({
      %run_scoped3A = tpu.sem_alloc : memref<!tpu.dma_semaphore, #tpu.memory_space<semaphore_mem>>
      %dma_start3A = tpu.memref_slice %arg8[%mul3A_7] : memref<50176xf32, #tpu.memory_space<vmem_shared>> -> memref<3136xf32, #tpu.memory_space<vmem_shared>>
      %dma_start3A_22 = tpu.memref_slice %arg8[%mul3A_7] : memref<50176xf32, #tpu.memory_space<vmem_shared>> -> memref<3136xf32, #tpu.memory_space<vmem_shared>>
      tpu.enqueue_dma source(%arg7 : memref<3136xf32, #tpu.memory_space<vmem>>) target(%dma_start3A_22 : memref<3136xf32, #tpu.memory_space<vmem_shared>>) target_semaphore(%run_scoped3A : memref<!tpu.dma_semaphore, #tpu.memory_space<semaphore_mem>>)
      %dma_wait3A = tpu.memref_slice %arg8[%mul3A_7] : memref<50176xf32, #tpu.memory_space<vmem_shared>> -> memref<3136xf32, #tpu.memory_space<vmem_shared>>
      %dma_wait3A_23 = tpu.memref_slice %arg8[%mul3A_7] : memref<50176xf32, #tpu.memory_space<vmem_shared>> -> memref<3136xf32, #tpu.memory_space<vmem_shared>>
      tpu.wait_dma2 semaphore(%run_scoped3A : memref<!tpu.dma_semaphore, #tpu.memory_space<semaphore_mem>>) src(%arg7 : memref<3136xf32, #tpu.memory_space<vmem>>) dst(%dma_wait3A_23 : memref<3136xf32, #tpu.memory_space<vmem_shared>>)
      tpu.yield
    }) : () -> ()
    %barrier3A = arith.constant 0 : index
    tpu.barrier barrier_id(%barrier3A)
    %scan3A_8 = arith.constant 0 : i32
    %scan3A_9 = arith.constant 0 : i32
    %scan3A_10 = arith.constant 7 : i32
    %scan3A_11 = arith.addi %scan3A_9, %scan3A_10 : i32
    %scan3A_12 = arith.constant 1 : i32
    %scan3A_13 = scf.for %scan3A_22 = %scan3A_9 to %scan3A_11 step %scan3A_12 iter_args(%scan3A_23 = %scan3A_8) -> (i32)  : i32 {
      %mul3A_24 = arith.constant 392 : i32
      %mul3A_25 = arith.muli %arg1, %mul3A_24 : i32
      %mul3A_26 = arith.constant 56 : i32
      %mul3A_27 = arith.muli %scan3A_22, %mul3A_26 : i32
      %add3A_28 = arith.addi %mul3A_25, %mul3A_27 : i32
      "tpu.region"() ({
        %run_scoped3A = tpu.sem_alloc : memref<!tpu.dma_semaphore, #tpu.memory_space<semaphore_mem>>
        %dma_start3A = arith.constant 0 : i32
        %dma_start3A_39 = tpu.memref_slice %arg2[%add3A_28, %dma_start3A] : memref<6272x128xi32, #tpu.memory_space<hbm>> -> memref<56x128xi32, #tpu.memory_space<hbm>>
        %dma_start3A_40 = arith.constant 0 : i32
        %dma_start3A_41 = tpu.memref_slice %arg2[%add3A_28, %dma_start3A_40] : memref<6272x128xi32, #tpu.memory_space<hbm>> -> memref<56x128xi32, #tpu.memory_space<hbm>>
        tpu.enqueue_dma source(%dma_start3A_41 : memref<56x128xi32, #tpu.memory_space<hbm>>) target(%arg5 : memref<56x128xi32, #tpu.memory_space<vmem>>) target_semaphore(%run_scoped3A : memref<!tpu.dma_semaphore, #tpu.memory_space<semaphore_mem>>)
        %dma_wait3A = arith.constant 0 : i32
        %dma_wait3A_42 = tpu.memref_slice %arg2[%add3A_28, %dma_wait3A] : memref<6272x128xi32, #tpu.memory_space<hbm>> -> memref<56x128xi32, #tpu.memory_space<hbm>>
        %dma_wait3A_43 = arith.constant 0 : i32
        %dma_wait3A_44 = tpu.memref_slice %arg2[%add3A_28, %dma_wait3A_43] : memref<6272x128xi32, #tpu.memory_space<hbm>> -> memref<56x128xi32, #tpu.memory_space<hbm>>
        tpu.wait_dma2 semaphore(%run_scoped3A : memref<!tpu.dma_semaphore, #tpu.memory_space<semaphore_mem>>) src(%dma_wait3A_44 : memref<56x128xi32, #tpu.memory_space<hbm>>) dst(%arg5 : memref<56x128xi32, #tpu.memory_space<vmem>>)
        tpu.yield
      }) : () -> ()
      %mul3A_29 = arith.constant 128 : i32
      %mul3A_30 = arith.muli %add3A_28, %mul3A_29 : i32
      "tpu.region"() ({
        %run_scoped3A = tpu.sem_alloc : memref<!tpu.dma_semaphore, #tpu.memory_space<semaphore_mem>>
        %dma_start3A = tpu.memref_slice %arg3[%mul3A_30] : memref<802816xf32, #tpu.memory_space<hbm>> -> memref<7168xf32, #tpu.memory_space<hbm>>
        %dma_start3A_39 = tpu.memref_slice %arg3[%mul3A_30] : memref<802816xf32, #tpu.memory_space<hbm>> -> memref<7168xf32, #tpu.memory_space<hbm>>
        tpu.enqueue_dma source(%dma_start3A_39 : memref<7168xf32, #tpu.memory_space<hbm>>) target(%arg6 : memref<7168xf32, #tpu.memory_space<vmem>>) target_semaphore(%run_scoped3A : memref<!tpu.dma_semaphore, #tpu.memory_space<semaphore_mem>>)
        %dma_wait3A = tpu.memref_slice %arg3[%mul3A_30] : memref<802816xf32, #tpu.memory_space<hbm>> -> memref<7168xf32, #tpu.memory_space<hbm>>
        %dma_wait3A_40 = tpu.memref_slice %arg3[%mul3A_30] : memref<802816xf32, #tpu.memory_space<hbm>> -> memref<7168xf32, #tpu.memory_space<hbm>>
        tpu.wait_dma2 semaphore(%run_scoped3A : memref<!tpu.dma_semaphore, #tpu.memory_space<semaphore_mem>>) src(%dma_wait3A_40 : memref<7168xf32, #tpu.memory_space<hbm>>) dst(%arg6 : memref<7168xf32, #tpu.memory_space<vmem>>)
        tpu.yield
      }) : () -> ()
      %scan3A_31 = arith.constant 0 : i32
      %scan3A_32 = arith.constant 0 : i32
      %scan3A_33 = arith.constant 56 : i32
      %scan3A_34 = arith.addi %scan3A_32, %scan3A_33 : i32
      %scan3A_35 = arith.constant 1 : i32
      %scan3A_36 = scf.for %scan3A_39 = %scan3A_32 to %scan3A_34 step %scan3A_35 iter_args(%scan3A_40 = %scan3A_31) -> (i32)  : i32 {
        %mul3A_41 = arith.constant 128 : i32
        %mul3A_42 = arith.muli %scan3A_39, %mul3A_41 : i32
        "tpu.region"() ({
          %run_scoped3A = tpu.sem_alloc : memref<!tpu.dma_semaphore, #tpu.memory_space<semaphore_mem>>
          %dma_start3A = tpu.memref_slice %arg6[%mul3A_42] : memref<7168xf32, #tpu.memory_space<vmem>> -> memref<128xf32, #tpu.memory_space<vmem>>
          %dma_start3A_44 = arith.constant 0 : i32
          %dma_start3A_45 = tpu.memref_slice %arg5[%scan3A_39, %dma_start3A_44] : memref<56x128xi32, #tpu.memory_space<vmem>> -> memref<1x128xi32, #tpu.memory_space<vmem>>
          %dma_start3A_46 = tpu.memref_squeeze %dma_start3A_45 : memref<1x128xi32, #tpu.memory_space<vmem>> -> memref<128xi32, #tpu.memory_space<vmem>>
          %dma_start3A_47 = arith.constant 0 : i32
          %dma_start3A_48 = tpu.memref_slice %arg8[%dma_start3A_47] : memref<50176xf32, #tpu.memory_space<vmem_shared>> -> memref<50176xf32, #tpu.memory_space<vmem_shared>>
          tpu.enqueue_indirect_dma source(%dma_start3A : memref<128xf32, #tpu.memory_space<vmem>>) target(%dma_start3A_48 : memref<50176xf32, #tpu.memory_space<vmem_shared>>) offsets(%dma_start3A_46 : memref<128xi32, #tpu.memory_space<vmem>>) semaphore(%run_scoped3A : memref<!tpu.dma_semaphore, #tpu.memory_space<semaphore_mem>>) {add = true}
          %dma_wait3A = tpu.memref_slice %arg6[%mul3A_42] : memref<7168xf32, #tpu.memory_space<vmem>> -> memref<128xf32, #tpu.memory_space<vmem>>
          %dma_wait3A_49 = arith.constant 0 : i32
          %dma_wait3A_50 = tpu.memref_slice %arg5[%scan3A_39, %dma_wait3A_49] : memref<56x128xi32, #tpu.memory_space<vmem>> -> memref<1x128xi32, #tpu.memory_space<vmem>>
          %dma_wait3A_51 = tpu.memref_squeeze %dma_wait3A_50 : memref<1x128xi32, #tpu.memory_space<vmem>> -> memref<128xi32, #tpu.memory_space<vmem>>
          %dma_wait3A_52 = arith.constant 0 : i32
          %dma_wait3A_53 = tpu.memref_slice %arg8[%dma_wait3A_52] : memref<50176xf32, #tpu.memory_space<vmem_shared>> -> memref<50176xf32, #tpu.memory_space<vmem_shared>>
          tpu.wait_indirect_dma semaphore(%run_scoped3A : memref<!tpu.dma_semaphore, #tpu.memory_space<semaphore_mem>>) src(%dma_wait3A : memref<128xf32, #tpu.memory_space<vmem>>) dst(%dma_wait3A_53 : memref<50176xf32, #tpu.memory_space<vmem_shared>>)
          tpu.yield
        }) : () -> ()
        %scan3A_43 = arith.constant 0 : i32
        scf.yield %scan3A_43 : i32
      }
      %scan3A_37 = arith.constant 56 : i32
      %scan3A_38 = arith.constant 0 : i32
      scf.yield %scan3A_38 : i32
    }
    %scan3A_14 = arith.constant 7 : i32
    %barrier3A_15 = arith.constant 0 : index
    tpu.barrier barrier_id(%barrier3A_15)
    %mul3A_16 = arith.constant 3136 : i32
    %mul3A_17 = arith.muli %arg1, %mul3A_16 : i32
    "tpu.region"() ({
      %run_scoped3A = tpu.sem_alloc : memref<!tpu.dma_semaphore, #tpu.memory_space<semaphore_mem>>
      %dma_start3A = tpu.memref_slice %arg8[%mul3A_17] : memref<50176xf32, #tpu.memory_space<vmem_shared>> -> memref<3136xf32, #tpu.memory_space<vmem_shared>>
      %dma_start3A_22 = tpu.memref_slice %arg8[%mul3A_17] : memref<50176xf32, #tpu.memory_space<vmem_shared>> -> memref<3136xf32, #tpu.memory_space<vmem_shared>>
      tpu.enqueue_dma source(%dma_start3A_22 : memref<3136xf32, #tpu.memory_space<vmem_shared>>) target(%arg7 : memref<3136xf32, #tpu.memory_space<vmem>>) target_semaphore(%run_scoped3A : memref<!tpu.dma_semaphore, #tpu.memory_space<semaphore_mem>>)
      %dma_wait3A = tpu.memref_slice %arg8[%mul3A_17] : memref<50176xf32, #tpu.memory_space<vmem_shared>> -> memref<3136xf32, #tpu.memory_space<vmem_shared>>
      %dma_wait3A_23 = tpu.memref_slice %arg8[%mul3A_17] : memref<50176xf32, #tpu.memory_space<vmem_shared>> -> memref<3136xf32, #tpu.memory_space<vmem_shared>>
      tpu.wait_dma2 semaphore(%run_scoped3A : memref<!tpu.dma_semaphore, #tpu.memory_space<semaphore_mem>>) src(%dma_wait3A_23 : memref<3136xf32, #tpu.memory_space<vmem_shared>>) dst(%arg7 : memref<3136xf32, #tpu.memory_space<vmem>>)
      tpu.yield
    }) : () -> ()
    %mul3A_18 = arith.constant 50176 : i32
    %mul3A_19 = arith.muli %arg0, %mul3A_18 : i32
    %mul3A_20 = arith.constant 3136 : i32
    %mul3A_21 = arith.muli %arg1, %mul3A_20 : i32
    %add3A = arith.addi %mul3A_19, %mul3A_21 : i32
    "tpu.region"() ({
      %run_scoped3A = tpu.sem_alloc : memref<!tpu.dma_semaphore, #tpu.memory_space<semaphore_mem>>
      %dma_start3A = tpu.memref_slice %arg4[%add3A] : memref<100352xf32, #tpu.memory_space<hbm>> -> memref<3136xf32, #tpu.memory_space<hbm>>
      %dma_start3A_22 = tpu.memref_slice %arg4[%add3A] : memref<100352xf32, #tpu.memory_space<hbm>> -> memref<3136xf32, #tpu.memory_space<hbm>>
      tpu.enqueue_dma source(%arg7 : memref<3136xf32, #tpu.memory_space<vmem>>) target(%dma_start3A_22 : memref<3136xf32, #tpu.memory_space<hbm>>) target_semaphore(%run_scoped3A : memref<!tpu.dma_semaphore, #tpu.memory_space<semaphore_mem>>)
      %dma_wait3A = tpu.memref_slice %arg4[%add3A] : memref<100352xf32, #tpu.memory_space<hbm>> -> memref<3136xf32, #tpu.memory_space<hbm>>
      %dma_wait3A_23 = tpu.memref_slice %arg4[%add3A] : memref<100352xf32, #tpu.memory_space<hbm>> -> memref<3136xf32, #tpu.memory_space<hbm>>
      tpu.wait_dma2 semaphore(%run_scoped3A : memref<!tpu.dma_semaphore, #tpu.memory_space<semaphore_mem>>) src(%arg7 : memref<3136xf32, #tpu.memory_space<vmem>>) dst(%dma_wait3A_23 : memref<3136xf32, #tpu.memory_space<hbm>>)
      tpu.yield
    }) : () -> ()
    return
  }
}

#map = affine_map<(d0, d1) -> (0, 0)>
#map1 = affine_map<(d0, d1) -> (0)>
#map2 = affine_map<(d0, d1) -> (0, 0, 0)>
module attributes {stable_mosaic.version = 14 : i64} {
  func.func @_conv_sc(%arg0: i32, %arg1: i32, %arg2: memref<200000x16xf32, #tpu.memory_space<hbm>>, %arg3: memref<802816xi32, #tpu.memory_space<hbm>>, %arg4: memref<802816xi32, #tpu.memory_space<hbm>>, %arg5: memref<802816xf32, #tpu.memory_space<hbm>>, %arg6: memref<4x50176x16xf32, #tpu.memory_space<hbm>>, %arg7: memref<7168xi32, #tpu.memory_space<vmem>>, %arg8: memref<7168xi32, #tpu.memory_space<vmem>>, %arg9: memref<7168xf32, #tpu.memory_space<vmem>>, %arg10: memref<1024x16xf32, #tpu.memory_space<vmem>>, %arg11: memref<1024x16xf32, #tpu.memory_space<vmem>>, %arg12: memref<392x16xf32, #tpu.memory_space<vmem>>, %arg13: memref<50176x16xf32, #tpu.memory_space<vmem_shared>>, %arg14: memref<!tpu.dma_semaphore, #tpu.memory_space<semaphore_mem>>, %arg15: memref<!tpu.dma_semaphore, #tpu.memory_space<semaphore_mem>>, %arg16: memref<!tpu.dma_semaphore, #tpu.memory_space<semaphore_mem>>, %arg17: memref<!tpu.dma_semaphore, #tpu.memory_space<semaphore_mem>>) attributes {dimension_semantics = [#tpu.dimension_semantics<core_parallel>, #tpu.dimension_semantics<subcore_parallel>], iteration_bounds = array<i64: 2, 16>, scalar_prefetch = 0 : i64, scratch_operands = 11 : i64, tpu.core_type = #tpu.core_type<sc_vector_subcore>, window_params = [{transform_indices = #map}, {transform_indices = #map1}, {transform_indices = #map1}, {transform_indices = #map1}, {transform_indices = #map2}]} {
    %broadcast_in_dim3A = arith.constant 0.000000e+00 : f32
    %broadcast_in_dim3A_0 = vector.broadcast %broadcast_in_dim3A : f32 to vector<16xf32>
    %scan3A = arith.constant 0 : i32
    %scan3A_1 = arith.constant 0 : i32
    %scan3A_2 = arith.constant 2 : i32
    %scan3A_3 = arith.addi %scan3A_1, %scan3A_2 : i32
    %scan3A_4 = arith.constant 1 : i32
    %scan3A_5 = scf.for %scan3A_7 = %scan3A_1 to %scan3A_3 step %scan3A_4 iter_args(%scan3A_8 = %scan3A) -> (i32)  : i32 {
      %mul3A = arith.constant 2 : i32
      %mul3A_9 = arith.muli %arg0, %mul3A : i32
      %add3A = arith.addi %mul3A_9, %scan3A_7 : i32
      %scan3A_10 = arith.constant 0 : i32
      %scan3A_11 = arith.constant 0 : i32
      %scan3A_12 = arith.constant 392 : i32
      %scan3A_13 = arith.addi %scan3A_11, %scan3A_12 : i32
      %scan3A_14 = arith.constant 1 : i32
      %scan3A_15 = scf.for %scan3A_43 = %scan3A_11 to %scan3A_13 step %scan3A_14 iter_args(%scan3A_44 = %scan3A_10) -> (i32)  : i32 {
        %swap3A = arith.index_cast %scan3A_43 : i32 to index
        %swap3A_45 = arith.constant 0 : index
        %swap3A_46 = tpu.vector_load %arg12[%swap3A, %swap3A_45] {strides = array<i32>} : memref<392x16xf32, #tpu.memory_space<vmem>>, vector<16xf32>,
        tpu.vector_store %arg12[%swap3A, %swap3A_45], %broadcast_in_dim3A_0 {strides = array<i32>} : memref<392x16xf32, #tpu.memory_space<vmem>>, vector<16xf32>,
        %scan3A_47 = arith.constant 0 : i32
        scf.yield %scan3A_47 : i32
      }
      %scan3A_16 = arith.constant 392 : i32
      %scan3A_17 = arith.constant 0 : i32
      %scan3A_18 = arith.constant 0 : i32
      %scan3A_19 = arith.constant 8 : i32
      %scan3A_20 = arith.addi %scan3A_18, %scan3A_19 : i32
      %scan3A_21 = arith.constant 1 : i32
      %scan3A_22 = scf.for %scan3A_43 = %scan3A_18 to %scan3A_20 step %scan3A_21 iter_args(%scan3A_44 = %scan3A_17) -> (i32)  : i32 {
        %mul3A_45 = arith.constant 3136 : i32
        %mul3A_46 = arith.muli %arg1, %mul3A_45 : i32
        %mul3A_47 = arith.constant 392 : i32
        %mul3A_48 = arith.muli %scan3A_43, %mul3A_47 : i32
        %add3A_49 = arith.addi %mul3A_46, %mul3A_48 : i32
        "tpu.region"() ({
          %run_scoped3A = tpu.sem_alloc : memref<!tpu.dma_semaphore, #tpu.memory_space<semaphore_mem>>
          %dma_start3A = arith.constant 0 : i32
          %dma_start3A_51 = tpu.memref_slice %arg13[%add3A_49, %dma_start3A] : memref<50176x16xf32, #tpu.memory_space<vmem_shared>> -> memref<392x16xf32, #tpu.memory_space<vmem_shared>>
          %dma_start3A_52 = arith.constant 0 : i32
          %dma_start3A_53 = tpu.memref_slice %arg13[%add3A_49, %dma_start3A_52] : memref<50176x16xf32, #tpu.memory_space<vmem_shared>> -> memref<392x16xf32, #tpu.memory_space<vmem_shared>>
          tpu.enqueue_dma source(%arg12 : memref<392x16xf32, #tpu.memory_space<vmem>>) target(%dma_start3A_53 : memref<392x16xf32, #tpu.memory_space<vmem_shared>>) target_semaphore(%run_scoped3A : memref<!tpu.dma_semaphore, #tpu.memory_space<semaphore_mem>>)
          %dma_wait3A = arith.constant 0 : i32
          %dma_wait3A_54 = tpu.memref_slice %arg13[%add3A_49, %dma_wait3A] : memref<50176x16xf32, #tpu.memory_space<vmem_shared>> -> memref<392x16xf32, #tpu.memory_space<vmem_shared>>
          %dma_wait3A_55 = arith.constant 0 : i32
          %dma_wait3A_56 = tpu.memref_slice %arg13[%add3A_49, %dma_wait3A_55] : memref<50176x16xf32, #tpu.memory_space<vmem_shared>> -> memref<392x16xf32, #tpu.memory_space<vmem_shared>>
          tpu.wait_dma2 semaphore(%run_scoped3A : memref<!tpu.dma_semaphore, #tpu.memory_space<semaphore_mem>>) src(%arg12 : memref<392x16xf32, #tpu.memory_space<vmem>>) dst(%dma_wait3A_56 : memref<392x16xf32, #tpu.memory_space<vmem_shared>>)
          tpu.yield
        }) : () -> ()
        %scan3A_50 = arith.constant 0 : i32
        scf.yield %scan3A_50 : i32
      }
      %scan3A_23 = arith.constant 8 : i32
      %barrier3A = arith.constant 0 : index
      tpu.barrier barrier_id(%barrier3A)
      %mul3A_24 = arith.constant 50000 : i32
      %mul3A_25 = arith.muli %add3A, %mul3A_24 : i32
      %broadcast_in_dim3A_26 = vector.broadcast %mul3A_25 : i32 to vector<16xi32>
      %scan3A_27 = arith.constant 0 : i32
      %scan3A_28 = arith.constant 0 : i32
      %scan3A_29 = arith.constant 7 : i32
      %scan3A_30 = arith.addi %scan3A_28, %scan3A_29 : i32
      %scan3A_31 = arith.constant 1 : i32
      %scan3A_32 = scf.for %scan3A_43 = %scan3A_28 to %scan3A_30 step %scan3A_31 iter_args(%scan3A_44 = %scan3A_27) -> (i32)  : i32 {
        %mul3A_45 = arith.constant 392 : i32
        %mul3A_46 = arith.muli %arg1, %mul3A_45 : i32
        %mul3A_47 = arith.constant 56 : i32
        %mul3A_48 = arith.muli %scan3A_43, %mul3A_47 : i32
        %add3A_49 = arith.addi %mul3A_46, %mul3A_48 : i32
        %mul3A_50 = arith.constant 128 : i32
        %mul3A_51 = arith.muli %add3A_49, %mul3A_50 : i32
        "tpu.region"() ({
          %run_scoped3A = tpu.sem_alloc : memref<!tpu.dma_semaphore, #tpu.memory_space<semaphore_mem>>
          %dma_start3A_80 = tpu.memref_slice %arg3[%mul3A_51] : memref<802816xi32, #tpu.memory_space<hbm>> -> memref<7168xi32, #tpu.memory_space<hbm>>
          %dma_start3A_81 = tpu.memref_slice %arg3[%mul3A_51] : memref<802816xi32, #tpu.memory_space<hbm>> -> memref<7168xi32, #tpu.memory_space<hbm>>
          tpu.enqueue_dma source(%dma_start3A_81 : memref<7168xi32, #tpu.memory_space<hbm>>) target(%arg7 : memref<7168xi32, #tpu.memory_space<vmem>>) target_semaphore(%run_scoped3A : memref<!tpu.dma_semaphore, #tpu.memory_space<semaphore_mem>>)
          %dma_wait3A_82 = tpu.memref_slice %arg3[%mul3A_51] : memref<802816xi32, #tpu.memory_space<hbm>> -> memref<7168xi32, #tpu.memory_space<hbm>>
          %dma_wait3A_83 = tpu.memref_slice %arg3[%mul3A_51] : memref<802816xi32, #tpu.memory_space<hbm>> -> memref<7168xi32, #tpu.memory_space<hbm>>
          tpu.wait_dma2 semaphore(%run_scoped3A : memref<!tpu.dma_semaphore, #tpu.memory_space<semaphore_mem>>) src(%dma_wait3A_83 : memref<7168xi32, #tpu.memory_space<hbm>>) dst(%arg7 : memref<7168xi32, #tpu.memory_space<vmem>>)
          tpu.yield
        }) : () -> ()
        "tpu.region"() ({
          %run_scoped3A = tpu.sem_alloc : memref<!tpu.dma_semaphore, #tpu.memory_space<semaphore_mem>>
          %dma_start3A_80 = tpu.memref_slice %arg4[%mul3A_51] : memref<802816xi32, #tpu.memory_space<hbm>> -> memref<7168xi32, #tpu.memory_space<hbm>>
          %dma_start3A_81 = tpu.memref_slice %arg4[%mul3A_51] : memref<802816xi32, #tpu.memory_space<hbm>> -> memref<7168xi32, #tpu.memory_space<hbm>>
          tpu.enqueue_dma source(%dma_start3A_81 : memref<7168xi32, #tpu.memory_space<hbm>>) target(%arg8 : memref<7168xi32, #tpu.memory_space<vmem>>) target_semaphore(%run_scoped3A : memref<!tpu.dma_semaphore, #tpu.memory_space<semaphore_mem>>)
          %dma_wait3A_82 = tpu.memref_slice %arg4[%mul3A_51] : memref<802816xi32, #tpu.memory_space<hbm>> -> memref<7168xi32, #tpu.memory_space<hbm>>
          %dma_wait3A_83 = tpu.memref_slice %arg4[%mul3A_51] : memref<802816xi32, #tpu.memory_space<hbm>> -> memref<7168xi32, #tpu.memory_space<hbm>>
          tpu.wait_dma2 semaphore(%run_scoped3A : memref<!tpu.dma_semaphore, #tpu.memory_space<semaphore_mem>>) src(%dma_wait3A_83 : memref<7168xi32, #tpu.memory_space<hbm>>) dst(%arg8 : memref<7168xi32, #tpu.memory_space<vmem>>)
          tpu.yield
        }) : () -> ()
        "tpu.region"() ({
          %run_scoped3A = tpu.sem_alloc : memref<!tpu.dma_semaphore, #tpu.memory_space<semaphore_mem>>
          %dma_start3A_80 = tpu.memref_slice %arg5[%mul3A_51] : memref<802816xf32, #tpu.memory_space<hbm>> -> memref<7168xf32, #tpu.memory_space<hbm>>
          %dma_start3A_81 = tpu.memref_slice %arg5[%mul3A_51] : memref<802816xf32, #tpu.memory_space<hbm>> -> memref<7168xf32, #tpu.memory_space<hbm>>
          tpu.enqueue_dma source(%dma_start3A_81 : memref<7168xf32, #tpu.memory_space<hbm>>) target(%arg9 : memref<7168xf32, #tpu.memory_space<vmem>>) target_semaphore(%run_scoped3A : memref<!tpu.dma_semaphore, #tpu.memory_space<semaphore_mem>>)
          %dma_wait3A_82 = tpu.memref_slice %arg5[%mul3A_51] : memref<802816xf32, #tpu.memory_space<hbm>> -> memref<7168xf32, #tpu.memory_space<hbm>>
          %dma_wait3A_83 = tpu.memref_slice %arg5[%mul3A_51] : memref<802816xf32, #tpu.memory_space<hbm>> -> memref<7168xf32, #tpu.memory_space<hbm>>
          tpu.wait_dma2 semaphore(%run_scoped3A : memref<!tpu.dma_semaphore, #tpu.memory_space<semaphore_mem>>) src(%dma_wait3A_83 : memref<7168xf32, #tpu.memory_space<hbm>>) dst(%arg9 : memref<7168xf32, #tpu.memory_space<vmem>>)
          tpu.yield
        }) : () -> ()
        %scan3A_52 = arith.constant 0 : i32
        %scan3A_53 = arith.constant 0 : i32
        %scan3A_54 = arith.constant 448 : i32
        %scan3A_55 = arith.addi %scan3A_53, %scan3A_54 : i32
        %scan3A_56 = arith.constant 8 : i32
        %scan3A_57 = scf.for %scan3A_80 = %scan3A_53 to %scan3A_55 step %scan3A_56 iter_args(%scan3A_81 = %scan3A_52) -> (i32)  : i32 {
          %mul3A_82 = arith.constant 16 : i32
          %mul3A_83 = arith.muli %scan3A_80, %mul3A_82 : i32
          %get3A = arith.index_cast %mul3A_83 : i32 to index
          %get3A_84 = tpu.vector_load %arg7[%get3A] {strides = array<i32>} : memref<7168xi32, #tpu.memory_space<vmem>>, vector<16xi32>,
          %add3A_85 = arith.addi %get3A_84, %broadcast_in_dim3A_26 : vector<16xi32>
          %swap3A = arith.index_cast %mul3A_83 : i32 to index
          %swap3A_86 = tpu.vector_load %arg7[%swap3A] {strides = array<i32>} : memref<7168xi32, #tpu.memory_space<vmem>>, vector<16xi32>,
          tpu.vector_store %arg7[%swap3A], %add3A_85 {strides = array<i32>} : memref<7168xi32, #tpu.memory_space<vmem>>, vector<16xi32>,
          %scan3A_87 = arith.constant 0 : i32
          %scan3A_88 = arith.constant 1 : i32
          %scan3A_89 = arith.addi %scan3A_80, %scan3A_88 : i32
          %mul3A_90 = arith.constant 16 : i32
          %mul3A_91 = arith.muli %scan3A_89, %mul3A_90 : i32
          %get3A_92 = arith.index_cast %mul3A_91 : i32 to index
          %get3A_93 = tpu.vector_load %arg7[%get3A_92] {strides = array<i32>} : memref<7168xi32, #tpu.memory_space<vmem>>, vector<16xi32>,
          %add3A_94 = arith.addi %get3A_93, %broadcast_in_dim3A_26 : vector<16xi32>
          %swap3A_95 = arith.index_cast %mul3A_91 : i32 to index
          %swap3A_96 = tpu.vector_load %arg7[%swap3A_95] {strides = array<i32>} : memref<7168xi32, #tpu.memory_space<vmem>>, vector<16xi32>,
          tpu.vector_store %arg7[%swap3A_95], %add3A_94 {strides = array<i32>} : memref<7168xi32, #tpu.memory_space<vmem>>, vector<16xi32>,
          %scan3A_97 = arith.constant 0 : i32
          %scan3A_98 = arith.constant 2 : i32
          %scan3A_99 = arith.addi %scan3A_80, %scan3A_98 : i32
          %mul3A_100 = arith.constant 16 : i32
          %mul3A_101 = arith.muli %scan3A_99, %mul3A_100 : i32
          %get3A_102 = arith.index_cast %mul3A_101 : i32 to index
          %get3A_103 = tpu.vector_load %arg7[%get3A_102] {strides = array<i32>} : memref<7168xi32, #tpu.memory_space<vmem>>, vector<16xi32>,
          %add3A_104 = arith.addi %get3A_103, %broadcast_in_dim3A_26 : vector<16xi32>
          %swap3A_105 = arith.index_cast %mul3A_101 : i32 to index
          %swap3A_106 = tpu.vector_load %arg7[%swap3A_105] {strides = array<i32>} : memref<7168xi32, #tpu.memory_space<vmem>>, vector<16xi32>,
          tpu.vector_store %arg7[%swap3A_105], %add3A_104 {strides = array<i32>} : memref<7168xi32, #tpu.memory_space<vmem>>, vector<16xi32>,
          %scan3A_107 = arith.constant 0 : i32
          %scan3A_108 = arith.constant 3 : i32
          %scan3A_109 = arith.addi %scan3A_80, %scan3A_108 : i32
          %mul3A_110 = arith.constant 16 : i32
          %mul3A_111 = arith.muli %scan3A_109, %mul3A_110 : i32
          %get3A_112 = arith.index_cast %mul3A_111 : i32 to index
          %get3A_113 = tpu.vector_load %arg7[%get3A_112] {strides = array<i32>} : memref<7168xi32, #tpu.memory_space<vmem>>, vector<16xi32>,
          %add3A_114 = arith.addi %get3A_113, %broadcast_in_dim3A_26 : vector<16xi32>
          %swap3A_115 = arith.index_cast %mul3A_111 : i32 to index
          %swap3A_116 = tpu.vector_load %arg7[%swap3A_115] {strides = array<i32>} : memref<7168xi32, #tpu.memory_space<vmem>>, vector<16xi32>,
          tpu.vector_store %arg7[%swap3A_115], %add3A_114 {strides = array<i32>} : memref<7168xi32, #tpu.memory_space<vmem>>, vector<16xi32>,
          %scan3A_117 = arith.constant 0 : i32
          %scan3A_118 = arith.constant 4 : i32
          %scan3A_119 = arith.addi %scan3A_80, %scan3A_118 : i32
          %mul3A_120 = arith.constant 16 : i32
          %mul3A_121 = arith.muli %scan3A_119, %mul3A_120 : i32
          %get3A_122 = arith.index_cast %mul3A_121 : i32 to index
          %get3A_123 = tpu.vector_load %arg7[%get3A_122] {strides = array<i32>} : memref<7168xi32, #tpu.memory_space<vmem>>, vector<16xi32>,
          %add3A_124 = arith.addi %get3A_123, %broadcast_in_dim3A_26 : vector<16xi32>
          %swap3A_125 = arith.index_cast %mul3A_121 : i32 to index
          %swap3A_126 = tpu.vector_load %arg7[%swap3A_125] {strides = array<i32>} : memref<7168xi32, #tpu.memory_space<vmem>>, vector<16xi32>,
          tpu.vector_store %arg7[%swap3A_125], %add3A_124 {strides = array<i32>} : memref<7168xi32, #tpu.memory_space<vmem>>, vector<16xi32>,
          %scan3A_127 = arith.constant 0 : i32
          %scan3A_128 = arith.constant 5 : i32
          %scan3A_129 = arith.addi %scan3A_80, %scan3A_128 : i32
          %mul3A_130 = arith.constant 16 : i32
          %mul3A_131 = arith.muli %scan3A_129, %mul3A_130 : i32
          %get3A_132 = arith.index_cast %mul3A_131 : i32 to index
          %get3A_133 = tpu.vector_load %arg7[%get3A_132] {strides = array<i32>} : memref<7168xi32, #tpu.memory_space<vmem>>, vector<16xi32>,
          %add3A_134 = arith.addi %get3A_133, %broadcast_in_dim3A_26 : vector<16xi32>
          %swap3A_135 = arith.index_cast %mul3A_131 : i32 to index
          %swap3A_136 = tpu.vector_load %arg7[%swap3A_135] {strides = array<i32>} : memref<7168xi32, #tpu.memory_space<vmem>>, vector<16xi32>,
          tpu.vector_store %arg7[%swap3A_135], %add3A_134 {strides = array<i32>} : memref<7168xi32, #tpu.memory_space<vmem>>, vector<16xi32>,
          %scan3A_137 = arith.constant 0 : i32
          %scan3A_138 = arith.constant 6 : i32
          %scan3A_139 = arith.addi %scan3A_80, %scan3A_138 : i32
          %mul3A_140 = arith.constant 16 : i32
          %mul3A_141 = arith.muli %scan3A_139, %mul3A_140 : i32
          %get3A_142 = arith.index_cast %mul3A_141 : i32 to index
          %get3A_143 = tpu.vector_load %arg7[%get3A_142] {strides = array<i32>} : memref<7168xi32, #tpu.memory_space<vmem>>, vector<16xi32>,
          %add3A_144 = arith.addi %get3A_143, %broadcast_in_dim3A_26 : vector<16xi32>
          %swap3A_145 = arith.index_cast %mul3A_141 : i32 to index
          %swap3A_146 = tpu.vector_load %arg7[%swap3A_145] {strides = array<i32>} : memref<7168xi32, #tpu.memory_space<vmem>>, vector<16xi32>,
          tpu.vector_store %arg7[%swap3A_145], %add3A_144 {strides = array<i32>} : memref<7168xi32, #tpu.memory_space<vmem>>, vector<16xi32>,
          %scan3A_147 = arith.constant 0 : i32
          %scan3A_148 = arith.constant 7 : i32
          %scan3A_149 = arith.addi %scan3A_80, %scan3A_148 : i32
          %mul3A_150 = arith.constant 16 : i32
          %mul3A_151 = arith.muli %scan3A_149, %mul3A_150 : i32
          %get3A_152 = arith.index_cast %mul3A_151 : i32 to index
          %get3A_153 = tpu.vector_load %arg7[%get3A_152] {strides = array<i32>} : memref<7168xi32, #tpu.memory_space<vmem>>, vector<16xi32>,
          %add3A_154 = arith.addi %get3A_153, %broadcast_in_dim3A_26 : vector<16xi32>
          %swap3A_155 = arith.index_cast %mul3A_151 : i32 to index
          %swap3A_156 = tpu.vector_load %arg7[%swap3A_155] {strides = array<i32>} : memref<7168xi32, #tpu.memory_space<vmem>>, vector<16xi32>,
          tpu.vector_store %arg7[%swap3A_155], %add3A_154 {strides = array<i32>} : memref<7168xi32, #tpu.memory_space<vmem>>, vector<16xi32>,
          %scan3A_157 = arith.constant 0 : i32
          scf.yield %scan3A_157 : i32
        }
        %scan3A_58 = arith.constant 448 : i32
        %dma_start3A = arith.constant 0 : i32
        %dma_start3A_59 = tpu.memref_slice %arg7[%dma_start3A] : memref<7168xi32, #tpu.memory_space<vmem>> -> memref<1024xi32, #tpu.memory_space<vmem>>
        %dma_start3A_60 = arith.constant 0 : i32
        %dma_start3A_61 = arith.constant 0 : i32
        %dma_start3A_62 = tpu.memref_slice %arg2[%dma_start3A_60, %dma_start3A_61] : memref<200000x16xf32, #tpu.memory_space<hbm>> -> memref<200000x16xf32, #tpu.memory_space<hbm>>
        tpu.enqueue_indirect_dma source(%dma_start3A_62 : memref<200000x16xf32, #tpu.memory_space<hbm>>) target(%arg10 : memref<1024x16xf32, #tpu.memory_space<vmem>>) offsets(%dma_start3A_59 : memref<1024xi32, #tpu.memory_space<vmem>>) semaphore(%arg14 : memref<!tpu.dma_semaphore, #tpu.memory_space<semaphore_mem>>)
        %scan3A_63 = arith.constant 0 : i32
        %scan3A_64 = arith.constant 0 : i32
        %scan3A_65 = arith.constant 7 : i32
        %scan3A_66 = arith.addi %scan3A_64, %scan3A_65 : i32
        %scan3A_67 = arith.constant 1 : i32
        %scan3A_68 = scf.for %scan3A_80 = %scan3A_64 to %scan3A_66 step %scan3A_67 iter_args(%scan3A_81 = %scan3A_63) -> (i32)  : i32 {
          %jit3A = arith.constant 2 : i32
          %eq3A = arith.constant 0 : i32
          %eq3A_82 = arith.cmpi eq, %jit3A, %eq3A : i32
          %jit3A_83 = arith.constant 1 : i32
          %select_n3A = arith.select %eq3A_82, %jit3A_83, %jit3A : i32
          %rem3A = arith.remsi %scan3A_80, %select_n3A : i32
          %ne3A = arith.constant 0 : i32
          %ne3A_84 = arith.cmpi ne, %rem3A, %ne3A : i32
          %lt3A = arith.constant 0 : i32
          %lt3A_85 = arith.cmpi slt, %rem3A, %lt3A : i32
          %lt3A_86 = arith.constant 0 : i32
          %lt3A_87 = arith.cmpi slt, %select_n3A, %lt3A_86 : i32
          %ne3A_88 = arith.xori %lt3A_85, %lt3A_87 : i1
          %and3A = arith.andi %ne3A_88, %ne3A_84 : i1
          %add3A_89 = arith.addi %rem3A, %select_n3A : i32
          %select_n3A_90 = arith.select %and3A, %add3A_89, %rem3A : i32
          %eq3A_91 = arith.constant 0 : i32
          %eq3A_92 = arith.cmpi eq, %select_n3A_90, %eq3A_91 : i32
          %convert_element_type3A = arith.extui %eq3A_92 : i1 to i32
          %cond3A = arith.constant 0 : i32
          %cond3A_93 = arith.cmpi ne, %convert_element_type3A, %cond3A : i32
          scf.if %cond3A_93 {
            %mul3A_116 = arith.constant 1024 : i32
            %mul3A_117 = arith.muli %scan3A_80, %mul3A_116 : i32
            %dma_wait3A_118 = tpu.memref_slice %arg7[%mul3A_117] : memref<7168xi32, #tpu.memory_space<vmem>> -> memref<1024xi32, #tpu.memory_space<vmem>>
            %dma_wait3A_119 = arith.constant 0 : i32
            %dma_wait3A_120 = arith.constant 0 : i32
            %dma_wait3A_121 = tpu.memref_slice %arg2[%dma_wait3A_119, %dma_wait3A_120] : memref<200000x16xf32, #tpu.memory_space<hbm>> -> memref<200000x16xf32, #tpu.memory_space<hbm>>
            tpu.wait_indirect_dma semaphore(%arg14 : memref<!tpu.dma_semaphore, #tpu.memory_space<semaphore_mem>>) src(%dma_wait3A_121 : memref<200000x16xf32, #tpu.memory_space<hbm>>) dst(%arg10 : memref<1024x16xf32, #tpu.memory_space<vmem>>)
            %lt3A_122 = arith.constant 6 : i32
            %lt3A_123 = arith.cmpi slt, %scan3A_80, %lt3A_122 : i32
            %convert_element_type3A_124 = arith.extui %lt3A_123 : i1 to i32
            %cond3A_125 = arith.constant 0 : i32
            %cond3A_126 = arith.cmpi ne, %convert_element_type3A_124, %cond3A_125 : i32
            scf.if %cond3A_126 {
              %ge3A = arith.constant 1 : i32
              %ge3A_140 = arith.cmpi sge, %scan3A_80, %ge3A : i32
              %convert_element_type3A_141 = arith.extui %ge3A_140 : i1 to i32
              %cond3A_142 = arith.constant 0 : i32
              %cond3A_143 = arith.cmpi ne, %convert_element_type3A_141, %cond3A_142 : i32
              scf.if %cond3A_143 {
                %sub3A = arith.constant 1 : i32
                %sub3A_152 = arith.subi %scan3A_80, %sub3A : i32
                %mul3A_153 = arith.constant 1024 : i32
                %mul3A_154 = arith.muli %sub3A_152, %mul3A_153 : i32
                %dma_wait3A_155 = tpu.memref_slice %arg8[%mul3A_154] : memref<7168xi32, #tpu.memory_space<vmem>> -> memref<1024xi32, #tpu.memory_space<vmem>>
                %dma_wait3A_156 = arith.constant 0 : i32
                %dma_wait3A_157 = arith.constant 0 : i32
                %dma_wait3A_158 = tpu.memref_slice %arg13[%dma_wait3A_156, %dma_wait3A_157] : memref<50176x16xf32, #tpu.memory_space<vmem_shared>> -> memref<50176x16xf32, #tpu.memory_space<vmem_shared>>
                tpu.wait_indirect_dma semaphore(%arg17 : memref<!tpu.dma_semaphore, #tpu.memory_space<semaphore_mem>>) src(%arg11 : memref<1024x16xf32, #tpu.memory_space<vmem>>) dst(%dma_wait3A_158 : memref<50176x16xf32, #tpu.memory_space<vmem_shared>>)
              } else {
              }
              %add3A_144 = arith.constant 1 : i32
              %add3A_145 = arith.addi %scan3A_80, %add3A_144 : i32
              %mul3A_146 = arith.constant 1024 : i32
              %mul3A_147 = arith.muli %add3A_145, %mul3A_146 : i32
              %dma_start3A_148 = tpu.memref_slice %arg7[%mul3A_147] : memref<7168xi32, #tpu.memory_space<vmem>> -> memref<1024xi32, #tpu.memory_space<vmem>>
              %dma_start3A_149 = arith.constant 0 : i32
              %dma_start3A_150 = arith.constant 0 : i32
              %dma_start3A_151 = tpu.memref_slice %arg2[%dma_start3A_149, %dma_start3A_150] : memref<200000x16xf32, #tpu.memory_space<hbm>> -> memref<200000x16xf32, #tpu.memory_space<hbm>>
              tpu.enqueue_indirect_dma source(%dma_start3A_151 : memref<200000x16xf32, #tpu.memory_space<hbm>>) target(%arg11 : memref<1024x16xf32, #tpu.memory_space<vmem>>) offsets(%dma_start3A_148 : memref<1024xi32, #tpu.memory_space<vmem>>) semaphore(%arg15 : memref<!tpu.dma_semaphore, #tpu.memory_space<semaphore_mem>>)
            } else {
            }
            %scan3A_127 = arith.constant 0 : i32
            %scan3A_128 = arith.constant 0 : i32
            %scan3A_129 = arith.constant 64 : i32
            %scan3A_130 = arith.addi %scan3A_128, %scan3A_129 : i32
            %scan3A_131 = arith.constant 2 : i32
            %scan3A_132 = scf.for %scan3A_140 = %scan3A_128 to %scan3A_130 step %scan3A_131 iter_args(%scan3A_141 = %scan3A_127) -> (i32)  : i32 {
              %mul3A_142 = arith.constant 1024 : i32
              %mul3A_143 = arith.muli %scan3A_80, %mul3A_142 : i32
              %mul3A_144 = arith.constant 16 : i32
              %mul3A_145 = arith.muli %scan3A_140, %mul3A_144 : i32
              %add3A_146 = arith.addi %mul3A_143, %mul3A_145 : i32
              %get3A = arith.index_cast %add3A_146 : i32 to index
              %get3A_147 = tpu.vector_load %arg9[%get3A] {strides = array<i32>} : memref<7168xf32, #tpu.memory_space<vmem>>, vector<16xf32>,
              %mul3A_148 = arith.constant 16 : i32
              %mul3A_149 = arith.muli %scan3A_140, %mul3A_148 : i32
              %broadcast_in_dim3A_150 = arith.constant 0 : i32
              %broadcast_in_dim3A_151 = vector.broadcast %broadcast_in_dim3A_150 : i32 to vector<16x1xi32>
              %gather3A = vector.shape_cast %broadcast_in_dim3A_151 : vector<16x1xi32> to vector<16xi32>
              %gather3A_152 = tpu.dynamic_gather %get3A_147[%gather3A] in [0] : vector<16xf32>, vector<16xi32> -> vector<16xf32>
              %add3A_153 = arith.constant 0 : i32
              %add3A_154 = arith.addi %mul3A_149, %add3A_153 : i32
              %get3A_155 = arith.index_cast %add3A_154 : i32 to index
              %get3A_156 = arith.constant 0 : index
              %get3A_157 = tpu.vector_load %arg10[%get3A_155, %get3A_156] {strides = array<i32>} : memref<1024x16xf32, #tpu.memory_space<vmem>>, vector<16xf32>,
              %mul3A_158 = arith.mulf %get3A_157, %gather3A_152 : vector<16xf32>
              %add3A_159 = arith.constant 0 : i32
              %add3A_160 = arith.addi %mul3A_149, %add3A_159 : i32
              %swap3A = arith.index_cast %add3A_160 : i32 to index
              %swap3A_161 = arith.constant 0 : index
              %swap3A_162 = tpu.vector_load %arg10[%swap3A, %swap3A_161] {strides = array<i32>} : memref<1024x16xf32, #tpu.memory_space<vmem>>, vector<16xf32>,
              tpu.vector_store %arg10[%swap3A, %swap3A_161], %mul3A_158 {strides = array<i32>} : memref<1024x16xf32, #tpu.memory_space<vmem>>, vector<16xf32>,
              %broadcast_in_dim3A_163 = arith.constant 1 : i32
              %broadcast_in_dim3A_164 = vector.broadcast %broadcast_in_dim3A_163 : i32 to vector<16x1xi32>
              %gather3A_165 = vector.shape_cast %broadcast_in_dim3A_164 : vector<16x1xi32> to vector<16xi32>
              %gather3A_166 = tpu.dynamic_gather %get3A_147[%gather3A_165] in [0] : vector<16xf32>, vector<16xi32> -> vector<16xf32>
              %add3A_167 = arith.constant 1 : i32
              %add3A_168 = arith.addi %mul3A_149, %add3A_167 : i32
              %get3A_169 = arith.index_cast %add3A_168 : i32 to index
              %get3A_170 = arith.constant 0 : index
              %get3A_171 = tpu.vector_load %arg10[%get3A_169, %get3A_170] {strides = array<i32>} : memref<1024x16xf32, #tpu.memory_space<vmem>>, vector<16xf32>,
              %mul3A_172 = arith.mulf %get3A_171, %gather3A_166 : vector<16xf32>
              %add3A_173 = arith.constant 1 : i32
              %add3A_174 = arith.addi %mul3A_149, %add3A_173 : i32
              %swap3A_175 = arith.index_cast %add3A_174 : i32 to index
              %swap3A_176 = arith.constant 0 : index
              %swap3A_177 = tpu.vector_load %arg10[%swap3A_175, %swap3A_176] {strides = array<i32>} : memref<1024x16xf32, #tpu.memory_space<vmem>>, vector<16xf32>,
              tpu.vector_store %arg10[%swap3A_175, %swap3A_176], %mul3A_172 {strides = array<i32>} : memref<1024x16xf32, #tpu.memory_space<vmem>>, vector<16xf32>,
              %broadcast_in_dim3A_178 = arith.constant 2 : i32
              %broadcast_in_dim3A_179 = vector.broadcast %broadcast_in_dim3A_178 : i32 to vector<16x1xi32>
              %gather3A_180 = vector.shape_cast %broadcast_in_dim3A_179 : vector<16x1xi32> to vector<16xi32>
              %gather3A_181 = tpu.dynamic_gather %get3A_147[%gather3A_180] in [0] : vector<16xf32>, vector<16xi32> -> vector<16xf32>
              %add3A_182 = arith.constant 2 : i32
              %add3A_183 = arith.addi %mul3A_149, %add3A_182 : i32
              %get3A_184 = arith.index_cast %add3A_183 : i32 to index
              %get3A_185 = arith.constant 0 : index
              %get3A_186 = tpu.vector_load %arg10[%get3A_184, %get3A_185] {strides = array<i32>} : memref<1024x16xf32, #tpu.memory_space<vmem>>, vector<16xf32>,
              %mul3A_187 = arith.mulf %get3A_186, %gather3A_181 : vector<16xf32>
              %add3A_188 = arith.constant 2 : i32
              %add3A_189 = arith.addi %mul3A_149, %add3A_188 : i32
              %swap3A_190 = arith.index_cast %add3A_189 : i32 to index
              %swap3A_191 = arith.constant 0 : index
              %swap3A_192 = tpu.vector_load %arg10[%swap3A_190, %swap3A_191] {strides = array<i32>} : memref<1024x16xf32, #tpu.memory_space<vmem>>, vector<16xf32>,
              tpu.vector_store %arg10[%swap3A_190, %swap3A_191], %mul3A_187 {strides = array<i32>} : memref<1024x16xf32, #tpu.memory_space<vmem>>, vector<16xf32>,
              %broadcast_in_dim3A_193 = arith.constant 3 : i32
              %broadcast_in_dim3A_194 = vector.broadcast %broadcast_in_dim3A_193 : i32 to vector<16x1xi32>
              %gather3A_195 = vector.shape_cast %broadcast_in_dim3A_194 : vector<16x1xi32> to vector<16xi32>
              %gather3A_196 = tpu.dynamic_gather %get3A_147[%gather3A_195] in [0] : vector<16xf32>, vector<16xi32> -> vector<16xf32>
              %add3A_197 = arith.constant 3 : i32
              %add3A_198 = arith.addi %mul3A_149, %add3A_197 : i32
              %get3A_199 = arith.index_cast %add3A_198 : i32 to index
              %get3A_200 = arith.constant 0 : index
              %get3A_201 = tpu.vector_load %arg10[%get3A_199, %get3A_200] {strides = array<i32>} : memref<1024x16xf32, #tpu.memory_space<vmem>>, vector<16xf32>,
              %mul3A_202 = arith.mulf %get3A_201, %gather3A_196 : vector<16xf32>
              %add3A_203 = arith.constant 3 : i32
              %add3A_204 = arith.addi %mul3A_149, %add3A_203 : i32
              %swap3A_205 = arith.index_cast %add3A_204 : i32 to index
              %swap3A_206 = arith.constant 0 : index
              %swap3A_207 = tpu.vector_load %arg10[%swap3A_205, %swap3A_206] {strides = array<i32>} : memref<1024x16xf32, #tpu.memory_space<vmem>>, vector<16xf32>,
              tpu.vector_store %arg10[%swap3A_205, %swap3A_206], %mul3A_202 {strides = array<i32>} : memref<1024x16xf32, #tpu.memory_space<vmem>>, vector<16xf32>,
              %broadcast_in_dim3A_208 = arith.constant 4 : i32
              %broadcast_in_dim3A_209 = vector.broadcast %broadcast_in_dim3A_208 : i32 to vector<16x1xi32>
              %gather3A_210 = vector.shape_cast %broadcast_in_dim3A_209 : vector<16x1xi32> to vector<16xi32>
              %gather3A_211 = tpu.dynamic_gather %get3A_147[%gather3A_210] in [0] : vector<16xf32>, vector<16xi32> -> vector<16xf32>
              %add3A_212 = arith.constant 4 : i32
              %add3A_213 = arith.addi %mul3A_149, %add3A_212 : i32
              %get3A_214 = arith.index_cast %add3A_213 : i32 to index
              %get3A_215 = arith.constant 0 : index
              %get3A_216 = tpu.vector_load %arg10[%get3A_214, %get3A_215] {strides = array<i32>} : memref<1024x16xf32, #tpu.memory_space<vmem>>, vector<16xf32>,
              %mul3A_217 = arith.mulf %get3A_216, %gather3A_211 : vector<16xf32>
              %add3A_218 = arith.constant 4 : i32
              %add3A_219 = arith.addi %mul3A_149, %add3A_218 : i32
              %swap3A_220 = arith.index_cast %add3A_219 : i32 to index
              %swap3A_221 = arith.constant 0 : index
              %swap3A_222 = tpu.vector_load %arg10[%swap3A_220, %swap3A_221] {strides = array<i32>} : memref<1024x16xf32, #tpu.memory_space<vmem>>, vector<16xf32>,
              tpu.vector_store %arg10[%swap3A_220, %swap3A_221], %mul3A_217 {strides = array<i32>} : memref<1024x16xf32, #tpu.memory_space<vmem>>, vector<16xf32>,
              %broadcast_in_dim3A_223 = arith.constant 5 : i32
              %broadcast_in_dim3A_224 = vector.broadcast %broadcast_in_dim3A_223 : i32 to vector<16x1xi32>
              %gather3A_225 = vector.shape_cast %broadcast_in_dim3A_224 : vector<16x1xi32> to vector<16xi32>
              %gather3A_226 = tpu.dynamic_gather %get3A_147[%gather3A_225] in [0] : vector<16xf32>, vector<16xi32> -> vector<16xf32>
              %add3A_227 = arith.constant 5 : i32
              %add3A_228 = arith.addi %mul3A_149, %add3A_227 : i32
              %get3A_229 = arith.index_cast %add3A_228 : i32 to index
              %get3A_230 = arith.constant 0 : index
              %get3A_231 = tpu.vector_load %arg10[%get3A_229, %get3A_230] {strides = array<i32>} : memref<1024x16xf32, #tpu.memory_space<vmem>>, vector<16xf32>,
              %mul3A_232 = arith.mulf %get3A_231, %gather3A_226 : vector<16xf32>
              %add3A_233 = arith.constant 5 : i32
              %add3A_234 = arith.addi %mul3A_149, %add3A_233 : i32
              %swap3A_235 = arith.index_cast %add3A_234 : i32 to index
              %swap3A_236 = arith.constant 0 : index
              %swap3A_237 = tpu.vector_load %arg10[%swap3A_235, %swap3A_236] {strides = array<i32>} : memref<1024x16xf32, #tpu.memory_space<vmem>>, vector<16xf32>,
              tpu.vector_store %arg10[%swap3A_235, %swap3A_236], %mul3A_232 {strides = array<i32>} : memref<1024x16xf32, #tpu.memory_space<vmem>>, vector<16xf32>,
              %broadcast_in_dim3A_238 = arith.constant 6 : i32
              %broadcast_in_dim3A_239 = vector.broadcast %broadcast_in_dim3A_238 : i32 to vector<16x1xi32>
              %gather3A_240 = vector.shape_cast %broadcast_in_dim3A_239 : vector<16x1xi32> to vector<16xi32>
              %gather3A_241 = tpu.dynamic_gather %get3A_147[%gather3A_240] in [0] : vector<16xf32>, vector<16xi32> -> vector<16xf32>
              %add3A_242 = arith.constant 6 : i32
              %add3A_243 = arith.addi %mul3A_149, %add3A_242 : i32
              %get3A_244 = arith.index_cast %add3A_243 : i32 to index
              %get3A_245 = arith.constant 0 : index
              %get3A_246 = tpu.vector_load %arg10[%get3A_244, %get3A_245] {strides = array<i32>} : memref<1024x16xf32, #tpu.memory_space<vmem>>, vector<16xf32>,
              %mul3A_247 = arith.mulf %get3A_246, %gather3A_241 : vector<16xf32>
              %add3A_248 = arith.constant 6 : i32
              %add3A_249 = arith.addi %mul3A_149, %add3A_248 : i32
              %swap3A_250 = arith.index_cast %add3A_249 : i32 to index
              %swap3A_251 = arith.constant 0 : index
              %swap3A_252 = tpu.vector_load %arg10[%swap3A_250, %swap3A_251] {strides = array<i32>} : memref<1024x16xf32, #tpu.memory_space<vmem>>, vector<16xf32>,
              tpu.vector_store %arg10[%swap3A_250, %swap3A_251], %mul3A_247 {strides = array<i32>} : memref<1024x16xf32, #tpu.memory_space<vmem>>, vector<16xf32>,
              %broadcast_in_dim3A_253 = arith.constant 7 : i32
              %broadcast_in_dim3A_254 = vector.broadcast %broadcast_in_dim3A_253 : i32 to vector<16x1xi32>
              %gather3A_255 = vector.shape_cast %broadcast_in_dim3A_254 : vector<16x1xi32> to vector<16xi32>
              %gather3A_256 = tpu.dynamic_gather %get3A_147[%gather3A_255] in [0] : vector<16xf32>, vector<16xi32> -> vector<16xf32>
              %add3A_257 = arith.constant 7 : i32
              %add3A_258 = arith.addi %mul3A_149, %add3A_257 : i32
              %get3A_259 = arith.index_cast %add3A_258 : i32 to index
              %get3A_260 = arith.constant 0 : index
              %get3A_261 = tpu.vector_load %arg10[%get3A_259, %get3A_260] {strides = array<i32>} : memref<1024x16xf32, #tpu.memory_space<vmem>>, vector<16xf32>,
              %mul3A_262 = arith.mulf %get3A_261, %gather3A_256 : vector<16xf32>
              %add3A_263 = arith.constant 7 : i32
              %add3A_264 = arith.addi %mul3A_149, %add3A_263 : i32
              %swap3A_265 = arith.index_cast %add3A_264 : i32 to index
              %swap3A_266 = arith.constant 0 : index
              %swap3A_267 = tpu.vector_load %arg10[%swap3A_265, %swap3A_266] {strides = array<i32>} : memref<1024x16xf32, #tpu.memory_space<vmem>>, vector<16xf32>,
              tpu.vector_store %arg10[%swap3A_265, %swap3A_266], %mul3A_262 {strides = array<i32>} : memref<1024x16xf32, #tpu.memory_space<vmem>>, vector<16xf32>,
              %broadcast_in_dim3A_268 = arith.constant 8 : i32
              %broadcast_in_dim3A_269 = vector.broadcast %broadcast_in_dim3A_268 : i32 to vector<16x1xi32>
              %gather3A_270 = vector.shape_cast %broadcast_in_dim3A_269 : vector<16x1xi32> to vector<16xi32>
              %gather3A_271 = tpu.dynamic_gather %get3A_147[%gather3A_270] in [0] : vector<16xf32>, vector<16xi32> -> vector<16xf32>
              %add3A_272 = arith.constant 8 : i32
              %add3A_273 = arith.addi %mul3A_149, %add3A_272 : i32
              %get3A_274 = arith.index_cast %add3A_273 : i32 to index
              %get3A_275 = arith.constant 0 : index
              %get3A_276 = tpu.vector_load %arg10[%get3A_274, %get3A_275] {strides = array<i32>} : memref<1024x16xf32, #tpu.memory_space<vmem>>, vector<16xf32>,
              %mul3A_277 = arith.mulf %get3A_276, %gather3A_271 : vector<16xf32>
              %add3A_278 = arith.constant 8 : i32
              %add3A_279 = arith.addi %mul3A_149, %add3A_278 : i32
              %swap3A_280 = arith.index_cast %add3A_279 : i32 to index
              %swap3A_281 = arith.constant 0 : index
              %swap3A_282 = tpu.vector_load %arg10[%swap3A_280, %swap3A_281] {strides = array<i32>} : memref<1024x16xf32, #tpu.memory_space<vmem>>, vector<16xf32>,
              tpu.vector_store %arg10[%swap3A_280, %swap3A_281], %mul3A_277 {strides = array<i32>} : memref<1024x16xf32, #tpu.memory_space<vmem>>, vector<16xf32>,
              %broadcast_in_dim3A_283 = arith.constant 9 : i32
              %broadcast_in_dim3A_284 = vector.broadcast %broadcast_in_dim3A_283 : i32 to vector<16x1xi32>
              %gather3A_285 = vector.shape_cast %broadcast_in_dim3A_284 : vector<16x1xi32> to vector<16xi32>
              %gather3A_286 = tpu.dynamic_gather %get3A_147[%gather3A_285] in [0] : vector<16xf32>, vector<16xi32> -> vector<16xf32>
              %add3A_287 = arith.constant 9 : i32
              %add3A_288 = arith.addi %mul3A_149, %add3A_287 : i32
              %get3A_289 = arith.index_cast %add3A_288 : i32 to index
              %get3A_290 = arith.constant 0 : index
              %get3A_291 = tpu.vector_load %arg10[%get3A_289, %get3A_290] {strides = array<i32>} : memref<1024x16xf32, #tpu.memory_space<vmem>>, vector<16xf32>,
              %mul3A_292 = arith.mulf %get3A_291, %gather3A_286 : vector<16xf32>
              %add3A_293 = arith.constant 9 : i32
              %add3A_294 = arith.addi %mul3A_149, %add3A_293 : i32
              %swap3A_295 = arith.index_cast %add3A_294 : i32 to index
              %swap3A_296 = arith.constant 0 : index
              %swap3A_297 = tpu.vector_load %arg10[%swap3A_295, %swap3A_296] {strides = array<i32>} : memref<1024x16xf32, #tpu.memory_space<vmem>>, vector<16xf32>,
              tpu.vector_store %arg10[%swap3A_295, %swap3A_296], %mul3A_292 {strides = array<i32>} : memref<1024x16xf32, #tpu.memory_space<vmem>>, vector<16xf32>,
              %broadcast_in_dim3A_298 = arith.constant 10 : i32
              %broadcast_in_dim3A_299 = vector.broadcast %broadcast_in_dim3A_298 : i32 to vector<16x1xi32>
              %gather3A_300 = vector.shape_cast %broadcast_in_dim3A_299 : vector<16x1xi32> to vector<16xi32>
              %gather3A_301 = tpu.dynamic_gather %get3A_147[%gather3A_300] in [0] : vector<16xf32>, vector<16xi32> -> vector<16xf32>
              %add3A_302 = arith.constant 10 : i32
              %add3A_303 = arith.addi %mul3A_149, %add3A_302 : i32
              %get3A_304 = arith.index_cast %add3A_303 : i32 to index
              %get3A_305 = arith.constant 0 : index
              %get3A_306 = tpu.vector_load %arg10[%get3A_304, %get3A_305] {strides = array<i32>} : memref<1024x16xf32, #tpu.memory_space<vmem>>, vector<16xf32>,
              %mul3A_307 = arith.mulf %get3A_306, %gather3A_301 : vector<16xf32>
              %add3A_308 = arith.constant 10 : i32
              %add3A_309 = arith.addi %mul3A_149, %add3A_308 : i32
              %swap3A_310 = arith.index_cast %add3A_309 : i32 to index
              %swap3A_311 = arith.constant 0 : index
              %swap3A_312 = tpu.vector_load %arg10[%swap3A_310, %swap3A_311] {strides = array<i32>} : memref<1024x16xf32, #tpu.memory_space<vmem>>, vector<16xf32>,
              tpu.vector_store %arg10[%swap3A_310, %swap3A_311], %mul3A_307 {strides = array<i32>} : memref<1024x16xf32, #tpu.memory_space<vmem>>, vector<16xf32>,
              %broadcast_in_dim3A_313 = arith.constant 11 : i32
              %broadcast_in_dim3A_314 = vector.broadcast %broadcast_in_dim3A_313 : i32 to vector<16x1xi32>
              %gather3A_315 = vector.shape_cast %broadcast_in_dim3A_314 : vector<16x1xi32> to vector<16xi32>
              %gather3A_316 = tpu.dynamic_gather %get3A_147[%gather3A_315] in [0] : vector<16xf32>, vector<16xi32> -> vector<16xf32>
              %add3A_317 = arith.constant 11 : i32
              %add3A_318 = arith.addi %mul3A_149, %add3A_317 : i32
              %get3A_319 = arith.index_cast %add3A_318 : i32 to index
              %get3A_320 = arith.constant 0 : index
              %get3A_321 = tpu.vector_load %arg10[%get3A_319, %get3A_320] {strides = array<i32>} : memref<1024x16xf32, #tpu.memory_space<vmem>>, vector<16xf32>,
              %mul3A_322 = arith.mulf %get3A_321, %gather3A_316 : vector<16xf32>
              %add3A_323 = arith.constant 11 : i32
              %add3A_324 = arith.addi %mul3A_149, %add3A_323 : i32
              %swap3A_325 = arith.index_cast %add3A_324 : i32 to index
              %swap3A_326 = arith.constant 0 : index
              %swap3A_327 = tpu.vector_load %arg10[%swap3A_325, %swap3A_326] {strides = array<i32>} : memref<1024x16xf32, #tpu.memory_space<vmem>>, vector<16xf32>,
              tpu.vector_store %arg10[%swap3A_325, %swap3A_326], %mul3A_322 {strides = array<i32>} : memref<1024x16xf32, #tpu.memory_space<vmem>>, vector<16xf32>,
              %broadcast_in_dim3A_328 = arith.constant 12 : i32
              %broadcast_in_dim3A_329 = vector.broadcast %broadcast_in_dim3A_328 : i32 to vector<16x1xi32>
              %gather3A_330 = vector.shape_cast %broadcast_in_dim3A_329 : vector<16x1xi32> to vector<16xi32>
              %gather3A_331 = tpu.dynamic_gather %get3A_147[%gather3A_330] in [0] : vector<16xf32>, vector<16xi32> -> vector<16xf32>
              %add3A_332 = arith.constant 12 : i32
              %add3A_333 = arith.addi %mul3A_149, %add3A_332 : i32
              %get3A_334 = arith.index_cast %add3A_333 : i32 to index
              %get3A_335 = arith.constant 0 : index
              %get3A_336 = tpu.vector_load %arg10[%get3A_334, %get3A_335] {strides = array<i32>} : memref<1024x16xf32, #tpu.memory_space<vmem>>, vector<16xf32>,
              %mul3A_337 = arith.mulf %get3A_336, %gather3A_331 : vector<16xf32>
              %add3A_338 = arith.constant 12 : i32
              %add3A_339 = arith.addi %mul3A_149, %add3A_338 : i32
              %swap3A_340 = arith.index_cast %add3A_339 : i32 to index
              %swap3A_341 = arith.constant 0 : index
              %swap3A_342 = tpu.vector_load %arg10[%swap3A_340, %swap3A_341] {strides = array<i32>} : memref<1024x16xf32, #tpu.memory_space<vmem>>, vector<16xf32>,
              tpu.vector_store %arg10[%swap3A_340, %swap3A_341], %mul3A_337 {strides = array<i32>} : memref<1024x16xf32, #tpu.memory_space<vmem>>, vector<16xf32>,
              %broadcast_in_dim3A_343 = arith.constant 13 : i32
              %broadcast_in_dim3A_344 = vector.broadcast %broadcast_in_dim3A_343 : i32 to vector<16x1xi32>
              %gather3A_345 = vector.shape_cast %broadcast_in_dim3A_344 : vector<16x1xi32> to vector<16xi32>
              %gather3A_346 = tpu.dynamic_gather %get3A_147[%gather3A_345] in [0] : vector<16xf32>, vector<16xi32> -> vector<16xf32>
              %add3A_347 = arith.constant 13 : i32
              %add3A_348 = arith.addi %mul3A_149, %add3A_347 : i32
              %get3A_349 = arith.index_cast %add3A_348 : i32 to index
              %get3A_350 = arith.constant 0 : index
              %get3A_351 = tpu.vector_load %arg10[%get3A_349, %get3A_350] {strides = array<i32>} : memref<1024x16xf32, #tpu.memory_space<vmem>>, vector<16xf32>,
              %mul3A_352 = arith.mulf %get3A_351, %gather3A_346 : vector<16xf32>
              %add3A_353 = arith.constant 13 : i32
              %add3A_354 = arith.addi %mul3A_149, %add3A_353 : i32
              %swap3A_355 = arith.index_cast %add3A_354 : i32 to index
              %swap3A_356 = arith.constant 0 : index
              %swap3A_357 = tpu.vector_load %arg10[%swap3A_355, %swap3A_356] {strides = array<i32>} : memref<1024x16xf32, #tpu.memory_space<vmem>>, vector<16xf32>,
              tpu.vector_store %arg10[%swap3A_355, %swap3A_356], %mul3A_352 {strides = array<i32>} : memref<1024x16xf32, #tpu.memory_space<vmem>>, vector<16xf32>,
              %broadcast_in_dim3A_358 = arith.constant 14 : i32
              %broadcast_in_dim3A_359 = vector.broadcast %broadcast_in_dim3A_358 : i32 to vector<16x1xi32>
              %gather3A_360 = vector.shape_cast %broadcast_in_dim3A_359 : vector<16x1xi32> to vector<16xi32>
              %gather3A_361 = tpu.dynamic_gather %get3A_147[%gather3A_360] in [0] : vector<16xf32>, vector<16xi32> -> vector<16xf32>
              %add3A_362 = arith.constant 14 : i32
              %add3A_363 = arith.addi %mul3A_149, %add3A_362 : i32
              %get3A_364 = arith.index_cast %add3A_363 : i32 to index
              %get3A_365 = arith.constant 0 : index
              %get3A_366 = tpu.vector_load %arg10[%get3A_364, %get3A_365] {strides = array<i32>} : memref<1024x16xf32, #tpu.memory_space<vmem>>, vector<16xf32>,
              %mul3A_367 = arith.mulf %get3A_366, %gather3A_361 : vector<16xf32>
              %add3A_368 = arith.constant 14 : i32
              %add3A_369 = arith.addi %mul3A_149, %add3A_368 : i32
              %swap3A_370 = arith.index_cast %add3A_369 : i32 to index
              %swap3A_371 = arith.constant 0 : index
              %swap3A_372 = tpu.vector_load %arg10[%swap3A_370, %swap3A_371] {strides = array<i32>} : memref<1024x16xf32, #tpu.memory_space<vmem>>, vector<16xf32>,
              tpu.vector_store %arg10[%swap3A_370, %swap3A_371], %mul3A_367 {strides = array<i32>} : memref<1024x16xf32, #tpu.memory_space<vmem>>, vector<16xf32>,
              %broadcast_in_dim3A_373 = arith.constant 15 : i32
              %broadcast_in_dim3A_374 = vector.broadcast %broadcast_in_dim3A_373 : i32 to vector<16x1xi32>
              %gather3A_375 = vector.shape_cast %broadcast_in_dim3A_374 : vector<16x1xi32> to vector<16xi32>
              %gather3A_376 = tpu.dynamic_gather %get3A_147[%gather3A_375] in [0] : vector<16xf32>, vector<16xi32> -> vector<16xf32>
              %add3A_377 = arith.constant 15 : i32
              %add3A_378 = arith.addi %mul3A_149, %add3A_377 : i32
              %get3A_379 = arith.index_cast %add3A_378 : i32 to index
              %get3A_380 = arith.constant 0 : index
              %get3A_381 = tpu.vector_load %arg10[%get3A_379, %get3A_380] {strides = array<i32>} : memref<1024x16xf32, #tpu.memory_space<vmem>>, vector<16xf32>,
              %mul3A_382 = arith.mulf %get3A_381, %gather3A_376 : vector<16xf32>
              %add3A_383 = arith.constant 15 : i32
              %add3A_384 = arith.addi %mul3A_149, %add3A_383 : i32
              %swap3A_385 = arith.index_cast %add3A_384 : i32 to index
              %swap3A_386 = arith.constant 0 : index
              %swap3A_387 = tpu.vector_load %arg10[%swap3A_385, %swap3A_386] {strides = array<i32>} : memref<1024x16xf32, #tpu.memory_space<vmem>>, vector<16xf32>,
              tpu.vector_store %arg10[%swap3A_385, %swap3A_386], %mul3A_382 {strides = array<i32>} : memref<1024x16xf32, #tpu.memory_space<vmem>>, vector<16xf32>,
              %scan3A_388 = arith.constant 0 : i32
              %scan3A_389 = arith.constant 1 : i32
              %scan3A_390 = arith.addi %scan3A_140, %scan3A_389 : i32
              %mul3A_391 = arith.constant 1024 : i32
              %mul3A_392 = arith.muli %scan3A_80, %mul3A_391 : i32
              %mul3A_393 = arith.constant 16 : i32
              %mul3A_394 = arith.muli %scan3A_390, %mul3A_393 : i32
              %add3A_395 = arith.addi %mul3A_392, %mul3A_394 : i32
              %get3A_396 = arith.index_cast %add3A_395 : i32 to index
              %get3A_397 = tpu.vector_load %arg9[%get3A_396] {strides = array<i32>} : memref<7168xf32, #tpu.memory_space<vmem>>, vector<16xf32>,
              %mul3A_398 = arith.constant 16 : i32
              %mul3A_399 = arith.muli %scan3A_390, %mul3A_398 : i32
              %broadcast_in_dim3A_400 = arith.constant 0 : i32
              %broadcast_in_dim3A_401 = vector.broadcast %broadcast_in_dim3A_400 : i32 to vector<16x1xi32>
              %gather3A_402 = vector.shape_cast %broadcast_in_dim3A_401 : vector<16x1xi32> to vector<16xi32>
              %gather3A_403 = tpu.dynamic_gather %get3A_397[%gather3A_402] in [0] : vector<16xf32>, vector<16xi32> -> vector<16xf32>
              %add3A_404 = arith.constant 0 : i32
              %add3A_405 = arith.addi %mul3A_399, %add3A_404 : i32
              %get3A_406 = arith.index_cast %add3A_405 : i32 to index
              %get3A_407 = arith.constant 0 : index
              %get3A_408 = tpu.vector_load %arg10[%get3A_406, %get3A_407] {strides = array<i32>} : memref<1024x16xf32, #tpu.memory_space<vmem>>, vector<16xf32>,
              %mul3A_409 = arith.mulf %get3A_408, %gather3A_403 : vector<16xf32>
              %add3A_410 = arith.constant 0 : i32
              %add3A_411 = arith.addi %mul3A_399, %add3A_410 : i32
              %swap3A_412 = arith.index_cast %add3A_411 : i32 to index
              %swap3A_413 = arith.constant 0 : index
              %swap3A_414 = tpu.vector_load %arg10[%swap3A_412, %swap3A_413] {strides = array<i32>} : memref<1024x16xf32, #tpu.memory_space<vmem>>, vector<16xf32>,
              tpu.vector_store %arg10[%swap3A_412, %swap3A_413], %mul3A_409 {strides = array<i32>} : memref<1024x16xf32, #tpu.memory_space<vmem>>, vector<16xf32>,
              %broadcast_in_dim3A_415 = arith.constant 1 : i32
              %broadcast_in_dim3A_416 = vector.broadcast %broadcast_in_dim3A_415 : i32 to vector<16x1xi32>
              %gather3A_417 = vector.shape_cast %broadcast_in_dim3A_416 : vector<16x1xi32> to vector<16xi32>
              %gather3A_418 = tpu.dynamic_gather %get3A_397[%gather3A_417] in [0] : vector<16xf32>, vector<16xi32> -> vector<16xf32>
              %add3A_419 = arith.constant 1 : i32
              %add3A_420 = arith.addi %mul3A_399, %add3A_419 : i32
              %get3A_421 = arith.index_cast %add3A_420 : i32 to index
              %get3A_422 = arith.constant 0 : index
              %get3A_423 = tpu.vector_load %arg10[%get3A_421, %get3A_422] {strides = array<i32>} : memref<1024x16xf32, #tpu.memory_space<vmem>>, vector<16xf32>,
              %mul3A_424 = arith.mulf %get3A_423, %gather3A_418 : vector<16xf32>
              %add3A_425 = arith.constant 1 : i32
              %add3A_426 = arith.addi %mul3A_399, %add3A_425 : i32
              %swap3A_427 = arith.index_cast %add3A_426 : i32 to index
              %swap3A_428 = arith.constant 0 : index
              %swap3A_429 = tpu.vector_load %arg10[%swap3A_427, %swap3A_428] {strides = array<i32>} : memref<1024x16xf32, #tpu.memory_space<vmem>>, vector<16xf32>,
              tpu.vector_store %arg10[%swap3A_427, %swap3A_428], %mul3A_424 {strides = array<i32>} : memref<1024x16xf32, #tpu.memory_space<vmem>>, vector<16xf32>,
              %broadcast_in_dim3A_430 = arith.constant 2 : i32
              %broadcast_in_dim3A_431 = vector.broadcast %broadcast_in_dim3A_430 : i32 to vector<16x1xi32>
              %gather3A_432 = vector.shape_cast %broadcast_in_dim3A_431 : vector<16x1xi32> to vector<16xi32>
              %gather3A_433 = tpu.dynamic_gather %get3A_397[%gather3A_432] in [0] : vector<16xf32>, vector<16xi32> -> vector<16xf32>
              %add3A_434 = arith.constant 2 : i32
              %add3A_435 = arith.addi %mul3A_399, %add3A_434 : i32
              %get3A_436 = arith.index_cast %add3A_435 : i32 to index
              %get3A_437 = arith.constant 0 : index
              %get3A_438 = tpu.vector_load %arg10[%get3A_436, %get3A_437] {strides = array<i32>} : memref<1024x16xf32, #tpu.memory_space<vmem>>, vector<16xf32>,
              %mul3A_439 = arith.mulf %get3A_438, %gather3A_433 : vector<16xf32>
              %add3A_440 = arith.constant 2 : i32
              %add3A_441 = arith.addi %mul3A_399, %add3A_440 : i32
              %swap3A_442 = arith.index_cast %add3A_441 : i32 to index
              %swap3A_443 = arith.constant 0 : index
              %swap3A_444 = tpu.vector_load %arg10[%swap3A_442, %swap3A_443] {strides = array<i32>} : memref<1024x16xf32, #tpu.memory_space<vmem>>, vector<16xf32>,
              tpu.vector_store %arg10[%swap3A_442, %swap3A_443], %mul3A_439 {strides = array<i32>} : memref<1024x16xf32, #tpu.memory_space<vmem>>, vector<16xf32>,
              %broadcast_in_dim3A_445 = arith.constant 3 : i32
              %broadcast_in_dim3A_446 = vector.broadcast %broadcast_in_dim3A_445 : i32 to vector<16x1xi32>
              %gather3A_447 = vector.shape_cast %broadcast_in_dim3A_446 : vector<16x1xi32> to vector<16xi32>
              %gather3A_448 = tpu.dynamic_gather %get3A_397[%gather3A_447] in [0] : vector<16xf32>, vector<16xi32> -> vector<16xf32>
              %add3A_449 = arith.constant 3 : i32
              %add3A_450 = arith.addi %mul3A_399, %add3A_449 : i32
              %get3A_451 = arith.index_cast %add3A_450 : i32 to index
              %get3A_452 = arith.constant 0 : index
              %get3A_453 = tpu.vector_load %arg10[%get3A_451, %get3A_452] {strides = array<i32>} : memref<1024x16xf32, #tpu.memory_space<vmem>>, vector<16xf32>,
              %mul3A_454 = arith.mulf %get3A_453, %gather3A_448 : vector<16xf32>
              %add3A_455 = arith.constant 3 : i32
              %add3A_456 = arith.addi %mul3A_399, %add3A_455 : i32
              %swap3A_457 = arith.index_cast %add3A_456 : i32 to index
              %swap3A_458 = arith.constant 0 : index
              %swap3A_459 = tpu.vector_load %arg10[%swap3A_457, %swap3A_458] {strides = array<i32>} : memref<1024x16xf32, #tpu.memory_space<vmem>>, vector<16xf32>,
              tpu.vector_store %arg10[%swap3A_457, %swap3A_458], %mul3A_454 {strides = array<i32>} : memref<1024x16xf32, #tpu.memory_space<vmem>>, vector<16xf32>,
              %broadcast_in_dim3A_460 = arith.constant 4 : i32
              %broadcast_in_dim3A_461 = vector.broadcast %broadcast_in_dim3A_460 : i32 to vector<16x1xi32>
              %gather3A_462 = vector.shape_cast %broadcast_in_dim3A_461 : vector<16x1xi32> to vector<16xi32>
              %gather3A_463 = tpu.dynamic_gather %get3A_397[%gather3A_462] in [0] : vector<16xf32>, vector<16xi32> -> vector<16xf32>
              %add3A_464 = arith.constant 4 : i32
              %add3A_465 = arith.addi %mul3A_399, %add3A_464 : i32
              %get3A_466 = arith.index_cast %add3A_465 : i32 to index
              %get3A_467 = arith.constant 0 : index
              %get3A_468 = tpu.vector_load %arg10[%get3A_466, %get3A_467] {strides = array<i32>} : memref<1024x16xf32, #tpu.memory_space<vmem>>, vector<16xf32>,
              %mul3A_469 = arith.mulf %get3A_468, %gather3A_463 : vector<16xf32>
              %add3A_470 = arith.constant 4 : i32
              %add3A_471 = arith.addi %mul3A_399, %add3A_470 : i32
              %swap3A_472 = arith.index_cast %add3A_471 : i32 to index
              %swap3A_473 = arith.constant 0 : index
              %swap3A_474 = tpu.vector_load %arg10[%swap3A_472, %swap3A_473] {strides = array<i32>} : memref<1024x16xf32, #tpu.memory_space<vmem>>, vector<16xf32>,
              tpu.vector_store %arg10[%swap3A_472, %swap3A_473], %mul3A_469 {strides = array<i32>} : memref<1024x16xf32, #tpu.memory_space<vmem>>, vector<16xf32>,
              %broadcast_in_dim3A_475 = arith.constant 5 : i32
              %broadcast_in_dim3A_476 = vector.broadcast %broadcast_in_dim3A_475 : i32 to vector<16x1xi32>
              %gather3A_477 = vector.shape_cast %broadcast_in_dim3A_476 : vector<16x1xi32> to vector<16xi32>
              %gather3A_478 = tpu.dynamic_gather %get3A_397[%gather3A_477] in [0] : vector<16xf32>, vector<16xi32> -> vector<16xf32>
              %add3A_479 = arith.constant 5 : i32
              %add3A_480 = arith.addi %mul3A_399, %add3A_479 : i32
              %get3A_481 = arith.index_cast %add3A_480 : i32 to index
              %get3A_482 = arith.constant 0 : index
              %get3A_483 = tpu.vector_load %arg10[%get3A_481, %get3A_482] {strides = array<i32>} : memref<1024x16xf32, #tpu.memory_space<vmem>>, vector<16xf32>,
              %mul3A_484 = arith.mulf %get3A_483, %gather3A_478 : vector<16xf32>
              %add3A_485 = arith.constant 5 : i32
              %add3A_486 = arith.addi %mul3A_399, %add3A_485 : i32
              %swap3A_487 = arith.index_cast %add3A_486 : i32 to index
              %swap3A_488 = arith.constant 0 : index
              %swap3A_489 = tpu.vector_load %arg10[%swap3A_487, %swap3A_488] {strides = array<i32>} : memref<1024x16xf32, #tpu.memory_space<vmem>>, vector<16xf32>,
              tpu.vector_store %arg10[%swap3A_487, %swap3A_488], %mul3A_484 {strides = array<i32>} : memref<1024x16xf32, #tpu.memory_space<vmem>>, vector<16xf32>,
              %broadcast_in_dim3A_490 = arith.constant 6 : i32
              %broadcast_in_dim3A_491 = vector.broadcast %broadcast_in_dim3A_490 : i32 to vector<16x1xi32>
              %gather3A_492 = vector.shape_cast %broadcast_in_dim3A_491 : vector<16x1xi32> to vector<16xi32>
              %gather3A_493 = tpu.dynamic_gather %get3A_397[%gather3A_492] in [0] : vector<16xf32>, vector<16xi32> -> vector<16xf32>
              %add3A_494 = arith.constant 6 : i32
              %add3A_495 = arith.addi %mul3A_399, %add3A_494 : i32
              %get3A_496 = arith.index_cast %add3A_495 : i32 to index
              %get3A_497 = arith.constant 0 : index
              %get3A_498 = tpu.vector_load %arg10[%get3A_496, %get3A_497] {strides = array<i32>} : memref<1024x16xf32, #tpu.memory_space<vmem>>, vector<16xf32>,
              %mul3A_499 = arith.mulf %get3A_498, %gather3A_493 : vector<16xf32>
              %add3A_500 = arith.constant 6 : i32
              %add3A_501 = arith.addi %mul3A_399, %add3A_500 : i32
              %swap3A_502 = arith.index_cast %add3A_501 : i32 to index
              %swap3A_503 = arith.constant 0 : index
              %swap3A_504 = tpu.vector_load %arg10[%swap3A_502, %swap3A_503] {strides = array<i32>} : memref<1024x16xf32, #tpu.memory_space<vmem>>, vector<16xf32>,
              tpu.vector_store %arg10[%swap3A_502, %swap3A_503], %mul3A_499 {strides = array<i32>} : memref<1024x16xf32, #tpu.memory_space<vmem>>, vector<16xf32>,
              %broadcast_in_dim3A_505 = arith.constant 7 : i32
              %broadcast_in_dim3A_506 = vector.broadcast %broadcast_in_dim3A_505 : i32 to vector<16x1xi32>
              %gather3A_507 = vector.shape_cast %broadcast_in_dim3A_506 : vector<16x1xi32> to vector<16xi32>
              %gather3A_508 = tpu.dynamic_gather %get3A_397[%gather3A_507] in [0] : vector<16xf32>, vector<16xi32> -> vector<16xf32>
              %add3A_509 = arith.constant 7 : i32
              %add3A_510 = arith.addi %mul3A_399, %add3A_509 : i32
              %get3A_511 = arith.index_cast %add3A_510 : i32 to index
              %get3A_512 = arith.constant 0 : index
              %get3A_513 = tpu.vector_load %arg10[%get3A_511, %get3A_512] {strides = array<i32>} : memref<1024x16xf32, #tpu.memory_space<vmem>>, vector<16xf32>,
              %mul3A_514 = arith.mulf %get3A_513, %gather3A_508 : vector<16xf32>
              %add3A_515 = arith.constant 7 : i32
              %add3A_516 = arith.addi %mul3A_399, %add3A_515 : i32
              %swap3A_517 = arith.index_cast %add3A_516 : i32 to index
              %swap3A_518 = arith.constant 0 : index
              %swap3A_519 = tpu.vector_load %arg10[%swap3A_517, %swap3A_518] {strides = array<i32>} : memref<1024x16xf32, #tpu.memory_space<vmem>>, vector<16xf32>,
              tpu.vector_store %arg10[%swap3A_517, %swap3A_518], %mul3A_514 {strides = array<i32>} : memref<1024x16xf32, #tpu.memory_space<vmem>>, vector<16xf32>,
              %broadcast_in_dim3A_520 = arith.constant 8 : i32
              %broadcast_in_dim3A_521 = vector.broadcast %broadcast_in_dim3A_520 : i32 to vector<16x1xi32>
              %gather3A_522 = vector.shape_cast %broadcast_in_dim3A_521 : vector<16x1xi32> to vector<16xi32>
              %gather3A_523 = tpu.dynamic_gather %get3A_397[%gather3A_522] in [0] : vector<16xf32>, vector<16xi32> -> vector<16xf32>
              %add3A_524 = arith.constant 8 : i32
              %add3A_525 = arith.addi %mul3A_399, %add3A_524 : i32
              %get3A_526 = arith.index_cast %add3A_525 : i32 to index
              %get3A_527 = arith.constant 0 : index
              %get3A_528 = tpu.vector_load %arg10[%get3A_526, %get3A_527] {strides = array<i32>} : memref<1024x16xf32, #tpu.memory_space<vmem>>, vector<16xf32>,
              %mul3A_529 = arith.mulf %get3A_528, %gather3A_523 : vector<16xf32>
              %add3A_530 = arith.constant 8 : i32
              %add3A_531 = arith.addi %mul3A_399, %add3A_530 : i32
              %swap3A_532 = arith.index_cast %add3A_531 : i32 to index
              %swap3A_533 = arith.constant 0 : index
              %swap3A_534 = tpu.vector_load %arg10[%swap3A_532, %swap3A_533] {strides = array<i32>} : memref<1024x16xf32, #tpu.memory_space<vmem>>, vector<16xf32>,
              tpu.vector_store %arg10[%swap3A_532, %swap3A_533], %mul3A_529 {strides = array<i32>} : memref<1024x16xf32, #tpu.memory_space<vmem>>, vector<16xf32>,
              %broadcast_in_dim3A_535 = arith.constant 9 : i32
              %broadcast_in_dim3A_536 = vector.broadcast %broadcast_in_dim3A_535 : i32 to vector<16x1xi32>
              %gather3A_537 = vector.shape_cast %broadcast_in_dim3A_536 : vector<16x1xi32> to vector<16xi32>
              %gather3A_538 = tpu.dynamic_gather %get3A_397[%gather3A_537] in [0] : vector<16xf32>, vector<16xi32> -> vector<16xf32>
              %add3A_539 = arith.constant 9 : i32
              %add3A_540 = arith.addi %mul3A_399, %add3A_539 : i32
              %get3A_541 = arith.index_cast %add3A_540 : i32 to index
              %get3A_542 = arith.constant 0 : index
              %get3A_543 = tpu.vector_load %arg10[%get3A_541, %get3A_542] {strides = array<i32>} : memref<1024x16xf32, #tpu.memory_space<vmem>>, vector<16xf32>,
              %mul3A_544 = arith.mulf %get3A_543, %gather3A_538 : vector<16xf32>
              %add3A_545 = arith.constant 9 : i32
              %add3A_546 = arith.addi %mul3A_399, %add3A_545 : i32
              %swap3A_547 = arith.index_cast %add3A_546 : i32 to index
              %swap3A_548 = arith.constant 0 : index
              %swap3A_549 = tpu.vector_load %arg10[%swap3A_547, %swap3A_548] {strides = array<i32>} : memref<1024x16xf32, #tpu.memory_space<vmem>>, vector<16xf32>,
              tpu.vector_store %arg10[%swap3A_547, %swap3A_548], %mul3A_544 {strides = array<i32>} : memref<1024x16xf32, #tpu.memory_space<vmem>>, vector<16xf32>,
              %broadcast_in_dim3A_550 = arith.constant 10 : i32
              %broadcast_in_dim3A_551 = vector.broadcast %broadcast_in_dim3A_550 : i32 to vector<16x1xi32>
              %gather3A_552 = vector.shape_cast %broadcast_in_dim3A_551 : vector<16x1xi32> to vector<16xi32>
              %gather3A_553 = tpu.dynamic_gather %get3A_397[%gather3A_552] in [0] : vector<16xf32>, vector<16xi32> -> vector<16xf32>
              %add3A_554 = arith.constant 10 : i32
              %add3A_555 = arith.addi %mul3A_399, %add3A_554 : i32
              %get3A_556 = arith.index_cast %add3A_555 : i32 to index
              %get3A_557 = arith.constant 0 : index
              %get3A_558 = tpu.vector_load %arg10[%get3A_556, %get3A_557] {strides = array<i32>} : memref<1024x16xf32, #tpu.memory_space<vmem>>, vector<16xf32>,
              %mul3A_559 = arith.mulf %get3A_558, %gather3A_553 : vector<16xf32>
              %add3A_560 = arith.constant 10 : i32
              %add3A_561 = arith.addi %mul3A_399, %add3A_560 : i32
              %swap3A_562 = arith.index_cast %add3A_561 : i32 to index
              %swap3A_563 = arith.constant 0 : index
              %swap3A_564 = tpu.vector_load %arg10[%swap3A_562, %swap3A_563] {strides = array<i32>} : memref<1024x16xf32, #tpu.memory_space<vmem>>, vector<16xf32>,
              tpu.vector_store %arg10[%swap3A_562, %swap3A_563], %mul3A_559 {strides = array<i32>} : memref<1024x16xf32, #tpu.memory_space<vmem>>, vector<16xf32>,
              %broadcast_in_dim3A_565 = arith.constant 11 : i32
              %broadcast_in_dim3A_566 = vector.broadcast %broadcast_in_dim3A_565 : i32 to vector<16x1xi32>
              %gather3A_567 = vector.shape_cast %broadcast_in_dim3A_566 : vector<16x1xi32> to vector<16xi32>
              %gather3A_568 = tpu.dynamic_gather %get3A_397[%gather3A_567] in [0] : vector<16xf32>, vector<16xi32> -> vector<16xf32>
              %add3A_569 = arith.constant 11 : i32
              %add3A_570 = arith.addi %mul3A_399, %add3A_569 : i32
              %get3A_571 = arith.index_cast %add3A_570 : i32 to index
              %get3A_572 = arith.constant 0 : index
              %get3A_573 = tpu.vector_load %arg10[%get3A_571, %get3A_572] {strides = array<i32>} : memref<1024x16xf32, #tpu.memory_space<vmem>>, vector<16xf32>,
              %mul3A_574 = arith.mulf %get3A_573, %gather3A_568 : vector<16xf32>
              %add3A_575 = arith.constant 11 : i32
              %add3A_576 = arith.addi %mul3A_399, %add3A_575 : i32
              %swap3A_577 = arith.index_cast %add3A_576 : i32 to index
              %swap3A_578 = arith.constant 0 : index
              %swap3A_579 = tpu.vector_load %arg10[%swap3A_577, %swap3A_578] {strides = array<i32>} : memref<1024x16xf32, #tpu.memory_space<vmem>>, vector<16xf32>,
              tpu.vector_store %arg10[%swap3A_577, %swap3A_578], %mul3A_574 {strides = array<i32>} : memref<1024x16xf32, #tpu.memory_space<vmem>>, vector<16xf32>,
              %broadcast_in_dim3A_580 = arith.constant 12 : i32
              %broadcast_in_dim3A_581 = vector.broadcast %broadcast_in_dim3A_580 : i32 to vector<16x1xi32>
              %gather3A_582 = vector.shape_cast %broadcast_in_dim3A_581 : vector<16x1xi32> to vector<16xi32>
              %gather3A_583 = tpu.dynamic_gather %get3A_397[%gather3A_582] in [0] : vector<16xf32>, vector<16xi32> -> vector<16xf32>
              %add3A_584 = arith.constant 12 : i32
              %add3A_585 = arith.addi %mul3A_399, %add3A_584 : i32
              %get3A_586 = arith.index_cast %add3A_585 : i32 to index
              %get3A_587 = arith.constant 0 : index
              %get3A_588 = tpu.vector_load %arg10[%get3A_586, %get3A_587] {strides = array<i32>} : memref<1024x16xf32, #tpu.memory_space<vmem>>, vector<16xf32>,
              %mul3A_589 = arith.mulf %get3A_588, %gather3A_583 : vector<16xf32>
              %add3A_590 = arith.constant 12 : i32
              %add3A_591 = arith.addi %mul3A_399, %add3A_590 : i32
              %swap3A_592 = arith.index_cast %add3A_591 : i32 to index
              %swap3A_593 = arith.constant 0 : index
              %swap3A_594 = tpu.vector_load %arg10[%swap3A_592, %swap3A_593] {strides = array<i32>} : memref<1024x16xf32, #tpu.memory_space<vmem>>, vector<16xf32>,
              tpu.vector_store %arg10[%swap3A_592, %swap3A_593], %mul3A_589 {strides = array<i32>} : memref<1024x16xf32, #tpu.memory_space<vmem>>, vector<16xf32>,
              %broadcast_in_dim3A_595 = arith.constant 13 : i32
              %broadcast_in_dim3A_596 = vector.broadcast %broadcast_in_dim3A_595 : i32 to vector<16x1xi32>
              %gather3A_597 = vector.shape_cast %broadcast_in_dim3A_596 : vector<16x1xi32> to vector<16xi32>
              %gather3A_598 = tpu.dynamic_gather %get3A_397[%gather3A_597] in [0] : vector<16xf32>, vector<16xi32> -> vector<16xf32>
              %add3A_599 = arith.constant 13 : i32
              %add3A_600 = arith.addi %mul3A_399, %add3A_599 : i32
              %get3A_601 = arith.index_cast %add3A_600 : i32 to index
              %get3A_602 = arith.constant 0 : index
              %get3A_603 = tpu.vector_load %arg10[%get3A_601, %get3A_602] {strides = array<i32>} : memref<1024x16xf32, #tpu.memory_space<vmem>>, vector<16xf32>,
              %mul3A_604 = arith.mulf %get3A_603, %gather3A_598 : vector<16xf32>
              %add3A_605 = arith.constant 13 : i32
              %add3A_606 = arith.addi %mul3A_399, %add3A_605 : i32
              %swap3A_607 = arith.index_cast %add3A_606 : i32 to index
              %swap3A_608 = arith.constant 0 : index
              %swap3A_609 = tpu.vector_load %arg10[%swap3A_607, %swap3A_608] {strides = array<i32>} : memref<1024x16xf32, #tpu.memory_space<vmem>>, vector<16xf32>,
              tpu.vector_store %arg10[%swap3A_607, %swap3A_608], %mul3A_604 {strides = array<i32>} : memref<1024x16xf32, #tpu.memory_space<vmem>>, vector<16xf32>,
              %broadcast_in_dim3A_610 = arith.constant 14 : i32
              %broadcast_in_dim3A_611 = vector.broadcast %broadcast_in_dim3A_610 : i32 to vector<16x1xi32>
              %gather3A_612 = vector.shape_cast %broadcast_in_dim3A_611 : vector<16x1xi32> to vector<16xi32>
              %gather3A_613 = tpu.dynamic_gather %get3A_397[%gather3A_612] in [0] : vector<16xf32>, vector<16xi32> -> vector<16xf32>
              %add3A_614 = arith.constant 14 : i32
              %add3A_615 = arith.addi %mul3A_399, %add3A_614 : i32
              %get3A_616 = arith.index_cast %add3A_615 : i32 to index
              %get3A_617 = arith.constant 0 : index
              %get3A_618 = tpu.vector_load %arg10[%get3A_616, %get3A_617] {strides = array<i32>} : memref<1024x16xf32, #tpu.memory_space<vmem>>, vector<16xf32>,
              %mul3A_619 = arith.mulf %get3A_618, %gather3A_613 : vector<16xf32>
              %add3A_620 = arith.constant 14 : i32
              %add3A_621 = arith.addi %mul3A_399, %add3A_620 : i32
              %swap3A_622 = arith.index_cast %add3A_621 : i32 to index
              %swap3A_623 = arith.constant 0 : index
              %swap3A_624 = tpu.vector_load %arg10[%swap3A_622, %swap3A_623] {strides = array<i32>} : memref<1024x16xf32, #tpu.memory_space<vmem>>, vector<16xf32>,
              tpu.vector_store %arg10[%swap3A_622, %swap3A_623], %mul3A_619 {strides = array<i32>} : memref<1024x16xf32, #tpu.memory_space<vmem>>, vector<16xf32>,
              %broadcast_in_dim3A_625 = arith.constant 15 : i32
              %broadcast_in_dim3A_626 = vector.broadcast %broadcast_in_dim3A_625 : i32 to vector<16x1xi32>
              %gather3A_627 = vector.shape_cast %broadcast_in_dim3A_626 : vector<16x1xi32> to vector<16xi32>
              %gather3A_628 = tpu.dynamic_gather %get3A_397[%gather3A_627] in [0] : vector<16xf32>, vector<16xi32> -> vector<16xf32>
              %add3A_629 = arith.constant 15 : i32
              %add3A_630 = arith.addi %mul3A_399, %add3A_629 : i32
              %get3A_631 = arith.index_cast %add3A_630 : i32 to index
              %get3A_632 = arith.constant 0 : index
              %get3A_633 = tpu.vector_load %arg10[%get3A_631, %get3A_632] {strides = array<i32>} : memref<1024x16xf32, #tpu.memory_space<vmem>>, vector<16xf32>,
              %mul3A_634 = arith.mulf %get3A_633, %gather3A_628 : vector<16xf32>
              %add3A_635 = arith.constant 15 : i32
              %add3A_636 = arith.addi %mul3A_399, %add3A_635 : i32
              %swap3A_637 = arith.index_cast %add3A_636 : i32 to index
              %swap3A_638 = arith.constant 0 : index
              %swap3A_639 = tpu.vector_load %arg10[%swap3A_637, %swap3A_638] {strides = array<i32>} : memref<1024x16xf32, #tpu.memory_space<vmem>>, vector<16xf32>,
              tpu.vector_store %arg10[%swap3A_637, %swap3A_638], %mul3A_634 {strides = array<i32>} : memref<1024x16xf32, #tpu.memory_space<vmem>>, vector<16xf32>,
              %scan3A_640 = arith.constant 0 : i32
              scf.yield %scan3A_640 : i32
            }
            %scan3A_133 = arith.constant 64 : i32
            %mul3A_134 = arith.constant 1024 : i32
            %mul3A_135 = arith.muli %scan3A_80, %mul3A_134 : i32
            %dma_start3A_136 = tpu.memref_slice %arg8[%mul3A_135] : memref<7168xi32, #tpu.memory_space<vmem>> -> memref<1024xi32, #tpu.memory_space<vmem>>
            %dma_start3A_137 = arith.constant 0 : i32
            %dma_start3A_138 = arith.constant 0 : i32
            %dma_start3A_139 = tpu.memref_slice %arg13[%dma_start3A_137, %dma_start3A_138] : memref<50176x16xf32, #tpu.memory_space<vmem_shared>> -> memref<50176x16xf32, #tpu.memory_space<vmem_shared>>
            tpu.enqueue_indirect_dma source(%arg10 : memref<1024x16xf32, #tpu.memory_space<vmem>>) target(%dma_start3A_139 : memref<50176x16xf32, #tpu.memory_space<vmem_shared>>) offsets(%dma_start3A_136 : memref<1024xi32, #tpu.memory_space<vmem>>) semaphore(%arg16 : memref<!tpu.dma_semaphore, #tpu.memory_space<semaphore_mem>>) {add = true}
          } else {
          }
          %jit3A_94 = arith.constant 2 : i32
          %eq3A_95 = arith.constant 0 : i32
          %eq3A_96 = arith.cmpi eq, %jit3A_94, %eq3A_95 : i32
          %jit3A_97 = arith.constant 1 : i32
          %select_n3A_98 = arith.select %eq3A_96, %jit3A_97, %jit3A_94 : i32
          %rem3A_99 = arith.remsi %scan3A_80, %select_n3A_98 : i32
          %ne3A_100 = arith.constant 0 : i32
          %ne3A_101 = arith.cmpi ne, %rem3A_99, %ne3A_100 : i32
          %lt3A_102 = arith.constant 0 : i32
          %lt3A_103 = arith.cmpi slt, %rem3A_99, %lt3A_102 : i32
          %lt3A_104 = arith.constant 0 : i32
          %lt3A_105 = arith.cmpi slt, %select_n3A_98, %lt3A_104 : i32
          %ne3A_106 = arith.xori %lt3A_103, %lt3A_105 : i1
          %and3A_107 = arith.andi %ne3A_106, %ne3A_101 : i1
          %add3A_108 = arith.addi %rem3A_99, %select_n3A_98 : i32
          %select_n3A_109 = arith.select %and3A_107, %add3A_108, %rem3A_99 : i32
          %eq3A_110 = arith.constant 1 : i32
          %eq3A_111 = arith.cmpi eq, %select_n3A_109, %eq3A_110 : i32
          %convert_element_type3A_112 = arith.extui %eq3A_111 : i1 to i32
          %cond3A_113 = arith.constant 0 : i32
          %cond3A_114 = arith.cmpi ne, %convert_element_type3A_112, %cond3A_113 : i32
          scf.if %cond3A_114 {
            %mul3A_116 = arith.constant 1024 : i32
            %mul3A_117 = arith.muli %scan3A_80, %mul3A_116 : i32
            %dma_wait3A_118 = tpu.memref_slice %arg7[%mul3A_117] : memref<7168xi32, #tpu.memory_space<vmem>> -> memref<1024xi32, #tpu.memory_space<vmem>>
            %dma_wait3A_119 = arith.constant 0 : i32
            %dma_wait3A_120 = arith.constant 0 : i32
            %dma_wait3A_121 = tpu.memref_slice %arg2[%dma_wait3A_119, %dma_wait3A_120] : memref<200000x16xf32, #tpu.memory_space<hbm>> -> memref<200000x16xf32, #tpu.memory_space<hbm>>
            tpu.wait_indirect_dma semaphore(%arg15 : memref<!tpu.dma_semaphore, #tpu.memory_space<semaphore_mem>>) src(%dma_wait3A_121 : memref<200000x16xf32, #tpu.memory_space<hbm>>) dst(%arg11 : memref<1024x16xf32, #tpu.memory_space<vmem>>)
            %lt3A_122 = arith.constant 6 : i32
            %lt3A_123 = arith.cmpi slt, %scan3A_80, %lt3A_122 : i32
            %convert_element_type3A_124 = arith.extui %lt3A_123 : i1 to i32
            %cond3A_125 = arith.constant 0 : i32
            %cond3A_126 = arith.cmpi ne, %convert_element_type3A_124, %cond3A_125 : i32
            scf.if %cond3A_126 {
              %sub3A = arith.constant 1 : i32
              %sub3A_140 = arith.subi %scan3A_80, %sub3A : i32
              %mul3A_141 = arith.constant 1024 : i32
              %mul3A_142 = arith.muli %sub3A_140, %mul3A_141 : i32
              %dma_wait3A_143 = tpu.memref_slice %arg8[%mul3A_142] : memref<7168xi32, #tpu.memory_space<vmem>> -> memref<1024xi32, #tpu.memory_space<vmem>>
              %dma_wait3A_144 = arith.constant 0 : i32
              %dma_wait3A_145 = arith.constant 0 : i32
              %dma_wait3A_146 = tpu.memref_slice %arg13[%dma_wait3A_144, %dma_wait3A_145] : memref<50176x16xf32, #tpu.memory_space<vmem_shared>> -> memref<50176x16xf32, #tpu.memory_space<vmem_shared>>
              tpu.wait_indirect_dma semaphore(%arg16 : memref<!tpu.dma_semaphore, #tpu.memory_space<semaphore_mem>>) src(%arg10 : memref<1024x16xf32, #tpu.memory_space<vmem>>) dst(%dma_wait3A_146 : memref<50176x16xf32, #tpu.memory_space<vmem_shared>>)
              %add3A_147 = arith.constant 1 : i32
              %add3A_148 = arith.addi %scan3A_80, %add3A_147 : i32
              %mul3A_149 = arith.constant 1024 : i32
              %mul3A_150 = arith.muli %add3A_148, %mul3A_149 : i32
              %dma_start3A_151 = tpu.memref_slice %arg7[%mul3A_150] : memref<7168xi32, #tpu.memory_space<vmem>> -> memref<1024xi32, #tpu.memory_space<vmem>>
              %dma_start3A_152 = arith.constant 0 : i32
              %dma_start3A_153 = arith.constant 0 : i32
              %dma_start3A_154 = tpu.memref_slice %arg2[%dma_start3A_152, %dma_start3A_153] : memref<200000x16xf32, #tpu.memory_space<hbm>> -> memref<200000x16xf32, #tpu.memory_space<hbm>>
              tpu.enqueue_indirect_dma source(%dma_start3A_154 : memref<200000x16xf32, #tpu.memory_space<hbm>>) target(%arg10 : memref<1024x16xf32, #tpu.memory_space<vmem>>) offsets(%dma_start3A_151 : memref<1024xi32, #tpu.memory_space<vmem>>) semaphore(%arg14 : memref<!tpu.dma_semaphore, #tpu.memory_space<semaphore_mem>>)
            } else {
            }
            %scan3A_127 = arith.constant 0 : i32
            %scan3A_128 = arith.constant 0 : i32
            %scan3A_129 = arith.constant 64 : i32
            %scan3A_130 = arith.addi %scan3A_128, %scan3A_129 : i32
            %scan3A_131 = arith.constant 2 : i32
            %scan3A_132 = scf.for %scan3A_140 = %scan3A_128 to %scan3A_130 step %scan3A_131 iter_args(%scan3A_141 = %scan3A_127) -> (i32)  : i32 {
              %mul3A_142 = arith.constant 1024 : i32
              %mul3A_143 = arith.muli %scan3A_80, %mul3A_142 : i32
              %mul3A_144 = arith.constant 16 : i32
              %mul3A_145 = arith.muli %scan3A_140, %mul3A_144 : i32
              %add3A_146 = arith.addi %mul3A_143, %mul3A_145 : i32
              %get3A = arith.index_cast %add3A_146 : i32 to index
              %get3A_147 = tpu.vector_load %arg9[%get3A] {strides = array<i32>} : memref<7168xf32, #tpu.memory_space<vmem>>, vector<16xf32>,
              %mul3A_148 = arith.constant 16 : i32
              %mul3A_149 = arith.muli %scan3A_140, %mul3A_148 : i32
              %broadcast_in_dim3A_150 = arith.constant 0 : i32
              %broadcast_in_dim3A_151 = vector.broadcast %broadcast_in_dim3A_150 : i32 to vector<16x1xi32>
              %gather3A = vector.shape_cast %broadcast_in_dim3A_151 : vector<16x1xi32> to vector<16xi32>
              %gather3A_152 = tpu.dynamic_gather %get3A_147[%gather3A] in [0] : vector<16xf32>, vector<16xi32> -> vector<16xf32>
              %add3A_153 = arith.constant 0 : i32
              %add3A_154 = arith.addi %mul3A_149, %add3A_153 : i32
              %get3A_155 = arith.index_cast %add3A_154 : i32 to index
              %get3A_156 = arith.constant 0 : index
              %get3A_157 = tpu.vector_load %arg11[%get3A_155, %get3A_156] {strides = array<i32>} : memref<1024x16xf32, #tpu.memory_space<vmem>>, vector<16xf32>,
              %mul3A_158 = arith.mulf %get3A_157, %gather3A_152 : vector<16xf32>
              %add3A_159 = arith.constant 0 : i32
              %add3A_160 = arith.addi %mul3A_149, %add3A_159 : i32
              %swap3A = arith.index_cast %add3A_160 : i32 to index
              %swap3A_161 = arith.constant 0 : index
              %swap3A_162 = tpu.vector_load %arg11[%swap3A, %swap3A_161] {strides = array<i32>} : memref<1024x16xf32, #tpu.memory_space<vmem>>, vector<16xf32>,
              tpu.vector_store %arg11[%swap3A, %swap3A_161], %mul3A_158 {strides = array<i32>} : memref<1024x16xf32, #tpu.memory_space<vmem>>, vector<16xf32>,
              %broadcast_in_dim3A_163 = arith.constant 1 : i32
              %broadcast_in_dim3A_164 = vector.broadcast %broadcast_in_dim3A_163 : i32 to vector<16x1xi32>
              %gather3A_165 = vector.shape_cast %broadcast_in_dim3A_164 : vector<16x1xi32> to vector<16xi32>
              %gather3A_166 = tpu.dynamic_gather %get3A_147[%gather3A_165] in [0] : vector<16xf32>, vector<16xi32> -> vector<16xf32>
              %add3A_167 = arith.constant 1 : i32
              %add3A_168 = arith.addi %mul3A_149, %add3A_167 : i32
              %get3A_169 = arith.index_cast %add3A_168 : i32 to index
              %get3A_170 = arith.constant 0 : index
              %get3A_171 = tpu.vector_load %arg11[%get3A_169, %get3A_170] {strides = array<i32>} : memref<1024x16xf32, #tpu.memory_space<vmem>>, vector<16xf32>,
              %mul3A_172 = arith.mulf %get3A_171, %gather3A_166 : vector<16xf32>
              %add3A_173 = arith.constant 1 : i32
              %add3A_174 = arith.addi %mul3A_149, %add3A_173 : i32
              %swap3A_175 = arith.index_cast %add3A_174 : i32 to index
              %swap3A_176 = arith.constant 0 : index
              %swap3A_177 = tpu.vector_load %arg11[%swap3A_175, %swap3A_176] {strides = array<i32>} : memref<1024x16xf32, #tpu.memory_space<vmem>>, vector<16xf32>,
              tpu.vector_store %arg11[%swap3A_175, %swap3A_176], %mul3A_172 {strides = array<i32>} : memref<1024x16xf32, #tpu.memory_space<vmem>>, vector<16xf32>,
              %broadcast_in_dim3A_178 = arith.constant 2 : i32
              %broadcast_in_dim3A_179 = vector.broadcast %broadcast_in_dim3A_178 : i32 to vector<16x1xi32>
              %gather3A_180 = vector.shape_cast %broadcast_in_dim3A_179 : vector<16x1xi32> to vector<16xi32>
              %gather3A_181 = tpu.dynamic_gather %get3A_147[%gather3A_180] in [0] : vector<16xf32>, vector<16xi32> -> vector<16xf32>
              %add3A_182 = arith.constant 2 : i32
              %add3A_183 = arith.addi %mul3A_149, %add3A_182 : i32
              %get3A_184 = arith.index_cast %add3A_183 : i32 to index
              %get3A_185 = arith.constant 0 : index
              %get3A_186 = tpu.vector_load %arg11[%get3A_184, %get3A_185] {strides = array<i32>} : memref<1024x16xf32, #tpu.memory_space<vmem>>, vector<16xf32>,
              %mul3A_187 = arith.mulf %get3A_186, %gather3A_181 : vector<16xf32>
              %add3A_188 = arith.constant 2 : i32
              %add3A_189 = arith.addi %mul3A_149, %add3A_188 : i32
              %swap3A_190 = arith.index_cast %add3A_189 : i32 to index
              %swap3A_191 = arith.constant 0 : index
              %swap3A_192 = tpu.vector_load %arg11[%swap3A_190, %swap3A_191] {strides = array<i32>} : memref<1024x16xf32, #tpu.memory_space<vmem>>, vector<16xf32>,
              tpu.vector_store %arg11[%swap3A_190, %swap3A_191], %mul3A_187 {strides = array<i32>} : memref<1024x16xf32, #tpu.memory_space<vmem>>, vector<16xf32>,
              %broadcast_in_dim3A_193 = arith.constant 3 : i32
              %broadcast_in_dim3A_194 = vector.broadcast %broadcast_in_dim3A_193 : i32 to vector<16x1xi32>
              %gather3A_195 = vector.shape_cast %broadcast_in_dim3A_194 : vector<16x1xi32> to vector<16xi32>
              %gather3A_196 = tpu.dynamic_gather %get3A_147[%gather3A_195] in [0] : vector<16xf32>, vector<16xi32> -> vector<16xf32>
              %add3A_197 = arith.constant 3 : i32
              %add3A_198 = arith.addi %mul3A_149, %add3A_197 : i32
              %get3A_199 = arith.index_cast %add3A_198 : i32 to index
              %get3A_200 = arith.constant 0 : index
              %get3A_201 = tpu.vector_load %arg11[%get3A_199, %get3A_200] {strides = array<i32>} : memref<1024x16xf32, #tpu.memory_space<vmem>>, vector<16xf32>,
              %mul3A_202 = arith.mulf %get3A_201, %gather3A_196 : vector<16xf32>
              %add3A_203 = arith.constant 3 : i32
              %add3A_204 = arith.addi %mul3A_149, %add3A_203 : i32
              %swap3A_205 = arith.index_cast %add3A_204 : i32 to index
              %swap3A_206 = arith.constant 0 : index
              %swap3A_207 = tpu.vector_load %arg11[%swap3A_205, %swap3A_206] {strides = array<i32>} : memref<1024x16xf32, #tpu.memory_space<vmem>>, vector<16xf32>,
              tpu.vector_store %arg11[%swap3A_205, %swap3A_206], %mul3A_202 {strides = array<i32>} : memref<1024x16xf32, #tpu.memory_space<vmem>>, vector<16xf32>,
              %broadcast_in_dim3A_208 = arith.constant 4 : i32
              %broadcast_in_dim3A_209 = vector.broadcast %broadcast_in_dim3A_208 : i32 to vector<16x1xi32>
              %gather3A_210 = vector.shape_cast %broadcast_in_dim3A_209 : vector<16x1xi32> to vector<16xi32>
              %gather3A_211 = tpu.dynamic_gather %get3A_147[%gather3A_210] in [0] : vector<16xf32>, vector<16xi32> -> vector<16xf32>
              %add3A_212 = arith.constant 4 : i32
              %add3A_213 = arith.addi %mul3A_149, %add3A_212 : i32
              %get3A_214 = arith.index_cast %add3A_213 : i32 to index
              %get3A_215 = arith.constant 0 : index
              %get3A_216 = tpu.vector_load %arg11[%get3A_214, %get3A_215] {strides = array<i32>} : memref<1024x16xf32, #tpu.memory_space<vmem>>, vector<16xf32>,
              %mul3A_217 = arith.mulf %get3A_216, %gather3A_211 : vector<16xf32>
              %add3A_218 = arith.constant 4 : i32
              %add3A_219 = arith.addi %mul3A_149, %add3A_218 : i32
              %swap3A_220 = arith.index_cast %add3A_219 : i32 to index
              %swap3A_221 = arith.constant 0 : index
              %swap3A_222 = tpu.vector_load %arg11[%swap3A_220, %swap3A_221] {strides = array<i32>} : memref<1024x16xf32, #tpu.memory_space<vmem>>, vector<16xf32>,
              tpu.vector_store %arg11[%swap3A_220, %swap3A_221], %mul3A_217 {strides = array<i32>} : memref<1024x16xf32, #tpu.memory_space<vmem>>, vector<16xf32>,
              %broadcast_in_dim3A_223 = arith.constant 5 : i32
              %broadcast_in_dim3A_224 = vector.broadcast %broadcast_in_dim3A_223 : i32 to vector<16x1xi32>
              %gather3A_225 = vector.shape_cast %broadcast_in_dim3A_224 : vector<16x1xi32> to vector<16xi32>
              %gather3A_226 = tpu.dynamic_gather %get3A_147[%gather3A_225] in [0] : vector<16xf32>, vector<16xi32> -> vector<16xf32>
              %add3A_227 = arith.constant 5 : i32
              %add3A_228 = arith.addi %mul3A_149, %add3A_227 : i32
              %get3A_229 = arith.index_cast %add3A_228 : i32 to index
              %get3A_230 = arith.constant 0 : index
              %get3A_231 = tpu.vector_load %arg11[%get3A_229, %get3A_230] {strides = array<i32>} : memref<1024x16xf32, #tpu.memory_space<vmem>>, vector<16xf32>,
              %mul3A_232 = arith.mulf %get3A_231, %gather3A_226 : vector<16xf32>
              %add3A_233 = arith.constant 5 : i32
              %add3A_234 = arith.addi %mul3A_149, %add3A_233 : i32
              %swap3A_235 = arith.index_cast %add3A_234 : i32 to index
              %swap3A_236 = arith.constant 0 : index
              %swap3A_237 = tpu.vector_load %arg11[%swap3A_235, %swap3A_236] {strides = array<i32>} : memref<1024x16xf32, #tpu.memory_space<vmem>>, vector<16xf32>,
              tpu.vector_store %arg11[%swap3A_235, %swap3A_236], %mul3A_232 {strides = array<i32>} : memref<1024x16xf32, #tpu.memory_space<vmem>>, vector<16xf32>,
              %broadcast_in_dim3A_238 = arith.constant 6 : i32
              %broadcast_in_dim3A_239 = vector.broadcast %broadcast_in_dim3A_238 : i32 to vector<16x1xi32>
              %gather3A_240 = vector.shape_cast %broadcast_in_dim3A_239 : vector<16x1xi32> to vector<16xi32>
              %gather3A_241 = tpu.dynamic_gather %get3A_147[%gather3A_240] in [0] : vector<16xf32>, vector<16xi32> -> vector<16xf32>
              %add3A_242 = arith.constant 6 : i32
              %add3A_243 = arith.addi %mul3A_149, %add3A_242 : i32
              %get3A_244 = arith.index_cast %add3A_243 : i32 to index
              %get3A_245 = arith.constant 0 : index
              %get3A_246 = tpu.vector_load %arg11[%get3A_244, %get3A_245] {strides = array<i32>} : memref<1024x16xf32, #tpu.memory_space<vmem>>, vector<16xf32>,
              %mul3A_247 = arith.mulf %get3A_246, %gather3A_241 : vector<16xf32>
              %add3A_248 = arith.constant 6 : i32
              %add3A_249 = arith.addi %mul3A_149, %add3A_248 : i32
              %swap3A_250 = arith.index_cast %add3A_249 : i32 to index
              %swap3A_251 = arith.constant 0 : index
              %swap3A_252 = tpu.vector_load %arg11[%swap3A_250, %swap3A_251] {strides = array<i32>} : memref<1024x16xf32, #tpu.memory_space<vmem>>, vector<16xf32>,
              tpu.vector_store %arg11[%swap3A_250, %swap3A_251], %mul3A_247 {strides = array<i32>} : memref<1024x16xf32, #tpu.memory_space<vmem>>, vector<16xf32>,
              %broadcast_in_dim3A_253 = arith.constant 7 : i32
              %broadcast_in_dim3A_254 = vector.broadcast %broadcast_in_dim3A_253 : i32 to vector<16x1xi32>
              %gather3A_255 = vector.shape_cast %broadcast_in_dim3A_254 : vector<16x1xi32> to vector<16xi32>
              %gather3A_256 = tpu.dynamic_gather %get3A_147[%gather3A_255] in [0] : vector<16xf32>, vector<16xi32> -> vector<16xf32>
              %add3A_257 = arith.constant 7 : i32
              %add3A_258 = arith.addi %mul3A_149, %add3A_257 : i32
              %get3A_259 = arith.index_cast %add3A_258 : i32 to index
              %get3A_260 = arith.constant 0 : index
              %get3A_261 = tpu.vector_load %arg11[%get3A_259, %get3A_260] {strides = array<i32>} : memref<1024x16xf32, #tpu.memory_space<vmem>>, vector<16xf32>,
              %mul3A_262 = arith.mulf %get3A_261, %gather3A_256 : vector<16xf32>
              %add3A_263 = arith.constant 7 : i32
              %add3A_264 = arith.addi %mul3A_149, %add3A_263 : i32
              %swap3A_265 = arith.index_cast %add3A_264 : i32 to index
              %swap3A_266 = arith.constant 0 : index
              %swap3A_267 = tpu.vector_load %arg11[%swap3A_265, %swap3A_266] {strides = array<i32>} : memref<1024x16xf32, #tpu.memory_space<vmem>>, vector<16xf32>,
              tpu.vector_store %arg11[%swap3A_265, %swap3A_266], %mul3A_262 {strides = array<i32>} : memref<1024x16xf32, #tpu.memory_space<vmem>>, vector<16xf32>,
              %broadcast_in_dim3A_268 = arith.constant 8 : i32
              %broadcast_in_dim3A_269 = vector.broadcast %broadcast_in_dim3A_268 : i32 to vector<16x1xi32>
              %gather3A_270 = vector.shape_cast %broadcast_in_dim3A_269 : vector<16x1xi32> to vector<16xi32>
              %gather3A_271 = tpu.dynamic_gather %get3A_147[%gather3A_270] in [0] : vector<16xf32>, vector<16xi32> -> vector<16xf32>
              %add3A_272 = arith.constant 8 : i32
              %add3A_273 = arith.addi %mul3A_149, %add3A_272 : i32
              %get3A_274 = arith.index_cast %add3A_273 : i32 to index
              %get3A_275 = arith.constant 0 : index
              %get3A_276 = tpu.vector_load %arg11[%get3A_274, %get3A_275] {strides = array<i32>} : memref<1024x16xf32, #tpu.memory_space<vmem>>, vector<16xf32>,
              %mul3A_277 = arith.mulf %get3A_276, %gather3A_271 : vector<16xf32>
              %add3A_278 = arith.constant 8 : i32
              %add3A_279 = arith.addi %mul3A_149, %add3A_278 : i32
              %swap3A_280 = arith.index_cast %add3A_279 : i32 to index
              %swap3A_281 = arith.constant 0 : index
              %swap3A_282 = tpu.vector_load %arg11[%swap3A_280, %swap3A_281] {strides = array<i32>} : memref<1024x16xf32, #tpu.memory_space<vmem>>, vector<16xf32>,
              tpu.vector_store %arg11[%swap3A_280, %swap3A_281], %mul3A_277 {strides = array<i32>} : memref<1024x16xf32, #tpu.memory_space<vmem>>, vector<16xf32>,
              %broadcast_in_dim3A_283 = arith.constant 9 : i32
              %broadcast_in_dim3A_284 = vector.broadcast %broadcast_in_dim3A_283 : i32 to vector<16x1xi32>
              %gather3A_285 = vector.shape_cast %broadcast_in_dim3A_284 : vector<16x1xi32> to vector<16xi32>
              %gather3A_286 = tpu.dynamic_gather %get3A_147[%gather3A_285] in [0] : vector<16xf32>, vector<16xi32> -> vector<16xf32>
              %add3A_287 = arith.constant 9 : i32
              %add3A_288 = arith.addi %mul3A_149, %add3A_287 : i32
              %get3A_289 = arith.index_cast %add3A_288 : i32 to index
              %get3A_290 = arith.constant 0 : index
              %get3A_291 = tpu.vector_load %arg11[%get3A_289, %get3A_290] {strides = array<i32>} : memref<1024x16xf32, #tpu.memory_space<vmem>>, vector<16xf32>,
              %mul3A_292 = arith.mulf %get3A_291, %gather3A_286 : vector<16xf32>
              %add3A_293 = arith.constant 9 : i32
              %add3A_294 = arith.addi %mul3A_149, %add3A_293 : i32
              %swap3A_295 = arith.index_cast %add3A_294 : i32 to index
              %swap3A_296 = arith.constant 0 : index
              %swap3A_297 = tpu.vector_load %arg11[%swap3A_295, %swap3A_296] {strides = array<i32>} : memref<1024x16xf32, #tpu.memory_space<vmem>>, vector<16xf32>,
              tpu.vector_store %arg11[%swap3A_295, %swap3A_296], %mul3A_292 {strides = array<i32>} : memref<1024x16xf32, #tpu.memory_space<vmem>>, vector<16xf32>,
              %broadcast_in_dim3A_298 = arith.constant 10 : i32
              %broadcast_in_dim3A_299 = vector.broadcast %broadcast_in_dim3A_298 : i32 to vector<16x1xi32>
              %gather3A_300 = vector.shape_cast %broadcast_in_dim3A_299 : vector<16x1xi32> to vector<16xi32>
              %gather3A_301 = tpu.dynamic_gather %get3A_147[%gather3A_300] in [0] : vector<16xf32>, vector<16xi32> -> vector<16xf32>
              %add3A_302 = arith.constant 10 : i32
              %add3A_303 = arith.addi %mul3A_149, %add3A_302 : i32
              %get3A_304 = arith.index_cast %add3A_303 : i32 to index
              %get3A_305 = arith.constant 0 : index
              %get3A_306 = tpu.vector_load %arg11[%get3A_304, %get3A_305] {strides = array<i32>} : memref<1024x16xf32, #tpu.memory_space<vmem>>, vector<16xf32>,
              %mul3A_307 = arith.mulf %get3A_306, %gather3A_301 : vector<16xf32>
              %add3A_308 = arith.constant 10 : i32
              %add3A_309 = arith.addi %mul3A_149, %add3A_308 : i32
              %swap3A_310 = arith.index_cast %add3A_309 : i32 to index
              %swap3A_311 = arith.constant 0 : index
              %swap3A_312 = tpu.vector_load %arg11[%swap3A_310, %swap3A_311] {strides = array<i32>} : memref<1024x16xf32, #tpu.memory_space<vmem>>, vector<16xf32>,
              tpu.vector_store %arg11[%swap3A_310, %swap3A_311], %mul3A_307 {strides = array<i32>} : memref<1024x16xf32, #tpu.memory_space<vmem>>, vector<16xf32>,
              %broadcast_in_dim3A_313 = arith.constant 11 : i32
              %broadcast_in_dim3A_314 = vector.broadcast %broadcast_in_dim3A_313 : i32 to vector<16x1xi32>
              %gather3A_315 = vector.shape_cast %broadcast_in_dim3A_314 : vector<16x1xi32> to vector<16xi32>
              %gather3A_316 = tpu.dynamic_gather %get3A_147[%gather3A_315] in [0] : vector<16xf32>, vector<16xi32> -> vector<16xf32>
              %add3A_317 = arith.constant 11 : i32
              %add3A_318 = arith.addi %mul3A_149, %add3A_317 : i32
              %get3A_319 = arith.index_cast %add3A_318 : i32 to index
              %get3A_320 = arith.constant 0 : index
              %get3A_321 = tpu.vector_load %arg11[%get3A_319, %get3A_320] {strides = array<i32>} : memref<1024x16xf32, #tpu.memory_space<vmem>>, vector<16xf32>,
              %mul3A_322 = arith.mulf %get3A_321, %gather3A_316 : vector<16xf32>
              %add3A_323 = arith.constant 11 : i32
              %add3A_324 = arith.addi %mul3A_149, %add3A_323 : i32
              %swap3A_325 = arith.index_cast %add3A_324 : i32 to index
              %swap3A_326 = arith.constant 0 : index
              %swap3A_327 = tpu.vector_load %arg11[%swap3A_325, %swap3A_326] {strides = array<i32>} : memref<1024x16xf32, #tpu.memory_space<vmem>>, vector<16xf32>,
              tpu.vector_store %arg11[%swap3A_325, %swap3A_326], %mul3A_322 {strides = array<i32>} : memref<1024x16xf32, #tpu.memory_space<vmem>>, vector<16xf32>,
              %broadcast_in_dim3A_328 = arith.constant 12 : i32
              %broadcast_in_dim3A_329 = vector.broadcast %broadcast_in_dim3A_328 : i32 to vector<16x1xi32>
              %gather3A_330 = vector.shape_cast %broadcast_in_dim3A_329 : vector<16x1xi32> to vector<16xi32>
              %gather3A_331 = tpu.dynamic_gather %get3A_147[%gather3A_330] in [0] : vector<16xf32>, vector<16xi32> -> vector<16xf32>
              %add3A_332 = arith.constant 12 : i32
              %add3A_333 = arith.addi %mul3A_149, %add3A_332 : i32
              %get3A_334 = arith.index_cast %add3A_333 : i32 to index
              %get3A_335 = arith.constant 0 : index
              %get3A_336 = tpu.vector_load %arg11[%get3A_334, %get3A_335] {strides = array<i32>} : memref<1024x16xf32, #tpu.memory_space<vmem>>, vector<16xf32>,
              %mul3A_337 = arith.mulf %get3A_336, %gather3A_331 : vector<16xf32>
              %add3A_338 = arith.constant 12 : i32
              %add3A_339 = arith.addi %mul3A_149, %add3A_338 : i32
              %swap3A_340 = arith.index_cast %add3A_339 : i32 to index
              %swap3A_341 = arith.constant 0 : index
              %swap3A_342 = tpu.vector_load %arg11[%swap3A_340, %swap3A_341] {strides = array<i32>} : memref<1024x16xf32, #tpu.memory_space<vmem>>, vector<16xf32>,
              tpu.vector_store %arg11[%swap3A_340, %swap3A_341], %mul3A_337 {strides = array<i32>} : memref<1024x16xf32, #tpu.memory_space<vmem>>, vector<16xf32>,
              %broadcast_in_dim3A_343 = arith.constant 13 : i32
              %broadcast_in_dim3A_344 = vector.broadcast %broadcast_in_dim3A_343 : i32 to vector<16x1xi32>
              %gather3A_345 = vector.shape_cast %broadcast_in_dim3A_344 : vector<16x1xi32> to vector<16xi32>
              %gather3A_346 = tpu.dynamic_gather %get3A_147[%gather3A_345] in [0] : vector<16xf32>, vector<16xi32> -> vector<16xf32>
              %add3A_347 = arith.constant 13 : i32
              %add3A_348 = arith.addi %mul3A_149, %add3A_347 : i32
              %get3A_349 = arith.index_cast %add3A_348 : i32 to index
              %get3A_350 = arith.constant 0 : index
              %get3A_351 = tpu.vector_load %arg11[%get3A_349, %get3A_350] {strides = array<i32>} : memref<1024x16xf32, #tpu.memory_space<vmem>>, vector<16xf32>,
              %mul3A_352 = arith.mulf %get3A_351, %gather3A_346 : vector<16xf32>
              %add3A_353 = arith.constant 13 : i32
              %add3A_354 = arith.addi %mul3A_149, %add3A_353 : i32
              %swap3A_355 = arith.index_cast %add3A_354 : i32 to index
              %swap3A_356 = arith.constant 0 : index
              %swap3A_357 = tpu.vector_load %arg11[%swap3A_355, %swap3A_356] {strides = array<i32>} : memref<1024x16xf32, #tpu.memory_space<vmem>>, vector<16xf32>,
              tpu.vector_store %arg11[%swap3A_355, %swap3A_356], %mul3A_352 {strides = array<i32>} : memref<1024x16xf32, #tpu.memory_space<vmem>>, vector<16xf32>,
              %broadcast_in_dim3A_358 = arith.constant 14 : i32
              %broadcast_in_dim3A_359 = vector.broadcast %broadcast_in_dim3A_358 : i32 to vector<16x1xi32>
              %gather3A_360 = vector.shape_cast %broadcast_in_dim3A_359 : vector<16x1xi32> to vector<16xi32>
              %gather3A_361 = tpu.dynamic_gather %get3A_147[%gather3A_360] in [0] : vector<16xf32>, vector<16xi32> -> vector<16xf32>
              %add3A_362 = arith.constant 14 : i32
              %add3A_363 = arith.addi %mul3A_149, %add3A_362 : i32
              %get3A_364 = arith.index_cast %add3A_363 : i32 to index
              %get3A_365 = arith.constant 0 : index
              %get3A_366 = tpu.vector_load %arg11[%get3A_364, %get3A_365] {strides = array<i32>} : memref<1024x16xf32, #tpu.memory_space<vmem>>, vector<16xf32>,
              %mul3A_367 = arith.mulf %get3A_366, %gather3A_361 : vector<16xf32>
              %add3A_368 = arith.constant 14 : i32
              %add3A_369 = arith.addi %mul3A_149, %add3A_368 : i32
              %swap3A_370 = arith.index_cast %add3A_369 : i32 to index
              %swap3A_371 = arith.constant 0 : index
              %swap3A_372 = tpu.vector_load %arg11[%swap3A_370, %swap3A_371] {strides = array<i32>} : memref<1024x16xf32, #tpu.memory_space<vmem>>, vector<16xf32>,
              tpu.vector_store %arg11[%swap3A_370, %swap3A_371], %mul3A_367 {strides = array<i32>} : memref<1024x16xf32, #tpu.memory_space<vmem>>, vector<16xf32>,
              %broadcast_in_dim3A_373 = arith.constant 15 : i32
              %broadcast_in_dim3A_374 = vector.broadcast %broadcast_in_dim3A_373 : i32 to vector<16x1xi32>
              %gather3A_375 = vector.shape_cast %broadcast_in_dim3A_374 : vector<16x1xi32> to vector<16xi32>
              %gather3A_376 = tpu.dynamic_gather %get3A_147[%gather3A_375] in [0] : vector<16xf32>, vector<16xi32> -> vector<16xf32>
              %add3A_377 = arith.constant 15 : i32
              %add3A_378 = arith.addi %mul3A_149, %add3A_377 : i32
              %get3A_379 = arith.index_cast %add3A_378 : i32 to index
              %get3A_380 = arith.constant 0 : index
              %get3A_381 = tpu.vector_load %arg11[%get3A_379, %get3A_380] {strides = array<i32>} : memref<1024x16xf32, #tpu.memory_space<vmem>>, vector<16xf32>,
              %mul3A_382 = arith.mulf %get3A_381, %gather3A_376 : vector<16xf32>
              %add3A_383 = arith.constant 15 : i32
              %add3A_384 = arith.addi %mul3A_149, %add3A_383 : i32
              %swap3A_385 = arith.index_cast %add3A_384 : i32 to index
              %swap3A_386 = arith.constant 0 : index
              %swap3A_387 = tpu.vector_load %arg11[%swap3A_385, %swap3A_386] {strides = array<i32>} : memref<1024x16xf32, #tpu.memory_space<vmem>>, vector<16xf32>,
              tpu.vector_store %arg11[%swap3A_385, %swap3A_386], %mul3A_382 {strides = array<i32>} : memref<1024x16xf32, #tpu.memory_space<vmem>>, vector<16xf32>,
              %scan3A_388 = arith.constant 0 : i32
              %scan3A_389 = arith.constant 1 : i32
              %scan3A_390 = arith.addi %scan3A_140, %scan3A_389 : i32
              %mul3A_391 = arith.constant 1024 : i32
              %mul3A_392 = arith.muli %scan3A_80, %mul3A_391 : i32
              %mul3A_393 = arith.constant 16 : i32
              %mul3A_394 = arith.muli %scan3A_390, %mul3A_393 : i32
              %add3A_395 = arith.addi %mul3A_392, %mul3A_394 : i32
              %get3A_396 = arith.index_cast %add3A_395 : i32 to index
              %get3A_397 = tpu.vector_load %arg9[%get3A_396] {strides = array<i32>} : memref<7168xf32, #tpu.memory_space<vmem>>, vector<16xf32>,
              %mul3A_398 = arith.constant 16 : i32
              %mul3A_399 = arith.muli %scan3A_390, %mul3A_398 : i32
              %broadcast_in_dim3A_400 = arith.constant 0 : i32
              %broadcast_in_dim3A_401 = vector.broadcast %broadcast_in_dim3A_400 : i32 to vector<16x1xi32>
              %gather3A_402 = vector.shape_cast %broadcast_in_dim3A_401 : vector<16x1xi32> to vector<16xi32>
              %gather3A_403 = tpu.dynamic_gather %get3A_397[%gather3A_402] in [0] : vector<16xf32>, vector<16xi32> -> vector<16xf32>
              %add3A_404 = arith.constant 0 : i32
              %add3A_405 = arith.addi %mul3A_399, %add3A_404 : i32
              %get3A_406 = arith.index_cast %add3A_405 : i32 to index
              %get3A_407 = arith.constant 0 : index
              %get3A_408 = tpu.vector_load %arg11[%get3A_406, %get3A_407] {strides = array<i32>} : memref<1024x16xf32, #tpu.memory_space<vmem>>, vector<16xf32>,
              %mul3A_409 = arith.mulf %get3A_408, %gather3A_403 : vector<16xf32>
              %add3A_410 = arith.constant 0 : i32
              %add3A_411 = arith.addi %mul3A_399, %add3A_410 : i32
              %swap3A_412 = arith.index_cast %add3A_411 : i32 to index
              %swap3A_413 = arith.constant 0 : index
              %swap3A_414 = tpu.vector_load %arg11[%swap3A_412, %swap3A_413] {strides = array<i32>} : memref<1024x16xf32, #tpu.memory_space<vmem>>, vector<16xf32>,
              tpu.vector_store %arg11[%swap3A_412, %swap3A_413], %mul3A_409 {strides = array<i32>} : memref<1024x16xf32, #tpu.memory_space<vmem>>, vector<16xf32>,
              %broadcast_in_dim3A_415 = arith.constant 1 : i32
              %broadcast_in_dim3A_416 = vector.broadcast %broadcast_in_dim3A_415 : i32 to vector<16x1xi32>
              %gather3A_417 = vector.shape_cast %broadcast_in_dim3A_416 : vector<16x1xi32> to vector<16xi32>
              %gather3A_418 = tpu.dynamic_gather %get3A_397[%gather3A_417] in [0] : vector<16xf32>, vector<16xi32> -> vector<16xf32>
              %add3A_419 = arith.constant 1 : i32
              %add3A_420 = arith.addi %mul3A_399, %add3A_419 : i32
              %get3A_421 = arith.index_cast %add3A_420 : i32 to index
              %get3A_422 = arith.constant 0 : index
              %get3A_423 = tpu.vector_load %arg11[%get3A_421, %get3A_422] {strides = array<i32>} : memref<1024x16xf32, #tpu.memory_space<vmem>>, vector<16xf32>,
              %mul3A_424 = arith.mulf %get3A_423, %gather3A_418 : vector<16xf32>
              %add3A_425 = arith.constant 1 : i32
              %add3A_426 = arith.addi %mul3A_399, %add3A_425 : i32
              %swap3A_427 = arith.index_cast %add3A_426 : i32 to index
              %swap3A_428 = arith.constant 0 : index
              %swap3A_429 = tpu.vector_load %arg11[%swap3A_427, %swap3A_428] {strides = array<i32>} : memref<1024x16xf32, #tpu.memory_space<vmem>>, vector<16xf32>,
              tpu.vector_store %arg11[%swap3A_427, %swap3A_428], %mul3A_424 {strides = array<i32>} : memref<1024x16xf32, #tpu.memory_space<vmem>>, vector<16xf32>,
              %broadcast_in_dim3A_430 = arith.constant 2 : i32
              %broadcast_in_dim3A_431 = vector.broadcast %broadcast_in_dim3A_430 : i32 to vector<16x1xi32>
              %gather3A_432 = vector.shape_cast %broadcast_in_dim3A_431 : vector<16x1xi32> to vector<16xi32>
              %gather3A_433 = tpu.dynamic_gather %get3A_397[%gather3A_432] in [0] : vector<16xf32>, vector<16xi32> -> vector<16xf32>
              %add3A_434 = arith.constant 2 : i32
              %add3A_435 = arith.addi %mul3A_399, %add3A_434 : i32
              %get3A_436 = arith.index_cast %add3A_435 : i32 to index
              %get3A_437 = arith.constant 0 : index
              %get3A_438 = tpu.vector_load %arg11[%get3A_436, %get3A_437] {strides = array<i32>} : memref<1024x16xf32, #tpu.memory_space<vmem>>, vector<16xf32>,
              %mul3A_439 = arith.mulf %get3A_438, %gather3A_433 : vector<16xf32>
              %add3A_440 = arith.constant 2 : i32
              %add3A_441 = arith.addi %mul3A_399, %add3A_440 : i32
              %swap3A_442 = arith.index_cast %add3A_441 : i32 to index
              %swap3A_443 = arith.constant 0 : index
              %swap3A_444 = tpu.vector_load %arg11[%swap3A_442, %swap3A_443] {strides = array<i32>} : memref<1024x16xf32, #tpu.memory_space<vmem>>, vector<16xf32>,
              tpu.vector_store %arg11[%swap3A_442, %swap3A_443], %mul3A_439 {strides = array<i32>} : memref<1024x16xf32, #tpu.memory_space<vmem>>, vector<16xf32>,
              %broadcast_in_dim3A_445 = arith.constant 3 : i32
              %broadcast_in_dim3A_446 = vector.broadcast %broadcast_in_dim3A_445 : i32 to vector<16x1xi32>
              %gather3A_447 = vector.shape_cast %broadcast_in_dim3A_446 : vector<16x1xi32> to vector<16xi32>
              %gather3A_448 = tpu.dynamic_gather %get3A_397[%gather3A_447] in [0] : vector<16xf32>, vector<16xi32> -> vector<16xf32>
              %add3A_449 = arith.constant 3 : i32
              %add3A_450 = arith.addi %mul3A_399, %add3A_449 : i32
              %get3A_451 = arith.index_cast %add3A_450 : i32 to index
              %get3A_452 = arith.constant 0 : index
              %get3A_453 = tpu.vector_load %arg11[%get3A_451, %get3A_452] {strides = array<i32>} : memref<1024x16xf32, #tpu.memory_space<vmem>>, vector<16xf32>,
              %mul3A_454 = arith.mulf %get3A_453, %gather3A_448 : vector<16xf32>
              %add3A_455 = arith.constant 3 : i32
              %add3A_456 = arith.addi %mul3A_399, %add3A_455 : i32
              %swap3A_457 = arith.index_cast %add3A_456 : i32 to index
              %swap3A_458 = arith.constant 0 : index
              %swap3A_459 = tpu.vector_load %arg11[%swap3A_457, %swap3A_458] {strides = array<i32>} : memref<1024x16xf32, #tpu.memory_space<vmem>>, vector<16xf32>,
              tpu.vector_store %arg11[%swap3A_457, %swap3A_458], %mul3A_454 {strides = array<i32>} : memref<1024x16xf32, #tpu.memory_space<vmem>>, vector<16xf32>,
              %broadcast_in_dim3A_460 = arith.constant 4 : i32
              %broadcast_in_dim3A_461 = vector.broadcast %broadcast_in_dim3A_460 : i32 to vector<16x1xi32>
              %gather3A_462 = vector.shape_cast %broadcast_in_dim3A_461 : vector<16x1xi32> to vector<16xi32>
              %gather3A_463 = tpu.dynamic_gather %get3A_397[%gather3A_462] in [0] : vector<16xf32>, vector<16xi32> -> vector<16xf32>
              %add3A_464 = arith.constant 4 : i32
              %add3A_465 = arith.addi %mul3A_399, %add3A_464 : i32
              %get3A_466 = arith.index_cast %add3A_465 : i32 to index
              %get3A_467 = arith.constant 0 : index
              %get3A_468 = tpu.vector_load %arg11[%get3A_466, %get3A_467] {strides = array<i32>} : memref<1024x16xf32, #tpu.memory_space<vmem>>, vector<16xf32>,
              %mul3A_469 = arith.mulf %get3A_468, %gather3A_463 : vector<16xf32>
              %add3A_470 = arith.constant 4 : i32
              %add3A_471 = arith.addi %mul3A_399, %add3A_470 : i32
              %swap3A_472 = arith.index_cast %add3A_471 : i32 to index
              %swap3A_473 = arith.constant 0 : index
              %swap3A_474 = tpu.vector_load %arg11[%swap3A_472, %swap3A_473] {strides = array<i32>} : memref<1024x16xf32, #tpu.memory_space<vmem>>, vector<16xf32>,
              tpu.vector_store %arg11[%swap3A_472, %swap3A_473], %mul3A_469 {strides = array<i32>} : memref<1024x16xf32, #tpu.memory_space<vmem>>, vector<16xf32>,
              %broadcast_in_dim3A_475 = arith.constant 5 : i32
              %broadcast_in_dim3A_476 = vector.broadcast %broadcast_in_dim3A_475 : i32 to vector<16x1xi32>
              %gather3A_477 = vector.shape_cast %broadcast_in_dim3A_476 : vector<16x1xi32> to vector<16xi32>
              %gather3A_478 = tpu.dynamic_gather %get3A_397[%gather3A_477] in [0] : vector<16xf32>, vector<16xi32> -> vector<16xf32>
              %add3A_479 = arith.constant 5 : i32
              %add3A_480 = arith.addi %mul3A_399, %add3A_479 : i32
              %get3A_481 = arith.index_cast %add3A_480 : i32 to index
              %get3A_482 = arith.constant 0 : index
              %get3A_483 = tpu.vector_load %arg11[%get3A_481, %get3A_482] {strides = array<i32>} : memref<1024x16xf32, #tpu.memory_space<vmem>>, vector<16xf32>,
              %mul3A_484 = arith.mulf %get3A_483, %gather3A_478 : vector<16xf32>
              %add3A_485 = arith.constant 5 : i32
              %add3A_486 = arith.addi %mul3A_399, %add3A_485 : i32
              %swap3A_487 = arith.index_cast %add3A_486 : i32 to index
              %swap3A_488 = arith.constant 0 : index
              %swap3A_489 = tpu.vector_load %arg11[%swap3A_487, %swap3A_488] {strides = array<i32>} : memref<1024x16xf32, #tpu.memory_space<vmem>>, vector<16xf32>,
              tpu.vector_store %arg11[%swap3A_487, %swap3A_488], %mul3A_484 {strides = array<i32>} : memref<1024x16xf32, #tpu.memory_space<vmem>>, vector<16xf32>,
              %broadcast_in_dim3A_490 = arith.constant 6 : i32
              %broadcast_in_dim3A_491 = vector.broadcast %broadcast_in_dim3A_490 : i32 to vector<16x1xi32>
              %gather3A_492 = vector.shape_cast %broadcast_in_dim3A_491 : vector<16x1xi32> to vector<16xi32>
              %gather3A_493 = tpu.dynamic_gather %get3A_397[%gather3A_492] in [0] : vector<16xf32>, vector<16xi32> -> vector<16xf32>
              %add3A_494 = arith.constant 6 : i32
              %add3A_495 = arith.addi %mul3A_399, %add3A_494 : i32
              %get3A_496 = arith.index_cast %add3A_495 : i32 to index
              %get3A_497 = arith.constant 0 : index
              %get3A_498 = tpu.vector_load %arg11[%get3A_496, %get3A_497] {strides = array<i32>} : memref<1024x16xf32, #tpu.memory_space<vmem>>, vector<16xf32>,
              %mul3A_499 = arith.mulf %get3A_498, %gather3A_493 : vector<16xf32>
              %add3A_500 = arith.constant 6 : i32
              %add3A_501 = arith.addi %mul3A_399, %add3A_500 : i32
              %swap3A_502 = arith.index_cast %add3A_501 : i32 to index
              %swap3A_503 = arith.constant 0 : index
              %swap3A_504 = tpu.vector_load %arg11[%swap3A_502, %swap3A_503] {strides = array<i32>} : memref<1024x16xf32, #tpu.memory_space<vmem>>, vector<16xf32>,
              tpu.vector_store %arg11[%swap3A_502, %swap3A_503], %mul3A_499 {strides = array<i32>} : memref<1024x16xf32, #tpu.memory_space<vmem>>, vector<16xf32>,
              %broadcast_in_dim3A_505 = arith.constant 7 : i32
              %broadcast_in_dim3A_506 = vector.broadcast %broadcast_in_dim3A_505 : i32 to vector<16x1xi32>
              %gather3A_507 = vector.shape_cast %broadcast_in_dim3A_506 : vector<16x1xi32> to vector<16xi32>
              %gather3A_508 = tpu.dynamic_gather %get3A_397[%gather3A_507] in [0] : vector<16xf32>, vector<16xi32> -> vector<16xf32>
              %add3A_509 = arith.constant 7 : i32
              %add3A_510 = arith.addi %mul3A_399, %add3A_509 : i32
              %get3A_511 = arith.index_cast %add3A_510 : i32 to index
              %get3A_512 = arith.constant 0 : index
              %get3A_513 = tpu.vector_load %arg11[%get3A_511, %get3A_512] {strides = array<i32>} : memref<1024x16xf32, #tpu.memory_space<vmem>>, vector<16xf32>,
              %mul3A_514 = arith.mulf %get3A_513, %gather3A_508 : vector<16xf32>
              %add3A_515 = arith.constant 7 : i32
              %add3A_516 = arith.addi %mul3A_399, %add3A_515 : i32
              %swap3A_517 = arith.index_cast %add3A_516 : i32 to index
              %swap3A_518 = arith.constant 0 : index
              %swap3A_519 = tpu.vector_load %arg11[%swap3A_517, %swap3A_518] {strides = array<i32>} : memref<1024x16xf32, #tpu.memory_space<vmem>>, vector<16xf32>,
              tpu.vector_store %arg11[%swap3A_517, %swap3A_518], %mul3A_514 {strides = array<i32>} : memref<1024x16xf32, #tpu.memory_space<vmem>>, vector<16xf32>,
              %broadcast_in_dim3A_520 = arith.constant 8 : i32
              %broadcast_in_dim3A_521 = vector.broadcast %broadcast_in_dim3A_520 : i32 to vector<16x1xi32>
              %gather3A_522 = vector.shape_cast %broadcast_in_dim3A_521 : vector<16x1xi32> to vector<16xi32>
              %gather3A_523 = tpu.dynamic_gather %get3A_397[%gather3A_522] in [0] : vector<16xf32>, vector<16xi32> -> vector<16xf32>
              %add3A_524 = arith.constant 8 : i32
              %add3A_525 = arith.addi %mul3A_399, %add3A_524 : i32
              %get3A_526 = arith.index_cast %add3A_525 : i32 to index
              %get3A_527 = arith.constant 0 : index
              %get3A_528 = tpu.vector_load %arg11[%get3A_526, %get3A_527] {strides = array<i32>} : memref<1024x16xf32, #tpu.memory_space<vmem>>, vector<16xf32>,
              %mul3A_529 = arith.mulf %get3A_528, %gather3A_523 : vector<16xf32>
              %add3A_530 = arith.constant 8 : i32
              %add3A_531 = arith.addi %mul3A_399, %add3A_530 : i32
              %swap3A_532 = arith.index_cast %add3A_531 : i32 to index
              %swap3A_533 = arith.constant 0 : index
              %swap3A_534 = tpu.vector_load %arg11[%swap3A_532, %swap3A_533] {strides = array<i32>} : memref<1024x16xf32, #tpu.memory_space<vmem>>, vector<16xf32>,
              tpu.vector_store %arg11[%swap3A_532, %swap3A_533], %mul3A_529 {strides = array<i32>} : memref<1024x16xf32, #tpu.memory_space<vmem>>, vector<16xf32>,
              %broadcast_in_dim3A_535 = arith.constant 9 : i32
              %broadcast_in_dim3A_536 = vector.broadcast %broadcast_in_dim3A_535 : i32 to vector<16x1xi32>
              %gather3A_537 = vector.shape_cast %broadcast_in_dim3A_536 : vector<16x1xi32> to vector<16xi32>
              %gather3A_538 = tpu.dynamic_gather %get3A_397[%gather3A_537] in [0] : vector<16xf32>, vector<16xi32> -> vector<16xf32>
              %add3A_539 = arith.constant 9 : i32
              %add3A_540 = arith.addi %mul3A_399, %add3A_539 : i32
              %get3A_541 = arith.index_cast %add3A_540 : i32 to index
              %get3A_542 = arith.constant 0 : index
              %get3A_543 = tpu.vector_load %arg11[%get3A_541, %get3A_542] {strides = array<i32>} : memref<1024x16xf32, #tpu.memory_space<vmem>>, vector<16xf32>,
              %mul3A_544 = arith.mulf %get3A_543, %gather3A_538 : vector<16xf32>
              %add3A_545 = arith.constant 9 : i32
              %add3A_546 = arith.addi %mul3A_399, %add3A_545 : i32
              %swap3A_547 = arith.index_cast %add3A_546 : i32 to index
              %swap3A_548 = arith.constant 0 : index
              %swap3A_549 = tpu.vector_load %arg11[%swap3A_547, %swap3A_548] {strides = array<i32>} : memref<1024x16xf32, #tpu.memory_space<vmem>>, vector<16xf32>,
              tpu.vector_store %arg11[%swap3A_547, %swap3A_548], %mul3A_544 {strides = array<i32>} : memref<1024x16xf32, #tpu.memory_space<vmem>>, vector<16xf32>,
              %broadcast_in_dim3A_550 = arith.constant 10 : i32
              %broadcast_in_dim3A_551 = vector.broadcast %broadcast_in_dim3A_550 : i32 to vector<16x1xi32>
              %gather3A_552 = vector.shape_cast %broadcast_in_dim3A_551 : vector<16x1xi32> to vector<16xi32>
              %gather3A_553 = tpu.dynamic_gather %get3A_397[%gather3A_552] in [0] : vector<16xf32>, vector<16xi32> -> vector<16xf32>
              %add3A_554 = arith.constant 10 : i32
              %add3A_555 = arith.addi %mul3A_399, %add3A_554 : i32
              %get3A_556 = arith.index_cast %add3A_555 : i32 to index
              %get3A_557 = arith.constant 0 : index
              %get3A_558 = tpu.vector_load %arg11[%get3A_556, %get3A_557] {strides = array<i32>} : memref<1024x16xf32, #tpu.memory_space<vmem>>, vector<16xf32>,
              %mul3A_559 = arith.mulf %get3A_558, %gather3A_553 : vector<16xf32>
              %add3A_560 = arith.constant 10 : i32
              %add3A_561 = arith.addi %mul3A_399, %add3A_560 : i32
              %swap3A_562 = arith.index_cast %add3A_561 : i32 to index
              %swap3A_563 = arith.constant 0 : index
              %swap3A_564 = tpu.vector_load %arg11[%swap3A_562, %swap3A_563] {strides = array<i32>} : memref<1024x16xf32, #tpu.memory_space<vmem>>, vector<16xf32>,
              tpu.vector_store %arg11[%swap3A_562, %swap3A_563], %mul3A_559 {strides = array<i32>} : memref<1024x16xf32, #tpu.memory_space<vmem>>, vector<16xf32>,
              %broadcast_in_dim3A_565 = arith.constant 11 : i32
              %broadcast_in_dim3A_566 = vector.broadcast %broadcast_in_dim3A_565 : i32 to vector<16x1xi32>
              %gather3A_567 = vector.shape_cast %broadcast_in_dim3A_566 : vector<16x1xi32> to vector<16xi32>
              %gather3A_568 = tpu.dynamic_gather %get3A_397[%gather3A_567] in [0] : vector<16xf32>, vector<16xi32> -> vector<16xf32>
              %add3A_569 = arith.constant 11 : i32
              %add3A_570 = arith.addi %mul3A_399, %add3A_569 : i32
              %get3A_571 = arith.index_cast %add3A_570 : i32 to index
              %get3A_572 = arith.constant 0 : index
              %get3A_573 = tpu.vector_load %arg11[%get3A_571, %get3A_572] {strides = array<i32>} : memref<1024x16xf32, #tpu.memory_space<vmem>>, vector<16xf32>,
              %mul3A_574 = arith.mulf %get3A_573, %gather3A_568 : vector<16xf32>
              %add3A_575 = arith.constant 11 : i32
              %add3A_576 = arith.addi %mul3A_399, %add3A_575 : i32
              %swap3A_577 = arith.index_cast %add3A_576 : i32 to index
              %swap3A_578 = arith.constant 0 : index
              %swap3A_579 = tpu.vector_load %arg11[%swap3A_577, %swap3A_578] {strides = array<i32>} : memref<1024x16xf32, #tpu.memory_space<vmem>>, vector<16xf32>,
              tpu.vector_store %arg11[%swap3A_577, %swap3A_578], %mul3A_574 {strides = array<i32>} : memref<1024x16xf32, #tpu.memory_space<vmem>>, vector<16xf32>,
              %broadcast_in_dim3A_580 = arith.constant 12 : i32
              %broadcast_in_dim3A_581 = vector.broadcast %broadcast_in_dim3A_580 : i32 to vector<16x1xi32>
              %gather3A_582 = vector.shape_cast %broadcast_in_dim3A_581 : vector<16x1xi32> to vector<16xi32>
              %gather3A_583 = tpu.dynamic_gather %get3A_397[%gather3A_582] in [0] : vector<16xf32>, vector<16xi32> -> vector<16xf32>
              %add3A_584 = arith.constant 12 : i32
              %add3A_585 = arith.addi %mul3A_399, %add3A_584 : i32
              %get3A_586 = arith.index_cast %add3A_585 : i32 to index
              %get3A_587 = arith.constant 0 : index
              %get3A_588 = tpu.vector_load %arg11[%get3A_586, %get3A_587] {strides = array<i32>} : memref<1024x16xf32, #tpu.memory_space<vmem>>, vector<16xf32>,
              %mul3A_589 = arith.mulf %get3A_588, %gather3A_583 : vector<16xf32>
              %add3A_590 = arith.constant 12 : i32
              %add3A_591 = arith.addi %mul3A_399, %add3A_590 : i32
              %swap3A_592 = arith.index_cast %add3A_591 : i32 to index
              %swap3A_593 = arith.constant 0 : index
              %swap3A_594 = tpu.vector_load %arg11[%swap3A_592, %swap3A_593] {strides = array<i32>} : memref<1024x16xf32, #tpu.memory_space<vmem>>, vector<16xf32>,
              tpu.vector_store %arg11[%swap3A_592, %swap3A_593], %mul3A_589 {strides = array<i32>} : memref<1024x16xf32, #tpu.memory_space<vmem>>, vector<16xf32>,
              %broadcast_in_dim3A_595 = arith.constant 13 : i32
              %broadcast_in_dim3A_596 = vector.broadcast %broadcast_in_dim3A_595 : i32 to vector<16x1xi32>
              %gather3A_597 = vector.shape_cast %broadcast_in_dim3A_596 : vector<16x1xi32> to vector<16xi32>
              %gather3A_598 = tpu.dynamic_gather %get3A_397[%gather3A_597] in [0] : vector<16xf32>, vector<16xi32> -> vector<16xf32>
              %add3A_599 = arith.constant 13 : i32
              %add3A_600 = arith.addi %mul3A_399, %add3A_599 : i32
              %get3A_601 = arith.index_cast %add3A_600 : i32 to index
              %get3A_602 = arith.constant 0 : index
              %get3A_603 = tpu.vector_load %arg11[%get3A_601, %get3A_602] {strides = array<i32>} : memref<1024x16xf32, #tpu.memory_space<vmem>>, vector<16xf32>,
              %mul3A_604 = arith.mulf %get3A_603, %gather3A_598 : vector<16xf32>
              %add3A_605 = arith.constant 13 : i32
              %add3A_606 = arith.addi %mul3A_399, %add3A_605 : i32
              %swap3A_607 = arith.index_cast %add3A_606 : i32 to index
              %swap3A_608 = arith.constant 0 : index
              %swap3A_609 = tpu.vector_load %arg11[%swap3A_607, %swap3A_608] {strides = array<i32>} : memref<1024x16xf32, #tpu.memory_space<vmem>>, vector<16xf32>,
              tpu.vector_store %arg11[%swap3A_607, %swap3A_608], %mul3A_604 {strides = array<i32>} : memref<1024x16xf32, #tpu.memory_space<vmem>>, vector<16xf32>,
              %broadcast_in_dim3A_610 = arith.constant 14 : i32
              %broadcast_in_dim3A_611 = vector.broadcast %broadcast_in_dim3A_610 : i32 to vector<16x1xi32>
              %gather3A_612 = vector.shape_cast %broadcast_in_dim3A_611 : vector<16x1xi32> to vector<16xi32>
              %gather3A_613 = tpu.dynamic_gather %get3A_397[%gather3A_612] in [0] : vector<16xf32>, vector<16xi32> -> vector<16xf32>
              %add3A_614 = arith.constant 14 : i32
              %add3A_615 = arith.addi %mul3A_399, %add3A_614 : i32
              %get3A_616 = arith.index_cast %add3A_615 : i32 to index
              %get3A_617 = arith.constant 0 : index
              %get3A_618 = tpu.vector_load %arg11[%get3A_616, %get3A_617] {strides = array<i32>} : memref<1024x16xf32, #tpu.memory_space<vmem>>, vector<16xf32>,
              %mul3A_619 = arith.mulf %get3A_618, %gather3A_613 : vector<16xf32>
              %add3A_620 = arith.constant 14 : i32
              %add3A_621 = arith.addi %mul3A_399, %add3A_620 : i32
              %swap3A_622 = arith.index_cast %add3A_621 : i32 to index
              %swap3A_623 = arith.constant 0 : index
              %swap3A_624 = tpu.vector_load %arg11[%swap3A_622, %swap3A_623] {strides = array<i32>} : memref<1024x16xf32, #tpu.memory_space<vmem>>, vector<16xf32>,
              tpu.vector_store %arg11[%swap3A_622, %swap3A_623], %mul3A_619 {strides = array<i32>} : memref<1024x16xf32, #tpu.memory_space<vmem>>, vector<16xf32>,
              %broadcast_in_dim3A_625 = arith.constant 15 : i32
              %broadcast_in_dim3A_626 = vector.broadcast %broadcast_in_dim3A_625 : i32 to vector<16x1xi32>
              %gather3A_627 = vector.shape_cast %broadcast_in_dim3A_626 : vector<16x1xi32> to vector<16xi32>
              %gather3A_628 = tpu.dynamic_gather %get3A_397[%gather3A_627] in [0] : vector<16xf32>, vector<16xi32> -> vector<16xf32>
              %add3A_629 = arith.constant 15 : i32
              %add3A_630 = arith.addi %mul3A_399, %add3A_629 : i32
              %get3A_631 = arith.index_cast %add3A_630 : i32 to index
              %get3A_632 = arith.constant 0 : index
              %get3A_633 = tpu.vector_load %arg11[%get3A_631, %get3A_632] {strides = array<i32>} : memref<1024x16xf32, #tpu.memory_space<vmem>>, vector<16xf32>,
              %mul3A_634 = arith.mulf %get3A_633, %gather3A_628 : vector<16xf32>
              %add3A_635 = arith.constant 15 : i32
              %add3A_636 = arith.addi %mul3A_399, %add3A_635 : i32
              %swap3A_637 = arith.index_cast %add3A_636 : i32 to index
              %swap3A_638 = arith.constant 0 : index
              %swap3A_639 = tpu.vector_load %arg11[%swap3A_637, %swap3A_638] {strides = array<i32>} : memref<1024x16xf32, #tpu.memory_space<vmem>>, vector<16xf32>,
              tpu.vector_store %arg11[%swap3A_637, %swap3A_638], %mul3A_634 {strides = array<i32>} : memref<1024x16xf32, #tpu.memory_space<vmem>>, vector<16xf32>,
              %scan3A_640 = arith.constant 0 : i32
              scf.yield %scan3A_640 : i32
            }
            %scan3A_133 = arith.constant 64 : i32
            %mul3A_134 = arith.constant 1024 : i32
            %mul3A_135 = arith.muli %scan3A_80, %mul3A_134 : i32
            %dma_start3A_136 = tpu.memref_slice %arg8[%mul3A_135] : memref<7168xi32, #tpu.memory_space<vmem>> -> memref<1024xi32, #tpu.memory_space<vmem>>
            %dma_start3A_137 = arith.constant 0 : i32
            %dma_start3A_138 = arith.constant 0 : i32
            %dma_start3A_139 = tpu.memref_slice %arg13[%dma_start3A_137, %dma_start3A_138] : memref<50176x16xf32, #tpu.memory_space<vmem_shared>> -> memref<50176x16xf32, #tpu.memory_space<vmem_shared>>
            tpu.enqueue_indirect_dma source(%arg11 : memref<1024x16xf32, #tpu.memory_space<vmem>>) target(%dma_start3A_139 : memref<50176x16xf32, #tpu.memory_space<vmem_shared>>) offsets(%dma_start3A_136 : memref<1024xi32, #tpu.memory_space<vmem>>) semaphore(%arg17 : memref<!tpu.dma_semaphore, #tpu.memory_space<semaphore_mem>>) {add = true}
          } else {
          }
          %scan3A_115 = arith.constant 0 : i32
          scf.yield %scan3A_115 : i32
        }
        %scan3A_69 = arith.constant 7 : i32
        %dma_wait3A = arith.constant 5120 : i32
        %dma_wait3A_70 = tpu.memref_slice %arg8[%dma_wait3A] : memref<7168xi32, #tpu.memory_space<vmem>> -> memref<1024xi32, #tpu.memory_space<vmem>>
        %dma_wait3A_71 = arith.constant 0 : i32
        %dma_wait3A_72 = arith.constant 0 : i32
        %dma_wait3A_73 = tpu.memref_slice %arg13[%dma_wait3A_71, %dma_wait3A_72] : memref<50176x16xf32, #tpu.memory_space<vmem_shared>> -> memref<50176x16xf32, #tpu.memory_space<vmem_shared>>
        tpu.wait_indirect_dma semaphore(%arg17 : memref<!tpu.dma_semaphore, #tpu.memory_space<semaphore_mem>>) src(%arg11 : memref<1024x16xf32, #tpu.memory_space<vmem>>) dst(%dma_wait3A_73 : memref<50176x16xf32, #tpu.memory_space<vmem_shared>>)
        %dma_wait3A_74 = arith.constant 6144 : i32
        %dma_wait3A_75 = tpu.memref_slice %arg8[%dma_wait3A_74] : memref<7168xi32, #tpu.memory_space<vmem>> -> memref<1024xi32, #tpu.memory_space<vmem>>
        %dma_wait3A_76 = arith.constant 0 : i32
        %dma_wait3A_77 = arith.constant 0 : i32
        %dma_wait3A_78 = tpu.memref_slice %arg13[%dma_wait3A_76, %dma_wait3A_77] : memref<50176x16xf32, #tpu.memory_space<vmem_shared>> -> memref<50176x16xf32, #tpu.memory_space<vmem_shared>>
        tpu.wait_indirect_dma semaphore(%arg16 : memref<!tpu.dma_semaphore, #tpu.memory_space<semaphore_mem>>) src(%arg10 : memref<1024x16xf32, #tpu.memory_space<vmem>>) dst(%dma_wait3A_78 : memref<50176x16xf32, #tpu.memory_space<vmem_shared>>)
        %scan3A_79 = arith.constant 0 : i32
        scf.yield %scan3A_79 : i32
      }
      %scan3A_33 = arith.constant 7 : i32
      %barrier3A_34 = arith.constant 0 : index
      tpu.barrier barrier_id(%barrier3A_34)
      %scan3A_35 = arith.constant 0 : i32
      %scan3A_36 = arith.constant 0 : i32
      %scan3A_37 = arith.constant 8 : i32
      %scan3A_38 = arith.addi %scan3A_36, %scan3A_37 : i32
      %scan3A_39 = arith.constant 1 : i32
      %scan3A_40 = scf.for %scan3A_43 = %scan3A_36 to %scan3A_38 step %scan3A_39 iter_args(%scan3A_44 = %scan3A_35) -> (i32)  : i32 {
        %mul3A_45 = arith.constant 3136 : i32
        %mul3A_46 = arith.muli %arg1, %mul3A_45 : i32
        %mul3A_47 = arith.constant 392 : i32
        %mul3A_48 = arith.muli %scan3A_43, %mul3A_47 : i32
        %add3A_49 = arith.addi %mul3A_46, %mul3A_48 : i32
        "tpu.region"() ({
          %run_scoped3A = tpu.sem_alloc : memref<!tpu.dma_semaphore, #tpu.memory_space<semaphore_mem>>
          %dma_start3A = arith.constant 0 : i32
          %dma_start3A_51 = tpu.memref_slice %arg13[%add3A_49, %dma_start3A] : memref<50176x16xf32, #tpu.memory_space<vmem_shared>> -> memref<392x16xf32, #tpu.memory_space<vmem_shared>>
          %dma_start3A_52 = arith.constant 0 : i32
          %dma_start3A_53 = tpu.memref_slice %arg13[%add3A_49, %dma_start3A_52] : memref<50176x16xf32, #tpu.memory_space<vmem_shared>> -> memref<392x16xf32, #tpu.memory_space<vmem_shared>>
          tpu.enqueue_dma source(%dma_start3A_53 : memref<392x16xf32, #tpu.memory_space<vmem_shared>>) target(%arg12 : memref<392x16xf32, #tpu.memory_space<vmem>>) target_semaphore(%run_scoped3A : memref<!tpu.dma_semaphore, #tpu.memory_space<semaphore_mem>>)
          %dma_wait3A = arith.constant 0 : i32
          %dma_wait3A_54 = tpu.memref_slice %arg13[%add3A_49, %dma_wait3A] : memref<50176x16xf32, #tpu.memory_space<vmem_shared>> -> memref<392x16xf32, #tpu.memory_space<vmem_shared>>
          %dma_wait3A_55 = arith.constant 0 : i32
          %dma_wait3A_56 = tpu.memref_slice %arg13[%add3A_49, %dma_wait3A_55] : memref<50176x16xf32, #tpu.memory_space<vmem_shared>> -> memref<392x16xf32, #tpu.memory_space<vmem_shared>>
          tpu.wait_dma2 semaphore(%run_scoped3A : memref<!tpu.dma_semaphore, #tpu.memory_space<semaphore_mem>>) src(%dma_wait3A_56 : memref<392x16xf32, #tpu.memory_space<vmem_shared>>) dst(%arg12 : memref<392x16xf32, #tpu.memory_space<vmem>>)
          tpu.yield
        }) : () -> ()
        "tpu.region"() ({
          %run_scoped3A = tpu.sem_alloc : memref<!tpu.dma_semaphore, #tpu.memory_space<semaphore_mem>>
          %dma_start3A = arith.constant 0 : i32
          %dma_start3A_51 = tpu.memref_slice %arg6[%add3A, %add3A_49, %dma_start3A] : memref<4x50176x16xf32, #tpu.memory_space<hbm>> -> memref<1x392x16xf32, #tpu.memory_space<hbm>>
          %dma_start3A_52 = tpu.memref_squeeze %dma_start3A_51 : memref<1x392x16xf32, #tpu.memory_space<hbm>> -> memref<392x16xf32, #tpu.memory_space<hbm>>
          %dma_start3A_53 = arith.constant 0 : i32
          %dma_start3A_54 = tpu.memref_slice %arg6[%add3A, %add3A_49, %dma_start3A_53] : memref<4x50176x16xf32, #tpu.memory_space<hbm>> -> memref<1x392x16xf32, #tpu.memory_space<hbm>>
          %dma_start3A_55 = tpu.memref_squeeze %dma_start3A_54 : memref<1x392x16xf32, #tpu.memory_space<hbm>> -> memref<392x16xf32, #tpu.memory_space<hbm>>
          tpu.enqueue_dma source(%arg12 : memref<392x16xf32, #tpu.memory_space<vmem>>) target(%dma_start3A_55 : memref<392x16xf32, #tpu.memory_space<hbm>>) target_semaphore(%run_scoped3A : memref<!tpu.dma_semaphore, #tpu.memory_space<semaphore_mem>>)
          %dma_wait3A = arith.constant 0 : i32
          %dma_wait3A_56 = tpu.memref_slice %arg6[%add3A, %add3A_49, %dma_wait3A] : memref<4x50176x16xf32, #tpu.memory_space<hbm>> -> memref<1x392x16xf32, #tpu.memory_space<hbm>>
          %dma_wait3A_57 = tpu.memref_squeeze %dma_wait3A_56 : memref<1x392x16xf32, #tpu.memory_space<hbm>> -> memref<392x16xf32, #tpu.memory_space<hbm>>
          %dma_wait3A_58 = arith.constant 0 : i32
          %dma_wait3A_59 = tpu.memref_slice %arg6[%add3A, %add3A_49, %dma_wait3A_58] : memref<4x50176x16xf32, #tpu.memory_space<hbm>> -> memref<1x392x16xf32, #tpu.memory_space<hbm>>
          %dma_wait3A_60 = tpu.memref_squeeze %dma_wait3A_59 : memref<1x392x16xf32, #tpu.memory_space<hbm>> -> memref<392x16xf32, #tpu.memory_space<hbm>>
          tpu.wait_dma2 semaphore(%run_scoped3A : memref<!tpu.dma_semaphore, #tpu.memory_space<semaphore_mem>>) src(%arg12 : memref<392x16xf32, #tpu.memory_space<vmem>>) dst(%dma_wait3A_60 : memref<392x16xf32, #tpu.memory_space<hbm>>)
          tpu.yield
        }) : () -> ()
        %scan3A_50 = arith.constant 0 : i32
        scf.yield %scan3A_50 : i32
      }
      %scan3A_41 = arith.constant 8 : i32
      %scan3A_42 = arith.constant 0 : i32
      scf.yield %scan3A_42 : i32
    }
    %scan3A_6 = arith.constant 2 : i32
    return
  }
}

#map = affine_map<(d0, d1) -> (0, 0)>
#map1 = affine_map<(d0, d1) -> (0)>
#map2 = affine_map<(d0, d1) -> (0, 0, 0)>
module attributes {stable_mosaic.version = 14 : i64} {
  func.func @_conv_sc(%arg0: i32, %arg1: i32, %arg2: memref<200000x16xf32, #tpu.memory_space<hbm>>, %arg3: memref<802816xi32, #tpu.memory_space<hbm>>, %arg4: memref<802816xi32, #tpu.memory_space<hbm>>, %arg5: memref<802816xf32, #tpu.memory_space<hbm>>, %arg6: memref<4x50176x16xf32, #tpu.memory_space<hbm>>, %arg7: memref<7168xi32, #tpu.memory_space<vmem>>, %arg8: memref<7168xi32, #tpu.memory_space<vmem>>, %arg9: memref<7168xf32, #tpu.memory_space<vmem>>, %arg10: memref<1024x16xf32, #tpu.memory_space<vmem>>, %arg11: memref<1024x16xf32, #tpu.memory_space<vmem>>, %arg12: memref<392x16xf32, #tpu.memory_space<vmem>>, %arg13: memref<50176x16xf32, #tpu.memory_space<vmem_shared>>, %arg14: memref<!tpu.dma_semaphore, #tpu.memory_space<semaphore_mem>>, %arg15: memref<!tpu.dma_semaphore, #tpu.memory_space<semaphore_mem>>, %arg16: memref<!tpu.dma_semaphore, #tpu.memory_space<semaphore_mem>>, %arg17: memref<!tpu.dma_semaphore, #tpu.memory_space<semaphore_mem>>) attributes {dimension_semantics = [#tpu.dimension_semantics<core_parallel>, #tpu.dimension_semantics<subcore_parallel>], iteration_bounds = array<i64: 2, 16>, scalar_prefetch = 0 : i64, scratch_operands = 11 : i64, tpu.core_type = #tpu.core_type<sc_vector_subcore>, window_params = [{transform_indices = #map}, {transform_indices = #map1}, {transform_indices = #map1}, {transform_indices = #map1}, {transform_indices = #map2}]} {
    %broadcast_in_dim3A = arith.constant 0.000000e+00 : f32
    %broadcast_in_dim3A_0 = vector.broadcast %broadcast_in_dim3A : f32 to vector<16xf32>
    %scan3A = arith.constant 0 : i32
    %scan3A_1 = arith.constant 0 : i32
    %scan3A_2 = arith.constant 2 : i32
    %scan3A_3 = arith.addi %scan3A_1, %scan3A_2 : i32
    %scan3A_4 = arith.constant 1 : i32
    %scan3A_5 = scf.for %scan3A_7 = %scan3A_1 to %scan3A_3 step %scan3A_4 iter_args(%scan3A_8 = %scan3A) -> (i32)  : i32 {
      %mul3A = arith.constant 2 : i32
      %mul3A_9 = arith.muli %arg0, %mul3A : i32
      %add3A = arith.addi %mul3A_9, %scan3A_7 : i32
      %scan3A_10 = arith.constant 0 : i32
      %scan3A_11 = arith.constant 0 : i32
      %scan3A_12 = arith.constant 392 : i32
      %scan3A_13 = arith.addi %scan3A_11, %scan3A_12 : i32
      %scan3A_14 = arith.constant 1 : i32
      %scan3A_15 = scf.for %scan3A_43 = %scan3A_11 to %scan3A_13 step %scan3A_14 iter_args(%scan3A_44 = %scan3A_10) -> (i32)  : i32 {
        %swap3A = arith.index_cast %scan3A_43 : i32 to index
        %swap3A_45 = arith.constant 0 : index
        %swap3A_46 = tpu.vector_load %arg12[%swap3A, %swap3A_45] {strides = array<i32>} : memref<392x16xf32, #tpu.memory_space<vmem>>, vector<16xf32>,
        tpu.vector_store %arg12[%swap3A, %swap3A_45], %broadcast_in_dim3A_0 {strides = array<i32>} : memref<392x16xf32, #tpu.memory_space<vmem>>, vector<16xf32>,
        %scan3A_47 = arith.constant 0 : i32
        scf.yield %scan3A_47 : i32
      }
      %scan3A_16 = arith.constant 392 : i32
      %scan3A_17 = arith.constant 0 : i32
      %scan3A_18 = arith.constant 0 : i32
      %scan3A_19 = arith.constant 8 : i32
      %scan3A_20 = arith.addi %scan3A_18, %scan3A_19 : i32
      %scan3A_21 = arith.constant 1 : i32
      %scan3A_22 = scf.for %scan3A_43 = %scan3A_18 to %scan3A_20 step %scan3A_21 iter_args(%scan3A_44 = %scan3A_17) -> (i32)  : i32 {
        %mul3A_45 = arith.constant 3136 : i32
        %mul3A_46 = arith.muli %arg1, %mul3A_45 : i32
        %mul3A_47 = arith.constant 392 : i32
        %mul3A_48 = arith.muli %scan3A_43, %mul3A_47 : i32
        %add3A_49 = arith.addi %mul3A_46, %mul3A_48 : i32
        "tpu.region"() ({
          %run_scoped3A = tpu.sem_alloc : memref<!tpu.dma_semaphore, #tpu.memory_space<semaphore_mem>>
          %dma_start3A = arith.constant 0 : i32
          %dma_start3A_51 = tpu.memref_slice %arg13[%add3A_49, %dma_start3A] : memref<50176x16xf32, #tpu.memory_space<vmem_shared>> -> memref<392x16xf32, #tpu.memory_space<vmem_shared>>
          %dma_start3A_52 = arith.constant 0 : i32
          %dma_start3A_53 = tpu.memref_slice %arg13[%add3A_49, %dma_start3A_52] : memref<50176x16xf32, #tpu.memory_space<vmem_shared>> -> memref<392x16xf32, #tpu.memory_space<vmem_shared>>
          tpu.enqueue_dma source(%arg12 : memref<392x16xf32, #tpu.memory_space<vmem>>) target(%dma_start3A_53 : memref<392x16xf32, #tpu.memory_space<vmem_shared>>) target_semaphore(%run_scoped3A : memref<!tpu.dma_semaphore, #tpu.memory_space<semaphore_mem>>)
          %dma_wait3A = arith.constant 0 : i32
          %dma_wait3A_54 = tpu.memref_slice %arg13[%add3A_49, %dma_wait3A] : memref<50176x16xf32, #tpu.memory_space<vmem_shared>> -> memref<392x16xf32, #tpu.memory_space<vmem_shared>>
          %dma_wait3A_55 = arith.constant 0 : i32
          %dma_wait3A_56 = tpu.memref_slice %arg13[%add3A_49, %dma_wait3A_55] : memref<50176x16xf32, #tpu.memory_space<vmem_shared>> -> memref<392x16xf32, #tpu.memory_space<vmem_shared>>
          tpu.wait_dma2 semaphore(%run_scoped3A : memref<!tpu.dma_semaphore, #tpu.memory_space<semaphore_mem>>) src(%arg12 : memref<392x16xf32, #tpu.memory_space<vmem>>) dst(%dma_wait3A_56 : memref<392x16xf32, #tpu.memory_space<vmem_shared>>)
          tpu.yield
        }) : () -> ()
        %scan3A_50 = arith.constant 0 : i32
        scf.yield %scan3A_50 : i32
      }
      %scan3A_23 = arith.constant 8 : i32
      %barrier3A = arith.constant 0 : index
      tpu.barrier barrier_id(%barrier3A)
      %mul3A_24 = arith.constant 50000 : i32
      %mul3A_25 = arith.muli %add3A, %mul3A_24 : i32
      %broadcast_in_dim3A_26 = vector.broadcast %mul3A_25 : i32 to vector<16xi32>
      %scan3A_27 = arith.constant 0 : i32
      %scan3A_28 = arith.constant 0 : i32
      %scan3A_29 = arith.constant 7 : i32
      %scan3A_30 = arith.addi %scan3A_28, %scan3A_29 : i32
      %scan3A_31 = arith.constant 1 : i32
      %scan3A_32 = scf.for %scan3A_43 = %scan3A_28 to %scan3A_30 step %scan3A_31 iter_args(%scan3A_44 = %scan3A_27) -> (i32)  : i32 {
        %mul3A_45 = arith.constant 392 : i32
        %mul3A_46 = arith.muli %arg1, %mul3A_45 : i32
        %mul3A_47 = arith.constant 56 : i32
        %mul3A_48 = arith.muli %scan3A_43, %mul3A_47 : i32
        %add3A_49 = arith.addi %mul3A_46, %mul3A_48 : i32
        %mul3A_50 = arith.constant 128 : i32
        %mul3A_51 = arith.muli %add3A_49, %mul3A_50 : i32
        "tpu.region"() ({
          %run_scoped3A = tpu.sem_alloc : memref<!tpu.dma_semaphore, #tpu.memory_space<semaphore_mem>>
          %dma_start3A_80 = tpu.memref_slice %arg3[%mul3A_51] : memref<802816xi32, #tpu.memory_space<hbm>> -> memref<7168xi32, #tpu.memory_space<hbm>>
          %dma_start3A_81 = tpu.memref_slice %arg3[%mul3A_51] : memref<802816xi32, #tpu.memory_space<hbm>> -> memref<7168xi32, #tpu.memory_space<hbm>>
          tpu.enqueue_dma source(%dma_start3A_81 : memref<7168xi32, #tpu.memory_space<hbm>>) target(%arg7 : memref<7168xi32, #tpu.memory_space<vmem>>) target_semaphore(%run_scoped3A : memref<!tpu.dma_semaphore, #tpu.memory_space<semaphore_mem>>)
          %dma_wait3A_82 = tpu.memref_slice %arg3[%mul3A_51] : memref<802816xi32, #tpu.memory_space<hbm>> -> memref<7168xi32, #tpu.memory_space<hbm>>
          %dma_wait3A_83 = tpu.memref_slice %arg3[%mul3A_51] : memref<802816xi32, #tpu.memory_space<hbm>> -> memref<7168xi32, #tpu.memory_space<hbm>>
          tpu.wait_dma2 semaphore(%run_scoped3A : memref<!tpu.dma_semaphore, #tpu.memory_space<semaphore_mem>>) src(%dma_wait3A_83 : memref<7168xi32, #tpu.memory_space<hbm>>) dst(%arg7 : memref<7168xi32, #tpu.memory_space<vmem>>)
          tpu.yield
        }) : () -> ()
        "tpu.region"() ({
          %run_scoped3A = tpu.sem_alloc : memref<!tpu.dma_semaphore, #tpu.memory_space<semaphore_mem>>
          %dma_start3A_80 = tpu.memref_slice %arg4[%mul3A_51] : memref<802816xi32, #tpu.memory_space<hbm>> -> memref<7168xi32, #tpu.memory_space<hbm>>
          %dma_start3A_81 = tpu.memref_slice %arg4[%mul3A_51] : memref<802816xi32, #tpu.memory_space<hbm>> -> memref<7168xi32, #tpu.memory_space<hbm>>
          tpu.enqueue_dma source(%dma_start3A_81 : memref<7168xi32, #tpu.memory_space<hbm>>) target(%arg8 : memref<7168xi32, #tpu.memory_space<vmem>>) target_semaphore(%run_scoped3A : memref<!tpu.dma_semaphore, #tpu.memory_space<semaphore_mem>>)
          %dma_wait3A_82 = tpu.memref_slice %arg4[%mul3A_51] : memref<802816xi32, #tpu.memory_space<hbm>> -> memref<7168xi32, #tpu.memory_space<hbm>>
          %dma_wait3A_83 = tpu.memref_slice %arg4[%mul3A_51] : memref<802816xi32, #tpu.memory_space<hbm>> -> memref<7168xi32, #tpu.memory_space<hbm>>
          tpu.wait_dma2 semaphore(%run_scoped3A : memref<!tpu.dma_semaphore, #tpu.memory_space<semaphore_mem>>) src(%dma_wait3A_83 : memref<7168xi32, #tpu.memory_space<hbm>>) dst(%arg8 : memref<7168xi32, #tpu.memory_space<vmem>>)
          tpu.yield
        }) : () -> ()
        "tpu.region"() ({
          %run_scoped3A = tpu.sem_alloc : memref<!tpu.dma_semaphore, #tpu.memory_space<semaphore_mem>>
          %dma_start3A_80 = tpu.memref_slice %arg5[%mul3A_51] : memref<802816xf32, #tpu.memory_space<hbm>> -> memref<7168xf32, #tpu.memory_space<hbm>>
          %dma_start3A_81 = tpu.memref_slice %arg5[%mul3A_51] : memref<802816xf32, #tpu.memory_space<hbm>> -> memref<7168xf32, #tpu.memory_space<hbm>>
          tpu.enqueue_dma source(%dma_start3A_81 : memref<7168xf32, #tpu.memory_space<hbm>>) target(%arg9 : memref<7168xf32, #tpu.memory_space<vmem>>) target_semaphore(%run_scoped3A : memref<!tpu.dma_semaphore, #tpu.memory_space<semaphore_mem>>)
          %dma_wait3A_82 = tpu.memref_slice %arg5[%mul3A_51] : memref<802816xf32, #tpu.memory_space<hbm>> -> memref<7168xf32, #tpu.memory_space<hbm>>
          %dma_wait3A_83 = tpu.memref_slice %arg5[%mul3A_51] : memref<802816xf32, #tpu.memory_space<hbm>> -> memref<7168xf32, #tpu.memory_space<hbm>>
          tpu.wait_dma2 semaphore(%run_scoped3A : memref<!tpu.dma_semaphore, #tpu.memory_space<semaphore_mem>>) src(%dma_wait3A_83 : memref<7168xf32, #tpu.memory_space<hbm>>) dst(%arg9 : memref<7168xf32, #tpu.memory_space<vmem>>)
          tpu.yield
        }) : () -> ()
        %scan3A_52 = arith.constant 0 : i32
        %scan3A_53 = arith.constant 0 : i32
        %scan3A_54 = arith.constant 448 : i32
        %scan3A_55 = arith.addi %scan3A_53, %scan3A_54 : i32
        %scan3A_56 = arith.constant 8 : i32
        %scan3A_57 = scf.for %scan3A_80 = %scan3A_53 to %scan3A_55 step %scan3A_56 iter_args(%scan3A_81 = %scan3A_52) -> (i32)  : i32 {
          %mul3A_82 = arith.constant 16 : i32
          %mul3A_83 = arith.muli %scan3A_80, %mul3A_82 : i32
          %get3A = arith.index_cast %mul3A_83 : i32 to index
          %get3A_84 = tpu.vector_load %arg7[%get3A] {strides = array<i32>} : memref<7168xi32, #tpu.memory_space<vmem>>, vector<16xi32>,
          %add3A_85 = arith.addi %get3A_84, %broadcast_in_dim3A_26 : vector<16xi32>
          %swap3A = arith.index_cast %mul3A_83 : i32 to index
          %swap3A_86 = tpu.vector_load %arg7[%swap3A] {strides = array<i32>} : memref<7168xi32, #tpu.memory_space<vmem>>, vector<16xi32>,
          tpu.vector_store %arg7[%swap3A], %add3A_85 {strides = array<i32>} : memref<7168xi32, #tpu.memory_space<vmem>>, vector<16xi32>,
          %scan3A_87 = arith.constant 0 : i32
          %scan3A_88 = arith.constant 1 : i32
          %scan3A_89 = arith.addi %scan3A_80, %scan3A_88 : i32
          %mul3A_90 = arith.constant 16 : i32
          %mul3A_91 = arith.muli %scan3A_89, %mul3A_90 : i32
          %get3A_92 = arith.index_cast %mul3A_91 : i32 to index
          %get3A_93 = tpu.vector_load %arg7[%get3A_92] {strides = array<i32>} : memref<7168xi32, #tpu.memory_space<vmem>>, vector<16xi32>,
          %add3A_94 = arith.addi %get3A_93, %broadcast_in_dim3A_26 : vector<16xi32>
          %swap3A_95 = arith.index_cast %mul3A_91 : i32 to index
          %swap3A_96 = tpu.vector_load %arg7[%swap3A_95] {strides = array<i32>} : memref<7168xi32, #tpu.memory_space<vmem>>, vector<16xi32>,
          tpu.vector_store %arg7[%swap3A_95], %add3A_94 {strides = array<i32>} : memref<7168xi32, #tpu.memory_space<vmem>>, vector<16xi32>,
          %scan3A_97 = arith.constant 0 : i32
          %scan3A_98 = arith.constant 2 : i32
          %scan3A_99 = arith.addi %scan3A_80, %scan3A_98 : i32
          %mul3A_100 = arith.constant 16 : i32
          %mul3A_101 = arith.muli %scan3A_99, %mul3A_100 : i32
          %get3A_102 = arith.index_cast %mul3A_101 : i32 to index
          %get3A_103 = tpu.vector_load %arg7[%get3A_102] {strides = array<i32>} : memref<7168xi32, #tpu.memory_space<vmem>>, vector<16xi32>,
          %add3A_104 = arith.addi %get3A_103, %broadcast_in_dim3A_26 : vector<16xi32>
          %swap3A_105 = arith.index_cast %mul3A_101 : i32 to index
          %swap3A_106 = tpu.vector_load %arg7[%swap3A_105] {strides = array<i32>} : memref<7168xi32, #tpu.memory_space<vmem>>, vector<16xi32>,
          tpu.vector_store %arg7[%swap3A_105], %add3A_104 {strides = array<i32>} : memref<7168xi32, #tpu.memory_space<vmem>>, vector<16xi32>,
          %scan3A_107 = arith.constant 0 : i32
          %scan3A_108 = arith.constant 3 : i32
          %scan3A_109 = arith.addi %scan3A_80, %scan3A_108 : i32
          %mul3A_110 = arith.constant 16 : i32
          %mul3A_111 = arith.muli %scan3A_109, %mul3A_110 : i32
          %get3A_112 = arith.index_cast %mul3A_111 : i32 to index
          %get3A_113 = tpu.vector_load %arg7[%get3A_112] {strides = array<i32>} : memref<7168xi32, #tpu.memory_space<vmem>>, vector<16xi32>,
          %add3A_114 = arith.addi %get3A_113, %broadcast_in_dim3A_26 : vector<16xi32>
          %swap3A_115 = arith.index_cast %mul3A_111 : i32 to index
          %swap3A_116 = tpu.vector_load %arg7[%swap3A_115] {strides = array<i32>} : memref<7168xi32, #tpu.memory_space<vmem>>, vector<16xi32>,
          tpu.vector_store %arg7[%swap3A_115], %add3A_114 {strides = array<i32>} : memref<7168xi32, #tpu.memory_space<vmem>>, vector<16xi32>,
          %scan3A_117 = arith.constant 0 : i32
          %scan3A_118 = arith.constant 4 : i32
          %scan3A_119 = arith.addi %scan3A_80, %scan3A_118 : i32
          %mul3A_120 = arith.constant 16 : i32
          %mul3A_121 = arith.muli %scan3A_119, %mul3A_120 : i32
          %get3A_122 = arith.index_cast %mul3A_121 : i32 to index
          %get3A_123 = tpu.vector_load %arg7[%get3A_122] {strides = array<i32>} : memref<7168xi32, #tpu.memory_space<vmem>>, vector<16xi32>,
          %add3A_124 = arith.addi %get3A_123, %broadcast_in_dim3A_26 : vector<16xi32>
          %swap3A_125 = arith.index_cast %mul3A_121 : i32 to index
          %swap3A_126 = tpu.vector_load %arg7[%swap3A_125] {strides = array<i32>} : memref<7168xi32, #tpu.memory_space<vmem>>, vector<16xi32>,
          tpu.vector_store %arg7[%swap3A_125], %add3A_124 {strides = array<i32>} : memref<7168xi32, #tpu.memory_space<vmem>>, vector<16xi32>,
          %scan3A_127 = arith.constant 0 : i32
          %scan3A_128 = arith.constant 5 : i32
          %scan3A_129 = arith.addi %scan3A_80, %scan3A_128 : i32
          %mul3A_130 = arith.constant 16 : i32
          %mul3A_131 = arith.muli %scan3A_129, %mul3A_130 : i32
          %get3A_132 = arith.index_cast %mul3A_131 : i32 to index
          %get3A_133 = tpu.vector_load %arg7[%get3A_132] {strides = array<i32>} : memref<7168xi32, #tpu.memory_space<vmem>>, vector<16xi32>,
          %add3A_134 = arith.addi %get3A_133, %broadcast_in_dim3A_26 : vector<16xi32>
          %swap3A_135 = arith.index_cast %mul3A_131 : i32 to index
          %swap3A_136 = tpu.vector_load %arg7[%swap3A_135] {strides = array<i32>} : memref<7168xi32, #tpu.memory_space<vmem>>, vector<16xi32>,
          tpu.vector_store %arg7[%swap3A_135], %add3A_134 {strides = array<i32>} : memref<7168xi32, #tpu.memory_space<vmem>>, vector<16xi32>,
          %scan3A_137 = arith.constant 0 : i32
          %scan3A_138 = arith.constant 6 : i32
          %scan3A_139 = arith.addi %scan3A_80, %scan3A_138 : i32
          %mul3A_140 = arith.constant 16 : i32
          %mul3A_141 = arith.muli %scan3A_139, %mul3A_140 : i32
          %get3A_142 = arith.index_cast %mul3A_141 : i32 to index
          %get3A_143 = tpu.vector_load %arg7[%get3A_142] {strides = array<i32>} : memref<7168xi32, #tpu.memory_space<vmem>>, vector<16xi32>,
          %add3A_144 = arith.addi %get3A_143, %broadcast_in_dim3A_26 : vector<16xi32>
          %swap3A_145 = arith.index_cast %mul3A_141 : i32 to index
          %swap3A_146 = tpu.vector_load %arg7[%swap3A_145] {strides = array<i32>} : memref<7168xi32, #tpu.memory_space<vmem>>, vector<16xi32>,
          tpu.vector_store %arg7[%swap3A_145], %add3A_144 {strides = array<i32>} : memref<7168xi32, #tpu.memory_space<vmem>>, vector<16xi32>,
          %scan3A_147 = arith.constant 0 : i32
          %scan3A_148 = arith.constant 7 : i32
          %scan3A_149 = arith.addi %scan3A_80, %scan3A_148 : i32
          %mul3A_150 = arith.constant 16 : i32
          %mul3A_151 = arith.muli %scan3A_149, %mul3A_150 : i32
          %get3A_152 = arith.index_cast %mul3A_151 : i32 to index
          %get3A_153 = tpu.vector_load %arg7[%get3A_152] {strides = array<i32>} : memref<7168xi32, #tpu.memory_space<vmem>>, vector<16xi32>,
          %add3A_154 = arith.addi %get3A_153, %broadcast_in_dim3A_26 : vector<16xi32>
          %swap3A_155 = arith.index_cast %mul3A_151 : i32 to index
          %swap3A_156 = tpu.vector_load %arg7[%swap3A_155] {strides = array<i32>} : memref<7168xi32, #tpu.memory_space<vmem>>, vector<16xi32>,
          tpu.vector_store %arg7[%swap3A_155], %add3A_154 {strides = array<i32>} : memref<7168xi32, #tpu.memory_space<vmem>>, vector<16xi32>,
          %scan3A_157 = arith.constant 0 : i32
          scf.yield %scan3A_157 : i32
        }
        %scan3A_58 = arith.constant 448 : i32
        %dma_start3A = arith.constant 0 : i32
        %dma_start3A_59 = tpu.memref_slice %arg7[%dma_start3A] : memref<7168xi32, #tpu.memory_space<vmem>> -> memref<1024xi32, #tpu.memory_space<vmem>>
        %dma_start3A_60 = arith.constant 0 : i32
        %dma_start3A_61 = arith.constant 0 : i32
        %dma_start3A_62 = tpu.memref_slice %arg2[%dma_start3A_60, %dma_start3A_61] : memref<200000x16xf32, #tpu.memory_space<hbm>> -> memref<200000x16xf32, #tpu.memory_space<hbm>>
        tpu.enqueue_indirect_dma source(%dma_start3A_62 : memref<200000x16xf32, #tpu.memory_space<hbm>>) target(%arg10 : memref<1024x16xf32, #tpu.memory_space<vmem>>) offsets(%dma_start3A_59 : memref<1024xi32, #tpu.memory_space<vmem>>) semaphore(%arg14 : memref<!tpu.dma_semaphore, #tpu.memory_space<semaphore_mem>>)
        %scan3A_63 = arith.constant 0 : i32
        %scan3A_64 = arith.constant 0 : i32
        %scan3A_65 = arith.constant 7 : i32
        %scan3A_66 = arith.addi %scan3A_64, %scan3A_65 : i32
        %scan3A_67 = arith.constant 1 : i32
        %scan3A_68 = scf.for %scan3A_80 = %scan3A_64 to %scan3A_66 step %scan3A_67 iter_args(%scan3A_81 = %scan3A_63) -> (i32)  : i32 {
          %jit3A = arith.constant 2 : i32
          %eq3A = arith.constant 0 : i32
          %eq3A_82 = arith.cmpi eq, %jit3A, %eq3A : i32
          %jit3A_83 = arith.constant 1 : i32
          %select_n3A = arith.select %eq3A_82, %jit3A_83, %jit3A : i32
          %rem3A = arith.remsi %scan3A_80, %select_n3A : i32
          %ne3A = arith.constant 0 : i32
          %ne3A_84 = arith.cmpi ne, %rem3A, %ne3A : i32
          %lt3A = arith.constant 0 : i32
          %lt3A_85 = arith.cmpi slt, %rem3A, %lt3A : i32
          %lt3A_86 = arith.constant 0 : i32
          %lt3A_87 = arith.cmpi slt, %select_n3A, %lt3A_86 : i32
          %ne3A_88 = arith.xori %lt3A_85, %lt3A_87 : i1
          %and3A = arith.andi %ne3A_88, %ne3A_84 : i1
          %add3A_89 = arith.addi %rem3A, %select_n3A : i32
          %select_n3A_90 = arith.select %and3A, %add3A_89, %rem3A : i32
          %eq3A_91 = arith.constant 0 : i32
          %eq3A_92 = arith.cmpi eq, %select_n3A_90, %eq3A_91 : i32
          %convert_element_type3A = arith.extui %eq3A_92 : i1 to i32
          %cond3A = arith.constant 0 : i32
          %cond3A_93 = arith.cmpi ne, %convert_element_type3A, %cond3A : i32
          scf.if %cond3A_93 {
            %mul3A_116 = arith.constant 1024 : i32
            %mul3A_117 = arith.muli %scan3A_80, %mul3A_116 : i32
            %dma_wait3A_118 = tpu.memref_slice %arg7[%mul3A_117] : memref<7168xi32, #tpu.memory_space<vmem>> -> memref<1024xi32, #tpu.memory_space<vmem>>
            %dma_wait3A_119 = arith.constant 0 : i32
            %dma_wait3A_120 = arith.constant 0 : i32
            %dma_wait3A_121 = tpu.memref_slice %arg2[%dma_wait3A_119, %dma_wait3A_120] : memref<200000x16xf32, #tpu.memory_space<hbm>> -> memref<200000x16xf32, #tpu.memory_space<hbm>>
            tpu.wait_indirect_dma semaphore(%arg14 : memref<!tpu.dma_semaphore, #tpu.memory_space<semaphore_mem>>) src(%dma_wait3A_121 : memref<200000x16xf32, #tpu.memory_space<hbm>>) dst(%arg10 : memref<1024x16xf32, #tpu.memory_space<vmem>>)
            %lt3A_122 = arith.constant 6 : i32
            %lt3A_123 = arith.cmpi slt, %scan3A_80, %lt3A_122 : i32
            %convert_element_type3A_124 = arith.extui %lt3A_123 : i1 to i32
            %cond3A_125 = arith.constant 0 : i32
            %cond3A_126 = arith.cmpi ne, %convert_element_type3A_124, %cond3A_125 : i32
            scf.if %cond3A_126 {
              %ge3A = arith.constant 1 : i32
              %ge3A_140 = arith.cmpi sge, %scan3A_80, %ge3A : i32
              %convert_element_type3A_141 = arith.extui %ge3A_140 : i1 to i32
              %cond3A_142 = arith.constant 0 : i32
              %cond3A_143 = arith.cmpi ne, %convert_element_type3A_141, %cond3A_142 : i32
              scf.if %cond3A_143 {
                %sub3A = arith.constant 1 : i32
                %sub3A_152 = arith.subi %scan3A_80, %sub3A : i32
                %mul3A_153 = arith.constant 1024 : i32
                %mul3A_154 = arith.muli %sub3A_152, %mul3A_153 : i32
                %dma_wait3A_155 = tpu.memref_slice %arg8[%mul3A_154] : memref<7168xi32, #tpu.memory_space<vmem>> -> memref<1024xi32, #tpu.memory_space<vmem>>
                %dma_wait3A_156 = arith.constant 0 : i32
                %dma_wait3A_157 = arith.constant 0 : i32
                %dma_wait3A_158 = tpu.memref_slice %arg13[%dma_wait3A_156, %dma_wait3A_157] : memref<50176x16xf32, #tpu.memory_space<vmem_shared>> -> memref<50176x16xf32, #tpu.memory_space<vmem_shared>>
                tpu.wait_indirect_dma semaphore(%arg17 : memref<!tpu.dma_semaphore, #tpu.memory_space<semaphore_mem>>) src(%arg11 : memref<1024x16xf32, #tpu.memory_space<vmem>>) dst(%dma_wait3A_158 : memref<50176x16xf32, #tpu.memory_space<vmem_shared>>)
              } else {
              }
              %add3A_144 = arith.constant 1 : i32
              %add3A_145 = arith.addi %scan3A_80, %add3A_144 : i32
              %mul3A_146 = arith.constant 1024 : i32
              %mul3A_147 = arith.muli %add3A_145, %mul3A_146 : i32
              %dma_start3A_148 = tpu.memref_slice %arg7[%mul3A_147] : memref<7168xi32, #tpu.memory_space<vmem>> -> memref<1024xi32, #tpu.memory_space<vmem>>
              %dma_start3A_149 = arith.constant 0 : i32
              %dma_start3A_150 = arith.constant 0 : i32
              %dma_start3A_151 = tpu.memref_slice %arg2[%dma_start3A_149, %dma_start3A_150] : memref<200000x16xf32, #tpu.memory_space<hbm>> -> memref<200000x16xf32, #tpu.memory_space<hbm>>
              tpu.enqueue_indirect_dma source(%dma_start3A_151 : memref<200000x16xf32, #tpu.memory_space<hbm>>) target(%arg11 : memref<1024x16xf32, #tpu.memory_space<vmem>>) offsets(%dma_start3A_148 : memref<1024xi32, #tpu.memory_space<vmem>>) semaphore(%arg15 : memref<!tpu.dma_semaphore, #tpu.memory_space<semaphore_mem>>)
            } else {
            }
            %scan3A_127 = arith.constant 0 : i32
            %scan3A_128 = arith.constant 0 : i32
            %scan3A_129 = arith.constant 64 : i32
            %scan3A_130 = arith.addi %scan3A_128, %scan3A_129 : i32
            %scan3A_131 = arith.constant 2 : i32
            %scan3A_132 = scf.for %scan3A_140 = %scan3A_128 to %scan3A_130 step %scan3A_131 iter_args(%scan3A_141 = %scan3A_127) -> (i32)  : i32 {
              %mul3A_142 = arith.constant 1024 : i32
              %mul3A_143 = arith.muli %scan3A_80, %mul3A_142 : i32
              %mul3A_144 = arith.constant 16 : i32
              %mul3A_145 = arith.muli %scan3A_140, %mul3A_144 : i32
              %add3A_146 = arith.addi %mul3A_143, %mul3A_145 : i32
              %get3A = arith.index_cast %add3A_146 : i32 to index
              %get3A_147 = tpu.vector_load %arg9[%get3A] {strides = array<i32>} : memref<7168xf32, #tpu.memory_space<vmem>>, vector<16xf32>,
              %mul3A_148 = arith.constant 16 : i32
              %mul3A_149 = arith.muli %scan3A_140, %mul3A_148 : i32
              %broadcast_in_dim3A_150 = arith.constant 0 : i32
              %broadcast_in_dim3A_151 = vector.broadcast %broadcast_in_dim3A_150 : i32 to vector<16x1xi32>
              %gather3A = vector.shape_cast %broadcast_in_dim3A_151 : vector<16x1xi32> to vector<16xi32>
              %gather3A_152 = tpu.dynamic_gather %get3A_147[%gather3A] in [0] : vector<16xf32>, vector<16xi32> -> vector<16xf32>
              %add3A_153 = arith.constant 0 : i32
              %add3A_154 = arith.addi %mul3A_149, %add3A_153 : i32
              %get3A_155 = arith.index_cast %add3A_154 : i32 to index
              %get3A_156 = arith.constant 0 : index
              %get3A_157 = tpu.vector_load %arg10[%get3A_155, %get3A_156] {strides = array<i32>} : memref<1024x16xf32, #tpu.memory_space<vmem>>, vector<16xf32>,
              %mul3A_158 = arith.mulf %get3A_157, %gather3A_152 : vector<16xf32>
              %add3A_159 = arith.constant 0 : i32
              %add3A_160 = arith.addi %mul3A_149, %add3A_159 : i32
              %swap3A = arith.index_cast %add3A_160 : i32 to index
              %swap3A_161 = arith.constant 0 : index
              %swap3A_162 = tpu.vector_load %arg10[%swap3A, %swap3A_161] {strides = array<i32>} : memref<1024x16xf32, #tpu.memory_space<vmem>>, vector<16xf32>,
              tpu.vector_store %arg10[%swap3A, %swap3A_161], %mul3A_158 {strides = array<i32>} : memref<1024x16xf32, #tpu.memory_space<vmem>>, vector<16xf32>,
              %broadcast_in_dim3A_163 = arith.constant 1 : i32
              %broadcast_in_dim3A_164 = vector.broadcast %broadcast_in_dim3A_163 : i32 to vector<16x1xi32>
              %gather3A_165 = vector.shape_cast %broadcast_in_dim3A_164 : vector<16x1xi32> to vector<16xi32>
              %gather3A_166 = tpu.dynamic_gather %get3A_147[%gather3A_165] in [0] : vector<16xf32>, vector<16xi32> -> vector<16xf32>
              %add3A_167 = arith.constant 1 : i32
              %add3A_168 = arith.addi %mul3A_149, %add3A_167 : i32
              %get3A_169 = arith.index_cast %add3A_168 : i32 to index
              %get3A_170 = arith.constant 0 : index
              %get3A_171 = tpu.vector_load %arg10[%get3A_169, %get3A_170] {strides = array<i32>} : memref<1024x16xf32, #tpu.memory_space<vmem>>, vector<16xf32>,
              %mul3A_172 = arith.mulf %get3A_171, %gather3A_166 : vector<16xf32>
              %add3A_173 = arith.constant 1 : i32
              %add3A_174 = arith.addi %mul3A_149, %add3A_173 : i32
              %swap3A_175 = arith.index_cast %add3A_174 : i32 to index
              %swap3A_176 = arith.constant 0 : index
              %swap3A_177 = tpu.vector_load %arg10[%swap3A_175, %swap3A_176] {strides = array<i32>} : memref<1024x16xf32, #tpu.memory_space<vmem>>, vector<16xf32>,
              tpu.vector_store %arg10[%swap3A_175, %swap3A_176], %mul3A_172 {strides = array<i32>} : memref<1024x16xf32, #tpu.memory_space<vmem>>, vector<16xf32>,
              %broadcast_in_dim3A_178 = arith.constant 2 : i32
              %broadcast_in_dim3A_179 = vector.broadcast %broadcast_in_dim3A_178 : i32 to vector<16x1xi32>
              %gather3A_180 = vector.shape_cast %broadcast_in_dim3A_179 : vector<16x1xi32> to vector<16xi32>
              %gather3A_181 = tpu.dynamic_gather %get3A_147[%gather3A_180] in [0] : vector<16xf32>, vector<16xi32> -> vector<16xf32>
              %add3A_182 = arith.constant 2 : i32
              %add3A_183 = arith.addi %mul3A_149, %add3A_182 : i32
              %get3A_184 = arith.index_cast %add3A_183 : i32 to index
              %get3A_185 = arith.constant 0 : index
              %get3A_186 = tpu.vector_load %arg10[%get3A_184, %get3A_185] {strides = array<i32>} : memref<1024x16xf32, #tpu.memory_space<vmem>>, vector<16xf32>,
              %mul3A_187 = arith.mulf %get3A_186, %gather3A_181 : vector<16xf32>
              %add3A_188 = arith.constant 2 : i32
              %add3A_189 = arith.addi %mul3A_149, %add3A_188 : i32
              %swap3A_190 = arith.index_cast %add3A_189 : i32 to index
              %swap3A_191 = arith.constant 0 : index
              %swap3A_192 = tpu.vector_load %arg10[%swap3A_190, %swap3A_191] {strides = array<i32>} : memref<1024x16xf32, #tpu.memory_space<vmem>>, vector<16xf32>,
              tpu.vector_store %arg10[%swap3A_190, %swap3A_191], %mul3A_187 {strides = array<i32>} : memref<1024x16xf32, #tpu.memory_space<vmem>>, vector<16xf32>,
              %broadcast_in_dim3A_193 = arith.constant 3 : i32
              %broadcast_in_dim3A_194 = vector.broadcast %broadcast_in_dim3A_193 : i32 to vector<16x1xi32>
              %gather3A_195 = vector.shape_cast %broadcast_in_dim3A_194 : vector<16x1xi32> to vector<16xi32>
              %gather3A_196 = tpu.dynamic_gather %get3A_147[%gather3A_195] in [0] : vector<16xf32>, vector<16xi32> -> vector<16xf32>
              %add3A_197 = arith.constant 3 : i32
              %add3A_198 = arith.addi %mul3A_149, %add3A_197 : i32
              %get3A_199 = arith.index_cast %add3A_198 : i32 to index
              %get3A_200 = arith.constant 0 : index
              %get3A_201 = tpu.vector_load %arg10[%get3A_199, %get3A_200] {strides = array<i32>} : memref<1024x16xf32, #tpu.memory_space<vmem>>, vector<16xf32>,
              %mul3A_202 = arith.mulf %get3A_201, %gather3A_196 : vector<16xf32>
              %add3A_203 = arith.constant 3 : i32
              %add3A_204 = arith.addi %mul3A_149, %add3A_203 : i32
              %swap3A_205 = arith.index_cast %add3A_204 : i32 to index
              %swap3A_206 = arith.constant 0 : index
              %swap3A_207 = tpu.vector_load %arg10[%swap3A_205, %swap3A_206] {strides = array<i32>} : memref<1024x16xf32, #tpu.memory_space<vmem>>, vector<16xf32>,
              tpu.vector_store %arg10[%swap3A_205, %swap3A_206], %mul3A_202 {strides = array<i32>} : memref<1024x16xf32, #tpu.memory_space<vmem>>, vector<16xf32>,
              %broadcast_in_dim3A_208 = arith.constant 4 : i32
              %broadcast_in_dim3A_209 = vector.broadcast %broadcast_in_dim3A_208 : i32 to vector<16x1xi32>
              %gather3A_210 = vector.shape_cast %broadcast_in_dim3A_209 : vector<16x1xi32> to vector<16xi32>
              %gather3A_211 = tpu.dynamic_gather %get3A_147[%gather3A_210] in [0] : vector<16xf32>, vector<16xi32> -> vector<16xf32>
              %add3A_212 = arith.constant 4 : i32
              %add3A_213 = arith.addi %mul3A_149, %add3A_212 : i32
              %get3A_214 = arith.index_cast %add3A_213 : i32 to index
              %get3A_215 = arith.constant 0 : index
              %get3A_216 = tpu.vector_load %arg10[%get3A_214, %get3A_215] {strides = array<i32>} : memref<1024x16xf32, #tpu.memory_space<vmem>>, vector<16xf32>,
              %mul3A_217 = arith.mulf %get3A_216, %gather3A_211 : vector<16xf32>
              %add3A_218 = arith.constant 4 : i32
              %add3A_219 = arith.addi %mul3A_149, %add3A_218 : i32
              %swap3A_220 = arith.index_cast %add3A_219 : i32 to index
              %swap3A_221 = arith.constant 0 : index
              %swap3A_222 = tpu.vector_load %arg10[%swap3A_220, %swap3A_221] {strides = array<i32>} : memref<1024x16xf32, #tpu.memory_space<vmem>>, vector<16xf32>,
              tpu.vector_store %arg10[%swap3A_220, %swap3A_221], %mul3A_217 {strides = array<i32>} : memref<1024x16xf32, #tpu.memory_space<vmem>>, vector<16xf32>,
              %broadcast_in_dim3A_223 = arith.constant 5 : i32
              %broadcast_in_dim3A_224 = vector.broadcast %broadcast_in_dim3A_223 : i32 to vector<16x1xi32>
              %gather3A_225 = vector.shape_cast %broadcast_in_dim3A_224 : vector<16x1xi32> to vector<16xi32>
              %gather3A_226 = tpu.dynamic_gather %get3A_147[%gather3A_225] in [0] : vector<16xf32>, vector<16xi32> -> vector<16xf32>
              %add3A_227 = arith.constant 5 : i32
              %add3A_228 = arith.addi %mul3A_149, %add3A_227 : i32
              %get3A_229 = arith.index_cast %add3A_228 : i32 to index
              %get3A_230 = arith.constant 0 : index
              %get3A_231 = tpu.vector_load %arg10[%get3A_229, %get3A_230] {strides = array<i32>} : memref<1024x16xf32, #tpu.memory_space<vmem>>, vector<16xf32>,
              %mul3A_232 = arith.mulf %get3A_231, %gather3A_226 : vector<16xf32>
              %add3A_233 = arith.constant 5 : i32
              %add3A_234 = arith.addi %mul3A_149, %add3A_233 : i32
              %swap3A_235 = arith.index_cast %add3A_234 : i32 to index
              %swap3A_236 = arith.constant 0 : index
              %swap3A_237 = tpu.vector_load %arg10[%swap3A_235, %swap3A_236] {strides = array<i32>} : memref<1024x16xf32, #tpu.memory_space<vmem>>, vector<16xf32>,
              tpu.vector_store %arg10[%swap3A_235, %swap3A_236], %mul3A_232 {strides = array<i32>} : memref<1024x16xf32, #tpu.memory_space<vmem>>, vector<16xf32>,
              %broadcast_in_dim3A_238 = arith.constant 6 : i32
              %broadcast_in_dim3A_239 = vector.broadcast %broadcast_in_dim3A_238 : i32 to vector<16x1xi32>
              %gather3A_240 = vector.shape_cast %broadcast_in_dim3A_239 : vector<16x1xi32> to vector<16xi32>
              %gather3A_241 = tpu.dynamic_gather %get3A_147[%gather3A_240] in [0] : vector<16xf32>, vector<16xi32> -> vector<16xf32>
              %add3A_242 = arith.constant 6 : i32
              %add3A_243 = arith.addi %mul3A_149, %add3A_242 : i32
              %get3A_244 = arith.index_cast %add3A_243 : i32 to index
              %get3A_245 = arith.constant 0 : index
              %get3A_246 = tpu.vector_load %arg10[%get3A_244, %get3A_245] {strides = array<i32>} : memref<1024x16xf32, #tpu.memory_space<vmem>>, vector<16xf32>,
              %mul3A_247 = arith.mulf %get3A_246, %gather3A_241 : vector<16xf32>
              %add3A_248 = arith.constant 6 : i32
              %add3A_249 = arith.addi %mul3A_149, %add3A_248 : i32
              %swap3A_250 = arith.index_cast %add3A_249 : i32 to index
              %swap3A_251 = arith.constant 0 : index
              %swap3A_252 = tpu.vector_load %arg10[%swap3A_250, %swap3A_251] {strides = array<i32>} : memref<1024x16xf32, #tpu.memory_space<vmem>>, vector<16xf32>,
              tpu.vector_store %arg10[%swap3A_250, %swap3A_251], %mul3A_247 {strides = array<i32>} : memref<1024x16xf32, #tpu.memory_space<vmem>>, vector<16xf32>,
              %broadcast_in_dim3A_253 = arith.constant 7 : i32
              %broadcast_in_dim3A_254 = vector.broadcast %broadcast_in_dim3A_253 : i32 to vector<16x1xi32>
              %gather3A_255 = vector.shape_cast %broadcast_in_dim3A_254 : vector<16x1xi32> to vector<16xi32>
              %gather3A_256 = tpu.dynamic_gather %get3A_147[%gather3A_255] in [0] : vector<16xf32>, vector<16xi32> -> vector<16xf32>
              %add3A_257 = arith.constant 7 : i32
              %add3A_258 = arith.addi %mul3A_149, %add3A_257 : i32
              %get3A_259 = arith.index_cast %add3A_258 : i32 to index
              %get3A_260 = arith.constant 0 : index
              %get3A_261 = tpu.vector_load %arg10[%get3A_259, %get3A_260] {strides = array<i32>} : memref<1024x16xf32, #tpu.memory_space<vmem>>, vector<16xf32>,
              %mul3A_262 = arith.mulf %get3A_261, %gather3A_256 : vector<16xf32>
              %add3A_263 = arith.constant 7 : i32
              %add3A_264 = arith.addi %mul3A_149, %add3A_263 : i32
              %swap3A_265 = arith.index_cast %add3A_264 : i32 to index
              %swap3A_266 = arith.constant 0 : index
              %swap3A_267 = tpu.vector_load %arg10[%swap3A_265, %swap3A_266] {strides = array<i32>} : memref<1024x16xf32, #tpu.memory_space<vmem>>, vector<16xf32>,
              tpu.vector_store %arg10[%swap3A_265, %swap3A_266], %mul3A_262 {strides = array<i32>} : memref<1024x16xf32, #tpu.memory_space<vmem>>, vector<16xf32>,
              %broadcast_in_dim3A_268 = arith.constant 8 : i32
              %broadcast_in_dim3A_269 = vector.broadcast %broadcast_in_dim3A_268 : i32 to vector<16x1xi32>
              %gather3A_270 = vector.shape_cast %broadcast_in_dim3A_269 : vector<16x1xi32> to vector<16xi32>
              %gather3A_271 = tpu.dynamic_gather %get3A_147[%gather3A_270] in [0] : vector<16xf32>, vector<16xi32> -> vector<16xf32>
              %add3A_272 = arith.constant 8 : i32
              %add3A_273 = arith.addi %mul3A_149, %add3A_272 : i32
              %get3A_274 = arith.index_cast %add3A_273 : i32 to index
              %get3A_275 = arith.constant 0 : index
              %get3A_276 = tpu.vector_load %arg10[%get3A_274, %get3A_275] {strides = array<i32>} : memref<1024x16xf32, #tpu.memory_space<vmem>>, vector<16xf32>,
              %mul3A_277 = arith.mulf %get3A_276, %gather3A_271 : vector<16xf32>
              %add3A_278 = arith.constant 8 : i32
              %add3A_279 = arith.addi %mul3A_149, %add3A_278 : i32
              %swap3A_280 = arith.index_cast %add3A_279 : i32 to index
              %swap3A_281 = arith.constant 0 : index
              %swap3A_282 = tpu.vector_load %arg10[%swap3A_280, %swap3A_281] {strides = array<i32>} : memref<1024x16xf32, #tpu.memory_space<vmem>>, vector<16xf32>,
              tpu.vector_store %arg10[%swap3A_280, %swap3A_281], %mul3A_277 {strides = array<i32>} : memref<1024x16xf32, #tpu.memory_space<vmem>>, vector<16xf32>,
              %broadcast_in_dim3A_283 = arith.constant 9 : i32
              %broadcast_in_dim3A_284 = vector.broadcast %broadcast_in_dim3A_283 : i32 to vector<16x1xi32>
              %gather3A_285 = vector.shape_cast %broadcast_in_dim3A_284 : vector<16x1xi32> to vector<16xi32>
              %gather3A_286 = tpu.dynamic_gather %get3A_147[%gather3A_285] in [0] : vector<16xf32>, vector<16xi32> -> vector<16xf32>
              %add3A_287 = arith.constant 9 : i32
              %add3A_288 = arith.addi %mul3A_149, %add3A_287 : i32
              %get3A_289 = arith.index_cast %add3A_288 : i32 to index
              %get3A_290 = arith.constant 0 : index
              %get3A_291 = tpu.vector_load %arg10[%get3A_289, %get3A_290] {strides = array<i32>} : memref<1024x16xf32, #tpu.memory_space<vmem>>, vector<16xf32>,
              %mul3A_292 = arith.mulf %get3A_291, %gather3A_286 : vector<16xf32>
              %add3A_293 = arith.constant 9 : i32
              %add3A_294 = arith.addi %mul3A_149, %add3A_293 : i32
              %swap3A_295 = arith.index_cast %add3A_294 : i32 to index
              %swap3A_296 = arith.constant 0 : index
              %swap3A_297 = tpu.vector_load %arg10[%swap3A_295, %swap3A_296] {strides = array<i32>} : memref<1024x16xf32, #tpu.memory_space<vmem>>, vector<16xf32>,
              tpu.vector_store %arg10[%swap3A_295, %swap3A_296], %mul3A_292 {strides = array<i32>} : memref<1024x16xf32, #tpu.memory_space<vmem>>, vector<16xf32>,
              %broadcast_in_dim3A_298 = arith.constant 10 : i32
              %broadcast_in_dim3A_299 = vector.broadcast %broadcast_in_dim3A_298 : i32 to vector<16x1xi32>
              %gather3A_300 = vector.shape_cast %broadcast_in_dim3A_299 : vector<16x1xi32> to vector<16xi32>
              %gather3A_301 = tpu.dynamic_gather %get3A_147[%gather3A_300] in [0] : vector<16xf32>, vector<16xi32> -> vector<16xf32>
              %add3A_302 = arith.constant 10 : i32
              %add3A_303 = arith.addi %mul3A_149, %add3A_302 : i32
              %get3A_304 = arith.index_cast %add3A_303 : i32 to index
              %get3A_305 = arith.constant 0 : index
              %get3A_306 = tpu.vector_load %arg10[%get3A_304, %get3A_305] {strides = array<i32>} : memref<1024x16xf32, #tpu.memory_space<vmem>>, vector<16xf32>,
              %mul3A_307 = arith.mulf %get3A_306, %gather3A_301 : vector<16xf32>
              %add3A_308 = arith.constant 10 : i32
              %add3A_309 = arith.addi %mul3A_149, %add3A_308 : i32
              %swap3A_310 = arith.index_cast %add3A_309 : i32 to index
              %swap3A_311 = arith.constant 0 : index
              %swap3A_312 = tpu.vector_load %arg10[%swap3A_310, %swap3A_311] {strides = array<i32>} : memref<1024x16xf32, #tpu.memory_space<vmem>>, vector<16xf32>,
              tpu.vector_store %arg10[%swap3A_310, %swap3A_311], %mul3A_307 {strides = array<i32>} : memref<1024x16xf32, #tpu.memory_space<vmem>>, vector<16xf32>,
              %broadcast_in_dim3A_313 = arith.constant 11 : i32
              %broadcast_in_dim3A_314 = vector.broadcast %broadcast_in_dim3A_313 : i32 to vector<16x1xi32>
              %gather3A_315 = vector.shape_cast %broadcast_in_dim3A_314 : vector<16x1xi32> to vector<16xi32>
              %gather3A_316 = tpu.dynamic_gather %get3A_147[%gather3A_315] in [0] : vector<16xf32>, vector<16xi32> -> vector<16xf32>
              %add3A_317 = arith.constant 11 : i32
              %add3A_318 = arith.addi %mul3A_149, %add3A_317 : i32
              %get3A_319 = arith.index_cast %add3A_318 : i32 to index
              %get3A_320 = arith.constant 0 : index
              %get3A_321 = tpu.vector_load %arg10[%get3A_319, %get3A_320] {strides = array<i32>} : memref<1024x16xf32, #tpu.memory_space<vmem>>, vector<16xf32>,
              %mul3A_322 = arith.mulf %get3A_321, %gather3A_316 : vector<16xf32>
              %add3A_323 = arith.constant 11 : i32
              %add3A_324 = arith.addi %mul3A_149, %add3A_323 : i32
              %swap3A_325 = arith.index_cast %add3A_324 : i32 to index
              %swap3A_326 = arith.constant 0 : index
              %swap3A_327 = tpu.vector_load %arg10[%swap3A_325, %swap3A_326] {strides = array<i32>} : memref<1024x16xf32, #tpu.memory_space<vmem>>, vector<16xf32>,
              tpu.vector_store %arg10[%swap3A_325, %swap3A_326], %mul3A_322 {strides = array<i32>} : memref<1024x16xf32, #tpu.memory_space<vmem>>, vector<16xf32>,
              %broadcast_in_dim3A_328 = arith.constant 12 : i32
              %broadcast_in_dim3A_329 = vector.broadcast %broadcast_in_dim3A_328 : i32 to vector<16x1xi32>
              %gather3A_330 = vector.shape_cast %broadcast_in_dim3A_329 : vector<16x1xi32> to vector<16xi32>
              %gather3A_331 = tpu.dynamic_gather %get3A_147[%gather3A_330] in [0] : vector<16xf32>, vector<16xi32> -> vector<16xf32>
              %add3A_332 = arith.constant 12 : i32
              %add3A_333 = arith.addi %mul3A_149, %add3A_332 : i32
              %get3A_334 = arith.index_cast %add3A_333 : i32 to index
              %get3A_335 = arith.constant 0 : index
              %get3A_336 = tpu.vector_load %arg10[%get3A_334, %get3A_335] {strides = array<i32>} : memref<1024x16xf32, #tpu.memory_space<vmem>>, vector<16xf32>,
              %mul3A_337 = arith.mulf %get3A_336, %gather3A_331 : vector<16xf32>
              %add3A_338 = arith.constant 12 : i32
              %add3A_339 = arith.addi %mul3A_149, %add3A_338 : i32
              %swap3A_340 = arith.index_cast %add3A_339 : i32 to index
              %swap3A_341 = arith.constant 0 : index
              %swap3A_342 = tpu.vector_load %arg10[%swap3A_340, %swap3A_341] {strides = array<i32>} : memref<1024x16xf32, #tpu.memory_space<vmem>>, vector<16xf32>,
              tpu.vector_store %arg10[%swap3A_340, %swap3A_341], %mul3A_337 {strides = array<i32>} : memref<1024x16xf32, #tpu.memory_space<vmem>>, vector<16xf32>,
              %broadcast_in_dim3A_343 = arith.constant 13 : i32
              %broadcast_in_dim3A_344 = vector.broadcast %broadcast_in_dim3A_343 : i32 to vector<16x1xi32>
              %gather3A_345 = vector.shape_cast %broadcast_in_dim3A_344 : vector<16x1xi32> to vector<16xi32>
              %gather3A_346 = tpu.dynamic_gather %get3A_147[%gather3A_345] in [0] : vector<16xf32>, vector<16xi32> -> vector<16xf32>
              %add3A_347 = arith.constant 13 : i32
              %add3A_348 = arith.addi %mul3A_149, %add3A_347 : i32
              %get3A_349 = arith.index_cast %add3A_348 : i32 to index
              %get3A_350 = arith.constant 0 : index
              %get3A_351 = tpu.vector_load %arg10[%get3A_349, %get3A_350] {strides = array<i32>} : memref<1024x16xf32, #tpu.memory_space<vmem>>, vector<16xf32>,
              %mul3A_352 = arith.mulf %get3A_351, %gather3A_346 : vector<16xf32>
              %add3A_353 = arith.constant 13 : i32
              %add3A_354 = arith.addi %mul3A_149, %add3A_353 : i32
              %swap3A_355 = arith.index_cast %add3A_354 : i32 to index
              %swap3A_356 = arith.constant 0 : index
              %swap3A_357 = tpu.vector_load %arg10[%swap3A_355, %swap3A_356] {strides = array<i32>} : memref<1024x16xf32, #tpu.memory_space<vmem>>, vector<16xf32>,
              tpu.vector_store %arg10[%swap3A_355, %swap3A_356], %mul3A_352 {strides = array<i32>} : memref<1024x16xf32, #tpu.memory_space<vmem>>, vector<16xf32>,
              %broadcast_in_dim3A_358 = arith.constant 14 : i32
              %broadcast_in_dim3A_359 = vector.broadcast %broadcast_in_dim3A_358 : i32 to vector<16x1xi32>
              %gather3A_360 = vector.shape_cast %broadcast_in_dim3A_359 : vector<16x1xi32> to vector<16xi32>
              %gather3A_361 = tpu.dynamic_gather %get3A_147[%gather3A_360] in [0] : vector<16xf32>, vector<16xi32> -> vector<16xf32>
              %add3A_362 = arith.constant 14 : i32
              %add3A_363 = arith.addi %mul3A_149, %add3A_362 : i32
              %get3A_364 = arith.index_cast %add3A_363 : i32 to index
              %get3A_365 = arith.constant 0 : index
              %get3A_366 = tpu.vector_load %arg10[%get3A_364, %get3A_365] {strides = array<i32>} : memref<1024x16xf32, #tpu.memory_space<vmem>>, vector<16xf32>,
              %mul3A_367 = arith.mulf %get3A_366, %gather3A_361 : vector<16xf32>
              %add3A_368 = arith.constant 14 : i32
              %add3A_369 = arith.addi %mul3A_149, %add3A_368 : i32
              %swap3A_370 = arith.index_cast %add3A_369 : i32 to index
              %swap3A_371 = arith.constant 0 : index
              %swap3A_372 = tpu.vector_load %arg10[%swap3A_370, %swap3A_371] {strides = array<i32>} : memref<1024x16xf32, #tpu.memory_space<vmem>>, vector<16xf32>,
              tpu.vector_store %arg10[%swap3A_370, %swap3A_371], %mul3A_367 {strides = array<i32>} : memref<1024x16xf32, #tpu.memory_space<vmem>>, vector<16xf32>,
              %broadcast_in_dim3A_373 = arith.constant 15 : i32
              %broadcast_in_dim3A_374 = vector.broadcast %broadcast_in_dim3A_373 : i32 to vector<16x1xi32>
              %gather3A_375 = vector.shape_cast %broadcast_in_dim3A_374 : vector<16x1xi32> to vector<16xi32>
              %gather3A_376 = tpu.dynamic_gather %get3A_147[%gather3A_375] in [0] : vector<16xf32>, vector<16xi32> -> vector<16xf32>
              %add3A_377 = arith.constant 15 : i32
              %add3A_378 = arith.addi %mul3A_149, %add3A_377 : i32
              %get3A_379 = arith.index_cast %add3A_378 : i32 to index
              %get3A_380 = arith.constant 0 : index
              %get3A_381 = tpu.vector_load %arg10[%get3A_379, %get3A_380] {strides = array<i32>} : memref<1024x16xf32, #tpu.memory_space<vmem>>, vector<16xf32>,
              %mul3A_382 = arith.mulf %get3A_381, %gather3A_376 : vector<16xf32>
              %add3A_383 = arith.constant 15 : i32
              %add3A_384 = arith.addi %mul3A_149, %add3A_383 : i32
              %swap3A_385 = arith.index_cast %add3A_384 : i32 to index
              %swap3A_386 = arith.constant 0 : index
              %swap3A_387 = tpu.vector_load %arg10[%swap3A_385, %swap3A_386] {strides = array<i32>} : memref<1024x16xf32, #tpu.memory_space<vmem>>, vector<16xf32>,
              tpu.vector_store %arg10[%swap3A_385, %swap3A_386], %mul3A_382 {strides = array<i32>} : memref<1024x16xf32, #tpu.memory_space<vmem>>, vector<16xf32>,
              %scan3A_388 = arith.constant 0 : i32
              %scan3A_389 = arith.constant 1 : i32
              %scan3A_390 = arith.addi %scan3A_140, %scan3A_389 : i32
              %mul3A_391 = arith.constant 1024 : i32
              %mul3A_392 = arith.muli %scan3A_80, %mul3A_391 : i32
              %mul3A_393 = arith.constant 16 : i32
              %mul3A_394 = arith.muli %scan3A_390, %mul3A_393 : i32
              %add3A_395 = arith.addi %mul3A_392, %mul3A_394 : i32
              %get3A_396 = arith.index_cast %add3A_395 : i32 to index
              %get3A_397 = tpu.vector_load %arg9[%get3A_396] {strides = array<i32>} : memref<7168xf32, #tpu.memory_space<vmem>>, vector<16xf32>,
              %mul3A_398 = arith.constant 16 : i32
              %mul3A_399 = arith.muli %scan3A_390, %mul3A_398 : i32
              %broadcast_in_dim3A_400 = arith.constant 0 : i32
              %broadcast_in_dim3A_401 = vector.broadcast %broadcast_in_dim3A_400 : i32 to vector<16x1xi32>
              %gather3A_402 = vector.shape_cast %broadcast_in_dim3A_401 : vector<16x1xi32> to vector<16xi32>
              %gather3A_403 = tpu.dynamic_gather %get3A_397[%gather3A_402] in [0] : vector<16xf32>, vector<16xi32> -> vector<16xf32>
              %add3A_404 = arith.constant 0 : i32
              %add3A_405 = arith.addi %mul3A_399, %add3A_404 : i32
              %get3A_406 = arith.index_cast %add3A_405 : i32 to index
              %get3A_407 = arith.constant 0 : index
              %get3A_408 = tpu.vector_load %arg10[%get3A_406, %get3A_407] {strides = array<i32>} : memref<1024x16xf32, #tpu.memory_space<vmem>>, vector<16xf32>,
              %mul3A_409 = arith.mulf %get3A_408, %gather3A_403 : vector<16xf32>
              %add3A_410 = arith.constant 0 : i32
              %add3A_411 = arith.addi %mul3A_399, %add3A_410 : i32
              %swap3A_412 = arith.index_cast %add3A_411 : i32 to index
              %swap3A_413 = arith.constant 0 : index
              %swap3A_414 = tpu.vector_load %arg10[%swap3A_412, %swap3A_413] {strides = array<i32>} : memref<1024x16xf32, #tpu.memory_space<vmem>>, vector<16xf32>,
              tpu.vector_store %arg10[%swap3A_412, %swap3A_413], %mul3A_409 {strides = array<i32>} : memref<1024x16xf32, #tpu.memory_space<vmem>>, vector<16xf32>,
              %broadcast_in_dim3A_415 = arith.constant 1 : i32
              %broadcast_in_dim3A_416 = vector.broadcast %broadcast_in_dim3A_415 : i32 to vector<16x1xi32>
              %gather3A_417 = vector.shape_cast %broadcast_in_dim3A_416 : vector<16x1xi32> to vector<16xi32>
              %gather3A_418 = tpu.dynamic_gather %get3A_397[%gather3A_417] in [0] : vector<16xf32>, vector<16xi32> -> vector<16xf32>
              %add3A_419 = arith.constant 1 : i32
              %add3A_420 = arith.addi %mul3A_399, %add3A_419 : i32
              %get3A_421 = arith.index_cast %add3A_420 : i32 to index
              %get3A_422 = arith.constant 0 : index
              %get3A_423 = tpu.vector_load %arg10[%get3A_421, %get3A_422] {strides = array<i32>} : memref<1024x16xf32, #tpu.memory_space<vmem>>, vector<16xf32>,
              %mul3A_424 = arith.mulf %get3A_423, %gather3A_418 : vector<16xf32>
              %add3A_425 = arith.constant 1 : i32
              %add3A_426 = arith.addi %mul3A_399, %add3A_425 : i32
              %swap3A_427 = arith.index_cast %add3A_426 : i32 to index
              %swap3A_428 = arith.constant 0 : index
              %swap3A_429 = tpu.vector_load %arg10[%swap3A_427, %swap3A_428] {strides = array<i32>} : memref<1024x16xf32, #tpu.memory_space<vmem>>, vector<16xf32>,
              tpu.vector_store %arg10[%swap3A_427, %swap3A_428], %mul3A_424 {strides = array<i32>} : memref<1024x16xf32, #tpu.memory_space<vmem>>, vector<16xf32>,
              %broadcast_in_dim3A_430 = arith.constant 2 : i32
              %broadcast_in_dim3A_431 = vector.broadcast %broadcast_in_dim3A_430 : i32 to vector<16x1xi32>
              %gather3A_432 = vector.shape_cast %broadcast_in_dim3A_431 : vector<16x1xi32> to vector<16xi32>
              %gather3A_433 = tpu.dynamic_gather %get3A_397[%gather3A_432] in [0] : vector<16xf32>, vector<16xi32> -> vector<16xf32>
              %add3A_434 = arith.constant 2 : i32
              %add3A_435 = arith.addi %mul3A_399, %add3A_434 : i32
              %get3A_436 = arith.index_cast %add3A_435 : i32 to index
              %get3A_437 = arith.constant 0 : index
              %get3A_438 = tpu.vector_load %arg10[%get3A_436, %get3A_437] {strides = array<i32>} : memref<1024x16xf32, #tpu.memory_space<vmem>>, vector<16xf32>,
              %mul3A_439 = arith.mulf %get3A_438, %gather3A_433 : vector<16xf32>
              %add3A_440 = arith.constant 2 : i32
              %add3A_441 = arith.addi %mul3A_399, %add3A_440 : i32
              %swap3A_442 = arith.index_cast %add3A_441 : i32 to index
              %swap3A_443 = arith.constant 0 : index
              %swap3A_444 = tpu.vector_load %arg10[%swap3A_442, %swap3A_443] {strides = array<i32>} : memref<1024x16xf32, #tpu.memory_space<vmem>>, vector<16xf32>,
              tpu.vector_store %arg10[%swap3A_442, %swap3A_443], %mul3A_439 {strides = array<i32>} : memref<1024x16xf32, #tpu.memory_space<vmem>>, vector<16xf32>,
              %broadcast_in_dim3A_445 = arith.constant 3 : i32
              %broadcast_in_dim3A_446 = vector.broadcast %broadcast_in_dim3A_445 : i32 to vector<16x1xi32>
              %gather3A_447 = vector.shape_cast %broadcast_in_dim3A_446 : vector<16x1xi32> to vector<16xi32>
              %gather3A_448 = tpu.dynamic_gather %get3A_397[%gather3A_447] in [0] : vector<16xf32>, vector<16xi32> -> vector<16xf32>
              %add3A_449 = arith.constant 3 : i32
              %add3A_450 = arith.addi %mul3A_399, %add3A_449 : i32
              %get3A_451 = arith.index_cast %add3A_450 : i32 to index
              %get3A_452 = arith.constant 0 : index
              %get3A_453 = tpu.vector_load %arg10[%get3A_451, %get3A_452] {strides = array<i32>} : memref<1024x16xf32, #tpu.memory_space<vmem>>, vector<16xf32>,
              %mul3A_454 = arith.mulf %get3A_453, %gather3A_448 : vector<16xf32>
              %add3A_455 = arith.constant 3 : i32
              %add3A_456 = arith.addi %mul3A_399, %add3A_455 : i32
              %swap3A_457 = arith.index_cast %add3A_456 : i32 to index
              %swap3A_458 = arith.constant 0 : index
              %swap3A_459 = tpu.vector_load %arg10[%swap3A_457, %swap3A_458] {strides = array<i32>} : memref<1024x16xf32, #tpu.memory_space<vmem>>, vector<16xf32>,
              tpu.vector_store %arg10[%swap3A_457, %swap3A_458], %mul3A_454 {strides = array<i32>} : memref<1024x16xf32, #tpu.memory_space<vmem>>, vector<16xf32>,
              %broadcast_in_dim3A_460 = arith.constant 4 : i32
              %broadcast_in_dim3A_461 = vector.broadcast %broadcast_in_dim3A_460 : i32 to vector<16x1xi32>
              %gather3A_462 = vector.shape_cast %broadcast_in_dim3A_461 : vector<16x1xi32> to vector<16xi32>
              %gather3A_463 = tpu.dynamic_gather %get3A_397[%gather3A_462] in [0] : vector<16xf32>, vector<16xi32> -> vector<16xf32>
              %add3A_464 = arith.constant 4 : i32
              %add3A_465 = arith.addi %mul3A_399, %add3A_464 : i32
              %get3A_466 = arith.index_cast %add3A_465 : i32 to index
              %get3A_467 = arith.constant 0 : index
              %get3A_468 = tpu.vector_load %arg10[%get3A_466, %get3A_467] {strides = array<i32>} : memref<1024x16xf32, #tpu.memory_space<vmem>>, vector<16xf32>,
              %mul3A_469 = arith.mulf %get3A_468, %gather3A_463 : vector<16xf32>
              %add3A_470 = arith.constant 4 : i32
              %add3A_471 = arith.addi %mul3A_399, %add3A_470 : i32
              %swap3A_472 = arith.index_cast %add3A_471 : i32 to index
              %swap3A_473 = arith.constant 0 : index
              %swap3A_474 = tpu.vector_load %arg10[%swap3A_472, %swap3A_473] {strides = array<i32>} : memref<1024x16xf32, #tpu.memory_space<vmem>>, vector<16xf32>,
              tpu.vector_store %arg10[%swap3A_472, %swap3A_473], %mul3A_469 {strides = array<i32>} : memref<1024x16xf32, #tpu.memory_space<vmem>>, vector<16xf32>,
              %broadcast_in_dim3A_475 = arith.constant 5 : i32
              %broadcast_in_dim3A_476 = vector.broadcast %broadcast_in_dim3A_475 : i32 to vector<16x1xi32>
              %gather3A_477 = vector.shape_cast %broadcast_in_dim3A_476 : vector<16x1xi32> to vector<16xi32>
              %gather3A_478 = tpu.dynamic_gather %get3A_397[%gather3A_477] in [0] : vector<16xf32>, vector<16xi32> -> vector<16xf32>
              %add3A_479 = arith.constant 5 : i32
              %add3A_480 = arith.addi %mul3A_399, %add3A_479 : i32
              %get3A_481 = arith.index_cast %add3A_480 : i32 to index
              %get3A_482 = arith.constant 0 : index
              %get3A_483 = tpu.vector_load %arg10[%get3A_481, %get3A_482] {strides = array<i32>} : memref<1024x16xf32, #tpu.memory_space<vmem>>, vector<16xf32>,
              %mul3A_484 = arith.mulf %get3A_483, %gather3A_478 : vector<16xf32>
              %add3A_485 = arith.constant 5 : i32
              %add3A_486 = arith.addi %mul3A_399, %add3A_485 : i32
              %swap3A_487 = arith.index_cast %add3A_486 : i32 to index
              %swap3A_488 = arith.constant 0 : index
              %swap3A_489 = tpu.vector_load %arg10[%swap3A_487, %swap3A_488] {strides = array<i32>} : memref<1024x16xf32, #tpu.memory_space<vmem>>, vector<16xf32>,
              tpu.vector_store %arg10[%swap3A_487, %swap3A_488], %mul3A_484 {strides = array<i32>} : memref<1024x16xf32, #tpu.memory_space<vmem>>, vector<16xf32>,
              %broadcast_in_dim3A_490 = arith.constant 6 : i32
              %broadcast_in_dim3A_491 = vector.broadcast %broadcast_in_dim3A_490 : i32 to vector<16x1xi32>
              %gather3A_492 = vector.shape_cast %broadcast_in_dim3A_491 : vector<16x1xi32> to vector<16xi32>
              %gather3A_493 = tpu.dynamic_gather %get3A_397[%gather3A_492] in [0] : vector<16xf32>, vector<16xi32> -> vector<16xf32>
              %add3A_494 = arith.constant 6 : i32
              %add3A_495 = arith.addi %mul3A_399, %add3A_494 : i32
              %get3A_496 = arith.index_cast %add3A_495 : i32 to index
              %get3A_497 = arith.constant 0 : index
              %get3A_498 = tpu.vector_load %arg10[%get3A_496, %get3A_497] {strides = array<i32>} : memref<1024x16xf32, #tpu.memory_space<vmem>>, vector<16xf32>,
              %mul3A_499 = arith.mulf %get3A_498, %gather3A_493 : vector<16xf32>
              %add3A_500 = arith.constant 6 : i32
              %add3A_501 = arith.addi %mul3A_399, %add3A_500 : i32
              %swap3A_502 = arith.index_cast %add3A_501 : i32 to index
              %swap3A_503 = arith.constant 0 : index
              %swap3A_504 = tpu.vector_load %arg10[%swap3A_502, %swap3A_503] {strides = array<i32>} : memref<1024x16xf32, #tpu.memory_space<vmem>>, vector<16xf32>,
              tpu.vector_store %arg10[%swap3A_502, %swap3A_503], %mul3A_499 {strides = array<i32>} : memref<1024x16xf32, #tpu.memory_space<vmem>>, vector<16xf32>,
              %broadcast_in_dim3A_505 = arith.constant 7 : i32
              %broadcast_in_dim3A_506 = vector.broadcast %broadcast_in_dim3A_505 : i32 to vector<16x1xi32>
              %gather3A_507 = vector.shape_cast %broadcast_in_dim3A_506 : vector<16x1xi32> to vector<16xi32>
              %gather3A_508 = tpu.dynamic_gather %get3A_397[%gather3A_507] in [0] : vector<16xf32>, vector<16xi32> -> vector<16xf32>
              %add3A_509 = arith.constant 7 : i32
              %add3A_510 = arith.addi %mul3A_399, %add3A_509 : i32
              %get3A_511 = arith.index_cast %add3A_510 : i32 to index
              %get3A_512 = arith.constant 0 : index
              %get3A_513 = tpu.vector_load %arg10[%get3A_511, %get3A_512] {strides = array<i32>} : memref<1024x16xf32, #tpu.memory_space<vmem>>, vector<16xf32>,
              %mul3A_514 = arith.mulf %get3A_513, %gather3A_508 : vector<16xf32>
              %add3A_515 = arith.constant 7 : i32
              %add3A_516 = arith.addi %mul3A_399, %add3A_515 : i32
              %swap3A_517 = arith.index_cast %add3A_516 : i32 to index
              %swap3A_518 = arith.constant 0 : index
              %swap3A_519 = tpu.vector_load %arg10[%swap3A_517, %swap3A_518] {strides = array<i32>} : memref<1024x16xf32, #tpu.memory_space<vmem>>, vector<16xf32>,
              tpu.vector_store %arg10[%swap3A_517, %swap3A_518], %mul3A_514 {strides = array<i32>} : memref<1024x16xf32, #tpu.memory_space<vmem>>, vector<16xf32>,
              %broadcast_in_dim3A_520 = arith.constant 8 : i32
              %broadcast_in_dim3A_521 = vector.broadcast %broadcast_in_dim3A_520 : i32 to vector<16x1xi32>
              %gather3A_522 = vector.shape_cast %broadcast_in_dim3A_521 : vector<16x1xi32> to vector<16xi32>
              %gather3A_523 = tpu.dynamic_gather %get3A_397[%gather3A_522] in [0] : vector<16xf32>, vector<16xi32> -> vector<16xf32>
              %add3A_524 = arith.constant 8 : i32
              %add3A_525 = arith.addi %mul3A_399, %add3A_524 : i32
              %get3A_526 = arith.index_cast %add3A_525 : i32 to index
              %get3A_527 = arith.constant 0 : index
              %get3A_528 = tpu.vector_load %arg10[%get3A_526, %get3A_527] {strides = array<i32>} : memref<1024x16xf32, #tpu.memory_space<vmem>>, vector<16xf32>,
              %mul3A_529 = arith.mulf %get3A_528, %gather3A_523 : vector<16xf32>
              %add3A_530 = arith.constant 8 : i32
              %add3A_531 = arith.addi %mul3A_399, %add3A_530 : i32
              %swap3A_532 = arith.index_cast %add3A_531 : i32 to index
              %swap3A_533 = arith.constant 0 : index
              %swap3A_534 = tpu.vector_load %arg10[%swap3A_532, %swap3A_533] {strides = array<i32>} : memref<1024x16xf32, #tpu.memory_space<vmem>>, vector<16xf32>,
              tpu.vector_store %arg10[%swap3A_532, %swap3A_533], %mul3A_529 {strides = array<i32>} : memref<1024x16xf32, #tpu.memory_space<vmem>>, vector<16xf32>,
              %broadcast_in_dim3A_535 = arith.constant 9 : i32
              %broadcast_in_dim3A_536 = vector.broadcast %broadcast_in_dim3A_535 : i32 to vector<16x1xi32>
              %gather3A_537 = vector.shape_cast %broadcast_in_dim3A_536 : vector<16x1xi32> to vector<16xi32>
              %gather3A_538 = tpu.dynamic_gather %get3A_397[%gather3A_537] in [0] : vector<16xf32>, vector<16xi32> -> vector<16xf32>
              %add3A_539 = arith.constant 9 : i32
              %add3A_540 = arith.addi %mul3A_399, %add3A_539 : i32
              %get3A_541 = arith.index_cast %add3A_540 : i32 to index
              %get3A_542 = arith.constant 0 : index
              %get3A_543 = tpu.vector_load %arg10[%get3A_541, %get3A_542] {strides = array<i32>} : memref<1024x16xf32, #tpu.memory_space<vmem>>, vector<16xf32>,
              %mul3A_544 = arith.mulf %get3A_543, %gather3A_538 : vector<16xf32>
              %add3A_545 = arith.constant 9 : i32
              %add3A_546 = arith.addi %mul3A_399, %add3A_545 : i32
              %swap3A_547 = arith.index_cast %add3A_546 : i32 to index
              %swap3A_548 = arith.constant 0 : index
              %swap3A_549 = tpu.vector_load %arg10[%swap3A_547, %swap3A_548] {strides = array<i32>} : memref<1024x16xf32, #tpu.memory_space<vmem>>, vector<16xf32>,
              tpu.vector_store %arg10[%swap3A_547, %swap3A_548], %mul3A_544 {strides = array<i32>} : memref<1024x16xf32, #tpu.memory_space<vmem>>, vector<16xf32>,
              %broadcast_in_dim3A_550 = arith.constant 10 : i32
              %broadcast_in_dim3A_551 = vector.broadcast %broadcast_in_dim3A_550 : i32 to vector<16x1xi32>
              %gather3A_552 = vector.shape_cast %broadcast_in_dim3A_551 : vector<16x1xi32> to vector<16xi32>
              %gather3A_553 = tpu.dynamic_gather %get3A_397[%gather3A_552] in [0] : vector<16xf32>, vector<16xi32> -> vector<16xf32>
              %add3A_554 = arith.constant 10 : i32
              %add3A_555 = arith.addi %mul3A_399, %add3A_554 : i32
              %get3A_556 = arith.index_cast %add3A_555 : i32 to index
              %get3A_557 = arith.constant 0 : index
              %get3A_558 = tpu.vector_load %arg10[%get3A_556, %get3A_557] {strides = array<i32>} : memref<1024x16xf32, #tpu.memory_space<vmem>>, vector<16xf32>,
              %mul3A_559 = arith.mulf %get3A_558, %gather3A_553 : vector<16xf32>
              %add3A_560 = arith.constant 10 : i32
              %add3A_561 = arith.addi %mul3A_399, %add3A_560 : i32
              %swap3A_562 = arith.index_cast %add3A_561 : i32 to index
              %swap3A_563 = arith.constant 0 : index
              %swap3A_564 = tpu.vector_load %arg10[%swap3A_562, %swap3A_563] {strides = array<i32>} : memref<1024x16xf32, #tpu.memory_space<vmem>>, vector<16xf32>,
              tpu.vector_store %arg10[%swap3A_562, %swap3A_563], %mul3A_559 {strides = array<i32>} : memref<1024x16xf32, #tpu.memory_space<vmem>>, vector<16xf32>,
              %broadcast_in_dim3A_565 = arith.constant 11 : i32
              %broadcast_in_dim3A_566 = vector.broadcast %broadcast_in_dim3A_565 : i32 to vector<16x1xi32>
              %gather3A_567 = vector.shape_cast %broadcast_in_dim3A_566 : vector<16x1xi32> to vector<16xi32>
              %gather3A_568 = tpu.dynamic_gather %get3A_397[%gather3A_567] in [0] : vector<16xf32>, vector<16xi32> -> vector<16xf32>
              %add3A_569 = arith.constant 11 : i32
              %add3A_570 = arith.addi %mul3A_399, %add3A_569 : i32
              %get3A_571 = arith.index_cast %add3A_570 : i32 to index
              %get3A_572 = arith.constant 0 : index
              %get3A_573 = tpu.vector_load %arg10[%get3A_571, %get3A_572] {strides = array<i32>} : memref<1024x16xf32, #tpu.memory_space<vmem>>, vector<16xf32>,
              %mul3A_574 = arith.mulf %get3A_573, %gather3A_568 : vector<16xf32>
              %add3A_575 = arith.constant 11 : i32
              %add3A_576 = arith.addi %mul3A_399, %add3A_575 : i32
              %swap3A_577 = arith.index_cast %add3A_576 : i32 to index
              %swap3A_578 = arith.constant 0 : index
              %swap3A_579 = tpu.vector_load %arg10[%swap3A_577, %swap3A_578] {strides = array<i32>} : memref<1024x16xf32, #tpu.memory_space<vmem>>, vector<16xf32>,
              tpu.vector_store %arg10[%swap3A_577, %swap3A_578], %mul3A_574 {strides = array<i32>} : memref<1024x16xf32, #tpu.memory_space<vmem>>, vector<16xf32>,
              %broadcast_in_dim3A_580 = arith.constant 12 : i32
              %broadcast_in_dim3A_581 = vector.broadcast %broadcast_in_dim3A_580 : i32 to vector<16x1xi32>
              %gather3A_582 = vector.shape_cast %broadcast_in_dim3A_581 : vector<16x1xi32> to vector<16xi32>
              %gather3A_583 = tpu.dynamic_gather %get3A_397[%gather3A_582] in [0] : vector<16xf32>, vector<16xi32> -> vector<16xf32>
              %add3A_584 = arith.constant 12 : i32
              %add3A_585 = arith.addi %mul3A_399, %add3A_584 : i32
              %get3A_586 = arith.index_cast %add3A_585 : i32 to index
              %get3A_587 = arith.constant 0 : index
              %get3A_588 = tpu.vector_load %arg10[%get3A_586, %get3A_587] {strides = array<i32>} : memref<1024x16xf32, #tpu.memory_space<vmem>>, vector<16xf32>,
              %mul3A_589 = arith.mulf %get3A_588, %gather3A_583 : vector<16xf32>
              %add3A_590 = arith.constant 12 : i32
              %add3A_591 = arith.addi %mul3A_399, %add3A_590 : i32
              %swap3A_592 = arith.index_cast %add3A_591 : i32 to index
              %swap3A_593 = arith.constant 0 : index
              %swap3A_594 = tpu.vector_load %arg10[%swap3A_592, %swap3A_593] {strides = array<i32>} : memref<1024x16xf32, #tpu.memory_space<vmem>>, vector<16xf32>,
              tpu.vector_store %arg10[%swap3A_592, %swap3A_593], %mul3A_589 {strides = array<i32>} : memref<1024x16xf32, #tpu.memory_space<vmem>>, vector<16xf32>,
              %broadcast_in_dim3A_595 = arith.constant 13 : i32
              %broadcast_in_dim3A_596 = vector.broadcast %broadcast_in_dim3A_595 : i32 to vector<16x1xi32>
              %gather3A_597 = vector.shape_cast %broadcast_in_dim3A_596 : vector<16x1xi32> to vector<16xi32>
              %gather3A_598 = tpu.dynamic_gather %get3A_397[%gather3A_597] in [0] : vector<16xf32>, vector<16xi32> -> vector<16xf32>
              %add3A_599 = arith.constant 13 : i32
              %add3A_600 = arith.addi %mul3A_399, %add3A_599 : i32
              %get3A_601 = arith.index_cast %add3A_600 : i32 to index
              %get3A_602 = arith.constant 0 : index
              %get3A_603 = tpu.vector_load %arg10[%get3A_601, %get3A_602] {strides = array<i32>} : memref<1024x16xf32, #tpu.memory_space<vmem>>, vector<16xf32>,
              %mul3A_604 = arith.mulf %get3A_603, %gather3A_598 : vector<16xf32>
              %add3A_605 = arith.constant 13 : i32
              %add3A_606 = arith.addi %mul3A_399, %add3A_605 : i32
              %swap3A_607 = arith.index_cast %add3A_606 : i32 to index
              %swap3A_608 = arith.constant 0 : index
              %swap3A_609 = tpu.vector_load %arg10[%swap3A_607, %swap3A_608] {strides = array<i32>} : memref<1024x16xf32, #tpu.memory_space<vmem>>, vector<16xf32>,
              tpu.vector_store %arg10[%swap3A_607, %swap3A_608], %mul3A_604 {strides = array<i32>} : memref<1024x16xf32, #tpu.memory_space<vmem>>, vector<16xf32>,
              %broadcast_in_dim3A_610 = arith.constant 14 : i32
              %broadcast_in_dim3A_611 = vector.broadcast %broadcast_in_dim3A_610 : i32 to vector<16x1xi32>
              %gather3A_612 = vector.shape_cast %broadcast_in_dim3A_611 : vector<16x1xi32> to vector<16xi32>
              %gather3A_613 = tpu.dynamic_gather %get3A_397[%gather3A_612] in [0] : vector<16xf32>, vector<16xi32> -> vector<16xf32>
              %add3A_614 = arith.constant 14 : i32
              %add3A_615 = arith.addi %mul3A_399, %add3A_614 : i32
              %get3A_616 = arith.index_cast %add3A_615 : i32 to index
              %get3A_617 = arith.constant 0 : index
              %get3A_618 = tpu.vector_load %arg10[%get3A_616, %get3A_617] {strides = array<i32>} : memref<1024x16xf32, #tpu.memory_space<vmem>>, vector<16xf32>,
              %mul3A_619 = arith.mulf %get3A_618, %gather3A_613 : vector<16xf32>
              %add3A_620 = arith.constant 14 : i32
              %add3A_621 = arith.addi %mul3A_399, %add3A_620 : i32
              %swap3A_622 = arith.index_cast %add3A_621 : i32 to index
              %swap3A_623 = arith.constant 0 : index
              %swap3A_624 = tpu.vector_load %arg10[%swap3A_622, %swap3A_623] {strides = array<i32>} : memref<1024x16xf32, #tpu.memory_space<vmem>>, vector<16xf32>,
              tpu.vector_store %arg10[%swap3A_622, %swap3A_623], %mul3A_619 {strides = array<i32>} : memref<1024x16xf32, #tpu.memory_space<vmem>>, vector<16xf32>,
              %broadcast_in_dim3A_625 = arith.constant 15 : i32
              %broadcast_in_dim3A_626 = vector.broadcast %broadcast_in_dim3A_625 : i32 to vector<16x1xi32>
              %gather3A_627 = vector.shape_cast %broadcast_in_dim3A_626 : vector<16x1xi32> to vector<16xi32>
              %gather3A_628 = tpu.dynamic_gather %get3A_397[%gather3A_627] in [0] : vector<16xf32>, vector<16xi32> -> vector<16xf32>
              %add3A_629 = arith.constant 15 : i32
              %add3A_630 = arith.addi %mul3A_399, %add3A_629 : i32
              %get3A_631 = arith.index_cast %add3A_630 : i32 to index
              %get3A_632 = arith.constant 0 : index
              %get3A_633 = tpu.vector_load %arg10[%get3A_631, %get3A_632] {strides = array<i32>} : memref<1024x16xf32, #tpu.memory_space<vmem>>, vector<16xf32>,
              %mul3A_634 = arith.mulf %get3A_633, %gather3A_628 : vector<16xf32>
              %add3A_635 = arith.constant 15 : i32
              %add3A_636 = arith.addi %mul3A_399, %add3A_635 : i32
              %swap3A_637 = arith.index_cast %add3A_636 : i32 to index
              %swap3A_638 = arith.constant 0 : index
              %swap3A_639 = tpu.vector_load %arg10[%swap3A_637, %swap3A_638] {strides = array<i32>} : memref<1024x16xf32, #tpu.memory_space<vmem>>, vector<16xf32>,
              tpu.vector_store %arg10[%swap3A_637, %swap3A_638], %mul3A_634 {strides = array<i32>} : memref<1024x16xf32, #tpu.memory_space<vmem>>, vector<16xf32>,
              %scan3A_640 = arith.constant 0 : i32
              scf.yield %scan3A_640 : i32
            }
            %scan3A_133 = arith.constant 64 : i32
            %mul3A_134 = arith.constant 1024 : i32
            %mul3A_135 = arith.muli %scan3A_80, %mul3A_134 : i32
            %dma_start3A_136 = tpu.memref_slice %arg8[%mul3A_135] : memref<7168xi32, #tpu.memory_space<vmem>> -> memref<1024xi32, #tpu.memory_space<vmem>>
            %dma_start3A_137 = arith.constant 0 : i32
            %dma_start3A_138 = arith.constant 0 : i32
            %dma_start3A_139 = tpu.memref_slice %arg13[%dma_start3A_137, %dma_start3A_138] : memref<50176x16xf32, #tpu.memory_space<vmem_shared>> -> memref<50176x16xf32, #tpu.memory_space<vmem_shared>>
            tpu.enqueue_indirect_dma source(%arg10 : memref<1024x16xf32, #tpu.memory_space<vmem>>) target(%dma_start3A_139 : memref<50176x16xf32, #tpu.memory_space<vmem_shared>>) offsets(%dma_start3A_136 : memref<1024xi32, #tpu.memory_space<vmem>>) semaphore(%arg16 : memref<!tpu.dma_semaphore, #tpu.memory_space<semaphore_mem>>) {add = true}
          } else {
          }
          %jit3A_94 = arith.constant 2 : i32
          %eq3A_95 = arith.constant 0 : i32
          %eq3A_96 = arith.cmpi eq, %jit3A_94, %eq3A_95 : i32
          %jit3A_97 = arith.constant 1 : i32
          %select_n3A_98 = arith.select %eq3A_96, %jit3A_97, %jit3A_94 : i32
          %rem3A_99 = arith.remsi %scan3A_80, %select_n3A_98 : i32
          %ne3A_100 = arith.constant 0 : i32
          %ne3A_101 = arith.cmpi ne, %rem3A_99, %ne3A_100 : i32
          %lt3A_102 = arith.constant 0 : i32
          %lt3A_103 = arith.cmpi slt, %rem3A_99, %lt3A_102 : i32
          %lt3A_104 = arith.constant 0 : i32
          %lt3A_105 = arith.cmpi slt, %select_n3A_98, %lt3A_104 : i32
          %ne3A_106 = arith.xori %lt3A_103, %lt3A_105 : i1
          %and3A_107 = arith.andi %ne3A_106, %ne3A_101 : i1
          %add3A_108 = arith.addi %rem3A_99, %select_n3A_98 : i32
          %select_n3A_109 = arith.select %and3A_107, %add3A_108, %rem3A_99 : i32
          %eq3A_110 = arith.constant 1 : i32
          %eq3A_111 = arith.cmpi eq, %select_n3A_109, %eq3A_110 : i32
          %convert_element_type3A_112 = arith.extui %eq3A_111 : i1 to i32
          %cond3A_113 = arith.constant 0 : i32
          %cond3A_114 = arith.cmpi ne, %convert_element_type3A_112, %cond3A_113 : i32
          scf.if %cond3A_114 {
            %mul3A_116 = arith.constant 1024 : i32
            %mul3A_117 = arith.muli %scan3A_80, %mul3A_116 : i32
            %dma_wait3A_118 = tpu.memref_slice %arg7[%mul3A_117] : memref<7168xi32, #tpu.memory_space<vmem>> -> memref<1024xi32, #tpu.memory_space<vmem>>
            %dma_wait3A_119 = arith.constant 0 : i32
            %dma_wait3A_120 = arith.constant 0 : i32
            %dma_wait3A_121 = tpu.memref_slice %arg2[%dma_wait3A_119, %dma_wait3A_120] : memref<200000x16xf32, #tpu.memory_space<hbm>> -> memref<200000x16xf32, #tpu.memory_space<hbm>>
            tpu.wait_indirect_dma semaphore(%arg15 : memref<!tpu.dma_semaphore, #tpu.memory_space<semaphore_mem>>) src(%dma_wait3A_121 : memref<200000x16xf32, #tpu.memory_space<hbm>>) dst(%arg11 : memref<1024x16xf32, #tpu.memory_space<vmem>>)
            %lt3A_122 = arith.constant 6 : i32
            %lt3A_123 = arith.cmpi slt, %scan3A_80, %lt3A_122 : i32
            %convert_element_type3A_124 = arith.extui %lt3A_123 : i1 to i32
            %cond3A_125 = arith.constant 0 : i32
            %cond3A_126 = arith.cmpi ne, %convert_element_type3A_124, %cond3A_125 : i32
            scf.if %cond3A_126 {
              %sub3A = arith.constant 1 : i32
              %sub3A_140 = arith.subi %scan3A_80, %sub3A : i32
              %mul3A_141 = arith.constant 1024 : i32
              %mul3A_142 = arith.muli %sub3A_140, %mul3A_141 : i32
              %dma_wait3A_143 = tpu.memref_slice %arg8[%mul3A_142] : memref<7168xi32, #tpu.memory_space<vmem>> -> memref<1024xi32, #tpu.memory_space<vmem>>
              %dma_wait3A_144 = arith.constant 0 : i32
              %dma_wait3A_145 = arith.constant 0 : i32
              %dma_wait3A_146 = tpu.memref_slice %arg13[%dma_wait3A_144, %dma_wait3A_145] : memref<50176x16xf32, #tpu.memory_space<vmem_shared>> -> memref<50176x16xf32, #tpu.memory_space<vmem_shared>>
              tpu.wait_indirect_dma semaphore(%arg16 : memref<!tpu.dma_semaphore, #tpu.memory_space<semaphore_mem>>) src(%arg10 : memref<1024x16xf32, #tpu.memory_space<vmem>>) dst(%dma_wait3A_146 : memref<50176x16xf32, #tpu.memory_space<vmem_shared>>)
              %add3A_147 = arith.constant 1 : i32
              %add3A_148 = arith.addi %scan3A_80, %add3A_147 : i32
              %mul3A_149 = arith.constant 1024 : i32
              %mul3A_150 = arith.muli %add3A_148, %mul3A_149 : i32
              %dma_start3A_151 = tpu.memref_slice %arg7[%mul3A_150] : memref<7168xi32, #tpu.memory_space<vmem>> -> memref<1024xi32, #tpu.memory_space<vmem>>
              %dma_start3A_152 = arith.constant 0 : i32
              %dma_start3A_153 = arith.constant 0 : i32
              %dma_start3A_154 = tpu.memref_slice %arg2[%dma_start3A_152, %dma_start3A_153] : memref<200000x16xf32, #tpu.memory_space<hbm>> -> memref<200000x16xf32, #tpu.memory_space<hbm>>
              tpu.enqueue_indirect_dma source(%dma_start3A_154 : memref<200000x16xf32, #tpu.memory_space<hbm>>) target(%arg10 : memref<1024x16xf32, #tpu.memory_space<vmem>>) offsets(%dma_start3A_151 : memref<1024xi32, #tpu.memory_space<vmem>>) semaphore(%arg14 : memref<!tpu.dma_semaphore, #tpu.memory_space<semaphore_mem>>)
            } else {
            }
            %scan3A_127 = arith.constant 0 : i32
            %scan3A_128 = arith.constant 0 : i32
            %scan3A_129 = arith.constant 64 : i32
            %scan3A_130 = arith.addi %scan3A_128, %scan3A_129 : i32
            %scan3A_131 = arith.constant 2 : i32
            %scan3A_132 = scf.for %scan3A_140 = %scan3A_128 to %scan3A_130 step %scan3A_131 iter_args(%scan3A_141 = %scan3A_127) -> (i32)  : i32 {
              %mul3A_142 = arith.constant 1024 : i32
              %mul3A_143 = arith.muli %scan3A_80, %mul3A_142 : i32
              %mul3A_144 = arith.constant 16 : i32
              %mul3A_145 = arith.muli %scan3A_140, %mul3A_144 : i32
              %add3A_146 = arith.addi %mul3A_143, %mul3A_145 : i32
              %get3A = arith.index_cast %add3A_146 : i32 to index
              %get3A_147 = tpu.vector_load %arg9[%get3A] {strides = array<i32>} : memref<7168xf32, #tpu.memory_space<vmem>>, vector<16xf32>,
              %mul3A_148 = arith.constant 16 : i32
              %mul3A_149 = arith.muli %scan3A_140, %mul3A_148 : i32
              %broadcast_in_dim3A_150 = arith.constant 0 : i32
              %broadcast_in_dim3A_151 = vector.broadcast %broadcast_in_dim3A_150 : i32 to vector<16x1xi32>
              %gather3A = vector.shape_cast %broadcast_in_dim3A_151 : vector<16x1xi32> to vector<16xi32>
              %gather3A_152 = tpu.dynamic_gather %get3A_147[%gather3A] in [0] : vector<16xf32>, vector<16xi32> -> vector<16xf32>
              %add3A_153 = arith.constant 0 : i32
              %add3A_154 = arith.addi %mul3A_149, %add3A_153 : i32
              %get3A_155 = arith.index_cast %add3A_154 : i32 to index
              %get3A_156 = arith.constant 0 : index
              %get3A_157 = tpu.vector_load %arg11[%get3A_155, %get3A_156] {strides = array<i32>} : memref<1024x16xf32, #tpu.memory_space<vmem>>, vector<16xf32>,
              %mul3A_158 = arith.mulf %get3A_157, %gather3A_152 : vector<16xf32>
              %add3A_159 = arith.constant 0 : i32
              %add3A_160 = arith.addi %mul3A_149, %add3A_159 : i32
              %swap3A = arith.index_cast %add3A_160 : i32 to index
              %swap3A_161 = arith.constant 0 : index
              %swap3A_162 = tpu.vector_load %arg11[%swap3A, %swap3A_161] {strides = array<i32>} : memref<1024x16xf32, #tpu.memory_space<vmem>>, vector<16xf32>,
              tpu.vector_store %arg11[%swap3A, %swap3A_161], %mul3A_158 {strides = array<i32>} : memref<1024x16xf32, #tpu.memory_space<vmem>>, vector<16xf32>,
              %broadcast_in_dim3A_163 = arith.constant 1 : i32
              %broadcast_in_dim3A_164 = vector.broadcast %broadcast_in_dim3A_163 : i32 to vector<16x1xi32>
              %gather3A_165 = vector.shape_cast %broadcast_in_dim3A_164 : vector<16x1xi32> to vector<16xi32>
              %gather3A_166 = tpu.dynamic_gather %get3A_147[%gather3A_165] in [0] : vector<16xf32>, vector<16xi32> -> vector<16xf32>
              %add3A_167 = arith.constant 1 : i32
              %add3A_168 = arith.addi %mul3A_149, %add3A_167 : i32
              %get3A_169 = arith.index_cast %add3A_168 : i32 to index
              %get3A_170 = arith.constant 0 : index
              %get3A_171 = tpu.vector_load %arg11[%get3A_169, %get3A_170] {strides = array<i32>} : memref<1024x16xf32, #tpu.memory_space<vmem>>, vector<16xf32>,
              %mul3A_172 = arith.mulf %get3A_171, %gather3A_166 : vector<16xf32>
              %add3A_173 = arith.constant 1 : i32
              %add3A_174 = arith.addi %mul3A_149, %add3A_173 : i32
              %swap3A_175 = arith.index_cast %add3A_174 : i32 to index
              %swap3A_176 = arith.constant 0 : index
              %swap3A_177 = tpu.vector_load %arg11[%swap3A_175, %swap3A_176] {strides = array<i32>} : memref<1024x16xf32, #tpu.memory_space<vmem>>, vector<16xf32>,
              tpu.vector_store %arg11[%swap3A_175, %swap3A_176], %mul3A_172 {strides = array<i32>} : memref<1024x16xf32, #tpu.memory_space<vmem>>, vector<16xf32>,
              %broadcast_in_dim3A_178 = arith.constant 2 : i32
              %broadcast_in_dim3A_179 = vector.broadcast %broadcast_in_dim3A_178 : i32 to vector<16x1xi32>
              %gather3A_180 = vector.shape_cast %broadcast_in_dim3A_179 : vector<16x1xi32> to vector<16xi32>
              %gather3A_181 = tpu.dynamic_gather %get3A_147[%gather3A_180] in [0] : vector<16xf32>, vector<16xi32> -> vector<16xf32>
              %add3A_182 = arith.constant 2 : i32
              %add3A_183 = arith.addi %mul3A_149, %add3A_182 : i32
              %get3A_184 = arith.index_cast %add3A_183 : i32 to index
              %get3A_185 = arith.constant 0 : index
              %get3A_186 = tpu.vector_load %arg11[%get3A_184, %get3A_185] {strides = array<i32>} : memref<1024x16xf32, #tpu.memory_space<vmem>>, vector<16xf32>,
              %mul3A_187 = arith.mulf %get3A_186, %gather3A_181 : vector<16xf32>
              %add3A_188 = arith.constant 2 : i32
              %add3A_189 = arith.addi %mul3A_149, %add3A_188 : i32
              %swap3A_190 = arith.index_cast %add3A_189 : i32 to index
              %swap3A_191 = arith.constant 0 : index
              %swap3A_192 = tpu.vector_load %arg11[%swap3A_190, %swap3A_191] {strides = array<i32>} : memref<1024x16xf32, #tpu.memory_space<vmem>>, vector<16xf32>,
              tpu.vector_store %arg11[%swap3A_190, %swap3A_191], %mul3A_187 {strides = array<i32>} : memref<1024x16xf32, #tpu.memory_space<vmem>>, vector<16xf32>,
              %broadcast_in_dim3A_193 = arith.constant 3 : i32
              %broadcast_in_dim3A_194 = vector.broadcast %broadcast_in_dim3A_193 : i32 to vector<16x1xi32>
              %gather3A_195 = vector.shape_cast %broadcast_in_dim3A_194 : vector<16x1xi32> to vector<16xi32>
              %gather3A_196 = tpu.dynamic_gather %get3A_147[%gather3A_195] in [0] : vector<16xf32>, vector<16xi32> -> vector<16xf32>
              %add3A_197 = arith.constant 3 : i32
              %add3A_198 = arith.addi %mul3A_149, %add3A_197 : i32
              %get3A_199 = arith.index_cast %add3A_198 : i32 to index
              %get3A_200 = arith.constant 0 : index
              %get3A_201 = tpu.vector_load %arg11[%get3A_199, %get3A_200] {strides = array<i32>} : memref<1024x16xf32, #tpu.memory_space<vmem>>, vector<16xf32>,
              %mul3A_202 = arith.mulf %get3A_201, %gather3A_196 : vector<16xf32>
              %add3A_203 = arith.constant 3 : i32
              %add3A_204 = arith.addi %mul3A_149, %add3A_203 : i32
              %swap3A_205 = arith.index_cast %add3A_204 : i32 to index
              %swap3A_206 = arith.constant 0 : index
              %swap3A_207 = tpu.vector_load %arg11[%swap3A_205, %swap3A_206] {strides = array<i32>} : memref<1024x16xf32, #tpu.memory_space<vmem>>, vector<16xf32>,
              tpu.vector_store %arg11[%swap3A_205, %swap3A_206], %mul3A_202 {strides = array<i32>} : memref<1024x16xf32, #tpu.memory_space<vmem>>, vector<16xf32>,
              %broadcast_in_dim3A_208 = arith.constant 4 : i32
              %broadcast_in_dim3A_209 = vector.broadcast %broadcast_in_dim3A_208 : i32 to vector<16x1xi32>
              %gather3A_210 = vector.shape_cast %broadcast_in_dim3A_209 : vector<16x1xi32> to vector<16xi32>
              %gather3A_211 = tpu.dynamic_gather %get3A_147[%gather3A_210] in [0] : vector<16xf32>, vector<16xi32> -> vector<16xf32>
              %add3A_212 = arith.constant 4 : i32
              %add3A_213 = arith.addi %mul3A_149, %add3A_212 : i32
              %get3A_214 = arith.index_cast %add3A_213 : i32 to index
              %get3A_215 = arith.constant 0 : index
              %get3A_216 = tpu.vector_load %arg11[%get3A_214, %get3A_215] {strides = array<i32>} : memref<1024x16xf32, #tpu.memory_space<vmem>>, vector<16xf32>,
              %mul3A_217 = arith.mulf %get3A_216, %gather3A_211 : vector<16xf32>
              %add3A_218 = arith.constant 4 : i32
              %add3A_219 = arith.addi %mul3A_149, %add3A_218 : i32
              %swap3A_220 = arith.index_cast %add3A_219 : i32 to index
              %swap3A_221 = arith.constant 0 : index
              %swap3A_222 = tpu.vector_load %arg11[%swap3A_220, %swap3A_221] {strides = array<i32>} : memref<1024x16xf32, #tpu.memory_space<vmem>>, vector<16xf32>,
              tpu.vector_store %arg11[%swap3A_220, %swap3A_221], %mul3A_217 {strides = array<i32>} : memref<1024x16xf32, #tpu.memory_space<vmem>>, vector<16xf32>,
              %broadcast_in_dim3A_223 = arith.constant 5 : i32
              %broadcast_in_dim3A_224 = vector.broadcast %broadcast_in_dim3A_223 : i32 to vector<16x1xi32>
              %gather3A_225 = vector.shape_cast %broadcast_in_dim3A_224 : vector<16x1xi32> to vector<16xi32>
              %gather3A_226 = tpu.dynamic_gather %get3A_147[%gather3A_225] in [0] : vector<16xf32>, vector<16xi32> -> vector<16xf32>
              %add3A_227 = arith.constant 5 : i32
              %add3A_228 = arith.addi %mul3A_149, %add3A_227 : i32
              %get3A_229 = arith.index_cast %add3A_228 : i32 to index
              %get3A_230 = arith.constant 0 : index
              %get3A_231 = tpu.vector_load %arg11[%get3A_229, %get3A_230] {strides = array<i32>} : memref<1024x16xf32, #tpu.memory_space<vmem>>, vector<16xf32>,
              %mul3A_232 = arith.mulf %get3A_231, %gather3A_226 : vector<16xf32>
              %add3A_233 = arith.constant 5 : i32
              %add3A_234 = arith.addi %mul3A_149, %add3A_233 : i32
              %swap3A_235 = arith.index_cast %add3A_234 : i32 to index
              %swap3A_236 = arith.constant 0 : index
              %swap3A_237 = tpu.vector_load %arg11[%swap3A_235, %swap3A_236] {strides = array<i32>} : memref<1024x16xf32, #tpu.memory_space<vmem>>, vector<16xf32>,
              tpu.vector_store %arg11[%swap3A_235, %swap3A_236], %mul3A_232 {strides = array<i32>} : memref<1024x16xf32, #tpu.memory_space<vmem>>, vector<16xf32>,
              %broadcast_in_dim3A_238 = arith.constant 6 : i32
              %broadcast_in_dim3A_239 = vector.broadcast %broadcast_in_dim3A_238 : i32 to vector<16x1xi32>
              %gather3A_240 = vector.shape_cast %broadcast_in_dim3A_239 : vector<16x1xi32> to vector<16xi32>
              %gather3A_241 = tpu.dynamic_gather %get3A_147[%gather3A_240] in [0] : vector<16xf32>, vector<16xi32> -> vector<16xf32>
              %add3A_242 = arith.constant 6 : i32
              %add3A_243 = arith.addi %mul3A_149, %add3A_242 : i32
              %get3A_244 = arith.index_cast %add3A_243 : i32 to index
              %get3A_245 = arith.constant 0 : index
              %get3A_246 = tpu.vector_load %arg11[%get3A_244, %get3A_245] {strides = array<i32>} : memref<1024x16xf32, #tpu.memory_space<vmem>>, vector<16xf32>,
              %mul3A_247 = arith.mulf %get3A_246, %gather3A_241 : vector<16xf32>
              %add3A_248 = arith.constant 6 : i32
              %add3A_249 = arith.addi %mul3A_149, %add3A_248 : i32
              %swap3A_250 = arith.index_cast %add3A_249 : i32 to index
              %swap3A_251 = arith.constant 0 : index
              %swap3A_252 = tpu.vector_load %arg11[%swap3A_250, %swap3A_251] {strides = array<i32>} : memref<1024x16xf32, #tpu.memory_space<vmem>>, vector<16xf32>,
              tpu.vector_store %arg11[%swap3A_250, %swap3A_251], %mul3A_247 {strides = array<i32>} : memref<1024x16xf32, #tpu.memory_space<vmem>>, vector<16xf32>,
              %broadcast_in_dim3A_253 = arith.constant 7 : i32
              %broadcast_in_dim3A_254 = vector.broadcast %broadcast_in_dim3A_253 : i32 to vector<16x1xi32>
              %gather3A_255 = vector.shape_cast %broadcast_in_dim3A_254 : vector<16x1xi32> to vector<16xi32>
              %gather3A_256 = tpu.dynamic_gather %get3A_147[%gather3A_255] in [0] : vector<16xf32>, vector<16xi32> -> vector<16xf32>
              %add3A_257 = arith.constant 7 : i32
              %add3A_258 = arith.addi %mul3A_149, %add3A_257 : i32
              %get3A_259 = arith.index_cast %add3A_258 : i32 to index
              %get3A_260 = arith.constant 0 : index
              %get3A_261 = tpu.vector_load %arg11[%get3A_259, %get3A_260] {strides = array<i32>} : memref<1024x16xf32, #tpu.memory_space<vmem>>, vector<16xf32>,
              %mul3A_262 = arith.mulf %get3A_261, %gather3A_256 : vector<16xf32>
              %add3A_263 = arith.constant 7 : i32
              %add3A_264 = arith.addi %mul3A_149, %add3A_263 : i32
              %swap3A_265 = arith.index_cast %add3A_264 : i32 to index
              %swap3A_266 = arith.constant 0 : index
              %swap3A_267 = tpu.vector_load %arg11[%swap3A_265, %swap3A_266] {strides = array<i32>} : memref<1024x16xf32, #tpu.memory_space<vmem>>, vector<16xf32>,
              tpu.vector_store %arg11[%swap3A_265, %swap3A_266], %mul3A_262 {strides = array<i32>} : memref<1024x16xf32, #tpu.memory_space<vmem>>, vector<16xf32>,
              %broadcast_in_dim3A_268 = arith.constant 8 : i32
              %broadcast_in_dim3A_269 = vector.broadcast %broadcast_in_dim3A_268 : i32 to vector<16x1xi32>
              %gather3A_270 = vector.shape_cast %broadcast_in_dim3A_269 : vector<16x1xi32> to vector<16xi32>
              %gather3A_271 = tpu.dynamic_gather %get3A_147[%gather3A_270] in [0] : vector<16xf32>, vector<16xi32> -> vector<16xf32>
              %add3A_272 = arith.constant 8 : i32
              %add3A_273 = arith.addi %mul3A_149, %add3A_272 : i32
              %get3A_274 = arith.index_cast %add3A_273 : i32 to index
              %get3A_275 = arith.constant 0 : index
              %get3A_276 = tpu.vector_load %arg11[%get3A_274, %get3A_275] {strides = array<i32>} : memref<1024x16xf32, #tpu.memory_space<vmem>>, vector<16xf32>,
              %mul3A_277 = arith.mulf %get3A_276, %gather3A_271 : vector<16xf32>
              %add3A_278 = arith.constant 8 : i32
              %add3A_279 = arith.addi %mul3A_149, %add3A_278 : i32
              %swap3A_280 = arith.index_cast %add3A_279 : i32 to index
              %swap3A_281 = arith.constant 0 : index
              %swap3A_282 = tpu.vector_load %arg11[%swap3A_280, %swap3A_281] {strides = array<i32>} : memref<1024x16xf32, #tpu.memory_space<vmem>>, vector<16xf32>,
              tpu.vector_store %arg11[%swap3A_280, %swap3A_281], %mul3A_277 {strides = array<i32>} : memref<1024x16xf32, #tpu.memory_space<vmem>>, vector<16xf32>,
              %broadcast_in_dim3A_283 = arith.constant 9 : i32
              %broadcast_in_dim3A_284 = vector.broadcast %broadcast_in_dim3A_283 : i32 to vector<16x1xi32>
              %gather3A_285 = vector.shape_cast %broadcast_in_dim3A_284 : vector<16x1xi32> to vector<16xi32>
              %gather3A_286 = tpu.dynamic_gather %get3A_147[%gather3A_285] in [0] : vector<16xf32>, vector<16xi32> -> vector<16xf32>
              %add3A_287 = arith.constant 9 : i32
              %add3A_288 = arith.addi %mul3A_149, %add3A_287 : i32
              %get3A_289 = arith.index_cast %add3A_288 : i32 to index
              %get3A_290 = arith.constant 0 : index
              %get3A_291 = tpu.vector_load %arg11[%get3A_289, %get3A_290] {strides = array<i32>} : memref<1024x16xf32, #tpu.memory_space<vmem>>, vector<16xf32>,
              %mul3A_292 = arith.mulf %get3A_291, %gather3A_286 : vector<16xf32>
              %add3A_293 = arith.constant 9 : i32
              %add3A_294 = arith.addi %mul3A_149, %add3A_293 : i32
              %swap3A_295 = arith.index_cast %add3A_294 : i32 to index
              %swap3A_296 = arith.constant 0 : index
              %swap3A_297 = tpu.vector_load %arg11[%swap3A_295, %swap3A_296] {strides = array<i32>} : memref<1024x16xf32, #tpu.memory_space<vmem>>, vector<16xf32>,
              tpu.vector_store %arg11[%swap3A_295, %swap3A_296], %mul3A_292 {strides = array<i32>} : memref<1024x16xf32, #tpu.memory_space<vmem>>, vector<16xf32>,
              %broadcast_in_dim3A_298 = arith.constant 10 : i32
              %broadcast_in_dim3A_299 = vector.broadcast %broadcast_in_dim3A_298 : i32 to vector<16x1xi32>
              %gather3A_300 = vector.shape_cast %broadcast_in_dim3A_299 : vector<16x1xi32> to vector<16xi32>
              %gather3A_301 = tpu.dynamic_gather %get3A_147[%gather3A_300] in [0] : vector<16xf32>, vector<16xi32> -> vector<16xf32>
              %add3A_302 = arith.constant 10 : i32
              %add3A_303 = arith.addi %mul3A_149, %add3A_302 : i32
              %get3A_304 = arith.index_cast %add3A_303 : i32 to index
              %get3A_305 = arith.constant 0 : index
              %get3A_306 = tpu.vector_load %arg11[%get3A_304, %get3A_305] {strides = array<i32>} : memref<1024x16xf32, #tpu.memory_space<vmem>>, vector<16xf32>,
              %mul3A_307 = arith.mulf %get3A_306, %gather3A_301 : vector<16xf32>
              %add3A_308 = arith.constant 10 : i32
              %add3A_309 = arith.addi %mul3A_149, %add3A_308 : i32
              %swap3A_310 = arith.index_cast %add3A_309 : i32 to index
              %swap3A_311 = arith.constant 0 : index
              %swap3A_312 = tpu.vector_load %arg11[%swap3A_310, %swap3A_311] {strides = array<i32>} : memref<1024x16xf32, #tpu.memory_space<vmem>>, vector<16xf32>,
              tpu.vector_store %arg11[%swap3A_310, %swap3A_311], %mul3A_307 {strides = array<i32>} : memref<1024x16xf32, #tpu.memory_space<vmem>>, vector<16xf32>,
              %broadcast_in_dim3A_313 = arith.constant 11 : i32
              %broadcast_in_dim3A_314 = vector.broadcast %broadcast_in_dim3A_313 : i32 to vector<16x1xi32>
              %gather3A_315 = vector.shape_cast %broadcast_in_dim3A_314 : vector<16x1xi32> to vector<16xi32>
              %gather3A_316 = tpu.dynamic_gather %get3A_147[%gather3A_315] in [0] : vector<16xf32>, vector<16xi32> -> vector<16xf32>
              %add3A_317 = arith.constant 11 : i32
              %add3A_318 = arith.addi %mul3A_149, %add3A_317 : i32
              %get3A_319 = arith.index_cast %add3A_318 : i32 to index
              %get3A_320 = arith.constant 0 : index
              %get3A_321 = tpu.vector_load %arg11[%get3A_319, %get3A_320] {strides = array<i32>} : memref<1024x16xf32, #tpu.memory_space<vmem>>, vector<16xf32>,
              %mul3A_322 = arith.mulf %get3A_321, %gather3A_316 : vector<16xf32>
              %add3A_323 = arith.constant 11 : i32
              %add3A_324 = arith.addi %mul3A_149, %add3A_323 : i32
              %swap3A_325 = arith.index_cast %add3A_324 : i32 to index
              %swap3A_326 = arith.constant 0 : index
              %swap3A_327 = tpu.vector_load %arg11[%swap3A_325, %swap3A_326] {strides = array<i32>} : memref<1024x16xf32, #tpu.memory_space<vmem>>, vector<16xf32>,
              tpu.vector_store %arg11[%swap3A_325, %swap3A_326], %mul3A_322 {strides = array<i32>} : memref<1024x16xf32, #tpu.memory_space<vmem>>, vector<16xf32>,
              %broadcast_in_dim3A_328 = arith.constant 12 : i32
              %broadcast_in_dim3A_329 = vector.broadcast %broadcast_in_dim3A_328 : i32 to vector<16x1xi32>
              %gather3A_330 = vector.shape_cast %broadcast_in_dim3A_329 : vector<16x1xi32> to vector<16xi32>
              %gather3A_331 = tpu.dynamic_gather %get3A_147[%gather3A_330] in [0] : vector<16xf32>, vector<16xi32> -> vector<16xf32>
              %add3A_332 = arith.constant 12 : i32
              %add3A_333 = arith.addi %mul3A_149, %add3A_332 : i32
              %get3A_334 = arith.index_cast %add3A_333 : i32 to index
              %get3A_335 = arith.constant 0 : index
              %get3A_336 = tpu.vector_load %arg11[%get3A_334, %get3A_335] {strides = array<i32>} : memref<1024x16xf32, #tpu.memory_space<vmem>>, vector<16xf32>,
              %mul3A_337 = arith.mulf %get3A_336, %gather3A_331 : vector<16xf32>
              %add3A_338 = arith.constant 12 : i32
              %add3A_339 = arith.addi %mul3A_149, %add3A_338 : i32
              %swap3A_340 = arith.index_cast %add3A_339 : i32 to index
              %swap3A_341 = arith.constant 0 : index
              %swap3A_342 = tpu.vector_load %arg11[%swap3A_340, %swap3A_341] {strides = array<i32>} : memref<1024x16xf32, #tpu.memory_space<vmem>>, vector<16xf32>,
              tpu.vector_store %arg11[%swap3A_340, %swap3A_341], %mul3A_337 {strides = array<i32>} : memref<1024x16xf32, #tpu.memory_space<vmem>>, vector<16xf32>,
              %broadcast_in_dim3A_343 = arith.constant 13 : i32
              %broadcast_in_dim3A_344 = vector.broadcast %broadcast_in_dim3A_343 : i32 to vector<16x1xi32>
              %gather3A_345 = vector.shape_cast %broadcast_in_dim3A_344 : vector<16x1xi32> to vector<16xi32>
              %gather3A_346 = tpu.dynamic_gather %get3A_147[%gather3A_345] in [0] : vector<16xf32>, vector<16xi32> -> vector<16xf32>
              %add3A_347 = arith.constant 13 : i32
              %add3A_348 = arith.addi %mul3A_149, %add3A_347 : i32
              %get3A_349 = arith.index_cast %add3A_348 : i32 to index
              %get3A_350 = arith.constant 0 : index
              %get3A_351 = tpu.vector_load %arg11[%get3A_349, %get3A_350] {strides = array<i32>} : memref<1024x16xf32, #tpu.memory_space<vmem>>, vector<16xf32>,
              %mul3A_352 = arith.mulf %get3A_351, %gather3A_346 : vector<16xf32>
              %add3A_353 = arith.constant 13 : i32
              %add3A_354 = arith.addi %mul3A_149, %add3A_353 : i32
              %swap3A_355 = arith.index_cast %add3A_354 : i32 to index
              %swap3A_356 = arith.constant 0 : index
              %swap3A_357 = tpu.vector_load %arg11[%swap3A_355, %swap3A_356] {strides = array<i32>} : memref<1024x16xf32, #tpu.memory_space<vmem>>, vector<16xf32>,
              tpu.vector_store %arg11[%swap3A_355, %swap3A_356], %mul3A_352 {strides = array<i32>} : memref<1024x16xf32, #tpu.memory_space<vmem>>, vector<16xf32>,
              %broadcast_in_dim3A_358 = arith.constant 14 : i32
              %broadcast_in_dim3A_359 = vector.broadcast %broadcast_in_dim3A_358 : i32 to vector<16x1xi32>
              %gather3A_360 = vector.shape_cast %broadcast_in_dim3A_359 : vector<16x1xi32> to vector<16xi32>
              %gather3A_361 = tpu.dynamic_gather %get3A_147[%gather3A_360] in [0] : vector<16xf32>, vector<16xi32> -> vector<16xf32>
              %add3A_362 = arith.constant 14 : i32
              %add3A_363 = arith.addi %mul3A_149, %add3A_362 : i32
              %get3A_364 = arith.index_cast %add3A_363 : i32 to index
              %get3A_365 = arith.constant 0 : index
              %get3A_366 = tpu.vector_load %arg11[%get3A_364, %get3A_365] {strides = array<i32>} : memref<1024x16xf32, #tpu.memory_space<vmem>>, vector<16xf32>,
              %mul3A_367 = arith.mulf %get3A_366, %gather3A_361 : vector<16xf32>
              %add3A_368 = arith.constant 14 : i32
              %add3A_369 = arith.addi %mul3A_149, %add3A_368 : i32
              %swap3A_370 = arith.index_cast %add3A_369 : i32 to index
              %swap3A_371 = arith.constant 0 : index
              %swap3A_372 = tpu.vector_load %arg11[%swap3A_370, %swap3A_371] {strides = array<i32>} : memref<1024x16xf32, #tpu.memory_space<vmem>>, vector<16xf32>,
              tpu.vector_store %arg11[%swap3A_370, %swap3A_371], %mul3A_367 {strides = array<i32>} : memref<1024x16xf32, #tpu.memory_space<vmem>>, vector<16xf32>,
              %broadcast_in_dim3A_373 = arith.constant 15 : i32
              %broadcast_in_dim3A_374 = vector.broadcast %broadcast_in_dim3A_373 : i32 to vector<16x1xi32>
              %gather3A_375 = vector.shape_cast %broadcast_in_dim3A_374 : vector<16x1xi32> to vector<16xi32>
              %gather3A_376 = tpu.dynamic_gather %get3A_147[%gather3A_375] in [0] : vector<16xf32>, vector<16xi32> -> vector<16xf32>
              %add3A_377 = arith.constant 15 : i32
              %add3A_378 = arith.addi %mul3A_149, %add3A_377 : i32
              %get3A_379 = arith.index_cast %add3A_378 : i32 to index
              %get3A_380 = arith.constant 0 : index
              %get3A_381 = tpu.vector_load %arg11[%get3A_379, %get3A_380] {strides = array<i32>} : memref<1024x16xf32, #tpu.memory_space<vmem>>, vector<16xf32>,
              %mul3A_382 = arith.mulf %get3A_381, %gather3A_376 : vector<16xf32>
              %add3A_383 = arith.constant 15 : i32
              %add3A_384 = arith.addi %mul3A_149, %add3A_383 : i32
              %swap3A_385 = arith.index_cast %add3A_384 : i32 to index
              %swap3A_386 = arith.constant 0 : index
              %swap3A_387 = tpu.vector_load %arg11[%swap3A_385, %swap3A_386] {strides = array<i32>} : memref<1024x16xf32, #tpu.memory_space<vmem>>, vector<16xf32>,
              tpu.vector_store %arg11[%swap3A_385, %swap3A_386], %mul3A_382 {strides = array<i32>} : memref<1024x16xf32, #tpu.memory_space<vmem>>, vector<16xf32>,
              %scan3A_388 = arith.constant 0 : i32
              %scan3A_389 = arith.constant 1 : i32
              %scan3A_390 = arith.addi %scan3A_140, %scan3A_389 : i32
              %mul3A_391 = arith.constant 1024 : i32
              %mul3A_392 = arith.muli %scan3A_80, %mul3A_391 : i32
              %mul3A_393 = arith.constant 16 : i32
              %mul3A_394 = arith.muli %scan3A_390, %mul3A_393 : i32
              %add3A_395 = arith.addi %mul3A_392, %mul3A_394 : i32
              %get3A_396 = arith.index_cast %add3A_395 : i32 to index
              %get3A_397 = tpu.vector_load %arg9[%get3A_396] {strides = array<i32>} : memref<7168xf32, #tpu.memory_space<vmem>>, vector<16xf32>,
              %mul3A_398 = arith.constant 16 : i32
              %mul3A_399 = arith.muli %scan3A_390, %mul3A_398 : i32
              %broadcast_in_dim3A_400 = arith.constant 0 : i32
              %broadcast_in_dim3A_401 = vector.broadcast %broadcast_in_dim3A_400 : i32 to vector<16x1xi32>
              %gather3A_402 = vector.shape_cast %broadcast_in_dim3A_401 : vector<16x1xi32> to vector<16xi32>
              %gather3A_403 = tpu.dynamic_gather %get3A_397[%gather3A_402] in [0] : vector<16xf32>, vector<16xi32> -> vector<16xf32>
              %add3A_404 = arith.constant 0 : i32
              %add3A_405 = arith.addi %mul3A_399, %add3A_404 : i32
              %get3A_406 = arith.index_cast %add3A_405 : i32 to index
              %get3A_407 = arith.constant 0 : index
              %get3A_408 = tpu.vector_load %arg11[%get3A_406, %get3A_407] {strides = array<i32>} : memref<1024x16xf32, #tpu.memory_space<vmem>>, vector<16xf32>,
              %mul3A_409 = arith.mulf %get3A_408, %gather3A_403 : vector<16xf32>
              %add3A_410 = arith.constant 0 : i32
              %add3A_411 = arith.addi %mul3A_399, %add3A_410 : i32
              %swap3A_412 = arith.index_cast %add3A_411 : i32 to index
              %swap3A_413 = arith.constant 0 : index
              %swap3A_414 = tpu.vector_load %arg11[%swap3A_412, %swap3A_413] {strides = array<i32>} : memref<1024x16xf32, #tpu.memory_space<vmem>>, vector<16xf32>,
              tpu.vector_store %arg11[%swap3A_412, %swap3A_413], %mul3A_409 {strides = array<i32>} : memref<1024x16xf32, #tpu.memory_space<vmem>>, vector<16xf32>,
              %broadcast_in_dim3A_415 = arith.constant 1 : i32
              %broadcast_in_dim3A_416 = vector.broadcast %broadcast_in_dim3A_415 : i32 to vector<16x1xi32>
              %gather3A_417 = vector.shape_cast %broadcast_in_dim3A_416 : vector<16x1xi32> to vector<16xi32>
              %gather3A_418 = tpu.dynamic_gather %get3A_397[%gather3A_417] in [0] : vector<16xf32>, vector<16xi32> -> vector<16xf32>
              %add3A_419 = arith.constant 1 : i32
              %add3A_420 = arith.addi %mul3A_399, %add3A_419 : i32
              %get3A_421 = arith.index_cast %add3A_420 : i32 to index
              %get3A_422 = arith.constant 0 : index
              %get3A_423 = tpu.vector_load %arg11[%get3A_421, %get3A_422] {strides = array<i32>} : memref<1024x16xf32, #tpu.memory_space<vmem>>, vector<16xf32>,
              %mul3A_424 = arith.mulf %get3A_423, %gather3A_418 : vector<16xf32>
              %add3A_425 = arith.constant 1 : i32
              %add3A_426 = arith.addi %mul3A_399, %add3A_425 : i32
              %swap3A_427 = arith.index_cast %add3A_426 : i32 to index
              %swap3A_428 = arith.constant 0 : index
              %swap3A_429 = tpu.vector_load %arg11[%swap3A_427, %swap3A_428] {strides = array<i32>} : memref<1024x16xf32, #tpu.memory_space<vmem>>, vector<16xf32>,
              tpu.vector_store %arg11[%swap3A_427, %swap3A_428], %mul3A_424 {strides = array<i32>} : memref<1024x16xf32, #tpu.memory_space<vmem>>, vector<16xf32>,
              %broadcast_in_dim3A_430 = arith.constant 2 : i32
              %broadcast_in_dim3A_431 = vector.broadcast %broadcast_in_dim3A_430 : i32 to vector<16x1xi32>
              %gather3A_432 = vector.shape_cast %broadcast_in_dim3A_431 : vector<16x1xi32> to vector<16xi32>
              %gather3A_433 = tpu.dynamic_gather %get3A_397[%gather3A_432] in [0] : vector<16xf32>, vector<16xi32> -> vector<16xf32>
              %add3A_434 = arith.constant 2 : i32
              %add3A_435 = arith.addi %mul3A_399, %add3A_434 : i32
              %get3A_436 = arith.index_cast %add3A_435 : i32 to index
              %get3A_437 = arith.constant 0 : index
              %get3A_438 = tpu.vector_load %arg11[%get3A_436, %get3A_437] {strides = array<i32>} : memref<1024x16xf32, #tpu.memory_space<vmem>>, vector<16xf32>,
              %mul3A_439 = arith.mulf %get3A_438, %gather3A_433 : vector<16xf32>
              %add3A_440 = arith.constant 2 : i32
              %add3A_441 = arith.addi %mul3A_399, %add3A_440 : i32
              %swap3A_442 = arith.index_cast %add3A_441 : i32 to index
              %swap3A_443 = arith.constant 0 : index
              %swap3A_444 = tpu.vector_load %arg11[%swap3A_442, %swap3A_443] {strides = array<i32>} : memref<1024x16xf32, #tpu.memory_space<vmem>>, vector<16xf32>,
              tpu.vector_store %arg11[%swap3A_442, %swap3A_443], %mul3A_439 {strides = array<i32>} : memref<1024x16xf32, #tpu.memory_space<vmem>>, vector<16xf32>,
              %broadcast_in_dim3A_445 = arith.constant 3 : i32
              %broadcast_in_dim3A_446 = vector.broadcast %broadcast_in_dim3A_445 : i32 to vector<16x1xi32>
              %gather3A_447 = vector.shape_cast %broadcast_in_dim3A_446 : vector<16x1xi32> to vector<16xi32>
              %gather3A_448 = tpu.dynamic_gather %get3A_397[%gather3A_447] in [0] : vector<16xf32>, vector<16xi32> -> vector<16xf32>
              %add3A_449 = arith.constant 3 : i32
              %add3A_450 = arith.addi %mul3A_399, %add3A_449 : i32
              %get3A_451 = arith.index_cast %add3A_450 : i32 to index
              %get3A_452 = arith.constant 0 : index
              %get3A_453 = tpu.vector_load %arg11[%get3A_451, %get3A_452] {strides = array<i32>} : memref<1024x16xf32, #tpu.memory_space<vmem>>, vector<16xf32>,
              %mul3A_454 = arith.mulf %get3A_453, %gather3A_448 : vector<16xf32>
              %add3A_455 = arith.constant 3 : i32
              %add3A_456 = arith.addi %mul3A_399, %add3A_455 : i32
              %swap3A_457 = arith.index_cast %add3A_456 : i32 to index
              %swap3A_458 = arith.constant 0 : index
              %swap3A_459 = tpu.vector_load %arg11[%swap3A_457, %swap3A_458] {strides = array<i32>} : memref<1024x16xf32, #tpu.memory_space<vmem>>, vector<16xf32>,
              tpu.vector_store %arg11[%swap3A_457, %swap3A_458], %mul3A_454 {strides = array<i32>} : memref<1024x16xf32, #tpu.memory_space<vmem>>, vector<16xf32>,
              %broadcast_in_dim3A_460 = arith.constant 4 : i32
              %broadcast_in_dim3A_461 = vector.broadcast %broadcast_in_dim3A_460 : i32 to vector<16x1xi32>
              %gather3A_462 = vector.shape_cast %broadcast_in_dim3A_461 : vector<16x1xi32> to vector<16xi32>
              %gather3A_463 = tpu.dynamic_gather %get3A_397[%gather3A_462] in [0] : vector<16xf32>, vector<16xi32> -> vector<16xf32>
              %add3A_464 = arith.constant 4 : i32
              %add3A_465 = arith.addi %mul3A_399, %add3A_464 : i32
              %get3A_466 = arith.index_cast %add3A_465 : i32 to index
              %get3A_467 = arith.constant 0 : index
              %get3A_468 = tpu.vector_load %arg11[%get3A_466, %get3A_467] {strides = array<i32>} : memref<1024x16xf32, #tpu.memory_space<vmem>>, vector<16xf32>,
              %mul3A_469 = arith.mulf %get3A_468, %gather3A_463 : vector<16xf32>
              %add3A_470 = arith.constant 4 : i32
              %add3A_471 = arith.addi %mul3A_399, %add3A_470 : i32
              %swap3A_472 = arith.index_cast %add3A_471 : i32 to index
              %swap3A_473 = arith.constant 0 : index
              %swap3A_474 = tpu.vector_load %arg11[%swap3A_472, %swap3A_473] {strides = array<i32>} : memref<1024x16xf32, #tpu.memory_space<vmem>>, vector<16xf32>,
              tpu.vector_store %arg11[%swap3A_472, %swap3A_473], %mul3A_469 {strides = array<i32>} : memref<1024x16xf32, #tpu.memory_space<vmem>>, vector<16xf32>,
              %broadcast_in_dim3A_475 = arith.constant 5 : i32
              %broadcast_in_dim3A_476 = vector.broadcast %broadcast_in_dim3A_475 : i32 to vector<16x1xi32>
              %gather3A_477 = vector.shape_cast %broadcast_in_dim3A_476 : vector<16x1xi32> to vector<16xi32>
              %gather3A_478 = tpu.dynamic_gather %get3A_397[%gather3A_477] in [0] : vector<16xf32>, vector<16xi32> -> vector<16xf32>
              %add3A_479 = arith.constant 5 : i32
              %add3A_480 = arith.addi %mul3A_399, %add3A_479 : i32
              %get3A_481 = arith.index_cast %add3A_480 : i32 to index
              %get3A_482 = arith.constant 0 : index
              %get3A_483 = tpu.vector_load %arg11[%get3A_481, %get3A_482] {strides = array<i32>} : memref<1024x16xf32, #tpu.memory_space<vmem>>, vector<16xf32>,
              %mul3A_484 = arith.mulf %get3A_483, %gather3A_478 : vector<16xf32>
              %add3A_485 = arith.constant 5 : i32
              %add3A_486 = arith.addi %mul3A_399, %add3A_485 : i32
              %swap3A_487 = arith.index_cast %add3A_486 : i32 to index
              %swap3A_488 = arith.constant 0 : index
              %swap3A_489 = tpu.vector_load %arg11[%swap3A_487, %swap3A_488] {strides = array<i32>} : memref<1024x16xf32, #tpu.memory_space<vmem>>, vector<16xf32>,
              tpu.vector_store %arg11[%swap3A_487, %swap3A_488], %mul3A_484 {strides = array<i32>} : memref<1024x16xf32, #tpu.memory_space<vmem>>, vector<16xf32>,
              %broadcast_in_dim3A_490 = arith.constant 6 : i32
              %broadcast_in_dim3A_491 = vector.broadcast %broadcast_in_dim3A_490 : i32 to vector<16x1xi32>
              %gather3A_492 = vector.shape_cast %broadcast_in_dim3A_491 : vector<16x1xi32> to vector<16xi32>
              %gather3A_493 = tpu.dynamic_gather %get3A_397[%gather3A_492] in [0] : vector<16xf32>, vector<16xi32> -> vector<16xf32>
              %add3A_494 = arith.constant 6 : i32
              %add3A_495 = arith.addi %mul3A_399, %add3A_494 : i32
              %get3A_496 = arith.index_cast %add3A_495 : i32 to index
              %get3A_497 = arith.constant 0 : index
              %get3A_498 = tpu.vector_load %arg11[%get3A_496, %get3A_497] {strides = array<i32>} : memref<1024x16xf32, #tpu.memory_space<vmem>>, vector<16xf32>,
              %mul3A_499 = arith.mulf %get3A_498, %gather3A_493 : vector<16xf32>
              %add3A_500 = arith.constant 6 : i32
              %add3A_501 = arith.addi %mul3A_399, %add3A_500 : i32
              %swap3A_502 = arith.index_cast %add3A_501 : i32 to index
              %swap3A_503 = arith.constant 0 : index
              %swap3A_504 = tpu.vector_load %arg11[%swap3A_502, %swap3A_503] {strides = array<i32>} : memref<1024x16xf32, #tpu.memory_space<vmem>>, vector<16xf32>,
              tpu.vector_store %arg11[%swap3A_502, %swap3A_503], %mul3A_499 {strides = array<i32>} : memref<1024x16xf32, #tpu.memory_space<vmem>>, vector<16xf32>,
              %broadcast_in_dim3A_505 = arith.constant 7 : i32
              %broadcast_in_dim3A_506 = vector.broadcast %broadcast_in_dim3A_505 : i32 to vector<16x1xi32>
              %gather3A_507 = vector.shape_cast %broadcast_in_dim3A_506 : vector<16x1xi32> to vector<16xi32>
              %gather3A_508 = tpu.dynamic_gather %get3A_397[%gather3A_507] in [0] : vector<16xf32>, vector<16xi32> -> vector<16xf32>
              %add3A_509 = arith.constant 7 : i32
              %add3A_510 = arith.addi %mul3A_399, %add3A_509 : i32
              %get3A_511 = arith.index_cast %add3A_510 : i32 to index
              %get3A_512 = arith.constant 0 : index
              %get3A_513 = tpu.vector_load %arg11[%get3A_511, %get3A_512] {strides = array<i32>} : memref<1024x16xf32, #tpu.memory_space<vmem>>, vector<16xf32>,
              %mul3A_514 = arith.mulf %get3A_513, %gather3A_508 : vector<16xf32>
              %add3A_515 = arith.constant 7 : i32
              %add3A_516 = arith.addi %mul3A_399, %add3A_515 : i32
              %swap3A_517 = arith.index_cast %add3A_516 : i32 to index
              %swap3A_518 = arith.constant 0 : index
              %swap3A_519 = tpu.vector_load %arg11[%swap3A_517, %swap3A_518] {strides = array<i32>} : memref<1024x16xf32, #tpu.memory_space<vmem>>, vector<16xf32>,
              tpu.vector_store %arg11[%swap3A_517, %swap3A_518], %mul3A_514 {strides = array<i32>} : memref<1024x16xf32, #tpu.memory_space<vmem>>, vector<16xf32>,
              %broadcast_in_dim3A_520 = arith.constant 8 : i32
              %broadcast_in_dim3A_521 = vector.broadcast %broadcast_in_dim3A_520 : i32 to vector<16x1xi32>
              %gather3A_522 = vector.shape_cast %broadcast_in_dim3A_521 : vector<16x1xi32> to vector<16xi32>
              %gather3A_523 = tpu.dynamic_gather %get3A_397[%gather3A_522] in [0] : vector<16xf32>, vector<16xi32> -> vector<16xf32>
              %add3A_524 = arith.constant 8 : i32
              %add3A_525 = arith.addi %mul3A_399, %add3A_524 : i32
              %get3A_526 = arith.index_cast %add3A_525 : i32 to index
              %get3A_527 = arith.constant 0 : index
              %get3A_528 = tpu.vector_load %arg11[%get3A_526, %get3A_527] {strides = array<i32>} : memref<1024x16xf32, #tpu.memory_space<vmem>>, vector<16xf32>,
              %mul3A_529 = arith.mulf %get3A_528, %gather3A_523 : vector<16xf32>
              %add3A_530 = arith.constant 8 : i32
              %add3A_531 = arith.addi %mul3A_399, %add3A_530 : i32
              %swap3A_532 = arith.index_cast %add3A_531 : i32 to index
              %swap3A_533 = arith.constant 0 : index
              %swap3A_534 = tpu.vector_load %arg11[%swap3A_532, %swap3A_533] {strides = array<i32>} : memref<1024x16xf32, #tpu.memory_space<vmem>>, vector<16xf32>,
              tpu.vector_store %arg11[%swap3A_532, %swap3A_533], %mul3A_529 {strides = array<i32>} : memref<1024x16xf32, #tpu.memory_space<vmem>>, vector<16xf32>,
              %broadcast_in_dim3A_535 = arith.constant 9 : i32
              %broadcast_in_dim3A_536 = vector.broadcast %broadcast_in_dim3A_535 : i32 to vector<16x1xi32>
              %gather3A_537 = vector.shape_cast %broadcast_in_dim3A_536 : vector<16x1xi32> to vector<16xi32>
              %gather3A_538 = tpu.dynamic_gather %get3A_397[%gather3A_537] in [0] : vector<16xf32>, vector<16xi32> -> vector<16xf32>
              %add3A_539 = arith.constant 9 : i32
              %add3A_540 = arith.addi %mul3A_399, %add3A_539 : i32
              %get3A_541 = arith.index_cast %add3A_540 : i32 to index
              %get3A_542 = arith.constant 0 : index
              %get3A_543 = tpu.vector_load %arg11[%get3A_541, %get3A_542] {strides = array<i32>} : memref<1024x16xf32, #tpu.memory_space<vmem>>, vector<16xf32>,
              %mul3A_544 = arith.mulf %get3A_543, %gather3A_538 : vector<16xf32>
              %add3A_545 = arith.constant 9 : i32
              %add3A_546 = arith.addi %mul3A_399, %add3A_545 : i32
              %swap3A_547 = arith.index_cast %add3A_546 : i32 to index
              %swap3A_548 = arith.constant 0 : index
              %swap3A_549 = tpu.vector_load %arg11[%swap3A_547, %swap3A_548] {strides = array<i32>} : memref<1024x16xf32, #tpu.memory_space<vmem>>, vector<16xf32>,
              tpu.vector_store %arg11[%swap3A_547, %swap3A_548], %mul3A_544 {strides = array<i32>} : memref<1024x16xf32, #tpu.memory_space<vmem>>, vector<16xf32>,
              %broadcast_in_dim3A_550 = arith.constant 10 : i32
              %broadcast_in_dim3A_551 = vector.broadcast %broadcast_in_dim3A_550 : i32 to vector<16x1xi32>
              %gather3A_552 = vector.shape_cast %broadcast_in_dim3A_551 : vector<16x1xi32> to vector<16xi32>
              %gather3A_553 = tpu.dynamic_gather %get3A_397[%gather3A_552] in [0] : vector<16xf32>, vector<16xi32> -> vector<16xf32>
              %add3A_554 = arith.constant 10 : i32
              %add3A_555 = arith.addi %mul3A_399, %add3A_554 : i32
              %get3A_556 = arith.index_cast %add3A_555 : i32 to index
              %get3A_557 = arith.constant 0 : index
              %get3A_558 = tpu.vector_load %arg11[%get3A_556, %get3A_557] {strides = array<i32>} : memref<1024x16xf32, #tpu.memory_space<vmem>>, vector<16xf32>,
              %mul3A_559 = arith.mulf %get3A_558, %gather3A_553 : vector<16xf32>
              %add3A_560 = arith.constant 10 : i32
              %add3A_561 = arith.addi %mul3A_399, %add3A_560 : i32
              %swap3A_562 = arith.index_cast %add3A_561 : i32 to index
              %swap3A_563 = arith.constant 0 : index
              %swap3A_564 = tpu.vector_load %arg11[%swap3A_562, %swap3A_563] {strides = array<i32>} : memref<1024x16xf32, #tpu.memory_space<vmem>>, vector<16xf32>,
              tpu.vector_store %arg11[%swap3A_562, %swap3A_563], %mul3A_559 {strides = array<i32>} : memref<1024x16xf32, #tpu.memory_space<vmem>>, vector<16xf32>,
              %broadcast_in_dim3A_565 = arith.constant 11 : i32
              %broadcast_in_dim3A_566 = vector.broadcast %broadcast_in_dim3A_565 : i32 to vector<16x1xi32>
              %gather3A_567 = vector.shape_cast %broadcast_in_dim3A_566 : vector<16x1xi32> to vector<16xi32>
              %gather3A_568 = tpu.dynamic_gather %get3A_397[%gather3A_567] in [0] : vector<16xf32>, vector<16xi32> -> vector<16xf32>
              %add3A_569 = arith.constant 11 : i32
              %add3A_570 = arith.addi %mul3A_399, %add3A_569 : i32
              %get3A_571 = arith.index_cast %add3A_570 : i32 to index
              %get3A_572 = arith.constant 0 : index
              %get3A_573 = tpu.vector_load %arg11[%get3A_571, %get3A_572] {strides = array<i32>} : memref<1024x16xf32, #tpu.memory_space<vmem>>, vector<16xf32>,
              %mul3A_574 = arith.mulf %get3A_573, %gather3A_568 : vector<16xf32>
              %add3A_575 = arith.constant 11 : i32
              %add3A_576 = arith.addi %mul3A_399, %add3A_575 : i32
              %swap3A_577 = arith.index_cast %add3A_576 : i32 to index
              %swap3A_578 = arith.constant 0 : index
              %swap3A_579 = tpu.vector_load %arg11[%swap3A_577, %swap3A_578] {strides = array<i32>} : memref<1024x16xf32, #tpu.memory_space<vmem>>, vector<16xf32>,
              tpu.vector_store %arg11[%swap3A_577, %swap3A_578], %mul3A_574 {strides = array<i32>} : memref<1024x16xf32, #tpu.memory_space<vmem>>, vector<16xf32>,
              %broadcast_in_dim3A_580 = arith.constant 12 : i32
              %broadcast_in_dim3A_581 = vector.broadcast %broadcast_in_dim3A_580 : i32 to vector<16x1xi32>
              %gather3A_582 = vector.shape_cast %broadcast_in_dim3A_581 : vector<16x1xi32> to vector<16xi32>
              %gather3A_583 = tpu.dynamic_gather %get3A_397[%gather3A_582] in [0] : vector<16xf32>, vector<16xi32> -> vector<16xf32>
              %add3A_584 = arith.constant 12 : i32
              %add3A_585 = arith.addi %mul3A_399, %add3A_584 : i32
              %get3A_586 = arith.index_cast %add3A_585 : i32 to index
              %get3A_587 = arith.constant 0 : index
              %get3A_588 = tpu.vector_load %arg11[%get3A_586, %get3A_587] {strides = array<i32>} : memref<1024x16xf32, #tpu.memory_space<vmem>>, vector<16xf32>,
              %mul3A_589 = arith.mulf %get3A_588, %gather3A_583 : vector<16xf32>
              %add3A_590 = arith.constant 12 : i32
              %add3A_591 = arith.addi %mul3A_399, %add3A_590 : i32
              %swap3A_592 = arith.index_cast %add3A_591 : i32 to index
              %swap3A_593 = arith.constant 0 : index
              %swap3A_594 = tpu.vector_load %arg11[%swap3A_592, %swap3A_593] {strides = array<i32>} : memref<1024x16xf32, #tpu.memory_space<vmem>>, vector<16xf32>,
              tpu.vector_store %arg11[%swap3A_592, %swap3A_593], %mul3A_589 {strides = array<i32>} : memref<1024x16xf32, #tpu.memory_space<vmem>>, vector<16xf32>,
              %broadcast_in_dim3A_595 = arith.constant 13 : i32
              %broadcast_in_dim3A_596 = vector.broadcast %broadcast_in_dim3A_595 : i32 to vector<16x1xi32>
              %gather3A_597 = vector.shape_cast %broadcast_in_dim3A_596 : vector<16x1xi32> to vector<16xi32>
              %gather3A_598 = tpu.dynamic_gather %get3A_397[%gather3A_597] in [0] : vector<16xf32>, vector<16xi32> -> vector<16xf32>
              %add3A_599 = arith.constant 13 : i32
              %add3A_600 = arith.addi %mul3A_399, %add3A_599 : i32
              %get3A_601 = arith.index_cast %add3A_600 : i32 to index
              %get3A_602 = arith.constant 0 : index
              %get3A_603 = tpu.vector_load %arg11[%get3A_601, %get3A_602] {strides = array<i32>} : memref<1024x16xf32, #tpu.memory_space<vmem>>, vector<16xf32>,
              %mul3A_604 = arith.mulf %get3A_603, %gather3A_598 : vector<16xf32>
              %add3A_605 = arith.constant 13 : i32
              %add3A_606 = arith.addi %mul3A_399, %add3A_605 : i32
              %swap3A_607 = arith.index_cast %add3A_606 : i32 to index
              %swap3A_608 = arith.constant 0 : index
              %swap3A_609 = tpu.vector_load %arg11[%swap3A_607, %swap3A_608] {strides = array<i32>} : memref<1024x16xf32, #tpu.memory_space<vmem>>, vector<16xf32>,
              tpu.vector_store %arg11[%swap3A_607, %swap3A_608], %mul3A_604 {strides = array<i32>} : memref<1024x16xf32, #tpu.memory_space<vmem>>, vector<16xf32>,
              %broadcast_in_dim3A_610 = arith.constant 14 : i32
              %broadcast_in_dim3A_611 = vector.broadcast %broadcast_in_dim3A_610 : i32 to vector<16x1xi32>
              %gather3A_612 = vector.shape_cast %broadcast_in_dim3A_611 : vector<16x1xi32> to vector<16xi32>
              %gather3A_613 = tpu.dynamic_gather %get3A_397[%gather3A_612] in [0] : vector<16xf32>, vector<16xi32> -> vector<16xf32>
              %add3A_614 = arith.constant 14 : i32
              %add3A_615 = arith.addi %mul3A_399, %add3A_614 : i32
              %get3A_616 = arith.index_cast %add3A_615 : i32 to index
              %get3A_617 = arith.constant 0 : index
              %get3A_618 = tpu.vector_load %arg11[%get3A_616, %get3A_617] {strides = array<i32>} : memref<1024x16xf32, #tpu.memory_space<vmem>>, vector<16xf32>,
              %mul3A_619 = arith.mulf %get3A_618, %gather3A_613 : vector<16xf32>
              %add3A_620 = arith.constant 14 : i32
              %add3A_621 = arith.addi %mul3A_399, %add3A_620 : i32
              %swap3A_622 = arith.index_cast %add3A_621 : i32 to index
              %swap3A_623 = arith.constant 0 : index
              %swap3A_624 = tpu.vector_load %arg11[%swap3A_622, %swap3A_623] {strides = array<i32>} : memref<1024x16xf32, #tpu.memory_space<vmem>>, vector<16xf32>,
              tpu.vector_store %arg11[%swap3A_622, %swap3A_623], %mul3A_619 {strides = array<i32>} : memref<1024x16xf32, #tpu.memory_space<vmem>>, vector<16xf32>,
              %broadcast_in_dim3A_625 = arith.constant 15 : i32
              %broadcast_in_dim3A_626 = vector.broadcast %broadcast_in_dim3A_625 : i32 to vector<16x1xi32>
              %gather3A_627 = vector.shape_cast %broadcast_in_dim3A_626 : vector<16x1xi32> to vector<16xi32>
              %gather3A_628 = tpu.dynamic_gather %get3A_397[%gather3A_627] in [0] : vector<16xf32>, vector<16xi32> -> vector<16xf32>
              %add3A_629 = arith.constant 15 : i32
              %add3A_630 = arith.addi %mul3A_399, %add3A_629 : i32
              %get3A_631 = arith.index_cast %add3A_630 : i32 to index
              %get3A_632 = arith.constant 0 : index
              %get3A_633 = tpu.vector_load %arg11[%get3A_631, %get3A_632] {strides = array<i32>} : memref<1024x16xf32, #tpu.memory_space<vmem>>, vector<16xf32>,
              %mul3A_634 = arith.mulf %get3A_633, %gather3A_628 : vector<16xf32>
              %add3A_635 = arith.constant 15 : i32
              %add3A_636 = arith.addi %mul3A_399, %add3A_635 : i32
              %swap3A_637 = arith.index_cast %add3A_636 : i32 to index
              %swap3A_638 = arith.constant 0 : index
              %swap3A_639 = tpu.vector_load %arg11[%swap3A_637, %swap3A_638] {strides = array<i32>} : memref<1024x16xf32, #tpu.memory_space<vmem>>, vector<16xf32>,
              tpu.vector_store %arg11[%swap3A_637, %swap3A_638], %mul3A_634 {strides = array<i32>} : memref<1024x16xf32, #tpu.memory_space<vmem>>, vector<16xf32>,
              %scan3A_640 = arith.constant 0 : i32
              scf.yield %scan3A_640 : i32
            }
            %scan3A_133 = arith.constant 64 : i32
            %mul3A_134 = arith.constant 1024 : i32
            %mul3A_135 = arith.muli %scan3A_80, %mul3A_134 : i32
            %dma_start3A_136 = tpu.memref_slice %arg8[%mul3A_135] : memref<7168xi32, #tpu.memory_space<vmem>> -> memref<1024xi32, #tpu.memory_space<vmem>>
            %dma_start3A_137 = arith.constant 0 : i32
            %dma_start3A_138 = arith.constant 0 : i32
            %dma_start3A_139 = tpu.memref_slice %arg13[%dma_start3A_137, %dma_start3A_138] : memref<50176x16xf32, #tpu.memory_space<vmem_shared>> -> memref<50176x16xf32, #tpu.memory_space<vmem_shared>>
            tpu.enqueue_indirect_dma source(%arg11 : memref<1024x16xf32, #tpu.memory_space<vmem>>) target(%dma_start3A_139 : memref<50176x16xf32, #tpu.memory_space<vmem_shared>>) offsets(%dma_start3A_136 : memref<1024xi32, #tpu.memory_space<vmem>>) semaphore(%arg17 : memref<!tpu.dma_semaphore, #tpu.memory_space<semaphore_mem>>) {add = true}
          } else {
          }
          %scan3A_115 = arith.constant 0 : i32
          scf.yield %scan3A_115 : i32
        }
        %scan3A_69 = arith.constant 7 : i32
        %dma_wait3A = arith.constant 5120 : i32
        %dma_wait3A_70 = tpu.memref_slice %arg8[%dma_wait3A] : memref<7168xi32, #tpu.memory_space<vmem>> -> memref<1024xi32, #tpu.memory_space<vmem>>
        %dma_wait3A_71 = arith.constant 0 : i32
        %dma_wait3A_72 = arith.constant 0 : i32
        %dma_wait3A_73 = tpu.memref_slice %arg13[%dma_wait3A_71, %dma_wait3A_72] : memref<50176x16xf32, #tpu.memory_space<vmem_shared>> -> memref<50176x16xf32, #tpu.memory_space<vmem_shared>>
        tpu.wait_indirect_dma semaphore(%arg17 : memref<!tpu.dma_semaphore, #tpu.memory_space<semaphore_mem>>) src(%arg11 : memref<1024x16xf32, #tpu.memory_space<vmem>>) dst(%dma_wait3A_73 : memref<50176x16xf32, #tpu.memory_space<vmem_shared>>)
        %dma_wait3A_74 = arith.constant 6144 : i32
        %dma_wait3A_75 = tpu.memref_slice %arg8[%dma_wait3A_74] : memref<7168xi32, #tpu.memory_space<vmem>> -> memref<1024xi32, #tpu.memory_space<vmem>>
        %dma_wait3A_76 = arith.constant 0 : i32
        %dma_wait3A_77 = arith.constant 0 : i32
        %dma_wait3A_78 = tpu.memref_slice %arg13[%dma_wait3A_76, %dma_wait3A_77] : memref<50176x16xf32, #tpu.memory_space<vmem_shared>> -> memref<50176x16xf32, #tpu.memory_space<vmem_shared>>
        tpu.wait_indirect_dma semaphore(%arg16 : memref<!tpu.dma_semaphore, #tpu.memory_space<semaphore_mem>>) src(%arg10 : memref<1024x16xf32, #tpu.memory_space<vmem>>) dst(%dma_wait3A_78 : memref<50176x16xf32, #tpu.memory_space<vmem_shared>>)
        %scan3A_79 = arith.constant 0 : i32
        scf.yield %scan3A_79 : i32
      }
      %scan3A_33 = arith.constant 7 : i32
      %barrier3A_34 = arith.constant 0 : index
      tpu.barrier barrier_id(%barrier3A_34)
      %scan3A_35 = arith.constant 0 : i32
      %scan3A_36 = arith.constant 0 : i32
      %scan3A_37 = arith.constant 8 : i32
      %scan3A_38 = arith.addi %scan3A_36, %scan3A_37 : i32
      %scan3A_39 = arith.constant 1 : i32
      %scan3A_40 = scf.for %scan3A_43 = %scan3A_36 to %scan3A_38 step %scan3A_39 iter_args(%scan3A_44 = %scan3A_35) -> (i32)  : i32 {
        %mul3A_45 = arith.constant 3136 : i32
        %mul3A_46 = arith.muli %arg1, %mul3A_45 : i32
        %mul3A_47 = arith.constant 392 : i32
        %mul3A_48 = arith.muli %scan3A_43, %mul3A_47 : i32
        %add3A_49 = arith.addi %mul3A_46, %mul3A_48 : i32
        "tpu.region"() ({
          %run_scoped3A = tpu.sem_alloc : memref<!tpu.dma_semaphore, #tpu.memory_space<semaphore_mem>>
          %dma_start3A = arith.constant 0 : i32
          %dma_start3A_51 = tpu.memref_slice %arg13[%add3A_49, %dma_start3A] : memref<50176x16xf32, #tpu.memory_space<vmem_shared>> -> memref<392x16xf32, #tpu.memory_space<vmem_shared>>
          %dma_start3A_52 = arith.constant 0 : i32
          %dma_start3A_53 = tpu.memref_slice %arg13[%add3A_49, %dma_start3A_52] : memref<50176x16xf32, #tpu.memory_space<vmem_shared>> -> memref<392x16xf32, #tpu.memory_space<vmem_shared>>
          tpu.enqueue_dma source(%dma_start3A_53 : memref<392x16xf32, #tpu.memory_space<vmem_shared>>) target(%arg12 : memref<392x16xf32, #tpu.memory_space<vmem>>) target_semaphore(%run_scoped3A : memref<!tpu.dma_semaphore, #tpu.memory_space<semaphore_mem>>)
          %dma_wait3A = arith.constant 0 : i32
          %dma_wait3A_54 = tpu.memref_slice %arg13[%add3A_49, %dma_wait3A] : memref<50176x16xf32, #tpu.memory_space<vmem_shared>> -> memref<392x16xf32, #tpu.memory_space<vmem_shared>>
          %dma_wait3A_55 = arith.constant 0 : i32
          %dma_wait3A_56 = tpu.memref_slice %arg13[%add3A_49, %dma_wait3A_55] : memref<50176x16xf32, #tpu.memory_space<vmem_shared>> -> memref<392x16xf32, #tpu.memory_space<vmem_shared>>
          tpu.wait_dma2 semaphore(%run_scoped3A : memref<!tpu.dma_semaphore, #tpu.memory_space<semaphore_mem>>) src(%dma_wait3A_56 : memref<392x16xf32, #tpu.memory_space<vmem_shared>>) dst(%arg12 : memref<392x16xf32, #tpu.memory_space<vmem>>)
          tpu.yield
        }) : () -> ()
        "tpu.region"() ({
          %run_scoped3A = tpu.sem_alloc : memref<!tpu.dma_semaphore, #tpu.memory_space<semaphore_mem>>
          %dma_start3A = arith.constant 0 : i32
          %dma_start3A_51 = tpu.memref_slice %arg6[%add3A, %add3A_49, %dma_start3A] : memref<4x50176x16xf32, #tpu.memory_space<hbm>> -> memref<1x392x16xf32, #tpu.memory_space<hbm>>
          %dma_start3A_52 = tpu.memref_squeeze %dma_start3A_51 : memref<1x392x16xf32, #tpu.memory_space<hbm>> -> memref<392x16xf32, #tpu.memory_space<hbm>>
          %dma_start3A_53 = arith.constant 0 : i32
          %dma_start3A_54 = tpu.memref_slice %arg6[%add3A, %add3A_49, %dma_start3A_53] : memref<4x50176x16xf32, #tpu.memory_space<hbm>> -> memref<1x392x16xf32, #tpu.memory_space<hbm>>
          %dma_start3A_55 = tpu.memref_squeeze %dma_start3A_54 : memref<1x392x16xf32, #tpu.memory_space<hbm>> -> memref<392x16xf32, #tpu.memory_space<hbm>>
          tpu.enqueue_dma source(%arg12 : memref<392x16xf32, #tpu.memory_space<vmem>>) target(%dma_start3A_55 : memref<392x16xf32, #tpu.memory_space<hbm>>) target_semaphore(%run_scoped3A : memref<!tpu.dma_semaphore, #tpu.memory_space<semaphore_mem>>)
          %dma_wait3A = arith.constant 0 : i32
          %dma_wait3A_56 = tpu.memref_slice %arg6[%add3A, %add3A_49, %dma_wait3A] : memref<4x50176x16xf32, #tpu.memory_space<hbm>> -> memref<1x392x16xf32, #tpu.memory_space<hbm>>
          %dma_wait3A_57 = tpu.memref_squeeze %dma_wait3A_56 : memref<1x392x16xf32, #tpu.memory_space<hbm>> -> memref<392x16xf32, #tpu.memory_space<hbm>>
          %dma_wait3A_58 = arith.constant 0 : i32
          %dma_wait3A_59 = tpu.memref_slice %arg6[%add3A, %add3A_49, %dma_wait3A_58] : memref<4x50176x16xf32, #tpu.memory_space<hbm>> -> memref<1x392x16xf32, #tpu.memory_space<hbm>>
          %dma_wait3A_60 = tpu.memref_squeeze %dma_wait3A_59 : memref<1x392x16xf32, #tpu.memory_space<hbm>> -> memref<392x16xf32, #tpu.memory_space<hbm>>
          tpu.wait_dma2 semaphore(%run_scoped3A : memref<!tpu.dma_semaphore, #tpu.memory_space<semaphore_mem>>) src(%arg12 : memref<392x16xf32, #tpu.memory_space<vmem>>) dst(%dma_wait3A_60 : memref<392x16xf32, #tpu.memory_space<hbm>>)
          tpu.yield
        }) : () -> ()
        %scan3A_50 = arith.constant 0 : i32
        scf.yield %scan3A_50 : i32
      }
      %scan3A_41 = arith.constant 8 : i32
      %scan3A_42 = arith.constant 0 : i32
      scf.yield %scan3A_42 : i32
    }
    %scan3A_6 = arith.constant 2 : i32
    return
  }
}

module attributes {stable_mosaic.version = 14 : i64} {
  func.func @_dense_body(%arg0: i32, %arg1: memref<20x128xf32, #tpu.memory_space<vmem>>, %arg2: memref<128x128xf32, #tpu.memory_space<vmem>>, %arg3: memref<128xf32, #tpu.memory_space<vmem>>, %arg4: memref<128x1280xf32, #tpu.memory_space<vmem>>, %arg5: memref<1x1280xf32, #tpu.memory_space<vmem>>, %arg6: memref<20x1280xf32, #tpu.memory_space<vmem>>, %arg7: memref<20x128xf32, #tpu.memory_space<vmem>>) attributes {dimension_semantics = [#tpu.dimension_semantics<arbitrary>], iteration_bounds = array<i64: 125>, scalar_prefetch = 0 : i64, scratch_operands = 1 : i64, tpu.core_type = #tpu.core_type<tc>, window_params = [{pipeline_mode = #tpu.pipeline_mode<synchronous>, transform_indices = @transform_0, window_bounds = array<i64: 20, 128>}, {pipeline_mode = #tpu.pipeline_mode<synchronous>, transform_indices = @transform_1, window_bounds = array<i64: 128, 128>}, {pipeline_mode = #tpu.pipeline_mode<synchronous>, transform_indices = @transform_2, window_bounds = array<i64: 128>}, {transform_indices = @transform_3, window_bounds = array<i64: 128, 1280>}, {transform_indices = @transform_4, window_bounds = array<i64: 1, 1280>}, {transform_indices = @transform_5, window_bounds = array<i64: 20, 1280>}]} {
    %eq3A = arith.constant 0 : i32
    %eq3A_0 = arith.cmpi eq, %arg0, %eq3A : i32
    %convert_element_type3A = arith.extui %eq3A_0 : i1 to i32
    %cond3A = arith.constant 0 : i32
    %cond3A_1 = arith.cmpi ne, %convert_element_type3A, %cond3A : i32
    scf.if %cond3A_1 {
      %get3A_18 = arith.constant 0 : index
      %get3A_19 = arith.constant 0 : index
      %get3A_20 = vector.load %arg1[%get3A_18, %get3A_19] : memref<20x128xf32, #tpu.memory_space<vmem>>, vector<20x128xf32>
      %get3A_21 = arith.constant 0 : index
      %get3A_22 = arith.constant 0 : index
      %get3A_23 = vector.load %arg2[%get3A_21, %get3A_22] : memref<128x128xf32, #tpu.memory_space<vmem>>, vector<128x128xf32>
      %dot_general3A_24 = arith.constant dense<0.000000e+00> : vector<20x128xf32>
      %dot_general3A_25 = tpu.matmul %get3A_20, %get3A_23, %dot_general3A_24 {dimension_numbers = #tpu.dot_dimension_numbers<[1], [0], [0], [1], [0, 0, 1, 1], [], []>, transpose_lhs_hint = false} : vector<20x128xf32>, vector<128x128xf32>, vector<20x128xf32> -> vector<20x128xf32>
      %get3A_26 = arith.constant 0 : index
      %get3A_27 = vector.load %arg3[%get3A_26] : memref<128xf32, #tpu.memory_space<vmem>>, vector<128xf32>
      %broadcast_in_dim3A = vector.shape_cast %get3A_27 : vector<128xf32> to vector<1x128xf32>
      %add3A_28 = vector.broadcast %broadcast_in_dim3A : vector<1x128xf32> to vector<20x128xf32>
      %add3A_29 = arith.addf %dot_general3A_25, %add3A_28 : vector<20x128xf32>
      %gt3A_30 = arith.constant 0.000000e+00 : f32
      %gt3A_31 = vector.broadcast %gt3A_30 : f32 to vector<20x128xf32>
      %gt3A_32 = arith.cmpf ogt, %add3A_29, %gt3A_31 : vector<20x128xf32>
      %exp3A_33 = math.exp %add3A_29 : vector<20x128xf32>
      %sub3A_34 = arith.constant 1.000000e+00 : f32
      %sub3A_35 = vector.broadcast %sub3A_34 : f32 to vector<20x128xf32>
      %sub3A_36 = arith.subf %exp3A_33, %sub3A_35 : vector<20x128xf32>
      %select_n3A_37 = arith.select %gt3A_32, %add3A_29, %sub3A_36 : vector<20x128xi1>, vector<20x128xf32>
      %swap3A_38 = arith.constant 0 : index
      %swap3A_39 = arith.constant 0 : index
      %swap3A_40 = vector.load %arg7[%swap3A_38, %swap3A_39] : memref<20x128xf32, #tpu.memory_space<vmem>>, vector<20x128xf32>
      tpu.vector_store %arg7[%swap3A_38, %swap3A_39], %select_n3A_37 {strides = array<i32>} : memref<20x128xf32, #tpu.memory_space<vmem>>, vector<20x128xf32>,
    } else {
    }
    %get3A = arith.constant 0 : index
    %get3A_2 = arith.constant 0 : index
    %get3A_3 = vector.load %arg7[%get3A, %get3A_2] : memref<20x128xf32, #tpu.memory_space<vmem>>, vector<20x128xf32>
    %get3A_4 = arith.constant 0 : index
    %get3A_5 = arith.constant 0 : index
    %get3A_6 = vector.load %arg4[%get3A_4, %get3A_5] : memref<128x1280xf32, #tpu.memory_space<vmem>>, vector<128x1280xf32>
    %dot_general3A = arith.constant dense<0.000000e+00> : vector<20x1280xf32>
    %dot_general3A_7 = tpu.matmul %get3A_3, %get3A_6, %dot_general3A {dimension_numbers = #tpu.dot_dimension_numbers<[1], [0], [0], [1], [0, 0, 1, 1], [], []>, transpose_lhs_hint = false} : vector<20x128xf32>, vector<128x1280xf32>, vector<20x1280xf32> -> vector<20x1280xf32>
    %get3A_8 = arith.constant 0 : index
    %get3A_9 = arith.constant 0 : index
    %get3A_10 = vector.load %arg5[%get3A_8, %get3A_9] : memref<1x1280xf32, #tpu.memory_space<vmem>>, vector<1x1280xf32>
    %add3A = vector.broadcast %get3A_10 : vector<1x1280xf32> to vector<20x1280xf32>
    %add3A_11 = arith.addf %dot_general3A_7, %add3A : vector<20x1280xf32>
    %gt3A = arith.constant 0.000000e+00 : f32
    %gt3A_12 = vector.broadcast %gt3A : f32 to vector<20x1280xf32>
    %gt3A_13 = arith.cmpf ogt, %add3A_11, %gt3A_12 : vector<20x1280xf32>
    %exp3A = math.exp %add3A_11 : vector<20x1280xf32>
    %sub3A = arith.constant 1.000000e+00 : f32
    %sub3A_14 = vector.broadcast %sub3A : f32 to vector<20x1280xf32>
    %sub3A_15 = arith.subf %exp3A, %sub3A_14 : vector<20x1280xf32>
    %select_n3A = arith.select %gt3A_13, %add3A_11, %sub3A_15 : vector<20x1280xi1>, vector<20x1280xf32>
    %swap3A = arith.constant 0 : index
    %swap3A_16 = arith.constant 0 : index
    %swap3A_17 = vector.load %arg6[%swap3A, %swap3A_16] : memref<20x1280xf32, #tpu.memory_space<vmem>>, vector<20x1280xf32>
    tpu.vector_store %arg6[%swap3A, %swap3A_16], %select_n3A {strides = array<i32>} : memref<20x1280xf32, #tpu.memory_space<vmem>>, vector<20x1280xf32>,
    return
  }
  func.func @transform_0(%arg0: i32) -> (i32, i32) {
    %c0_i32 = arith.constant 0 : i32
    %c0_i32_0 = arith.constant 0 : i32
    %c0_i32_1 = arith.constant 0 : i32
    return %c0_i32, %c0_i32_0 : i32, i32
  }
  func.func @transform_1(%arg0: i32) -> (i32, i32) {
    %c0_i32 = arith.constant 0 : i32
    %c0_i32_0 = arith.constant 0 : i32
    %c0_i32_1 = arith.constant 0 : i32
    return %c0_i32, %c0_i32_0 : i32, i32
  }
  func.func @transform_2(%arg0: i32) -> i32 {
    %c0_i32 = arith.constant 0 : i32
    %c0_i32_0 = arith.constant 0 : i32
    return %c0_i32 : i32
  }
  func.func @transform_3(%arg0: i32) -> (i32, i32) {
    %c0_i32 = arith.constant 0 : i32
    %c0_i32_0 = arith.constant 0 : i32
    return %c0_i32, %arg0 : i32, i32
  }
  func.func @transform_4(%arg0: i32) -> (i32, i32) {
    %c0_i32 = arith.constant 0 : i32
    %c0_i32_0 = arith.constant 0 : i32
    return %c0_i32, %arg0 : i32, i32
  }
  func.func @transform_5(%arg0: i32) -> (i32, i32) {
    %c0_i32 = arith.constant 0 : i32
    %c0_i32_0 = arith.constant 0 : i32
    return %c0_i32, %arg0 : i32, i32
  }
}

module attributes {stable_mosaic.version = 14 : i64} {
  func.func @_pre_body(%arg0: i32, %arg1: memref<2048xf32, #tpu.memory_space<vmem>>, %arg2: memref<2048x64xf32, #tpu.memory_space<vmem>>, %arg3: memref<64x64xf32, #tpu.memory_space<vmem>>, %arg4: memref<4x2048x16xf32, #tpu.memory_space<vmem>>) attributes {dimension_semantics = [#tpu.dimension_semantics<arbitrary>], iteration_bounds = array<i64: 25>, scalar_prefetch = 0 : i64, scratch_operands = 0 : i64, tpu.core_type = #tpu.core_type<tc>, window_params = [{transform_indices = @transform_0, window_bounds = array<i64: 2048>}, {transform_indices = @transform_1, window_bounds = array<i64: 2048, 64>}, {pipeline_mode = #tpu.pipeline_mode<synchronous>, transform_indices = @transform_2, window_bounds = array<i64: 64, 64>}, {transform_indices = @transform_3, window_bounds = array<i64: 4, 2048, 16>}]} {
    %get3A = arith.constant 0 : index
    %get3A_0 = vector.load %arg1[%get3A] : memref<2048xf32, #tpu.memory_space<vmem>>, vector<2048xf32>
    %add3A = arith.constant 1.000000e+00 : f32
    %add3A_1 = vector.broadcast %add3A : f32 to vector<2048xf32>
    %add3A_2 = arith.addf %add3A_1, %get3A_0 : vector<2048xf32>
    %rsqrt3A = math.rsqrt %add3A_2 : vector<2048xf32>
    %broadcast_in_dim3A = vector.shape_cast %rsqrt3A : vector<2048xf32> to vector<2048x1xf32>
    %broadcast_in_dim3A_3 = vector.broadcast %broadcast_in_dim3A : vector<2048x1xf32> to vector<2048x64xf32>
    %get3A_4 = arith.constant 0 : index
    %get3A_5 = arith.constant 0 : index
    %get3A_6 = vector.load %arg2[%get3A_4, %get3A_5] : memref<2048x64xf32, #tpu.memory_space<vmem>>, vector<2048x64xf32>
    %get3A_7 = arith.constant 0 : index
    %get3A_8 = arith.constant 0 : index
    %get3A_9 = vector.load %arg3[%get3A_7, %get3A_8] : memref<64x64xf32, #tpu.memory_space<vmem>>, vector<64x64xf32>
    %dot_general3A = arith.constant dense<0.000000e+00> : vector<2048x64xf32>
    %dot_general3A_10 = tpu.matmul %get3A_6, %get3A_9, %dot_general3A {dimension_numbers = #tpu.dot_dimension_numbers<[1], [0], [0], [1], [0, 0, 1, 1], [], []>, transpose_lhs_hint = false} : vector<2048x64xf32>, vector<64x64xf32>, vector<2048x64xf32> -> vector<2048x64xf32>
    %mul3A = arith.mulf %broadcast_in_dim3A_3, %dot_general3A_10 : vector<2048x64xf32>
    %slice3A = vector.extract_strided_slice %mul3A {offsets = [0, 0], sizes = [2048, 16], strides = [1, 1]} : vector<2048x64xf32> to vector<2048x16xf32>
    %swap3A = arith.constant 0 : index
    %swap3A_11 = arith.constant 0 : index
    %swap3A_12 = arith.constant 0 : index
    %swap3A_13 = vector.load %arg4[%swap3A, %swap3A_11, %swap3A_12] : memref<4x2048x16xf32, #tpu.memory_space<vmem>>, vector<1x2048x16xf32>
    %swap3A_14 = vector.shape_cast %swap3A_13 : vector<1x2048x16xf32> to vector<2048x16xf32>
    %swap3A_15 = vector.shape_cast %slice3A : vector<2048x16xf32> to vector<1x2048x16xf32>
    tpu.vector_store %arg4[%swap3A, %swap3A_11, %swap3A_12], %swap3A_15 {strides = array<i32>} : memref<4x2048x16xf32, #tpu.memory_space<vmem>>, vector<1x2048x16xf32>,
    %slice3A_16 = vector.extract_strided_slice %mul3A {offsets = [0, 16], sizes = [2048, 16], strides = [1, 1]} : vector<2048x64xf32> to vector<2048x16xf32>
    %swap3A_17 = arith.constant 1 : index
    %swap3A_18 = arith.constant 0 : index
    %swap3A_19 = arith.constant 0 : index
    %swap3A_20 = vector.load %arg4[%swap3A_17, %swap3A_18, %swap3A_19] : memref<4x2048x16xf32, #tpu.memory_space<vmem>>, vector<1x2048x16xf32>
    %swap3A_21 = vector.shape_cast %swap3A_20 : vector<1x2048x16xf32> to vector<2048x16xf32>
    %swap3A_22 = vector.shape_cast %slice3A_16 : vector<2048x16xf32> to vector<1x2048x16xf32>
    tpu.vector_store %arg4[%swap3A_17, %swap3A_18, %swap3A_19], %swap3A_22 {strides = array<i32>} : memref<4x2048x16xf32, #tpu.memory_space<vmem>>, vector<1x2048x16xf32>,
    %slice3A_23 = vector.extract_strided_slice %mul3A {offsets = [0, 32], sizes = [2048, 16], strides = [1, 1]} : vector<2048x64xf32> to vector<2048x16xf32>
    %swap3A_24 = arith.constant 2 : index
    %swap3A_25 = arith.constant 0 : index
    %swap3A_26 = arith.constant 0 : index
    %swap3A_27 = vector.load %arg4[%swap3A_24, %swap3A_25, %swap3A_26] : memref<4x2048x16xf32, #tpu.memory_space<vmem>>, vector<1x2048x16xf32>
    %swap3A_28 = vector.shape_cast %swap3A_27 : vector<1x2048x16xf32> to vector<2048x16xf32>
    %swap3A_29 = vector.shape_cast %slice3A_23 : vector<2048x16xf32> to vector<1x2048x16xf32>
    tpu.vector_store %arg4[%swap3A_24, %swap3A_25, %swap3A_26], %swap3A_29 {strides = array<i32>} : memref<4x2048x16xf32, #tpu.memory_space<vmem>>, vector<1x2048x16xf32>,
    %slice3A_30 = vector.extract_strided_slice %mul3A {offsets = [0, 48], sizes = [2048, 16], strides = [1, 1]} : vector<2048x64xf32> to vector<2048x16xf32>
    %swap3A_31 = arith.constant 3 : index
    %swap3A_32 = arith.constant 0 : index
    %swap3A_33 = arith.constant 0 : index
    %swap3A_34 = vector.load %arg4[%swap3A_31, %swap3A_32, %swap3A_33] : memref<4x2048x16xf32, #tpu.memory_space<vmem>>, vector<1x2048x16xf32>
    %swap3A_35 = vector.shape_cast %swap3A_34 : vector<1x2048x16xf32> to vector<2048x16xf32>
    %swap3A_36 = vector.shape_cast %slice3A_30 : vector<2048x16xf32> to vector<1x2048x16xf32>
    tpu.vector_store %arg4[%swap3A_31, %swap3A_32, %swap3A_33], %swap3A_36 {strides = array<i32>} : memref<4x2048x16xf32, #tpu.memory_space<vmem>>, vector<1x2048x16xf32>,
    return
  }
  func.func @transform_0(%arg0: i32) -> i32 {
    %c0_i32 = arith.constant 0 : i32
    return %arg0 : i32
  }
  func.func @transform_1(%arg0: i32) -> (i32, i32) {
    %c0_i32 = arith.constant 0 : i32
    %c0_i32_0 = arith.constant 0 : i32
    return %arg0, %c0_i32 : i32, i32
  }
  func.func @transform_2(%arg0: i32) -> (i32, i32) {
    %c0_i32 = arith.constant 0 : i32
    %c0_i32_0 = arith.constant 0 : i32
    %c0_i32_1 = arith.constant 0 : i32
    return %c0_i32, %c0_i32_0 : i32, i32
  }
  func.func @transform_3(%arg0: i32) -> (i32, i32, i32) {
    %c0_i32 = arith.constant 0 : i32
    %c0_i32_0 = arith.constant 0 : i32
    %c0_i32_1 = arith.constant 0 : i32
    return %c0_i32, %arg0, %c0_i32_0 : i32, i32, i32
  }
}

module attributes {stable_mosaic.version = 14 : i64} {
  func.func @_mid_body(%arg0: i32, %arg1: memref<4x2048x16xf32, #tpu.memory_space<vmem>>, %arg2: memref<4x2048x16xf32, #tpu.memory_space<vmem>>, %arg3: memref<2048xf32, #tpu.memory_space<vmem>>, %arg4: memref<64xf32, #tpu.memory_space<vmem>>, %arg5: memref<2048x64xf32, #tpu.memory_space<vmem>>, %arg6: memref<64x64xf32, #tpu.memory_space<vmem>>, %arg7: memref<4x2048x16xf32, #tpu.memory_space<vmem>>) attributes {dimension_semantics = [#tpu.dimension_semantics<arbitrary>], iteration_bounds = array<i64: 25>, scalar_prefetch = 0 : i64, scratch_operands = 0 : i64, tpu.core_type = #tpu.core_type<tc>, window_params = [{transform_indices = @transform_0, window_bounds = array<i64: 4, 2048, 16>}, {transform_indices = @transform_1, window_bounds = array<i64: 4, 2048, 16>}, {transform_indices = @transform_2, window_bounds = array<i64: 2048>}, {pipeline_mode = #tpu.pipeline_mode<synchronous>, transform_indices = @transform_3, window_bounds = array<i64: 64>}, {transform_indices = @transform_4, window_bounds = array<i64: 2048, 64>}, {pipeline_mode = #tpu.pipeline_mode<synchronous>, transform_indices = @transform_5, window_bounds = array<i64: 64, 64>}, {transform_indices = @transform_6, window_bounds = array<i64: 4, 2048, 16>}]} {
    %get3A = arith.constant 0 : index
    %get3A_0 = vector.load %arg3[%get3A] : memref<2048xf32, #tpu.memory_space<vmem>>, vector<2048xf32>
    %add3A = arith.constant 1.000000e+00 : f32
    %add3A_1 = vector.broadcast %add3A : f32 to vector<2048xf32>
    %add3A_2 = arith.addf %add3A_1, %get3A_0 : vector<2048xf32>
    %rsqrt3A = math.rsqrt %add3A_2 : vector<2048xf32>
    %broadcast_in_dim3A = vector.shape_cast %rsqrt3A : vector<2048xf32> to vector<2048x1xf32>
    %broadcast_in_dim3A_3 = vector.broadcast %broadcast_in_dim3A : vector<2048x1xf32> to vector<2048x64xf32>
    %get3A_4 = arith.constant 0 : index
    %get3A_5 = arith.constant 0 : index
    %get3A_6 = arith.constant 0 : index
    %get3A_7 = vector.load %arg1[%get3A_4, %get3A_5, %get3A_6] : memref<4x2048x16xf32, #tpu.memory_space<vmem>>, vector<1x2048x16xf32>
    %get3A_8 = vector.shape_cast %get3A_7 : vector<1x2048x16xf32> to vector<2048x16xf32>
    %get3A_9 = arith.constant 1 : index
    %get3A_10 = arith.constant 0 : index
    %get3A_11 = arith.constant 0 : index
    %get3A_12 = vector.load %arg1[%get3A_9, %get3A_10, %get3A_11] : memref<4x2048x16xf32, #tpu.memory_space<vmem>>, vector<1x2048x16xf32>
    %get3A_13 = vector.shape_cast %get3A_12 : vector<1x2048x16xf32> to vector<2048x16xf32>
    %get3A_14 = arith.constant 2 : index
    %get3A_15 = arith.constant 0 : index
    %get3A_16 = arith.constant 0 : index
    %get3A_17 = vector.load %arg1[%get3A_14, %get3A_15, %get3A_16] : memref<4x2048x16xf32, #tpu.memory_space<vmem>>, vector<1x2048x16xf32>
    %get3A_18 = vector.shape_cast %get3A_17 : vector<1x2048x16xf32> to vector<2048x16xf32>
    %get3A_19 = arith.constant 3 : index
    %get3A_20 = arith.constant 0 : index
    %get3A_21 = arith.constant 0 : index
    %get3A_22 = vector.load %arg1[%get3A_19, %get3A_20, %get3A_21] : memref<4x2048x16xf32, #tpu.memory_space<vmem>>, vector<1x2048x16xf32>
    %get3A_23 = vector.shape_cast %get3A_22 : vector<1x2048x16xf32> to vector<2048x16xf32>
    %concatenate3A = tpu.concatenate %get3A_8, %get3A_13, %get3A_18, %get3A_23 in 1 : vector<2048x16xf32>, vector<2048x16xf32>, vector<2048x16xf32>, vector<2048x16xf32> -> vector<2048x64xf32>
    %get3A_24 = arith.constant 0 : index
    %get3A_25 = arith.constant 0 : index
    %get3A_26 = arith.constant 0 : index
    %get3A_27 = vector.load %arg2[%get3A_24, %get3A_25, %get3A_26] : memref<4x2048x16xf32, #tpu.memory_space<vmem>>, vector<1x2048x16xf32>
    %get3A_28 = vector.shape_cast %get3A_27 : vector<1x2048x16xf32> to vector<2048x16xf32>
    %get3A_29 = arith.constant 1 : index
    %get3A_30 = arith.constant 0 : index
    %get3A_31 = arith.constant 0 : index
    %get3A_32 = vector.load %arg2[%get3A_29, %get3A_30, %get3A_31] : memref<4x2048x16xf32, #tpu.memory_space<vmem>>, vector<1x2048x16xf32>
    %get3A_33 = vector.shape_cast %get3A_32 : vector<1x2048x16xf32> to vector<2048x16xf32>
    %get3A_34 = arith.constant 2 : index
    %get3A_35 = arith.constant 0 : index
    %get3A_36 = arith.constant 0 : index
    %get3A_37 = vector.load %arg2[%get3A_34, %get3A_35, %get3A_36] : memref<4x2048x16xf32, #tpu.memory_space<vmem>>, vector<1x2048x16xf32>
    %get3A_38 = vector.shape_cast %get3A_37 : vector<1x2048x16xf32> to vector<2048x16xf32>
    %get3A_39 = arith.constant 3 : index
    %get3A_40 = arith.constant 0 : index
    %get3A_41 = arith.constant 0 : index
    %get3A_42 = vector.load %arg2[%get3A_39, %get3A_40, %get3A_41] : memref<4x2048x16xf32, #tpu.memory_space<vmem>>, vector<1x2048x16xf32>
    %get3A_43 = vector.shape_cast %get3A_42 : vector<1x2048x16xf32> to vector<2048x16xf32>
    %concatenate3A_44 = tpu.concatenate %get3A_28, %get3A_33, %get3A_38, %get3A_43 in 1 : vector<2048x16xf32>, vector<2048x16xf32>, vector<2048x16xf32>, vector<2048x16xf32> -> vector<2048x64xf32>
    %add3A_45 = arith.addf %concatenate3A, %concatenate3A_44 : vector<2048x64xf32>
    %mul3A = arith.mulf %broadcast_in_dim3A_3, %add3A_45 : vector<2048x64xf32>
    %get3A_46 = arith.constant 0 : index
    %get3A_47 = vector.load %arg4[%get3A_46] : memref<64xf32, #tpu.memory_space<vmem>>, vector<64xf32>
    %broadcast_in_dim3A_48 = vector.shape_cast %get3A_47 : vector<64xf32> to vector<1x64xf32>
    %add3A_49 = vector.broadcast %broadcast_in_dim3A_48 : vector<1x64xf32> to vector<2048x64xf32>
    %add3A_50 = arith.addf %mul3A, %add3A_49 : vector<2048x64xf32>
    %gt3A = arith.constant 0.000000e+00 : f32
    %gt3A_51 = vector.broadcast %gt3A : f32 to vector<2048x64xf32>
    %gt3A_52 = arith.cmpf ogt, %add3A_50, %gt3A_51 : vector<2048x64xf32>
    %exp3A = math.exp %add3A_50 : vector<2048x64xf32>
    %sub3A = arith.constant 1.000000e+00 : f32
    %sub3A_53 = vector.broadcast %sub3A : f32 to vector<2048x64xf32>
    %sub3A_54 = arith.subf %exp3A, %sub3A_53 : vector<2048x64xf32>
    %select_n3A = arith.select %gt3A_52, %add3A_50, %sub3A_54 : vector<2048x64xi1>, vector<2048x64xf32>
    %get3A_55 = arith.constant 0 : index
    %get3A_56 = arith.constant 0 : index
    %get3A_57 = vector.load %arg5[%get3A_55, %get3A_56] : memref<2048x64xf32, #tpu.memory_space<vmem>>, vector<2048x64xf32>
    %add3A_58 = arith.addf %select_n3A, %get3A_57 : vector<2048x64xf32>
    %get3A_59 = arith.constant 0 : index
    %get3A_60 = arith.constant 0 : index
    %get3A_61 = vector.load %arg6[%get3A_59, %get3A_60] : memref<64x64xf32, #tpu.memory_space<vmem>>, vector<64x64xf32>
    %dot_general3A = arith.constant dense<0.000000e+00> : vector<2048x64xf32>
    %dot_general3A_62 = tpu.matmul %add3A_58, %get3A_61, %dot_general3A {dimension_numbers = #tpu.dot_dimension_numbers<[1], [0], [0], [1], [0, 0, 1, 1], [], []>, transpose_lhs_hint = false} : vector<2048x64xf32>, vector<64x64xf32>, vector<2048x64xf32> -> vector<2048x64xf32>
    %mul3A_63 = arith.mulf %broadcast_in_dim3A_3, %dot_general3A_62 : vector<2048x64xf32>
    %slice3A = vector.extract_strided_slice %mul3A_63 {offsets = [0, 0], sizes = [2048, 16], strides = [1, 1]} : vector<2048x64xf32> to vector<2048x16xf32>
    %swap3A = arith.constant 0 : index
    %swap3A_64 = arith.constant 0 : index
    %swap3A_65 = arith.constant 0 : index
    %swap3A_66 = vector.load %arg7[%swap3A, %swap3A_64, %swap3A_65] : memref<4x2048x16xf32, #tpu.memory_space<vmem>>, vector<1x2048x16xf32>
    %swap3A_67 = vector.shape_cast %swap3A_66 : vector<1x2048x16xf32> to vector<2048x16xf32>
    %swap3A_68 = vector.shape_cast %slice3A : vector<2048x16xf32> to vector<1x2048x16xf32>
    tpu.vector_store %arg7[%swap3A, %swap3A_64, %swap3A_65], %swap3A_68 {strides = array<i32>} : memref<4x2048x16xf32, #tpu.memory_space<vmem>>, vector<1x2048x16xf32>,
    %slice3A_69 = vector.extract_strided_slice %mul3A_63 {offsets = [0, 16], sizes = [2048, 16], strides = [1, 1]} : vector<2048x64xf32> to vector<2048x16xf32>
    %swap3A_70 = arith.constant 1 : index
    %swap3A_71 = arith.constant 0 : index
    %swap3A_72 = arith.constant 0 : index
    %swap3A_73 = vector.load %arg7[%swap3A_70, %swap3A_71, %swap3A_72] : memref<4x2048x16xf32, #tpu.memory_space<vmem>>, vector<1x2048x16xf32>
    %swap3A_74 = vector.shape_cast %swap3A_73 : vector<1x2048x16xf32> to vector<2048x16xf32>
    %swap3A_75 = vector.shape_cast %slice3A_69 : vector<2048x16xf32> to vector<1x2048x16xf32>
    tpu.vector_store %arg7[%swap3A_70, %swap3A_71, %swap3A_72], %swap3A_75 {strides = array<i32>} : memref<4x2048x16xf32, #tpu.memory_space<vmem>>, vector<1x2048x16xf32>,
    %slice3A_76 = vector.extract_strided_slice %mul3A_63 {offsets = [0, 32], sizes = [2048, 16], strides = [1, 1]} : vector<2048x64xf32> to vector<2048x16xf32>
    %swap3A_77 = arith.constant 2 : index
    %swap3A_78 = arith.constant 0 : index
    %swap3A_79 = arith.constant 0 : index
    %swap3A_80 = vector.load %arg7[%swap3A_77, %swap3A_78, %swap3A_79] : memref<4x2048x16xf32, #tpu.memory_space<vmem>>, vector<1x2048x16xf32>
    %swap3A_81 = vector.shape_cast %swap3A_80 : vector<1x2048x16xf32> to vector<2048x16xf32>
    %swap3A_82 = vector.shape_cast %slice3A_76 : vector<2048x16xf32> to vector<1x2048x16xf32>
    tpu.vector_store %arg7[%swap3A_77, %swap3A_78, %swap3A_79], %swap3A_82 {strides = array<i32>} : memref<4x2048x16xf32, #tpu.memory_space<vmem>>, vector<1x2048x16xf32>,
    %slice3A_83 = vector.extract_strided_slice %mul3A_63 {offsets = [0, 48], sizes = [2048, 16], strides = [1, 1]} : vector<2048x64xf32> to vector<2048x16xf32>
    %swap3A_84 = arith.constant 3 : index
    %swap3A_85 = arith.constant 0 : index
    %swap3A_86 = arith.constant 0 : index
    %swap3A_87 = vector.load %arg7[%swap3A_84, %swap3A_85, %swap3A_86] : memref<4x2048x16xf32, #tpu.memory_space<vmem>>, vector<1x2048x16xf32>
    %swap3A_88 = vector.shape_cast %swap3A_87 : vector<1x2048x16xf32> to vector<2048x16xf32>
    %swap3A_89 = vector.shape_cast %slice3A_83 : vector<2048x16xf32> to vector<1x2048x16xf32>
    tpu.vector_store %arg7[%swap3A_84, %swap3A_85, %swap3A_86], %swap3A_89 {strides = array<i32>} : memref<4x2048x16xf32, #tpu.memory_space<vmem>>, vector<1x2048x16xf32>,
    return
  }
  func.func @transform_0(%arg0: i32) -> (i32, i32, i32) {
    %c0_i32 = arith.constant 0 : i32
    %c0_i32_0 = arith.constant 0 : i32
    %c0_i32_1 = arith.constant 0 : i32
    return %c0_i32, %arg0, %c0_i32_0 : i32, i32, i32
  }
  func.func @transform_1(%arg0: i32) -> (i32, i32, i32) {
    %c0_i32 = arith.constant 0 : i32
    %c0_i32_0 = arith.constant 0 : i32
    %c0_i32_1 = arith.constant 0 : i32
    return %c0_i32, %arg0, %c0_i32_0 : i32, i32, i32
  }
  func.func @transform_2(%arg0: i32) -> i32 {
    %c0_i32 = arith.constant 0 : i32
    return %arg0 : i32
  }
  func.func @transform_3(%arg0: i32) -> i32 {
    %c0_i32 = arith.constant 0 : i32
    %c0_i32_0 = arith.constant 0 : i32
    return %c0_i32 : i32
  }
  func.func @transform_4(%arg0: i32) -> (i32, i32) {
    %c0_i32 = arith.constant 0 : i32
    %c0_i32_0 = arith.constant 0 : i32
    return %arg0, %c0_i32 : i32, i32
  }
  func.func @transform_5(%arg0: i32) -> (i32, i32) {
    %c0_i32 = arith.constant 0 : i32
    %c0_i32_0 = arith.constant 0 : i32
    %c0_i32_1 = arith.constant 0 : i32
    return %c0_i32, %c0_i32_0 : i32, i32
  }
  func.func @transform_6(%arg0: i32) -> (i32, i32, i32) {
    %c0_i32 = arith.constant 0 : i32
    %c0_i32_0 = arith.constant 0 : i32
    %c0_i32_1 = arith.constant 0 : i32
    return %c0_i32, %arg0, %c0_i32_0 : i32, i32, i32
  }
}

module attributes {stable_mosaic.version = 14 : i64} {
  func.func @_post_body(%arg0: i32, %arg1: memref<4x2048x16xf32, #tpu.memory_space<vmem>>, %arg2: memref<4x2048x16xf32, #tpu.memory_space<vmem>>, %arg3: memref<2048xf32, #tpu.memory_space<vmem>>, %arg4: memref<64xf32, #tpu.memory_space<vmem>>, %arg5: memref<2048x64xf32, #tpu.memory_space<vmem>>, %arg6: memref<2048x64xf32, #tpu.memory_space<vmem>>) attributes {dimension_semantics = [#tpu.dimension_semantics<arbitrary>], iteration_bounds = array<i64: 25>, scalar_prefetch = 0 : i64, scratch_operands = 0 : i64, tpu.core_type = #tpu.core_type<tc>, window_params = [{transform_indices = @transform_0, window_bounds = array<i64: 4, 2048, 16>}, {transform_indices = @transform_1, window_bounds = array<i64: 4, 2048, 16>}, {transform_indices = @transform_2, window_bounds = array<i64: 2048>}, {pipeline_mode = #tpu.pipeline_mode<synchronous>, transform_indices = @transform_3, window_bounds = array<i64: 64>}, {transform_indices = @transform_4, window_bounds = array<i64: 2048, 64>}, {transform_indices = @transform_5, window_bounds = array<i64: 2048, 64>}]} {
    %get3A = arith.constant 0 : index
    %get3A_0 = vector.load %arg3[%get3A] : memref<2048xf32, #tpu.memory_space<vmem>>, vector<2048xf32>
    %add3A = arith.constant 1.000000e+00 : f32
    %add3A_1 = vector.broadcast %add3A : f32 to vector<2048xf32>
    %add3A_2 = arith.addf %add3A_1, %get3A_0 : vector<2048xf32>
    %rsqrt3A = math.rsqrt %add3A_2 : vector<2048xf32>
    %broadcast_in_dim3A = vector.shape_cast %rsqrt3A : vector<2048xf32> to vector<2048x1xf32>
    %broadcast_in_dim3A_3 = vector.broadcast %broadcast_in_dim3A : vector<2048x1xf32> to vector<2048x64xf32>
    %get3A_4 = arith.constant 0 : index
    %get3A_5 = arith.constant 0 : index
    %get3A_6 = arith.constant 0 : index
    %get3A_7 = vector.load %arg1[%get3A_4, %get3A_5, %get3A_6] : memref<4x2048x16xf32, #tpu.memory_space<vmem>>, vector<1x2048x16xf32>
    %get3A_8 = vector.shape_cast %get3A_7 : vector<1x2048x16xf32> to vector<2048x16xf32>
    %get3A_9 = arith.constant 1 : index
    %get3A_10 = arith.constant 0 : index
    %get3A_11 = arith.constant 0 : index
    %get3A_12 = vector.load %arg1[%get3A_9, %get3A_10, %get3A_11] : memref<4x2048x16xf32, #tpu.memory_space<vmem>>, vector<1x2048x16xf32>
    %get3A_13 = vector.shape_cast %get3A_12 : vector<1x2048x16xf32> to vector<2048x16xf32>
    %get3A_14 = arith.constant 2 : index
    %get3A_15 = arith.constant 0 : index
    %get3A_16 = arith.constant 0 : index
    %get3A_17 = vector.load %arg1[%get3A_14, %get3A_15, %get3A_16] : memref<4x2048x16xf32, #tpu.memory_space<vmem>>, vector<1x2048x16xf32>
    %get3A_18 = vector.shape_cast %get3A_17 : vector<1x2048x16xf32> to vector<2048x16xf32>
    %get3A_19 = arith.constant 3 : index
    %get3A_20 = arith.constant 0 : index
    %get3A_21 = arith.constant 0 : index
    %get3A_22 = vector.load %arg1[%get3A_19, %get3A_20, %get3A_21] : memref<4x2048x16xf32, #tpu.memory_space<vmem>>, vector<1x2048x16xf32>
    %get3A_23 = vector.shape_cast %get3A_22 : vector<1x2048x16xf32> to vector<2048x16xf32>
    %concatenate3A = tpu.concatenate %get3A_8, %get3A_13, %get3A_18, %get3A_23 in 1 : vector<2048x16xf32>, vector<2048x16xf32>, vector<2048x16xf32>, vector<2048x16xf32> -> vector<2048x64xf32>
    %get3A_24 = arith.constant 0 : index
    %get3A_25 = arith.constant 0 : index
    %get3A_26 = arith.constant 0 : index
    %get3A_27 = vector.load %arg2[%get3A_24, %get3A_25, %get3A_26] : memref<4x2048x16xf32, #tpu.memory_space<vmem>>, vector<1x2048x16xf32>
    %get3A_28 = vector.shape_cast %get3A_27 : vector<1x2048x16xf32> to vector<2048x16xf32>
    %get3A_29 = arith.constant 1 : index
    %get3A_30 = arith.constant 0 : index
    %get3A_31 = arith.constant 0 : index
    %get3A_32 = vector.load %arg2[%get3A_29, %get3A_30, %get3A_31] : memref<4x2048x16xf32, #tpu.memory_space<vmem>>, vector<1x2048x16xf32>
    %get3A_33 = vector.shape_cast %get3A_32 : vector<1x2048x16xf32> to vector<2048x16xf32>
    %get3A_34 = arith.constant 2 : index
    %get3A_35 = arith.constant 0 : index
    %get3A_36 = arith.constant 0 : index
    %get3A_37 = vector.load %arg2[%get3A_34, %get3A_35, %get3A_36] : memref<4x2048x16xf32, #tpu.memory_space<vmem>>, vector<1x2048x16xf32>
    %get3A_38 = vector.shape_cast %get3A_37 : vector<1x2048x16xf32> to vector<2048x16xf32>
    %get3A_39 = arith.constant 3 : index
    %get3A_40 = arith.constant 0 : index
    %get3A_41 = arith.constant 0 : index
    %get3A_42 = vector.load %arg2[%get3A_39, %get3A_40, %get3A_41] : memref<4x2048x16xf32, #tpu.memory_space<vmem>>, vector<1x2048x16xf32>
    %get3A_43 = vector.shape_cast %get3A_42 : vector<1x2048x16xf32> to vector<2048x16xf32>
    %concatenate3A_44 = tpu.concatenate %get3A_28, %get3A_33, %get3A_38, %get3A_43 in 1 : vector<2048x16xf32>, vector<2048x16xf32>, vector<2048x16xf32>, vector<2048x16xf32> -> vector<2048x64xf32>
    %add3A_45 = arith.addf %concatenate3A, %concatenate3A_44 : vector<2048x64xf32>
    %mul3A = arith.mulf %broadcast_in_dim3A_3, %add3A_45 : vector<2048x64xf32>
    %get3A_46 = arith.constant 0 : index
    %get3A_47 = vector.load %arg4[%get3A_46] : memref<64xf32, #tpu.memory_space<vmem>>, vector<64xf32>
    %broadcast_in_dim3A_48 = vector.shape_cast %get3A_47 : vector<64xf32> to vector<1x64xf32>
    %add3A_49 = vector.broadcast %broadcast_in_dim3A_48 : vector<1x64xf32> to vector<2048x64xf32>
    %add3A_50 = arith.addf %mul3A, %add3A_49 : vector<2048x64xf32>
    %get3A_51 = arith.constant 0 : index
    %get3A_52 = arith.constant 0 : index
    %get3A_53 = vector.load %arg5[%get3A_51, %get3A_52] : memref<2048x64xf32, #tpu.memory_space<vmem>>, vector<2048x64xf32>
    %add3A_54 = arith.addf %add3A_50, %get3A_53 : vector<2048x64xf32>
    %swap3A = arith.constant 0 : index
    %swap3A_55 = arith.constant 0 : index
    %swap3A_56 = vector.load %arg6[%swap3A, %swap3A_55] : memref<2048x64xf32, #tpu.memory_space<vmem>>, vector<2048x64xf32>
    tpu.vector_store %arg6[%swap3A, %swap3A_55], %add3A_54 {strides = array<i32>} : memref<2048x64xf32, #tpu.memory_space<vmem>>, vector<2048x64xf32>,
    return
  }
  func.func @transform_0(%arg0: i32) -> (i32, i32, i32) {
    %c0_i32 = arith.constant 0 : i32
    %c0_i32_0 = arith.constant 0 : i32
    %c0_i32_1 = arith.constant 0 : i32
    return %c0_i32, %arg0, %c0_i32_0 : i32, i32, i32
  }
  func.func @transform_1(%arg0: i32) -> (i32, i32, i32) {
    %c0_i32 = arith.constant 0 : i32
    %c0_i32_0 = arith.constant 0 : i32
    %c0_i32_1 = arith.constant 0 : i32
    return %c0_i32, %arg0, %c0_i32_0 : i32, i32, i32
  }
  func.func @transform_2(%arg0: i32) -> i32 {
    %c0_i32 = arith.constant 0 : i32
    return %arg0 : i32
  }
  func.func @transform_3(%arg0: i32) -> i32 {
    %c0_i32 = arith.constant 0 : i32
    %c0_i32_0 = arith.constant 0 : i32
    return %c0_i32 : i32
  }
  func.func @transform_4(%arg0: i32) -> (i32, i32) {
    %c0_i32 = arith.constant 0 : i32
    %c0_i32_0 = arith.constant 0 : i32
    return %arg0, %c0_i32 : i32, i32
  }
  func.func @transform_5(%arg0: i32) -> (i32, i32) {
    %c0_i32 = arith.constant 0 : i32
    %c0_i32_0 = arith.constant 0 : i32
    return %arg0, %c0_i32 : i32, i32
  }
}

</mosaic_0001>

<sc_bundles>
// kernel: kernel.12.cloned.1.call-start
scs
__scs_entry_jumppad:
0x0: {  	(pc) =	sbr.rel $0x88, $3  }
0x1: {  	(tag) =	ssettag $0x0;
	lr =	simm.s32 $0x1  }
0x2: {  	[smem:$0x3F96] =	sst lr;
	_ =	strace $0xD0000000  }
0x3: {  	_ = 	snop  }
0x4: {  	_ = 	snop  }
0x5: {  	_ = 	snop  }
0x6: {  	_ = 	snop  }
0x7: {  	_ = 	snop  }
__scs_overlays_trampoline_lowered:
0x8: {  	[smem:$0x3FA5] =	sst s0  }
0x9: {  	[smem:$0x3FA6] =	sst s1  }
0xa: {  	[smem:$0x3FA7] =	sst s2  }
0xb: {  	[smem:$0x3FA8] =	sst s3  }
0xc: {  	[smem:$0x3FA9] =	sst s4  }
0xd: {  	[smem:$0x3FAA] =	sst s5  }
0xe: {  	[smem:$0x3FAB] =	sst s6  }
0xf: {  	[smem:$0x3FAC] =	sst s7  }
0x10: {  	[smem:$0x3FAD] =	sst s8  }
0x11: {  	[smem:$0x3FAE] =	sst s9;
	s0 =	simm.s32 @!p0 $0x0  }
0x12: {  	s1 =	sld [smem:$0x3F94];
	s0 =	simm.s32 @p0 $0x1  }
0x13: {  	[smem:$0x3FAF] =	sst s0;
	s0 =	simm.s32 @!p1 $0x0  }
0x14: {  	s2 =	sld [smem:$0x3F93];
	s0 =	simm.s32 @p1 $0x1  }
0x15: {  	[smem:$0x3FB0] =	sst s0;
	s0 =	simm.s32 @!p2 $0x0  }
0x16: {  	s3 =	sld [smem:$0x3FDB];
	s0 =	simm.s32 @p2 $0x1  }
0x17: {  	s4 =	simm.s32 $0x1BF5;
	[smem:$0x3FB2] =	sst s0  }
0x18: {  	s0 =	sld [smem:$0x3F95];
	_ =	swait.ge [sflag:s4], $0x0  }
0x19: {  	s7 =	sld [smem:$0x3F96]  }
0x1a: {  	s8 =	sadd.s32 $0xFFFFE003, lr  }
0x1b: {  	s9 =	sadd.s32 $0xFFFFFEF7, lr;
	s5 =	simm.s32 $0xFFFFFFFF;
	p2 =	slt.u32 s8, $0xFFFFF086  }
0x1c: {  	p1 =	slt.u32 s9, $0xF7A;
	s5 =	simm.s32 @!p2 $0x0  }
0x1d: {  	s5 =	simm.s32 @p1 $0x1;
	p0 =	seq.s32 s7, s2  }
0x1e: {  	s7 =	smul.u32 @!p0 $0xF7A, s2;
	p2 =	seq.s32 @!p0 s5, $0x0  }
0x1f: {  	s9 =	smul.u32 $0xF7A, s1;
	s8 =	simm.s32 @!p0 $0x1BF5;
	p2 =	por !p2, p0  }
0x20: {  	[sflag:s8] =	ssyncset.s32 @!p0 $0xFFFFF086;
	s6 =	sadd.s32 @!p0 s3, s7;
	s7 =	simm.s32 @!p0 $0x108  }
0x21: {  	s3 =	sadd.s32 s3, s9;
	s6 =	sadd.s32 @!p0 $0x88, s6;
	s7 =	simm.s32 @p2 $0x1082  }
0x22: {  	[simem:s7], [sflag:s8] =	dma.local @!p0 [hbm:s6], $0xF7A  }
0x23: {  	s9 =	sor.u32 $0xD0000000, s2;
	s6 =	simm.s32 $0x108;
	_ =	swait.ge @!p0 [sflag:s8], $0x0  }
0x24: {  	s3 =	sadd.s32 $0x88, s3;
	s6 =	simm.s32 @!p1 $0x1082;
	[sflag:s4] =	ssyncset.s32 $0xFFFFF086  }
0x25: {  	[simem:s6], [sflag:s4] =	dma.local [hbm:s3], $0xF7A  }
0x26: {  	[smem:$0x3F96] =	sst s1;
	(tag) =	ssettag s2;
	_ =	strace s9  }
0x27: {  	s1 =	sld [smem:$0x3FA6]  }
0x28: {  	s2 =	sld [smem:$0x3FA7]  }
0x29: {  	s4 =	sld [smem:$0x3FA9]  }
0x2a: {  	p0 =	seq.s32 s5, $0x0;
	s5 =	sld [smem:$0x3FAA]  }
0x2b: {  	s6 =	sld [smem:$0x3FAB]  }
0x2c: {  	s7 =	sld [smem:$0x3FAC]  }
0x2d: {  	s3 =	simm.s32 $0x108;
	s8 =	sld [smem:$0x3FAD]  }
0x2e: {  	s3 =	simm.s32 @!p0 $0x1082;
	s9 =	sld [smem:$0x3FAE]  }
0x2f: {  	lr =	sadd.s32 s0, s3;
	s0 =	sld [smem:$0x3FA5]  }
0x30: {  	s3 =	sld [smem:$0x3FA8]  }
0x31: {  	[smem:$0x3FB1] =	sst s10  }
0x32: {  	s10 =	sld [smem:$0x3FAF];
	_ =	sdelay $0x3  }
0x33: {  	p0 =	seq.s32 s10, $0x1;
	s10 =	sld [smem:$0x3FB1];
	_ =	sdelay $0x3  }
0x34: {  	[smem:$0x3FB1] =	sst s10  }
0x35: {  	s10 =	sld [smem:$0x3FB0];
	_ =	sdelay $0x3  }
0x36: {  	p1 =	seq.s32 s10, $0x1;
	s10 =	sld [smem:$0x3FB1];
	_ =	sdelay $0x3  }
0x37: {  	[smem:$0x3FB1] =	sst s10  }
0x38: {  	s10 =	sld [smem:$0x3FB2]  }
0x39: {  	_ = 	snop;
	(pc) =	sbr.ind lr, $3  }
0x3a: {  	_ = 	snop  }
0x3b: {  	_ = 	snop  }
0x3c: {  	p2 =	seq.s32 s10, $0x1;
	s10 =	sld [smem:$0x3FB1]  }
0x3d: {  	_ =	shalt  }
0x3e: {  	_ =	shalt  }
0x3f: {  	_ =	shalt  }
0x40: {  	_ =	shalt  }
0x41: {  	_ =	shalt  }
0x42: {  	_ =	shalt  }
0x43: {  	_ =	shalt  }
0x44: {  	_ =	shalt  }
0x45: {  	_ =	shalt  }
0x46: {  	_ =	shalt  }
0x47: {  	_ =	shalt  }
0x48: {  	_ =	shalt  }
0x49: {  	_ =	shalt  }
0x4a: {  	_ =	shalt  }
0x4b: {  	_ =	shalt  }
0x4c: {  	_ =	shalt  }
0x4d: {  	_ =	shalt  }
0x4e: {  	_ =	shalt  }
0x4f: {  	_ =	shalt  }
0x50: {  	_ =	shalt  }
0x51: {  	_ =	shalt  }
0x52: {  	_ =	shalt  }
0x53: {  	_ =	shalt  }
0x54: {  	_ =	shalt  }
0x55: {  	_ =	shalt  }
0x56: {  	_ =	shalt  }
0x57: {  	_ =	shalt  }
0x58: {  	_ =	shalt  }
0x59: {  	_ =	shalt  }
0x5a: {  	_ =	shalt  }
0x5b: {  	_ =	shalt  }
0x5c: {  	_ =	shalt  }
0x5d: {  	_ =	shalt  }
0x5e: {  	_ =	shalt  }
0x5f: {  	_ =	shalt  }
0x60: {  	_ =	shalt  }
0x61: {  	_ =	shalt  }
0x62: {  	_ =	shalt  }
0x63: {  	_ =	shalt  }
0x64: {  	_ =	shalt  }
0x65: {  	_ =	shalt  }
0x66: {  	_ =	shalt  }
0x67: {  	_ =	shalt  }
0x68: {  	_ =	shalt  }
0x69: {  	_ =	shalt  }
0x6a: {  	_ =	shalt  }
0x6b: {  	_ =	shalt  }
0x6c: {  	_ =	shalt  }
0x6d: {  	_ =	shalt  }
0x6e: {  	_ =	shalt  }
0x6f: {  	_ =	shalt  }
0x70: {  	_ =	shalt  }
0x71: {  	_ =	shalt  }
0x72: {  	_ =	shalt  }
0x73: {  	_ =	shalt  }
0x74: {  	_ =	shalt  }
0x75: {  	_ =	shalt  }
0x76: {  	_ =	shalt  }
0x77: {  	_ =	shalt  }
0x78: {  	_ =	shalt  }
0x79: {  	_ =	shalt  }
0x7a: {  	_ =	shalt  }
0x7b: {  	_ =	shalt  }
0x7c: {  	_ =	shalt  }
0x7d: {  	_ =	shalt  }
0x7e: {  	_ =	shalt  }
0x7f: {  	_ =	shalt  }
0x80: {  	_ =	shalt  }
0x81: {  	_ =	shalt  }
0x82: {  	_ =	shalt  }
0x83: {  	_ =	shalt  }
0x84: {  	_ =	shalt  }
0x85: {  	_ =	shalt  }
0x86: {  	_ =	shalt  }
0x87: {  	_ =	shalt  }
.Lfunc_end0:
.L_simem_size_0:
called_computation.1_lowered:
.L_overlay_start_0:
0x88: {  	s2 =	sld [smem:$0x3FD9]  }
0x89: {  	s3 =	sld [smem:$0x3FFE];
	_ =	sdelay $0x1  }
0x8a: {  	s1 =	srdreg.scid  }
0x8b: {  	s0 =	sand.u32 $0x1, s1  }
0x8c: {  	s17 =	sshll.u32 s0, $0xA;
	s2 =	sadd.s32 s3, s2  }
0x8d: {  	s2 =	sadd.s32 s2, s17  }
0x8e: {  	[smem:$0x3FBD] =	sst s2  }
0x8f: {  	_ = 	snop  }
0x90: {  	s2 =	sld [smem:$0x3FD0];
	(tm) =	ssettm $0x1  }
0x91: {  	s18 =	sld [smem:$0x3FFB];
	_ =	sdelay $0x3  }
0x92: {  	_ =	strace s18  }
0x93: {  	s3 =	sld [smem:$0x3FFC];
	_ =	sdelay $0x3  }
0x94: {  	_ =	strace s3  }
0x95: {  	s3 =	sld [smem:$0x3FFD];
	_ =	sdelay $0x3  }
0x96: {  	_ =	strace s3  }
0x97: {  	_ =	strace $0x8FFFFFFF  }
0x98: {  	s19 =	sld [smem:$0x3FDB];
	_ =	sdelay $0x1  }
0x99: {  	s4 =	simm.s32 $_scs_section_size  }
0x9a: {  	s5 =	simm.s32 $_size__tile_overlayer_lowered;
	s6 =	simm.s32 $_tile_overlayer_lowered  }
0x9b: {  	s22 =	simm.s32 $0x1BFF;
	s21 =	sshll.u32 s6, $0x1;
	s3 =	sadd.s32 s4, s19  }
0x9c: {  	s7 =	simm.s32 $0x0;
	s20 =	sshll.u32 s5, $0x1;
	s5 =	sadd.s32 s21, s3  }
0x9d: {  	[timem:s7], [sflag:s22] =	dma.local [hbm:s5], s20  }
0x9e: {  	_ =	swait.ge [sflag:s22], s20  }
0x9f: {  	s4 =	ssub.s32 $0x0, s20;
	[sflag:s22] =	ssyncset.done $0x0  }
0xa0: {  	[sflag:s22] =	ssyncadd.s32 s4;
	_ =	sdelay $0x1  }
0xa1: {  	s23 =	simm.s32 $0x1B8B  }
0xa2: {  	_ =	swait.ge [sflag:s23], $0x1  }
0xa3: {  	[sflag:s23] =	ssyncset.done $0x0  }
0xa4: {  	s25 =	simm.s32 $0x1B8E;
	s24 =	sld [smem:$0x3FFE];
	[sflag:s23] =	ssyncadd.s32 $0xFFFFFFFF  }
0xa5: {  	s26 =	simm.s32 $execute0_lowered;
	[smem:$0x3FD2] =	sst s25  }
0xa6: {  	s5 =	sshll.u32 s26, $0x1;
	_ =	strace $0x80000049;
	[dreg:$0x1] =	wrdreg $0xFFFFFFFF  }
0xa7: {  	s28 =	simm.s32 $_size_execute0_lowered;
	s3 =	sadd.s32 s3, s5;
	[dreg:$0x0] =	wrdreg $0x0  }
0xa8: {  	s5 =	sshll.u32 s28, $0x1;
	[dreg:$0x2] =	wrdreg s3  }
0xa9: {  	[dreg:$0x3] =	wrdreg s5  }
0xaa: {  	[dreg:$0x4] =	wrdreg $0xC0  }
0xab: {  	_ =	task [dreg:s7], $0x5FFFF  }
0xac: {  	[dreg:$0x1] =	wrdreg $0xFFFFFFFF  }
0xad: {  	[dreg:$0x0] =	wrdreg $0x60  }
0xae: {  	[dreg:$0x2] =	wrdreg s2  }
0xaf: {  	[dreg:$0x3] =	wrdreg s24  }
0xb0: {  	[dreg:$0x4] =	wrdreg $0xEC800  }
0xb1: {  	[dreg:$0x5] =	wrdreg $0x9  }
0xb2: {  	_ =	task.clear_ibuf [dreg:s7], $0x6FFFF;
	_ =	strace $0x90000049  }
0xb3: {  	s29 =	simm.s32 $0x9;
	_ =	strace $0x8000004B  }
0xb4: {  	_ =	swait.ge [sflag:s29], $0x1  }
0xb5: {  	[sflag:s29] =	ssyncadd.s32 $0xFFFFFFFF  }
0xb6: {  	_ =	strace $0x9000004B  }
0xb7: {  	_ =	sfence  }
0xb8: {  	s30 =	sld [smem:$0x0];
	_ =	sdelay $0x2  }
0xb9: {  	s31 =	sshll.u32 s1, $0xD;
	s1 =	sshrl.u32 s1, $0x2  }
0xba: {  	s3 =	sand.u32 $0x4000, s31;
	s1 =	sadd.s32 s1, s30  }
0xbb: {  	s0 =	sor.u32 s3, s0;
	s1 =	sshll.u32 s1, $0x11  }
0xbc: {  	s0 =	sor.u32 s1, s0  }
0xbd: {  	s0 =	sadd.s32 $0x8F2B, s0  }
0xbe: {  	[sflag:s0] =	ssyncadd.remote.s32 $0x1  }
0xbf: {  	_ =	sfence.sel $0xFFFF  }
0xc0: {  	[dreg:$0x0] =	wrdreg $0xFFFFFFFF;
	(pc) =	sbr.abs _section_cstart, $3  }
0xc1: {  	[dreg:$0x1] =	wrdreg $0xFFFFFFFF  }
0xc2: {  	_ =	task.clear_ibuf [dreg:s7], $0x2FFFF;
	_ =	strace $0x9FFFFFFF  }
0xc3: {  	(tm) =	ssettm $0x7FFFFFFF  }
tec
execute0_lowered:
.L_overlay_start_1:
0x0: {  	(tag) =	ssettag $0x1  }
0x1: {  	s1 =	rddreg [dreg:$0x0]  }
0x2: {  	s0 =	rddreg [dreg:$0x1]  }
0x3: {  	s2 =	rddreg [dreg:$0x2];
	s3 =	simm.s32 $0x0;
	s4 =	srdreg.scid  }
0x4: {  	s11 =	stileid.u32;
	s30 =	simm.s32 $0xD400;
	s31 =	simm.s32 $0x5  }
0x5: {  	s14 =	simm.s32 $0x9400;
	s13 =	simm.s32 $0x4;
	s15 =	simm.s32 $0x3  }
0x6: {  	[smem:$0x7FF] =	sst s3;
	s5 =	sadd.s32 $0xF9200, s0;
	s4 =	sand.u32 $0x1, s4  }
0x7: {  	s12 =	smul.u32 $0xC400, s11;
	s8 =	ssub.s32 $0x2, s4;
	s4 =	sshll.u32 s4, $0x1  }
0x8: {  	s6 =	sadd.s32 $0x1A00, s0;
	_ =	strace $0x8000004A;
	[dreg:$0x5] =	wrdreg s4  }
0x9: {  	s7 =	sadd.s32 $0x1A200, s0;
	s20 =	sadd.s32 s12, s2;
	[dreg:$0x4] =	wrdreg s12  }
0xa: {  	s9 =	sadd.s32 $0x41EE00, s0;
	s19 =	sadd.s32 $0x1880, s12;
	[dreg:$0x8] =	wrdreg s20  }
0xb: {  	s10 =	smul.u32 $0x31000, s11;
	s21 =	sadd.s32 $0x3100, s12;
	[dreg:$0x7] =	wrdreg s19  }
0xc: {  	s11 =	smul.u32 $0x188, s11;
	s22 =	sadd.s32 $0x4980, s12;
	[dreg:$0xa] =	wrdreg s21  }
0xd: {  	s17 =	sshrl.u32 s8, $0x1;
	s23 =	sadd.s32 $0x6200, s12;
	[dreg:$0xb] =	wrdreg s22  }
0xe: {  	s18 =	sshrl.u32 s10, $0x2;
	s24 =	sadd.s32 $0x7A80, s12;
	[dreg:$0xc] =	wrdreg s23  }
0xf: {  	s25 =	sadd.s32 $0x9300, s12;
	s26 =	sadd.s32 $0xAB80, s12;
	[dreg:$0xf] =	wrdreg s24  }
0x10: {  	s4 =	simm.s32 $0x3800;
	s12 =	simm.s32 $0x400;
	[dreg:$0x10] =	wrdreg s25  }
0x11: {  	s10 =	simm.s32 $0x5400;
	s28 =	sadd.s32 s25, s2;
	[dreg:$0x11] =	wrdreg s26  }
0x12: {  	s0 =	ssub.s32 s8, s17;
	s29 =	sadd.s32 s26, s2;
	[dreg:$0x13] =	wrdreg s28  }
0x13: {  	v0 =	vimm.f32 $0.0e+00;
	v1 =	vimm.s32 $0x0;
	s20 =	sadd.s32 s19, s2;
	s22 =	sadd.s32 s22, s2;
	[dreg:$0x14] =	wrdreg s29  }
.Ltmp0:
0x14: {  	v2 =	vimm.s32 $0x1;
	v3 =	vimm.s32 $0x2;
	v4 =	vimm.s32 $0x3;
	s23 =	sadd.s32 s23, s2;
	[dreg:$0xd] =	wrdreg s22;
	(pc) =	sbr.rel .LBB2_1-.Ltmp0, $4  }
0x15: {  	v5 =	vimm.s32 $0x4;
	v6 =	vimm.s32 $0x5;
	v7 =	vimm.s32 $0x6;
	s21 =	sadd.s32 s21, s2;
	s24 =	sadd.s32 s24, s2;
	[dreg:$0xe] =	wrdreg s23  }
0x16: {  	v8 =	vimm.s32 $0x7;
	v9 =	vimm.s32 $0x8;
	v10 =	vimm.s32 $0x9;
	s8 =	simm.s32 $0x2;
	s0 =	smax.u32 s0, $0x1;
	[dreg:$0x12] =	wrdreg s24  }
0x17: {  	v11 =	vimm.s32 $0xA;
	v12 =	vimm.s32 $0xB;
	v13 =	vimm.s32 $0xC;
	s17 =	simm.s32 $0x1;
	[dreg:$0x6] =	wrdreg s0;
	s0 =	sadd.s32 s18, s2  }
0x18: {  	v14 =	vimm.s32 $0xD;
	v15 =	vimm.s32 $0xE;
	v16 =	vimm.s32 $0xF;
	s18 =	simm.s32 $0x0;
	[dreg:$0x9] =	wrdreg s0;
	s0 =	simm.s32 $0x1C00  }
.LBB2_22:
0x19: {  	s18 =	rddreg [dreg:$0x15]  }
0x1a: {  	s16 =	rddreg [dreg:$0x6];
	s18 =	sadd.s32 $0x1, s18  }
0x1b: {  	p0 =	sne.s32 s18, s16  }
.Ltmp1:
0x1c: {  	_ = 	snop;
	(pc) =	sbr.rel @!p0 .LBB2_23-.Ltmp1, $1  }
0x1d: {  	_ =	sdelay $0x3  }
.LBB2_1:
.Ltmp2:
0x1e: {  	(pc) =	sbr.rel .LBB2_2-.Ltmp2, $2  }
0x1f: {  	_ =	sdelay $0x2  }
0x20: {  	[dreg:$0x15] =	wrdreg s18;
	p1 =	por $0x1, $0x1;
	s16 =	simm.s32 $0x0  }
.LBB2_21:
0x21: {  	[bflag:$0x0] =	sbarrier.arrive $0xFFFF  }
0x22: {  	s23 =	rddreg [dreg:$0x8]  }
0x23: {  	[tilespmem:s30], [sflag:$0x5] =	stream.linear.gather [spmem:s23], $0x1880, $0x38;
	[tilespmem:$0x1B080] =	vst v63  }
0x24: {  	s16 =	smul.u32 $0xC4000, s18;
	_ =	swait.ge [sflag:s31], $0x1880  }
0x25: {  	s24 =	rddreg [dreg:$0x4]  }
0x26: {  	s18 =	sadd.s32 s16, s24  }
0x27: {  	[sflag:s31] =	ssyncset.done $0x0;
	s18 =	sshrl.u32 s18, $0x3  }
0x28: {  	[sflag:s31] =	ssyncadd.s32 $0xFFFFE780;
	s18 =	sadd.s32 s9, s18  }
0x29: {  	[hbm4b:s18+s3] =	stream.linear.scatter [tilespmem:s30], [sflag:$0x5], $0x1880, $0x38;
	[tilespmem:$0x1B080] =	vst v63  }
0x2a: {  	_ =	swait.ge [sflag:s31], $0x1880  }
0x2b: {  	[sflag:s31] =	ssyncset.done $0x0  }
0x2c: {  	[sflag:s31] =	ssyncadd.s32 $0xFFFFE780  }
0x2d: {  	[tilespmem:s30], [sflag:$0x5] =	stream.linear.gather [spmem:s28], $0x1880, $0x38;
	[tilespmem:$0x1B080] =	vst v63  }
0x2e: {  	_ =	swait.ge [sflag:s31], $0x1880  }
0x2f: {  	s25 =	rddreg [dreg:$0x7]  }
0x30: {  	s18 =	sadd.s32 s16, s25  }
0x31: {  	[sflag:s31] =	ssyncset.done $0x0;
	s18 =	sshrl.u32 s18, $0x3  }
0x32: {  	[sflag:s31] =	ssyncadd.s32 $0xFFFFE780;
	s18 =	sadd.s32 s9, s18  }
0x33: {  	[hbm4b:s18+s3] =	stream.linear.scatter [tilespmem:s30], [sflag:$0x5], $0x1880, $0x38;
	[tilespmem:$0x1B080] =	vst v63  }
0x34: {  	_ =	swait.ge [sflag:s31], $0x1880  }
0x35: {  	[sflag:s31] =	ssyncset.done $0x0  }
0x36: {  	[sflag:s31] =	ssyncadd.s32 $0xFFFFE780  }
0x37: {  	[tilespmem:s30], [sflag:$0x5] =	stream.linear.gather [spmem:s29], $0x1880, $0x38;
	[tilespmem:$0x1B080] =	vst v63  }
0x38: {  	_ =	swait.ge [sflag:s31], $0x1880  }
0x39: {  	s26 =	rddreg [dreg:$0xa]  }
0x3a: {  	s18 =	sadd.s32 s16, s26  }
0x3b: {  	[sflag:s31] =	ssyncset.done $0x0;
	s18 =	sshrl.u32 s18, $0x3  }
0x3c: {  	[sflag:s31] =	ssyncadd.s32 $0xFFFFE780;
	s18 =	sadd.s32 s9, s18  }
0x3d: {  	[hbm4b:s18+s3] =	stream.linear.scatter [tilespmem:s30], [sflag:$0x5], $0x1880, $0x38;
	[tilespmem:$0x1B080] =	vst v63  }
0x3e: {  	_ =	swait.ge [sflag:s31], $0x1880  }
0x3f: {  	[sflag:s31] =	ssyncset.done $0x0  }
0x40: {  	s22 =	rddreg [dreg:$0xd];
	[sflag:s31] =	ssyncadd.s32 $0xFFFFE780  }
0x41: {  	[tilespmem:s30], [sflag:$0x5] =	stream.linear.gather [spmem:s22], $0x1880, $0x38;
	[tilespmem:$0x1B080] =	vst v63  }
0x42: {  	_ =	swait.ge [sflag:s31], $0x1880  }
0x43: {  	s20 =	smov.u32 s28;
	s28 =	rddreg [dreg:$0xb]  }
0x44: {  	s18 =	sadd.s32 s16, s28  }
0x45: {  	[sflag:s31] =	ssyncset.done $0x0;
	s18 =	sshrl.u32 s18, $0x3  }
0x46: {  	[sflag:s31] =	ssyncadd.s32 $0xFFFFE780;
	s18 =	sadd.s32 s9, s18  }
0x47: {  	[hbm4b:s18+s3] =	stream.linear.scatter [tilespmem:s30], [sflag:$0x5], $0x1880, $0x38;
	[tilespmem:$0x1B080] =	vst v63  }
0x48: {  	_ =	swait.ge [sflag:s31], $0x1880  }
0x49: {  	[sflag:s31] =	ssyncset.done $0x0  }
0x4a: {  	s23 =	rddreg [dreg:$0xe];
	[sflag:s31] =	ssyncadd.s32 $0xFFFFE780  }
0x4b: {  	[tilespmem:s30], [sflag:$0x5] =	stream.linear.gather [spmem:s23], $0x1880, $0x38;
	[tilespmem:$0x1B080] =	vst v63  }
0x4c: {  	_ =	swait.ge [sflag:s31], $0x1880  }
0x4d: {  	s21 =	smov.u32 s29;
	s29 =	rddreg [dreg:$0xc]  }
0x4e: {  	s18 =	sadd.s32 s16, s29  }
0x4f: {  	[sflag:s31] =	ssyncset.done $0x0;
	s18 =	sshrl.u32 s18, $0x3  }
0x50: {  	[sflag:s31] =	ssyncadd.s32 $0xFFFFE780;
	s18 =	sadd.s32 s9, s18  }
0x51: {  	[hbm4b:s18+s3] =	stream.linear.scatter [tilespmem:s30], [sflag:$0x5], $0x1880, $0x38;
	[tilespmem:$0x1B080] =	vst v63  }
0x52: {  	_ =	swait.ge [sflag:s31], $0x1880  }
0x53: {  	[sflag:s31] =	ssyncset.done $0x0  }
0x54: {  	s24 =	rddreg [dreg:$0x12];
	[sflag:s31] =	ssyncadd.s32 $0xFFFFE780  }
0x55: {  	[tilespmem:s30], [sflag:$0x5] =	stream.linear.gather [spmem:s24], $0x1880, $0x38;
	[tilespmem:$0x1B080] =	vst v63  }
0x56: {  	_ =	swait.ge [sflag:s31], $0x1880  }
0x57: {  	s19 =	rddreg [dreg:$0xf]  }
0x58: {  	s18 =	sadd.s32 s16, s19  }
0x59: {  	[sflag:s31] =	ssyncset.done $0x0;
	s18 =	sshrl.u32 s18, $0x3  }
0x5a: {  	[sflag:s31] =	ssyncadd.s32 $0xFFFFE780;
	s18 =	sadd.s32 s9, s18  }
0x5b: {  	[hbm4b:s18+s3] =	stream.linear.scatter [tilespmem:s30], [sflag:$0x5], $0x1880, $0x38;
	[tilespmem:$0x1B080] =	vst v63  }
0x5c: {  	_ =	swait.ge [sflag:s31], $0x1880  }
0x5d: {  	[sflag:s31] =	ssyncset.done $0x0  }
0x5e: {  	s25 =	rddreg [dreg:$0x13];
	[sflag:s31] =	ssyncadd.s32 $0xFFFFE780  }
0x5f: {  	[tilespmem:s30], [sflag:$0x5] =	stream.linear.gather [spmem:s25], $0x1880, $0x38;
	[tilespmem:$0x1B080] =	vst v63  }
0x60: {  	_ =	swait.ge [sflag:s31], $0x1880  }
0x61: {  	s26 =	rddreg [dreg:$0x10]  }
0x62: {  	s18 =	sadd.s32 s16, s26  }
0x63: {  	[sflag:s31] =	ssyncset.done $0x0;
	s18 =	sshrl.u32 s18, $0x3  }
0x64: {  	[sflag:s31] =	ssyncadd.s32 $0xFFFFE780;
	s18 =	sadd.s32 s9, s18  }
0x65: {  	[hbm4b:s18+s3] =	stream.linear.scatter [tilespmem:s30], [sflag:$0x5], $0x1880, $0x38;
	[tilespmem:$0x1B080] =	vst v63  }
0x66: {  	_ =	swait.ge [sflag:s31], $0x1880  }
0x67: {  	[sflag:s31] =	ssyncset.done $0x0  }
0x68: {  	s28 =	rddreg [dreg:$0x14];
	[sflag:s31] =	ssyncadd.s32 $0xFFFFE780  }
0x69: {  	[tilespmem:s30], [sflag:$0x5] =	stream.linear.gather [spmem:s28], $0x1880, $0x38;
	[tilespmem:$0x1B080] =	vst v63  }
0x6a: {  	_ =	swait.ge [sflag:s31], $0x1880  }
0x6b: {  	s29 =	rddreg [dreg:$0x11]  }
0x6c: {  	s16 =	sadd.s32 s16, s29  }
0x6d: {  	[sflag:s31] =	ssyncset.done $0x0;
	s16 =	sshrl.u32 s16, $0x3  }
.Ltmp3:
0x6e: {  	[sflag:s31] =	ssyncadd.s32 $0xFFFFE780;
	s16 =	sadd.s32 s9, s16;
	(pc) =	sbr.rel @!p0 .LBB2_22-.Ltmp3, $4  }
0x6f: {  	[hbm4b:s16+s3] =	stream.linear.scatter [tilespmem:s30], [sflag:$0x5], $0x1880, $0x38;
	[tilespmem:$0x1B080] =	vst v63  }
0x70: {  	_ =	swait.ge [sflag:s31], $0x1880  }
0x71: {  	[sflag:s31] =	ssyncset.done $0x0  }
0x72: {  	p1 =	por $0x0, $0x0;
	s16 =	simm.s32 $0x1;
	[sflag:s31] =	ssyncadd.s32 $0xFFFFE780  }
.LBB2_2:
0x73: {  	p0 =	por p1, p1;
	s18 =	simm.s32 $0x40;
	s19 =	simm.s32 $0x0  }
.LBB2_3:
0x74: {  	p1 =	sne.s32 s18, $0x61C0;
	[tilespmem:s19+$0xD400] =	vst v0;
	s19 =	smov.u32 s18;
	s18 =	sadd.s32 $0x40, s18  }
.Ltmp4:
0x75: {  	(pc) =	sbr.rel @p1 .LBB2_3-.Ltmp4, $2  }
0x76: {  	_ =	sdelay $0x2  }
0x77: {  	s19 =	sshra.s32 s19, $0x2  }
0x78: {  	[tilespmem:s19+$0xD400] =	vst v0;
	s18 =	rddreg [dreg:$0x9]  }
0x79: {  	[spmem:s18] =	stream.linear.scatter [tilespmem:s30], [sflag:$0x5], $0x1880, $0x38;
	[tilespmem:$0x1B080] =	vst v63  }
0x7a: {  	_ =	swait.ge [sflag:s31], $0x1880  }
0x7b: {  	[sflag:s31] =	ssyncset.done $0x0  }
0x7c: {  	[sflag:s31] =	ssyncadd.s32 $0xFFFFE780  }
0x7d: {  	[spmem:s20] =	stream.linear.scatter [tilespmem:s30], [sflag:$0x5], $0x1880, $0x38;
	[tilespmem:$0x1B080] =	vst v63  }
0x7e: {  	_ =	swait.ge [sflag:s31], $0x1880  }
0x7f: {  	[sflag:s31] =	ssyncset.done $0x0  }
0x80: {  	[sflag:s31] =	ssyncadd.s32 $0xFFFFE780  }
0x81: {  	[spmem:s21] =	stream.linear.scatter [tilespmem:s30], [sflag:$0x5], $0x1880, $0x38;
	[tilespmem:$0x1B080] =	vst v63  }
0x82: {  	_ =	swait.ge [sflag:s31], $0x1880  }
0x83: {  	[sflag:s31] =	ssyncset.done $0x0  }
0x84: {  	[sflag:s31] =	ssyncadd.s32 $0xFFFFE780  }
0x85: {  	[spmem:s22] =	stream.linear.scatter [tilespmem:s30], [sflag:$0x5], $0x1880, $0x38;
	[tilespmem:$0x1B080] =	vst v63  }
0x86: {  	_ =	swait.ge [sflag:s31], $0x1880  }
0x87: {  	[sflag:s31] =	ssyncset.done $0x0  }
0x88: {  	[sflag:s31] =	ssyncadd.s32 $0xFFFFE780  }
0x89: {  	[spmem:s23] =	stream.linear.scatter [tilespmem:s30], [sflag:$0x5], $0x1880, $0x38;
	[tilespmem:$0x1B080] =	vst v63  }
0x8a: {  	_ =	swait.ge [sflag:s31], $0x1880  }
0x8b: {  	[sflag:s31] =	ssyncset.done $0x0  }
0x8c: {  	[sflag:s31] =	ssyncadd.s32 $0xFFFFE780  }
0x8d: {  	[spmem:s24] =	stream.linear.scatter [tilespmem:s30], [sflag:$0x5], $0x1880, $0x38;
	[tilespmem:$0x1B080] =	vst v63  }
0x8e: {  	_ =	swait.ge [sflag:s31], $0x1880  }
0x8f: {  	[sflag:s31] =	ssyncset.done $0x0  }
0x90: {  	s24 =	rddreg [dreg:$0x13];
	[sflag:s31] =	ssyncadd.s32 $0xFFFFE780  }
0x91: {  	[spmem:s24] =	stream.linear.scatter [tilespmem:s30], [sflag:$0x5], $0x1880, $0x38;
	[tilespmem:$0x1B080] =	vst v63  }
0x92: {  	_ =	swait.ge [sflag:s31], $0x1880  }
0x93: {  	[sflag:s31] =	ssyncset.done $0x0  }
0x94: {  	s25 =	rddreg [dreg:$0x14];
	[sflag:s31] =	ssyncadd.s32 $0xFFFFE780  }
0x95: {  	[spmem:s25] =	stream.linear.scatter [tilespmem:s30], [sflag:$0x5], $0x1880, $0x38;
	[tilespmem:$0x1B080] =	vst v63  }
0x96: {  	_ =	swait.ge [sflag:s31], $0x1880  }
.Ltmp5:
0x97: {  	s26 =	rddreg [dreg:$0x5];
	(pc) =	sbr.rel .LBB2_5-.Ltmp5, $4  }
0x98: {  	[sflag:s31] =	ssyncset.done $0x0;
	s18 =	sor.u32 s26, s16  }
0x99: {  	[sflag:s31] =	ssyncadd.s32 $0xFFFFE780;
	s16 =	smul.u32 $0xC350, s18  }
0x9a: {  	[bflag:$0x0] =	sbarrier.arrive $0xFFFF  }
0x9b: {  	s28 =	smov.u32 s20;
	s29 =	smov.u32 s21;
	s19 =	simm.s32 $0x0;
	v17 =	vmov s16  }
.LBB2_20:
0x9c: {  	s19 =	sadd.s32 $0x1, s19  }
0x9d: {  	_ =	swait.ge [sflag:s13], $0x4000;
	p1 =	sne.s32 s19, $0x7  }
.Ltmp6:
0x9e: {  	[sflag:s13] =	ssyncset.done $0x0;
	(pc) =	sbr.rel @!p1 .LBB2_21-.Ltmp6, $4  }
0x9f: {  	[sflag:s13] =	ssyncadd.s32 $0xFFFFC000  }
0xa0: {  	_ =	swait.ge [sflag:s15], $0x4000  }
0xa1: {  	[sflag:s15] =	ssyncset.done $0x0  }
0xa2: {  	[sflag:s15] =	ssyncadd.s32 $0xFFFFC000  }
.LBB2_5:
0xa3: {  	s16 =	smul.u32 $0x38, s19;
	_ =	sdelay $0x1  }
0xa4: {  	s16 =	sadd.s32 s11, s16  }
0xa5: {  	s16 =	sshll.u32 s16, $0x4  }
0xa6: {  	s20 =	sadd.s32 s5, s16  }
0xa7: {  	[tilespmem:s3], [sflag:$0x5] =	stream.linear.gather [hbm4b:s20+s3], $0x1C00, $0x38;
	[tilespmem:$0x1B080] =	vst v63  }
0xa8: {  	_ =	swait.ge [sflag:s31], $0x1C00  }
0xa9: {  	[sflag:s31] =	ssyncset.done $0x0  }
0xaa: {  	s26 =	sadd.s32 s6, s16;
	[sflag:s31] =	ssyncadd.s32 $0xFFFFE400  }
0xab: {  	[tilespmem:s0], [sflag:$0x5] =	stream.linear.gather [hbm4b:s26+s3], $0x1C00, $0x38;
	[tilespmem:$0x1B080] =	vst v63  }
0xac: {  	_ =	swait.ge [sflag:s31], $0x1C00  }
0xad: {  	[sflag:s31] =	ssyncset.done $0x0  }
0xae: {  	s16 =	sadd.s32 s7, s16;
	[sflag:s31] =	ssyncadd.s32 $0xFFFFE400  }
0xaf: {  	[tilespmem:s4], [sflag:$0x5] =	stream.linear.gather [hbm4b:s16+s3], $0x1C00, $0x38;
	[tilespmem:$0x1B080] =	vst v63  }
0xb0: {  	_ =	swait.ge [sflag:s31], $0x1C00  }
0xb1: {  	[sflag:s31] =	ssyncset.done $0x0  }
0xb2: {  	s16 =	simm.s32 $0x40;
	[sflag:s31] =	ssyncadd.s32 $0xFFFFE400  }
0xb3: {  	v20 =	vld [tilespmem:s16+$0xFFFFFFC0]  }
0xb4: {  	v21 =	vld [tilespmem:s16+$0xFFFFFFD0]  }
0xb5: {  	v22 =	vld [tilespmem:s16+$0xFFFFFFE0]  }
0xb6: {  	v19 =	vld [tilespmem:s16+$0x0]  }
0xb7: {  	v18 =	vld [tilespmem:s16+$0x10]  }
0xb8: {  	v23 =	vadd.s32 v17, v20;
	v20 =	vld [tilespmem:s16+$0x20]  }
0xb9: {  	[tilespmem:s16+$0xFFFFFFC0] =	vst v23;
	v23 =	vadd.s32 v17, v21;
	v21 =	vld [tilespmem:s16+$0x30]  }
0xba: {  	s21 =	simm.s32 $0xC0;
	s20 =	simm.s32 $0x0;
	[tilespmem:s16+$0xFFFFFFD0] =	vst v23;
	v23 =	vadd.s32 v17, v22;
	v22 =	vld [tilespmem:s16+$0xFFFFFFF0]  }
.LBB2_6:
0xbb: {  	v24 =	vld [tilespmem:s21+$0xFFFFFFC0];
	[tilespmem:s16+$0xFFFFFFE0] =	vst v23;
	v19 =	vadd.s32 v17, v19  }
0xbc: {  	s20 =	sadd.s32 $0x8, s20;
	v23 =	vld [tilespmem:s21+$0xFFFFFFD0];
	[tilespmem:s16+$0x0] =	vst v19;
	v18 =	vadd.s32 v17, v18  }
0xbd: {  	p1 =	slt.u32 s20, $0x1B8;
	v25 =	vld [tilespmem:s21+$0xFFFFFFE0];
	[tilespmem:s16+$0x10] =	vst v18;
	v18 =	vadd.s32 v17, v20  }
.Ltmp7:
0xbe: {  	v19 =	vld [tilespmem:s21+$0x0];
	[tilespmem:s16+$0x20] =	vst v18;
	v20 =	vadd.s32 v17, v21;
	(pc) =	sbr.rel @p1 .LBB2_6-.Ltmp7, $4  }
0xbf: {  	v18 =	vld [tilespmem:s21+$0x10];
	v21 =	vadd.s32 v17, v22;
	[tilespmem:s16+$0x30] =	vst v20  }
0xc0: {  	v22 =	vadd.s32 v17, v24;
	v20 =	vld [tilespmem:s21+$0x20];
	[tilespmem:s16+$0xFFFFFFF0] =	vst v21;
	s16 =	smov.u32 s21  }
0xc1: {  	[tilespmem:s21+$0xFFFFFFC0] =	vst v22;
	v22 =	vadd.s32 v17, v23;
	v21 =	vld [tilespmem:s21+$0x30]  }
0xc2: {  	s21 =	sadd.s32 $0x80, s21;
	[tilespmem:s16+$0xFFFFFFD0] =	vst v22;
	v23 =	vadd.s32 v17, v25;
	v22 =	vld [tilespmem:s16+$0xFFFFFFF0]  }
0xc3: {  	[tilespmem:s16+$0xFFFFFFE0] =	vst v23;
	v19 =	vadd.s32 v17, v19  }
0xc4: {  	[tilespmem:s16+$0x0] =	vst v19;
	v18 =	vadd.s32 v17, v18  }
.Ltmp8:
0xc5: {  	[tilespmem:s16+$0x10] =	vst v18;
	v18 =	vadd.s32 v17, v20;
	(pc) =	sbr.rel .LBB2_8-.Ltmp8, $4  }
0xc6: {  	[tilespmem:s16+$0x20] =	vst v18;
	v18 =	vadd.s32 v17, v21  }
0xc7: {  	v19 =	vadd.s32 v17, v22;
	[tilespmem:s16+$0x30] =	vst v18  }
0xc8: {  	s23 =	simm.s32 $0x0;
	[tilespmem:s16+$0xFFFFFFF0] =	vst v19  }
0xc9: {  	[tilespmem:s10], [sflag:$0x1] =	stream.indirect.gather [hbm4b:s1+s12], $0x10, s23, s12, $0xb8;
	[tilespmem:$0x1B080] =	vst v63  }
.LBB2_19:
0xca: {  	s23 =	sadd.s32 $0x1, s23  }
0xcb: {  	p1 =	sne.s32 s23, $0x7  }
.Ltmp9:
0xcc: {  	_ = 	snop;
	(pc) =	sbr.rel @!p1 .LBB2_20-.Ltmp9, $1  }
0xcd: {  	_ =	sdelay $0x3  }
.LBB2_8:
0xce: {  	s24 =	sand.u32 $0x1, s23  }
0xcf: {  	p1 =	seq.s32 s24, $0x1  }
.Ltmp10:
0xd0: {  	_ = 	snop;
	(pc) =	sbr.rel @p1 .LBB2_16-.Ltmp10, $1  }
0xd1: {  	_ =	sdelay $0x3  }
0xd2: {  	p1 =	seq.s32 s23, $0x0  }
.Ltmp11:
0xd3: {  	_ = 	snop;
	(pc) =	sbr.rel @p1 .LBB2_12-.Ltmp11, $4  }
0xd4: {  	_ = 	snop  }
0xd5: {  	_ =	swait.ge [sflag:s17], $0x4000  }
0xd6: {  	[sflag:s17] =	ssyncset.done $0x0  }
0xd7: {  	[sflag:s17] =	ssyncadd.s32 $0xFFFFC000  }
0xd8: {  	p1 =	seq.s32 s23, $0x6  }
.Ltmp12:
0xd9: {  	_ = 	snop;
	(pc) =	sbr.rel @p1 .LBB2_13-.Ltmp12, $2  }
0xda: {  	_ =	sdelay $0x2  }
0xdb: {  	s16 =	simm.s32 $0x6000  }
0xdc: {  	_ =	swait.ge [sflag:s13], $0x4000  }
0xdd: {  	[sflag:s13] =	ssyncset.done $0x0  }
0xde: {  	[sflag:s13] =	ssyncadd.s32 $0xFFFFC000  }
.LBB2_12:
0xdf: {  	s16 =	sshll.u32 s23, $0xC  }
0xe0: {  	s20 =	sshrl.u32 s16, $0x2  }
0xe1: {  	s20 =	sadd.s32 $0x400, s20  }
0xe2: {  	[tilespmem:s14], [sflag:$0x2] =	stream.indirect.gather [hbm4b:s1+s12], $0x10, s20, s12, $0xb8;
	[tilespmem:$0x1B080] =	vst v63  }
.LBB2_13:
0xe3: {  	s25 =	sshrl.u32 s16, $0x2;
	s16 =	simm.s32 $0x5500  }
0xe4: {  	s20 =	sadd.s32 $0x3810, s25;
	v18 =	vld [tilespmem:s16+$0xFFFFFF50]  }
0xe5: {  	v19 =	vld [tilespmem:s20+$0xFFFFFFF0]  }
0xe6: {  	v20 =	vld [tilespmem:s16+$0xFFFFFFF0]  }
0xe7: {  	v21 =	vld [tilespmem:s16+$0xFFFFFFB0]  }
0xe8: {  	v23 =	vld [tilespmem:s16+$0xFFFFFF00]  }
0xe9: {  	v27 =	vld [tilespmem:s16+$0xFFFFFF80]  }
0xea: {  	v29 =	vld [tilespmem:s16+$0xFFFFFF90];
	v22 =	vperm.xlane v19, v3;
	v24 =	vperm.xlane v19, v12  }
0xeb: {  	v32 =	vld [tilespmem:s16+$0xFFFFFFA0];
	v25 =	vperm.xlane v19, v8;
	v30 =	vperm.xlane v19, v1  }
0xec: {  	v26 =	vld [tilespmem:s16+$0xFFFFFF70];
	v31 =	vperm.xlane v19, v9;
	v34 =	vperm.xlane v19, v10  }
0xed: {  	v28 =	vld [tilespmem:s16+$0xFFFFFF20];
	v35 =	vperm.xlane v19, v11;
	v33 =	vmul.f32 v21, v24  }
0xee: {  	v21 =	vperm.xlane v19, v6;
	v24 =	vld [tilespmem:s16+$0xFFFFFFC0];
	v30 =	vmul.f32 v23, v30  }
0xef: {  	v31 =	vmul.f32 v27, v31;
	v29 =	vmul.f32 v29, v34;
	v23 =	vld [tilespmem:s16+$0xFFFFFFE0];
	[tilespmem:s16+$0xFFFFFFB0] =	vst v33  }
0xf0: {  	s22 =	simm.s32 $0x0;
	s26 =	simm.s32 $0x5500;
	s21 =	smov.u32 s20;
	v27 =	vld [tilespmem:s16+$0xFFFFFF60];
	v32 =	vmul.f32 v32, v35;
	[tilespmem:s16+$0xFFFFFF00] =	vst v30;
	v30 =	vperm.xlane v19, v13  }
.LBB2_14:
0xf1: {  	s22 =	sadd.s32 $0x2, s22;
	v25 =	vmul.f32 v26, v25;
	[tilespmem:s16+$0xFFFFFF80] =	vst v31;
	v26 =	vperm.xlane v19, v16;
	s26 =	sadd.s32 $0x200, s26;
	s20 =	sadd.s32 $0x20, s20  }
0xf2: {  	v31 =	vperm.xlane v19, v15;
	p1 =	slt.u32 s22, $0x3E;
	v22 =	vmul.f32 v28, v22;
	[tilespmem:s16+$0xFFFFFFA0] =	vst v32;
	v28 =	vld [tilespmem:s16+$0xFFFFFFD0]  }
0xf3: {  	v33 =	vperm.xlane v19, v7;
	v32 =	vld [tilespmem:s16+$0xFFFFFF40];
	[tilespmem:s16+$0xFFFFFF90] =	vst v29;
	v20 =	vmul.f32 v20, v26  }
0xf4: {  	v24 =	vmul.f32 v24, v30;
	v26 =	vld [tilespmem:s16+$0xFFFFFF30];
	[tilespmem:s16+$0xFFFFFF70] =	vst v25;
	v23 =	vmul.f32 v23, v31  }
0xf5: {  	v25 =	vperm.xlane v19, v14;
	[tilespmem:s16+$0xFFFFFF20] =	vst v22;
	v22 =	vmul.f32 v27, v33  }
0xf6: {  	v18 =	vmul.f32 v18, v21;
	v29 =	vperm.xlane v19, v5;
	v27 =	vld [tilespmem:s16+$0xFFFFFF10];
	[tilespmem:s16+$0xFFFFFFC0] =	vst v24  }
0xf7: {  	v21 =	vperm.xlane v19, v4;
	[tilespmem:s16+$0xFFFFFF60] =	vst v22;
	v22 =	vmul.f32 v28, v25  }
0xf8: {  	v24 =	vmul.f32 v32, v29;
	[tilespmem:s16+$0xFFFFFF50] =	vst v18  }
0xf9: {  	v19 =	vperm.xlane v19, v2;
	v18 =	vld [tilespmem:s26+$0xFFFFFF50];
	v21 =	vmul.f32 v26, v21;
	[tilespmem:s16+$0xFFFFFFD0] =	vst v22  }
0xfa: {  	[tilespmem:s16+$0xFFFFFF40] =	vst v24  }
0xfb: {  	v19 =	vmul.f32 v27, v19;
	[tilespmem:s16+$0xFFFFFF30] =	vst v21  }
0xfc: {  	[tilespmem:s16+$0xFFFFFFF0] =	vst v20  }
0xfd: {  	[tilespmem:s16+$0xFFFFFF10] =	vst v19  }
0xfe: {  	[tilespmem:s16+$0xFFFFFFE0] =	vst v23;
	v19 =	vld [tilespmem:s16+$0x20]  }
0xff: {  	v20 =	vld [tilespmem:s21+$0x0];
	s21 =	smov.u32 s20  }
0x100: {  	v21 =	vld [tilespmem:s16+$0x50]  }
0x101: {  	v22 =	vld [tilespmem:s16+$0x10]  }
0x102: {  	v23 =	vld [tilespmem:s16+$0x60]  }
0x103: {  	v24 =	vld [tilespmem:s16+$0x30]  }
0x104: {  	v25 =	vld [tilespmem:s16+$0x0];
	v26 =	vperm.xlane v20, v2;
	v27 =	vperm.xlane v20, v6  }
0x105: {  	v28 =	vperm.xlane v20, v1;
	v29 =	vperm.xlane v20, v3;
	v30 =	vld [tilespmem:s16+$0x70]  }
0x106: {  	v22 =	vmul.f32 v22, v26;
	v26 =	vld [tilespmem:s16+$0x40];
	v21 =	vmul.f32 v21, v27  }
0x107: {  	v31 =	vperm.xlane v20, v5;
	v27 =	vperm.xlane v20, v4;
	v32 =	vld [tilespmem:s16+$0xA0]  }
0x108: {  	v33 =	vperm.xlane v20, v8;
	[tilespmem:s16+$0x10] =	vst v22;
	v22 =	vperm.xlane v20, v7;
	v34 =	vld [tilespmem:s16+$0x80]  }
0x109: {  	v24 =	vmul.f32 v24, v27;
	v25 =	vmul.f32 v25, v28;
	[tilespmem:s16+$0x50] =	vst v21;
	v21 =	vld [tilespmem:s16+$0x90]  }
0x10a: {  	v22 =	vmul.f32 v23, v22;
	v23 =	vmul.f32 v30, v33;
	v27 =	vld [tilespmem:s16+$0xB0]  }
0x10b: {  	v19 =	vmul.f32 v19, v29;
	[tilespmem:s16+$0x30] =	vst v24;
	v24 =	vmul.f32 v26, v31  }
0x10c: {  	v26 =	vperm.xlane v20, v10;
	[tilespmem:s16+$0x60] =	vst v22;
	v22 =	vperm.xlane v20, v9;
	v28 =	vld [tilespmem:s16+$0xC0]  }
0x10d: {  	v29 =	vperm.xlane v20, v12;
	[tilespmem:s16+$0x70] =	vst v23;
	v23 =	vperm.xlane v20, v11;
	v30 =	vld [tilespmem:s16+$0xD0]  }
0x10e: {  	[tilespmem:s16+$0x40] =	vst v24;
	v22 =	vmul.f32 v34, v22;
	v21 =	vmul.f32 v21, v26;
	v24 =	vld [tilespmem:s16+$0xE0]  }
0x10f: {  	[tilespmem:s16+$0x0] =	vst v25;
	v23 =	vmul.f32 v32, v23;
	v25 =	vmul.f32 v27, v29;
	v26 =	vld [tilespmem:s16+$0xF0]  }
0x110: {  	v27 =	vperm.xlane v20, v14;
	[tilespmem:s16+$0x20] =	vst v19;
	v19 =	vperm.xlane v20, v13  }
0x111: {  	[tilespmem:s16+$0x80] =	vst v22;
	v22 =	vperm.xlane v20, v15;
	v20 =	vperm.xlane v20, v16  }
0x112: {  	[tilespmem:s16+$0x90] =	vst v21;
	v19 =	vmul.f32 v28, v19;
	v21 =	vmul.f32 v30, v27  }
0x113: {  	[tilespmem:s16+$0xA0] =	vst v23;
	v22 =	vmul.f32 v24, v22  }
0x114: {  	[tilespmem:s16+$0xB0] =	vst v25;
	v20 =	vmul.f32 v26, v20  }
0x115: {  	[tilespmem:s16+$0xC0] =	vst v19  }
0x116: {  	[tilespmem:s16+$0xF0] =	vst v20  }
0x117: {  	[tilespmem:s16+$0xD0] =	vst v21  }
0x118: {  	[tilespmem:s16+$0xE0] =	vst v22;
	s16 =	smov.u32 s26  }
0x119: {  	v19 =	vld [tilespmem:s20+$0xFFFFFFF0]  }
0x11a: {  	v20 =	vld [tilespmem:s26+$0xFFFFFFF0]  }
0x11b: {  	v23 =	vld [tilespmem:s26+$0xFFFFFF00]  }
0x11c: {  	v24 =	vld [tilespmem:s26+$0xFFFFFFB0]  }
0x11d: {  	v27 =	vld [tilespmem:s26+$0xFFFFFF80]  }
0x11e: {  	v22 =	vperm.xlane v19, v3;
	v25 =	vperm.xlane v19, v8;
	v29 =	vld [tilespmem:s26+$0xFFFFFF90]  }
0x11f: {  	v30 =	vperm.xlane v19, v1;
	v31 =	vperm.xlane v19, v12;
	v32 =	vld [tilespmem:s26+$0xFFFFFFA0]  }
.Ltmp13:
0x120: {  	v33 =	vperm.xlane v19, v9;
	v34 =	vperm.xlane v19, v10;
	v26 =	vld [tilespmem:s26+$0xFFFFFF70];
	(pc) =	sbr.rel @p1 .LBB2_14-.Ltmp13, $4  }
0x121: {  	v21 =	vperm.xlane v19, v6;
	v28 =	vld [tilespmem:s26+$0xFFFFFF20];
	v35 =	vmul.f32 v24, v31  }
0x122: {  	v36 =	vperm.xlane v19, v11;
	v30 =	vmul.f32 v23, v30;
	v24 =	vld [tilespmem:s26+$0xFFFFFFC0]  }
0x123: {  	v31 =	vmul.f32 v27, v33;
	v29 =	vmul.f32 v29, v34;
	[tilespmem:s26+$0xFFFFFFB0] =	vst v35;
	v23 =	vld [tilespmem:s26+$0xFFFFFFE0]  }
0x124: {  	[tilespmem:s26+$0xFFFFFF00] =	vst v30;
	v27 =	vld [tilespmem:s26+$0xFFFFFF60];
	v32 =	vmul.f32 v32, v36;
	v30 =	vperm.xlane v19, v13  }
0x125: {  	[tilespmem:s16+$0xFFFFFF80] =	vst v31;
	v25 =	vmul.f32 v26, v25;
	v56 =	vperm.xlane v19, v7  }
0x126: {  	[tilespmem:s16+$0xFFFFFF90] =	vst v29;
	v59 =	vperm.xlane v19, v14;
	v61 =	vperm.xlane v19, v5  }
0x127: {  	v18 =	vmul.f32 v18, v21;
	v62 =	vperm.xlane v19, v4;
	[tilespmem:s16+$0xFFFFFFA0] =	vst v32  }
0x128: {  	v54 =	vld [tilespmem:s16+$0xFFFFFFD0];
	v31 =	vperm.xlane v19, v16;
	v22 =	vmul.f32 v28, v22;
	[tilespmem:s16+$0xFFFFFF70] =	vst v25  }
0x129: {  	v55 =	vld [tilespmem:s16+$0xFFFFFF40];
	v24 =	vmul.f32 v24, v30;
	[tilespmem:s16+$0xFFFFFF50] =	vst v18;
	v18 =	vperm.xlane v19, v2  }
0x12a: {  	v57 =	vld [tilespmem:s16+$0xFFFFFF30];
	v19 =	vperm.xlane v19, v15;
	v20 =	vmul.f32 v20, v31;
	[tilespmem:s16+$0xFFFFFF20] =	vst v22  }
0x12b: {  	v60 =	vld [tilespmem:s16+$0xFFFFFF10];
	v58 =	vmul.f32 v27, v56;
	[tilespmem:s16+$0xFFFFFFC0] =	vst v24  }
0x12c: {  	v19 =	vmul.f32 v23, v19;
	[tilespmem:s16+$0xFFFFFFF0] =	vst v20  }
0x12d: {  	v63 =	vmul.f32 v54, v59;
	[tilespmem:s16+$0xFFFFFF60] =	vst v58  }
0x12e: {  	v32 =	vmul.f32 v55, v61;
	[tilespmem:s16+$0xFFFFFFE0] =	vst v19  }
0x12f: {  	v21 =	vmul.f32 v57, v62;
	[tilespmem:s16+$0xFFFFFFD0] =	vst v63  }
0x130: {  	v18 =	vmul.f32 v60, v18;
	[tilespmem:s16+$0xFFFFFF40] =	vst v32  }
0x131: {  	[tilespmem:s16+$0xFFFFFF30] =	vst v21  }
0x132: {  	[tilespmem:s16+$0xFFFFFF10] =	vst v18  }
0x133: {  	v18 =	vld [tilespmem:s21+$0x0];
	_ =	sdelay $0x1  }
0x134: {  	v33 =	vld [tilespmem:s16+$0x10]  }
0x135: {  	v34 =	vld [tilespmem:s16+$0x50]  }
0x136: {  	v35 =	vld [tilespmem:s16+$0x30]  }
0x137: {  	v36 =	vld [tilespmem:s16+$0x60];
	v37 =	vperm.xlane v18, v2  }
0x138: {  	v40 =	vld [tilespmem:s16+$0x40];
	v38 =	vperm.xlane v18, v6  }
0x139: {  	v42 =	vld [tilespmem:s16+$0x0];
	v41 =	vperm.xlane v18, v4;
	v20 =	vmul.f32 v33, v37  }
0x13a: {  	v19 =	vld [tilespmem:s16+$0x20];
	v43 =	vperm.xlane v18, v7;
	v21 =	vmul.f32 v34, v38  }
0x13b: {  	v45 =	vld [tilespmem:s16+$0x80];
	v46 =	vperm.xlane v18, v5;
	v22 =	vmul.f32 v35, v41;
	[tilespmem:s16+$0x10] =	vst v20  }
0x13c: {  	v53 =	vld [tilespmem:s16+$0xB0];
	v48 =	vperm.xlane v18, v1;
	v47 =	vmul.f32 v36, v43;
	[tilespmem:s16+$0x50] =	vst v21  }
0x13d: {  	v39 =	vld [tilespmem:s16+$0x70];
	v50 =	vperm.xlane v18, v3;
	v24 =	vmul.f32 v40, v46;
	[tilespmem:s16+$0x30] =	vst v22  }
0x13e: {  	v51 =	vld [tilespmem:s16+$0xA0];
	v54 =	vperm.xlane v18, v9;
	v52 =	vmul.f32 v42, v48;
	[tilespmem:s16+$0x60] =	vst v47  }
0x13f: {  	v56 =	vld [tilespmem:s16+$0xC0];
	v59 =	vperm.xlane v18, v12;
	v19 =	vmul.f32 v19, v50;
	[tilespmem:s16+$0x40] =	vst v24  }
0x140: {  	v49 =	vld [tilespmem:s16+$0x90];
	v44 =	vperm.xlane v18, v8;
	v27 =	vmul.f32 v45, v54;
	[tilespmem:s16+$0x0] =	vst v52  }
0x141: {  	v58 =	vld [tilespmem:s16+$0xF0];
	v57 =	vperm.xlane v18, v11;
	v23 =	vmul.f32 v53, v59;
	[tilespmem:s16+$0x20] =	vst v19  }
0x142: {  	v60 =	vld [tilespmem:s16+$0xD0];
	v61 =	vperm.xlane v18, v13;
	v20 =	vmul.f32 v39, v44;
	[tilespmem:s16+$0x80] =	vst v27  }
0x143: {  	v55 =	vperm.xlane v18, v10;
	v19 =	vld [tilespmem:s16+$0xE0];
	v24 =	vmul.f32 v51, v57;
	[tilespmem:s16+$0xB0] =	vst v23  }
0x144: {  	v62 =	vperm.xlane v18, v16;
	v22 =	vmul.f32 v56, v61;
	[tilespmem:s16+$0x70] =	vst v20  }
0x145: {  	v63 =	vperm.xlane v18, v14;
	v20 =	vmul.f32 v49, v55;
	[tilespmem:s16+$0xA0] =	vst v24  }
0x146: {  	p1 =	seq.s32 s24, $0x0;
	v18 =	vperm.xlane v18, v15;
	v21 =	vmul.f32 v58, v62;
	[tilespmem:s16+$0xC0] =	vst v22  }
.Ltmp14:
0x147: {  	[tilespmem:s16+$0x90] =	vst v20;
	v20 =	vmul.f32 v60, v63;
	(pc) =	sbr.rel @p1 .LBB2_19-.Ltmp14, $4  }
0x148: {  	[tilespmem:s16+$0xF0] =	vst v21;
	v18 =	vmul.f32 v19, v18  }
0x149: {  	[tilespmem:s16+$0xD0] =	vst v20  }
0x14a: {  	s26 =	sadd.s32 $0x1C00, s25;
	[tilespmem:s16+$0xE0] =	vst v18  }
0x14b: {  	[spmem:s2] =	stream.indirect.scatter.add.f32 [tilespmem:s10], [sflag:$0x3], $0x10, s26, s12, $0xb8;
	[tilespmem:$0x1B080] =	vst v63  }
.LBB2_16:
0x14c: {  	_ =	swait.ge [sflag:s8], $0x4000  }
0x14d: {  	p1 =	seq.s32 s23, $0x6;
	[sflag:s8] =	ssyncset.done $0x0  }
0x14e: {  	s16 =	simm.s32 @!p1 $0x3;
	[sflag:s8] =	ssyncadd.s32 $0xFFFFC000  }
0x14f: {  	_ =	swait.ge @!p1 [sflag:s16], $0x4000  }
0x150: {  	s20 =	sshll.u32 @!p1 s23, $0xC;
	[sflag:s16] =	ssyncset.done @!p1 $0x0  }
0x151: {  	s21 =	simm.s32 @!p1 $0x400;
	[sflag:s16] =	ssyncadd.s32 @!p1 $0xFFFFC000;
	s16 =	sshrl.u32 @!p1 s20, $0x2  }
0x152: {  	s22 =	simm.s32 @!p1 $0x5400;
	s20 =	simm.s32 @p1 $0x6000;
	s16 =	sadd.s32 @!p1 $0x400, s16  }
0x153: {  	[tilespmem:s22], [sflag:$0x1] =	stream.indirect.gather @!p1 [hbm4b:s1+s21], $0x10, s16, s21, $0xb8;
	[tilespmem:$0x1B080] =	vst v63  }
0x154: {  	s24 =	sshrl.u32 s20, $0x2;
	s16 =	simm.s32 $0x9500  }
0x155: {  	s21 =	sadd.s32 $0x3810, s24;
	v18 =	vld [tilespmem:s16+$0xFFFFFF50]  }
0x156: {  	v19 =	vld [tilespmem:s21+$0xFFFFFFF0]  }
0x157: {  	v20 =	vld [tilespmem:s16+$0xFFFFFFF0]  }
0x158: {  	v21 =	vld [tilespmem:s16+$0xFFFFFFB0]  }
0x159: {  	v23 =	vld [tilespmem:s16+$0xFFFFFF00]  }
0x15a: {  	v27 =	vld [tilespmem:s16+$0xFFFFFF80]  }
0x15b: {  	v29 =	vld [tilespmem:s16+$0xFFFFFF90];
	v22 =	vperm.xlane v19, v3;
	v24 =	vperm.xlane v19, v12  }
0x15c: {  	v32 =	vld [tilespmem:s16+$0xFFFFFFA0];
	v25 =	vperm.xlane v19, v8;
	v30 =	vperm.xlane v19, v1  }
0x15d: {  	v26 =	vld [tilespmem:s16+$0xFFFFFF70];
	v31 =	vperm.xlane v19, v9;
	v34 =	vperm.xlane v19, v10  }
0x15e: {  	v28 =	vld [tilespmem:s16+$0xFFFFFF20];
	v35 =	vperm.xlane v19, v11;
	v33 =	vmul.f32 v21, v24  }
0x15f: {  	v21 =	vperm.xlane v19, v6;
	v24 =	vld [tilespmem:s16+$0xFFFFFFC0];
	v30 =	vmul.f32 v23, v30  }
0x160: {  	v31 =	vmul.f32 v27, v31;
	v29 =	vmul.f32 v29, v34;
	v23 =	vld [tilespmem:s16+$0xFFFFFFE0];
	[tilespmem:s16+$0xFFFFFFB0] =	vst v33  }
0x161: {  	s25 =	simm.s32 $0x9500;
	s22 =	simm.s32 $0x0;
	s20 =	smov.u32 s21;
	v27 =	vld [tilespmem:s16+$0xFFFFFF60];
	v32 =	vmul.f32 v32, v35;
	[tilespmem:s16+$0xFFFFFF00] =	vst v30;
	v30 =	vperm.xlane v19, v13  }
.LBB2_17:
0x162: {  	s22 =	sadd.s32 $0x2, s22;
	v25 =	vmul.f32 v26, v25;
	[tilespmem:s16+$0xFFFFFF80] =	vst v31;
	v26 =	vperm.xlane v19, v16;
	s25 =	sadd.s32 $0x200, s25;
	s21 =	sadd.s32 $0x20, s21  }
0x163: {  	v31 =	vperm.xlane v19, v15;
	p1 =	slt.u32 s22, $0x3E;
	v22 =	vmul.f32 v28, v22;
	[tilespmem:s16+$0xFFFFFFA0] =	vst v32;
	v28 =	vld [tilespmem:s16+$0xFFFFFFD0]  }
0x164: {  	v33 =	vperm.xlane v19, v7;
	v32 =	vld [tilespmem:s16+$0xFFFFFF40];
	[tilespmem:s16+$0xFFFFFF90] =	vst v29;
	v20 =	vmul.f32 v20, v26  }
0x165: {  	v24 =	vmul.f32 v24, v30;
	v26 =	vld [tilespmem:s16+$0xFFFFFF30];
	[tilespmem:s16+$0xFFFFFF70] =	vst v25;
	v23 =	vmul.f32 v23, v31  }
0x166: {  	v25 =	vperm.xlane v19, v14;
	[tilespmem:s16+$0xFFFFFF20] =	vst v22;
	v22 =	vmul.f32 v27, v33  }
0x167: {  	v18 =	vmul.f32 v18, v21;
	v29 =	vperm.xlane v19, v5;
	v27 =	vld [tilespmem:s16+$0xFFFFFF10];
	[tilespmem:s16+$0xFFFFFFC0] =	vst v24  }
0x168: {  	v21 =	vperm.xlane v19, v4;
	[tilespmem:s16+$0xFFFFFF60] =	vst v22;
	v22 =	vmul.f32 v28, v25  }
0x169: {  	v24 =	vmul.f32 v32, v29;
	[tilespmem:s16+$0xFFFFFF50] =	vst v18  }
0x16a: {  	v19 =	vperm.xlane v19, v2;
	v18 =	vld [tilespmem:s25+$0xFFFFFF50];
	v21 =	vmul.f32 v26, v21;
	[tilespmem:s16+$0xFFFFFFD0] =	vst v22  }
0x16b: {  	[tilespmem:s16+$0xFFFFFF40] =	vst v24  }
0x16c: {  	v19 =	vmul.f32 v27, v19;
	[tilespmem:s16+$0xFFFFFF30] =	vst v21  }
0x16d: {  	[tilespmem:s16+$0xFFFFFFF0] =	vst v20  }
0x16e: {  	[tilespmem:s16+$0xFFFFFF10] =	vst v19  }
0x16f: {  	[tilespmem:s16+$0xFFFFFFE0] =	vst v23;
	v19 =	vld [tilespmem:s16+$0x20]  }
0x170: {  	v20 =	vld [tilespmem:s20+$0x0];
	s20 =	smov.u32 s21  }
0x171: {  	v21 =	vld [tilespmem:s16+$0x50]  }
0x172: {  	v22 =	vld [tilespmem:s16+$0x10]  }
0x173: {  	v23 =	vld [tilespmem:s16+$0x60]  }
0x174: {  	v24 =	vld [tilespmem:s16+$0x30]  }
0x175: {  	v25 =	vld [tilespmem:s16+$0x0];
	v26 =	vperm.xlane v20, v2;
	v27 =	vperm.xlane v20, v6  }
0x176: {  	v28 =	vperm.xlane v20, v1;
	v29 =	vperm.xlane v20, v3;
	v30 =	vld [tilespmem:s16+$0x70]  }
0x177: {  	v22 =	vmul.f32 v22, v26;
	v26 =	vld [tilespmem:s16+$0x40];
	v21 =	vmul.f32 v21, v27  }
0x178: {  	v31 =	vperm.xlane v20, v5;
	v27 =	vperm.xlane v20, v4;
	v32 =	vld [tilespmem:s16+$0xA0]  }
0x179: {  	v33 =	vperm.xlane v20, v8;
	[tilespmem:s16+$0x10] =	vst v22;
	v22 =	vperm.xlane v20, v7;
	v34 =	vld [tilespmem:s16+$0x80]  }
0x17a: {  	v24 =	vmul.f32 v24, v27;
	v25 =	vmul.f32 v25, v28;
	[tilespmem:s16+$0x50] =	vst v21;
	v21 =	vld [tilespmem:s16+$0x90]  }
0x17b: {  	v22 =	vmul.f32 v23, v22;
	v23 =	vmul.f32 v30, v33;
	v27 =	vld [tilespmem:s16+$0xB0]  }
0x17c: {  	v19 =	vmul.f32 v19, v29;
	[tilespmem:s16+$0x30] =	vst v24;
	v24 =	vmul.f32 v26, v31  }
0x17d: {  	v26 =	vperm.xlane v20, v10;
	[tilespmem:s16+$0x60] =	vst v22;
	v22 =	vperm.xlane v20, v9;
	v28 =	vld [tilespmem:s16+$0xC0]  }
0x17e: {  	v29 =	vperm.xlane v20, v12;
	[tilespmem:s16+$0x70] =	vst v23;
	v23 =	vperm.xlane v20, v11;
	v30 =	vld [tilespmem:s16+$0xD0]  }
0x17f: {  	[tilespmem:s16+$0x40] =	vst v24;
	v22 =	vmul.f32 v34, v22;
	v21 =	vmul.f32 v21, v26;
	v24 =	vld [tilespmem:s16+$0xE0]  }
0x180: {  	[tilespmem:s16+$0x0] =	vst v25;
	v23 =	vmul.f32 v32, v23;
	v25 =	vmul.f32 v27, v29;
	v26 =	vld [tilespmem:s16+$0xF0]  }
0x181: {  	v27 =	vperm.xlane v20, v14;
	[tilespmem:s16+$0x20] =	vst v19;
	v19 =	vperm.xlane v20, v13  }
0x182: {  	[tilespmem:s16+$0x80] =	vst v22;
	v22 =	vperm.xlane v20, v15;
	v20 =	vperm.xlane v20, v16  }
0x183: {  	[tilespmem:s16+$0x90] =	vst v21;
	v19 =	vmul.f32 v28, v19;
	v21 =	vmul.f32 v30, v27  }
0x184: {  	[tilespmem:s16+$0xA0] =	vst v23;
	v22 =	vmul.f32 v24, v22  }
0x185: {  	[tilespmem:s16+$0xB0] =	vst v25;
	v20 =	vmul.f32 v26, v20  }
0x186: {  	[tilespmem:s16+$0xC0] =	vst v19  }
0x187: {  	[tilespmem:s16+$0xF0] =	vst v20  }
0x188: {  	[tilespmem:s16+$0xD0] =	vst v21  }
0x189: {  	[tilespmem:s16+$0xE0] =	vst v22;
	s16 =	smov.u32 s25  }
0x18a: {  	v19 =	vld [tilespmem:s21+$0xFFFFFFF0]  }
0x18b: {  	v20 =	vld [tilespmem:s25+$0xFFFFFFF0]  }
0x18c: {  	v23 =	vld [tilespmem:s25+$0xFFFFFF00]  }
0x18d: {  	v24 =	vld [tilespmem:s25+$0xFFFFFFB0]  }
0x18e: {  	v27 =	vld [tilespmem:s25+$0xFFFFFF80]  }
0x18f: {  	v22 =	vperm.xlane v19, v3;
	v25 =	vperm.xlane v19, v8;
	v29 =	vld [tilespmem:s25+$0xFFFFFF90]  }
0x190: {  	v30 =	vperm.xlane v19, v1;
	v31 =	vperm.xlane v19, v12;
	v32 =	vld [tilespmem:s25+$0xFFFFFFA0]  }
.Ltmp15:
0x191: {  	v33 =	vperm.xlane v19, v9;
	v34 =	vperm.xlane v19, v10;
	v26 =	vld [tilespmem:s25+$0xFFFFFF70];
	(pc) =	sbr.rel @p1 .LBB2_17-.Ltmp15, $4  }
0x192: {  	v21 =	vperm.xlane v19, v6;
	v28 =	vld [tilespmem:s25+$0xFFFFFF20];
	v35 =	vmul.f32 v24, v31  }
0x193: {  	v36 =	vperm.xlane v19, v11;
	v30 =	vmul.f32 v23, v30;
	v24 =	vld [tilespmem:s25+$0xFFFFFFC0]  }
0x194: {  	v31 =	vmul.f32 v27, v33;
	v29 =	vmul.f32 v29, v34;
	[tilespmem:s25+$0xFFFFFFB0] =	vst v35;
	v23 =	vld [tilespmem:s25+$0xFFFFFFE0]  }
0x195: {  	[tilespmem:s25+$0xFFFFFF00] =	vst v30;
	v27 =	vld [tilespmem:s25+$0xFFFFFF60];
	v32 =	vmul.f32 v32, v36;
	v30 =	vperm.xlane v19, v13  }
0x196: {  	[tilespmem:s16+$0xFFFFFF80] =	vst v31;
	v25 =	vmul.f32 v26, v25;
	v56 =	vperm.xlane v19, v7  }
0x197: {  	[tilespmem:s16+$0xFFFFFF90] =	vst v29;
	v59 =	vperm.xlane v19, v14;
	v61 =	vperm.xlane v19, v5  }
0x198: {  	v18 =	vmul.f32 v18, v21;
	v62 =	vperm.xlane v19, v4;
	[tilespmem:s16+$0xFFFFFFA0] =	vst v32  }
0x199: {  	v54 =	vld [tilespmem:s16+$0xFFFFFFD0];
	v31 =	vperm.xlane v19, v16;
	v22 =	vmul.f32 v28, v22;
	[tilespmem:s16+$0xFFFFFF70] =	vst v25  }
0x19a: {  	v55 =	vld [tilespmem:s16+$0xFFFFFF40];
	v24 =	vmul.f32 v24, v30;
	[tilespmem:s16+$0xFFFFFF50] =	vst v18;
	v18 =	vperm.xlane v19, v2  }
0x19b: {  	v57 =	vld [tilespmem:s16+$0xFFFFFF30];
	v19 =	vperm.xlane v19, v15;
	v20 =	vmul.f32 v20, v31;
	[tilespmem:s16+$0xFFFFFF20] =	vst v22  }
0x19c: {  	v60 =	vld [tilespmem:s16+$0xFFFFFF10];
	v58 =	vmul.f32 v27, v56;
	[tilespmem:s16+$0xFFFFFFC0] =	vst v24  }
0x19d: {  	v19 =	vmul.f32 v23, v19;
	[tilespmem:s16+$0xFFFFFFF0] =	vst v20  }
0x19e: {  	v63 =	vmul.f32 v54, v59;
	[tilespmem:s16+$0xFFFFFF60] =	vst v58  }
0x19f: {  	v32 =	vmul.f32 v55, v61;
	[tilespmem:s16+$0xFFFFFFE0] =	vst v19  }
0x1a0: {  	v21 =	vmul.f32 v57, v62;
	[tilespmem:s16+$0xFFFFFFD0] =	vst v63  }
0x1a1: {  	v18 =	vmul.f32 v60, v18;
	[tilespmem:s16+$0xFFFFFF40] =	vst v32  }
0x1a2: {  	[tilespmem:s16+$0xFFFFFF30] =	vst v21  }
0x1a3: {  	[tilespmem:s16+$0xFFFFFF10] =	vst v18  }
0x1a4: {  	v18 =	vld [tilespmem:s20+$0x0];
	_ =	sdelay $0x1  }
0x1a5: {  	v33 =	vld [tilespmem:s16+$0x10]  }
0x1a6: {  	v34 =	vld [tilespmem:s16+$0x50]  }
0x1a7: {  	v35 =	vld [tilespmem:s16+$0x30]  }
0x1a8: {  	v36 =	vld [tilespmem:s16+$0x60];
	v37 =	vperm.xlane v18, v2  }
0x1a9: {  	v40 =	vld [tilespmem:s16+$0x40];
	v38 =	vperm.xlane v18, v6  }
0x1aa: {  	v42 =	vld [tilespmem:s16+$0x0];
	v41 =	vperm.xlane v18, v4;
	v20 =	vmul.f32 v33, v37  }
0x1ab: {  	v19 =	vld [tilespmem:s16+$0x20];
	v43 =	vperm.xlane v18, v7;
	v21 =	vmul.f32 v34, v38  }
0x1ac: {  	v45 =	vld [tilespmem:s16+$0x80];
	v46 =	vperm.xlane v18, v5;
	v22 =	vmul.f32 v35, v41;
	[tilespmem:s16+$0x10] =	vst v20  }
0x1ad: {  	v53 =	vld [tilespmem:s16+$0xB0];
	v48 =	vperm.xlane v18, v1;
	v47 =	vmul.f32 v36, v43;
	[tilespmem:s16+$0x50] =	vst v21  }
0x1ae: {  	v39 =	vld [tilespmem:s16+$0x70];
	v50 =	vperm.xlane v18, v3;
	v24 =	vmul.f32 v40, v46;
	[tilespmem:s16+$0x30] =	vst v22  }
0x1af: {  	v51 =	vld [tilespmem:s16+$0xA0];
	v54 =	vperm.xlane v18, v9;
	v52 =	vmul.f32 v42, v48;
	[tilespmem:s16+$0x60] =	vst v47  }
0x1b0: {  	v56 =	vld [tilespmem:s16+$0xC0];
	v59 =	vperm.xlane v18, v12;
	v19 =	vmul.f32 v19, v50;
	[tilespmem:s16+$0x40] =	vst v24  }
0x1b1: {  	v49 =	vld [tilespmem:s16+$0x90];
	v44 =	vperm.xlane v18, v8;
	v27 =	vmul.f32 v45, v54;
	[tilespmem:s16+$0x0] =	vst v52  }
0x1b2: {  	v58 =	vld [tilespmem:s16+$0xF0];
	v57 =	vperm.xlane v18, v11;
	v23 =	vmul.f32 v53, v59;
	[tilespmem:s16+$0x20] =	vst v19  }
0x1b3: {  	v60 =	vld [tilespmem:s16+$0xD0];
	v61 =	vperm.xlane v18, v13;
	v20 =	vmul.f32 v39, v44;
	[tilespmem:s16+$0x80] =	vst v27  }
0x1b4: {  	v55 =	vperm.xlane v18, v10;
	v19 =	vld [tilespmem:s16+$0xE0];
	v24 =	vmul.f32 v51, v57;
	[tilespmem:s16+$0xB0] =	vst v23  }
0x1b5: {  	v62 =	vperm.xlane v18, v16;
	v22 =	vmul.f32 v56, v61;
	[tilespmem:s16+$0x70] =	vst v20  }
0x1b6: {  	v63 =	vperm.xlane v18, v14;
	v20 =	vmul.f32 v49, v55;
	[tilespmem:s16+$0xA0] =	vst v24  }
0x1b7: {  	v18 =	vperm.xlane v18, v15;
	v21 =	vmul.f32 v58, v62;
	[tilespmem:s16+$0xC0] =	vst v22  }
.Ltmp16:
0x1b8: {  	[tilespmem:s16+$0x90] =	vst v20;
	v20 =	vmul.f32 v60, v63;
	(pc) =	sbr.rel .LBB2_19-.Ltmp16, $4  }
0x1b9: {  	[tilespmem:s16+$0xF0] =	vst v21;
	v18 =	vmul.f32 v19, v18  }
0x1ba: {  	[tilespmem:s16+$0xD0] =	vst v20  }
0x1bb: {  	s26 =	sadd.s32 $0x1C00, s24;
	[tilespmem:s16+$0xE0] =	vst v18  }
0x1bc: {  	[spmem:s2] =	stream.indirect.scatter.add.f32 [tilespmem:s14], [sflag:$0x4], $0x10, s26, s12, $0xb8;
	[tilespmem:$0x1B080] =	vst v63  }
.LBB2_23:
0x1bd: {  	_ =	sfence.sel $0x180000  }
0x1be: {  	[bflag:$0x0] =	sbarrier.arrive $0xFFFF  }
0x1bf: {  	_ =	strace $0x9000004A  }
0x1c0: {  	s0 =	stileid.u32;
	[bflag:$0x2] =	sbarrier.arrive $0xFFFF  }
0x1c1: {  	p0 =	sne.s32 s0, $0x0;
	s0 =	rddreg [dreg:$0x3]  }
0x1c2: {  	s0 =	sadd.s32 @!p0 $0x100000, s0  }
0x1c3: {  	[sflag:s0] =	ssyncadd.tile.s32 @!p0 $0x1;
	_ =	shalt  }
.Lfunc_end2:
_tile_overlayer_lowered:
.L_overlay_start_2:
0x1c4: {  	(tag) =	ssettag $0x2  }
0x1c5: {  	s0 =	rddreg [dreg:$0x0];
	s2 =	stileid.u32  }
0x1c6: {  	s1 =	rddreg [dreg:$0x1];
	p0 =	sne.s32 s2, $0x0  }
0x1c7: {  	s3 =	rddreg [dreg:$0x2];
	[bflag:$0x3] =	sbarrier.arrive $0xFFFF;
	s2 =	simm.s32 @!p0 $0x1C05  }
0x1c8: {  	[timem:s3], [sflag:s2] =	dma.local @!p0 [hbm:s0], s1  }
0x1c9: {  	s0 =	simm.s32 @!p0 $0x5  }
0x1ca: {  	_ =	swait.ge @!p0 [sflag:s0], s1  }
0x1cb: {  	s1 =	ssub.s32 @!p0 $0x0, s1;
	[sflag:s0] =	ssyncset.done @!p0 $0x0  }
0x1cc: {  	[sflag:s0] =	ssyncadd.s32 @!p0 s1  }
0x1cd: {  	[bflag:$0x3] =	sbarrier.arrive $0xFFFF  }
0x1ce: {  	_ =	shalt  }

// kernel: kernel.15.cloned.1.call-start
scs
__scs_entry_jumppad:
0x0: {  	(pc) =	sbr.rel $0x88, $3  }
0x1: {  	(tag) =	ssettag $0x0;
	lr =	simm.s32 $0x1  }
0x2: {  	[smem:$0x3F96] =	sst lr;
	_ =	strace $0xD0000000  }
0x3: {  	_ = 	snop  }
0x4: {  	_ = 	snop  }
0x5: {  	_ = 	snop  }
0x6: {  	_ = 	snop  }
0x7: {  	_ = 	snop  }
__scs_overlays_trampoline_lowered:
0x8: {  	[smem:$0x3FA5] =	sst s0  }
0x9: {  	[smem:$0x3FA6] =	sst s1  }
0xa: {  	[smem:$0x3FA7] =	sst s2  }
0xb: {  	[smem:$0x3FA8] =	sst s3  }
0xc: {  	[smem:$0x3FA9] =	sst s4  }
0xd: {  	[smem:$0x3FAA] =	sst s5  }
0xe: {  	[smem:$0x3FAB] =	sst s6  }
0xf: {  	[smem:$0x3FAC] =	sst s7  }
0x10: {  	[smem:$0x3FAD] =	sst s8  }
0x11: {  	[smem:$0x3FAE] =	sst s9;
	s0 =	simm.s32 @!p0 $0x0  }
0x12: {  	s1 =	sld [smem:$0x3F94];
	s0 =	simm.s32 @p0 $0x1  }
0x13: {  	[smem:$0x3FAF] =	sst s0;
	s0 =	simm.s32 @!p1 $0x0  }
0x14: {  	s2 =	sld [smem:$0x3F93];
	s0 =	simm.s32 @p1 $0x1  }
0x15: {  	[smem:$0x3FB0] =	sst s0;
	s0 =	simm.s32 @!p2 $0x0  }
0x16: {  	s3 =	sld [smem:$0x3FDB];
	s0 =	simm.s32 @p2 $0x1  }
0x17: {  	s4 =	simm.s32 $0x1BF5;
	[smem:$0x3FB2] =	sst s0  }
0x18: {  	s0 =	sld [smem:$0x3F95];
	_ =	swait.ge [sflag:s4], $0x0  }
0x19: {  	s7 =	sld [smem:$0x3F96]  }
0x1a: {  	s8 =	sadd.s32 $0xFFFFE003, lr  }
0x1b: {  	s9 =	sadd.s32 $0xFFFFFEF7, lr;
	s5 =	simm.s32 $0xFFFFFFFF;
	p2 =	slt.u32 s8, $0xFFFFF086  }
0x1c: {  	p1 =	slt.u32 s9, $0xF7A;
	s5 =	simm.s32 @!p2 $0x0  }
0x1d: {  	s5 =	simm.s32 @p1 $0x1;
	p0 =	seq.s32 s7, s2  }
0x1e: {  	s7 =	smul.u32 @!p0 $0xF7A, s2;
	p2 =	seq.s32 @!p0 s5, $0x0  }
0x1f: {  	s9 =	smul.u32 $0xF7A, s1;
	s8 =	simm.s32 @!p0 $0x1BF5;
	p2 =	por !p2, p0  }
0x20: {  	[sflag:s8] =	ssyncset.s32 @!p0 $0xFFFFF086;
	s6 =	sadd.s32 @!p0 s3, s7;
	s7 =	simm.s32 @!p0 $0x108  }
0x21: {  	s3 =	sadd.s32 s3, s9;
	s6 =	sadd.s32 @!p0 $0x88, s6;
	s7 =	simm.s32 @p2 $0x1082  }
0x22: {  	[simem:s7], [sflag:s8] =	dma.local @!p0 [hbm:s6], $0xF7A  }
0x23: {  	s9 =	sor.u32 $0xD0000000, s2;
	s6 =	simm.s32 $0x108;
	_ =	swait.ge @!p0 [sflag:s8], $0x0  }
0x24: {  	s3 =	sadd.s32 $0x88, s3;
	s6 =	simm.s32 @!p1 $0x1082;
	[sflag:s4] =	ssyncset.s32 $0xFFFFF086  }
0x25: {  	[simem:s6], [sflag:s4] =	dma.local [hbm:s3], $0xF7A  }
0x26: {  	[smem:$0x3F96] =	sst s1;
	(tag) =	ssettag s2;
	_ =	strace s9  }
0x27: {  	s1 =	sld [smem:$0x3FA6]  }
0x28: {  	s2 =	sld [smem:$0x3FA7]  }
0x29: {  	s4 =	sld [smem:$0x3FA9]  }
0x2a: {  	p0 =	seq.s32 s5, $0x0;
	s5 =	sld [smem:$0x3FAA]  }
0x2b: {  	s6 =	sld [smem:$0x3FAB]  }
0x2c: {  	s7 =	sld [smem:$0x3FAC]  }
0x2d: {  	s3 =	simm.s32 $0x108;
	s8 =	sld [smem:$0x3FAD]  }
0x2e: {  	s3 =	simm.s32 @!p0 $0x1082;
	s9 =	sld [smem:$0x3FAE]  }
0x2f: {  	lr =	sadd.s32 s0, s3;
	s0 =	sld [smem:$0x3FA5]  }
0x30: {  	s3 =	sld [smem:$0x3FA8]  }
0x31: {  	[smem:$0x3FB1] =	sst s10  }
0x32: {  	s10 =	sld [smem:$0x3FAF];
	_ =	sdelay $0x3  }
0x33: {  	p0 =	seq.s32 s10, $0x1;
	s10 =	sld [smem:$0x3FB1];
	_ =	sdelay $0x3  }
0x34: {  	[smem:$0x3FB1] =	sst s10  }
0x35: {  	s10 =	sld [smem:$0x3FB0];
	_ =	sdelay $0x3  }
0x36: {  	p1 =	seq.s32 s10, $0x1;
	s10 =	sld [smem:$0x3FB1];
	_ =	sdelay $0x3  }
0x37: {  	[smem:$0x3FB1] =	sst s10  }
0x38: {  	s10 =	sld [smem:$0x3FB2]  }
0x39: {  	_ = 	snop;
	(pc) =	sbr.ind lr, $3  }
0x3a: {  	_ = 	snop  }
0x3b: {  	_ = 	snop  }
0x3c: {  	p2 =	seq.s32 s10, $0x1;
	s10 =	sld [smem:$0x3FB1]  }
0x3d: {  	_ =	shalt  }
0x3e: {  	_ =	shalt  }
0x3f: {  	_ =	shalt  }
0x40: {  	_ =	shalt  }
0x41: {  	_ =	shalt  }
0x42: {  	_ =	shalt  }
0x43: {  	_ =	shalt  }
0x44: {  	_ =	shalt  }
0x45: {  	_ =	shalt  }
0x46: {  	_ =	shalt  }
0x47: {  	_ =	shalt  }
0x48: {  	_ =	shalt  }
0x49: {  	_ =	shalt  }
0x4a: {  	_ =	shalt  }
0x4b: {  	_ =	shalt  }
0x4c: {  	_ =	shalt  }
0x4d: {  	_ =	shalt  }
0x4e: {  	_ =	shalt  }
0x4f: {  	_ =	shalt  }
0x50: {  	_ =	shalt  }
0x51: {  	_ =	shalt  }
0x52: {  	_ =	shalt  }
0x53: {  	_ =	shalt  }
0x54: {  	_ =	shalt  }
0x55: {  	_ =	shalt  }
0x56: {  	_ =	shalt  }
0x57: {  	_ =	shalt  }
0x58: {  	_ =	shalt  }
0x59: {  	_ =	shalt  }
0x5a: {  	_ =	shalt  }
0x5b: {  	_ =	shalt  }
0x5c: {  	_ =	shalt  }
0x5d: {  	_ =	shalt  }
0x5e: {  	_ =	shalt  }
0x5f: {  	_ =	shalt  }
0x60: {  	_ =	shalt  }
0x61: {  	_ =	shalt  }
0x62: {  	_ =	shalt  }
0x63: {  	_ =	shalt  }
0x64: {  	_ =	shalt  }
0x65: {  	_ =	shalt  }
0x66: {  	_ =	shalt  }
0x67: {  	_ =	shalt  }
0x68: {  	_ =	shalt  }
0x69: {  	_ =	shalt  }
0x6a: {  	_ =	shalt  }
0x6b: {  	_ =	shalt  }
0x6c: {  	_ =	shalt  }
0x6d: {  	_ =	shalt  }
0x6e: {  	_ =	shalt  }
0x6f: {  	_ =	shalt  }
0x70: {  	_ =	shalt  }
0x71: {  	_ =	shalt  }
0x72: {  	_ =	shalt  }
0x73: {  	_ =	shalt  }
0x74: {  	_ =	shalt  }
0x75: {  	_ =	shalt  }
0x76: {  	_ =	shalt  }
0x77: {  	_ =	shalt  }
0x78: {  	_ =	shalt  }
0x79: {  	_ =	shalt  }
0x7a: {  	_ =	shalt  }
0x7b: {  	_ =	shalt  }
0x7c: {  	_ =	shalt  }
0x7d: {  	_ =	shalt  }
0x7e: {  	_ =	shalt  }
0x7f: {  	_ =	shalt  }
0x80: {  	_ =	shalt  }
0x81: {  	_ =	shalt  }
0x82: {  	_ =	shalt  }
0x83: {  	_ =	shalt  }
0x84: {  	_ =	shalt  }
0x85: {  	_ =	shalt  }
0x86: {  	_ =	shalt  }
0x87: {  	_ =	shalt  }
.Lfunc_end0:
.L_simem_size_0:
called_computation.2_lowered:
.L_overlay_start_0:
0x88: {  	s2 =	sld [smem:$0x3FD9]  }
0x89: {  	s3 =	sld [smem:$0x3FFE];
	_ =	sdelay $0x1  }
0x8a: {  	s1 =	srdreg.scid  }
0x8b: {  	s0 =	sand.u32 $0x1, s1  }
0x8c: {  	s17 =	sshll.u32 s0, $0xA;
	s2 =	sadd.s32 s3, s2  }
0x8d: {  	s2 =	sadd.s32 s2, s17  }
0x8e: {  	[smem:$0x3FBD] =	sst s2  }
0x8f: {  	_ = 	snop  }
0x90: {  	s2 =	sld [smem:$0x3FD0];
	(tm) =	ssettm $0x1  }
0x91: {  	s18 =	sld [smem:$0x3FFB];
	_ =	sdelay $0x3  }
0x92: {  	_ =	strace s18  }
0x93: {  	s3 =	sld [smem:$0x3FFC];
	_ =	sdelay $0x3  }
0x94: {  	_ =	strace s3  }
0x95: {  	s3 =	sld [smem:$0x3FFD];
	_ =	sdelay $0x3  }
0x96: {  	_ =	strace s3  }
0x97: {  	_ =	strace $0x8FFFFFFF  }
0x98: {  	s19 =	sld [smem:$0x3FDB];
	_ =	sdelay $0x1  }
0x99: {  	s4 =	simm.s32 $_scs_section_size  }
0x9a: {  	s5 =	simm.s32 $_size__tile_overlayer_lowered;
	s6 =	simm.s32 $_tile_overlayer_lowered  }
0x9b: {  	s22 =	simm.s32 $0x1BFF;
	s21 =	sshll.u32 s6, $0x1;
	s3 =	sadd.s32 s4, s19  }
0x9c: {  	s7 =	simm.s32 $0x0;
	s20 =	sshll.u32 s5, $0x1;
	s5 =	sadd.s32 s21, s3  }
0x9d: {  	[timem:s7], [sflag:s22] =	dma.local [hbm:s5], s20  }
0x9e: {  	_ =	swait.ge [sflag:s22], s20  }
0x9f: {  	s4 =	ssub.s32 $0x0, s20;
	[sflag:s22] =	ssyncset.done $0x0  }
0xa0: {  	[sflag:s22] =	ssyncadd.s32 s4;
	_ =	sdelay $0x1  }
0xa1: {  	s23 =	simm.s32 $0x1B8B  }
0xa2: {  	_ =	swait.ge [sflag:s23], $0x1  }
0xa3: {  	[sflag:s23] =	ssyncset.done $0x0  }
0xa4: {  	s25 =	simm.s32 $0x1B8E;
	s24 =	sld [smem:$0x3FFE];
	[sflag:s23] =	ssyncadd.s32 $0xFFFFFFFF  }
0xa5: {  	s26 =	simm.s32 $execute0_lowered;
	[smem:$0x3FD2] =	sst s25  }
0xa6: {  	s5 =	sshll.u32 s26, $0x1;
	_ =	strace $0x8000004C;
	[dreg:$0x1] =	wrdreg $0xFFFFFFFF  }
0xa7: {  	s28 =	simm.s32 $_size_execute0_lowered;
	s3 =	sadd.s32 s3, s5;
	[dreg:$0x0] =	wrdreg $0x0  }
0xa8: {  	s5 =	sshll.u32 s28, $0x1;
	[dreg:$0x2] =	wrdreg s3  }
0xa9: {  	[dreg:$0x3] =	wrdreg s5  }
0xaa: {  	[dreg:$0x4] =	wrdreg $0xC0  }
0xab: {  	_ =	task [dreg:s7], $0x5FFFF  }
0xac: {  	[dreg:$0x1] =	wrdreg $0xFFFFFFFF  }
0xad: {  	[dreg:$0x0] =	wrdreg $0x60  }
0xae: {  	[dreg:$0x2] =	wrdreg s2  }
0xaf: {  	[dreg:$0x3] =	wrdreg s24  }
0xb0: {  	[dreg:$0x4] =	wrdreg $0xEC800  }
0xb1: {  	[dreg:$0x5] =	wrdreg $0x9  }
0xb2: {  	_ =	task.clear_ibuf [dreg:s7], $0x6FFFF;
	_ =	strace $0x9000004C  }
0xb3: {  	s29 =	simm.s32 $0x9;
	_ =	strace $0x8000004E  }
0xb4: {  	_ =	swait.ge [sflag:s29], $0x1  }
0xb5: {  	[sflag:s29] =	ssyncadd.s32 $0xFFFFFFFF  }
0xb6: {  	_ =	strace $0x9000004E  }
0xb7: {  	_ =	sfence  }
0xb8: {  	s30 =	sld [smem:$0x0];
	_ =	sdelay $0x2  }
0xb9: {  	s31 =	sshll.u32 s1, $0xD;
	s1 =	sshrl.u32 s1, $0x2  }
0xba: {  	s3 =	sand.u32 $0x4000, s31;
	s1 =	sadd.s32 s1, s30  }
0xbb: {  	s0 =	sor.u32 s3, s0;
	s1 =	sshll.u32 s1, $0x11  }
0xbc: {  	s0 =	sor.u32 s1, s0  }
0xbd: {  	s0 =	sadd.s32 $0x8F2B, s0  }
0xbe: {  	[sflag:s0] =	ssyncadd.remote.s32 $0x1  }
0xbf: {  	_ =	sfence.sel $0xFFFF  }
0xc0: {  	[dreg:$0x0] =	wrdreg $0xFFFFFFFF;
	(pc) =	sbr.abs _section_cstart, $3  }
0xc1: {  	[dreg:$0x1] =	wrdreg $0xFFFFFFFF  }
0xc2: {  	_ =	task.clear_ibuf [dreg:s7], $0x2FFFF;
	_ =	strace $0x9FFFFFFF  }
0xc3: {  	(tm) =	ssettm $0x7FFFFFFF  }
tec
execute0_lowered:
.L_overlay_start_1:
0x0: {  	(tag) =	ssettag $0x1  }
0x1: {  	s1 =	rddreg [dreg:$0x0]  }
0x2: {  	s0 =	rddreg [dreg:$0x1]  }
0x3: {  	s2 =	rddreg [dreg:$0x2];
	s3 =	simm.s32 $0x0;
	s4 =	srdreg.scid  }
0x4: {  	s11 =	stileid.u32;
	s30 =	simm.s32 $0xD400;
	s31 =	simm.s32 $0x5  }
0x5: {  	s14 =	simm.s32 $0x9400;
	s13 =	simm.s32 $0x4;
	s15 =	simm.s32 $0x3  }
0x6: {  	[smem:$0x7FF] =	sst s3;
	s5 =	sadd.s32 $0xF9200, s0;
	s4 =	sand.u32 $0x1, s4  }
0x7: {  	s12 =	smul.u32 $0xC400, s11;
	s8 =	ssub.s32 $0x2, s4;
	s4 =	sshll.u32 s4, $0x1  }
0x8: {  	s6 =	sadd.s32 $0x1A00, s0;
	_ =	strace $0x8000004D;
	[dreg:$0x5] =	wrdreg s4  }
0x9: {  	s7 =	sadd.s32 $0x1A200, s0;
	s20 =	sadd.s32 s12, s2;
	[dreg:$0x4] =	wrdreg s12  }
0xa: {  	s9 =	sadd.s32 $0x111A00, s0;
	s19 =	sadd.s32 $0x1880, s12;
	[dreg:$0x8] =	wrdreg s20  }
0xb: {  	s10 =	smul.u32 $0x31000, s11;
	s21 =	sadd.s32 $0x3100, s12;
	[dreg:$0x7] =	wrdreg s19  }
0xc: {  	s11 =	smul.u32 $0x188, s11;
	s22 =	sadd.s32 $0x4980, s12;
	[dreg:$0xa] =	wrdreg s21  }
0xd: {  	s17 =	sshrl.u32 s8, $0x1;
	s23 =	sadd.s32 $0x6200, s12;
	[dreg:$0xb] =	wrdreg s22  }
0xe: {  	s18 =	sshrl.u32 s10, $0x2;
	s24 =	sadd.s32 $0x7A80, s12;
	[dreg:$0xc] =	wrdreg s23  }
0xf: {  	s25 =	sadd.s32 $0x9300, s12;
	s26 =	sadd.s32 $0xAB80, s12;
	[dreg:$0xf] =	wrdreg s24  }
0x10: {  	s4 =	simm.s32 $0x3800;
	s12 =	simm.s32 $0x400;
	[dreg:$0x10] =	wrdreg s25  }
0x11: {  	s10 =	simm.s32 $0x5400;
	s28 =	sadd.s32 s25, s2;
	[dreg:$0x11] =	wrdreg s26  }
0x12: {  	s0 =	ssub.s32 s8, s17;
	s29 =	sadd.s32 s26, s2;
	[dreg:$0x13] =	wrdreg s28  }
0x13: {  	v0 =	vimm.f32 $0.0e+00;
	v1 =	vimm.s32 $0x0;
	s20 =	sadd.s32 s19, s2;
	s22 =	sadd.s32 s22, s2;
	[dreg:$0x14] =	wrdreg s29  }
.Ltmp0:
0x14: {  	v2 =	vimm.s32 $0x1;
	v3 =	vimm.s32 $0x2;
	v4 =	vimm.s32 $0x3;
	s23 =	sadd.s32 s23, s2;
	[dreg:$0xd] =	wrdreg s22;
	(pc) =	sbr.rel .LBB2_1-.Ltmp0, $4  }
0x15: {  	v5 =	vimm.s32 $0x4;
	v6 =	vimm.s32 $0x5;
	v7 =	vimm.s32 $0x6;
	s21 =	sadd.s32 s21, s2;
	s24 =	sadd.s32 s24, s2;
	[dreg:$0xe] =	wrdreg s23  }
0x16: {  	v8 =	vimm.s32 $0x7;
	v9 =	vimm.s32 $0x8;
	v10 =	vimm.s32 $0x9;
	s8 =	simm.s32 $0x2;
	s0 =	smax.u32 s0, $0x1;
	[dreg:$0x12] =	wrdreg s24  }
0x17: {  	v11 =	vimm.s32 $0xA;
	v12 =	vimm.s32 $0xB;
	v13 =	vimm.s32 $0xC;
	s17 =	simm.s32 $0x1;
	[dreg:$0x6] =	wrdreg s0;
	s0 =	sadd.s32 s18, s2  }
0x18: {  	v14 =	vimm.s32 $0xD;
	v15 =	vimm.s32 $0xE;
	v16 =	vimm.s32 $0xF;
	s18 =	simm.s32 $0x0;
	[dreg:$0x9] =	wrdreg s0;
	s0 =	simm.s32 $0x1C00  }
.LBB2_22:
0x19: {  	s18 =	rddreg [dreg:$0x15]  }
0x1a: {  	s16 =	rddreg [dreg:$0x6];
	s18 =	sadd.s32 $0x1, s18  }
0x1b: {  	p0 =	sne.s32 s18, s16  }
.Ltmp1:
0x1c: {  	_ = 	snop;
	(pc) =	sbr.rel @!p0 .LBB2_23-.Ltmp1, $1  }
0x1d: {  	_ =	sdelay $0x3  }
.LBB2_1:
.Ltmp2:
0x1e: {  	(pc) =	sbr.rel .LBB2_2-.Ltmp2, $2  }
0x1f: {  	_ =	sdelay $0x2  }
0x20: {  	[dreg:$0x15] =	wrdreg s18;
	p1 =	por $0x1, $0x1;
	s16 =	simm.s32 $0x0  }
.LBB2_21:
0x21: {  	[bflag:$0x0] =	sbarrier.arrive $0xFFFF  }
0x22: {  	s23 =	rddreg [dreg:$0x8]  }
0x23: {  	[tilespmem:s30], [sflag:$0x5] =	stream.linear.gather [spmem:s23], $0x1880, $0x38;
	[tilespmem:$0x1B080] =	vst v63  }
0x24: {  	s16 =	smul.u32 $0xC4000, s18;
	_ =	swait.ge [sflag:s31], $0x1880  }
0x25: {  	s24 =	rddreg [dreg:$0x4]  }
0x26: {  	s18 =	sadd.s32 s16, s24  }
0x27: {  	[sflag:s31] =	ssyncset.done $0x0;
	s18 =	sshrl.u32 s18, $0x3  }
0x28: {  	[sflag:s31] =	ssyncadd.s32 $0xFFFFE780;
	s18 =	sadd.s32 s9, s18  }
0x29: {  	[hbm4b:s18+s3] =	stream.linear.scatter [tilespmem:s30], [sflag:$0x5], $0x1880, $0x38;
	[tilespmem:$0x1B080] =	vst v63  }
0x2a: {  	_ =	swait.ge [sflag:s31], $0x1880  }
0x2b: {  	[sflag:s31] =	ssyncset.done $0x0  }
0x2c: {  	[sflag:s31] =	ssyncadd.s32 $0xFFFFE780  }
0x2d: {  	[tilespmem:s30], [sflag:$0x5] =	stream.linear.gather [spmem:s28], $0x1880, $0x38;
	[tilespmem:$0x1B080] =	vst v63  }
0x2e: {  	_ =	swait.ge [sflag:s31], $0x1880  }
0x2f: {  	s25 =	rddreg [dreg:$0x7]  }
0x30: {  	s18 =	sadd.s32 s16, s25  }
0x31: {  	[sflag:s31] =	ssyncset.done $0x0;
	s18 =	sshrl.u32 s18, $0x3  }
0x32: {  	[sflag:s31] =	ssyncadd.s32 $0xFFFFE780;
	s18 =	sadd.s32 s9, s18  }
0x33: {  	[hbm4b:s18+s3] =	stream.linear.scatter [tilespmem:s30], [sflag:$0x5], $0x1880, $0x38;
	[tilespmem:$0x1B080] =	vst v63  }
0x34: {  	_ =	swait.ge [sflag:s31], $0x1880  }
0x35: {  	[sflag:s31] =	ssyncset.done $0x0  }
0x36: {  	[sflag:s31] =	ssyncadd.s32 $0xFFFFE780  }
0x37: {  	[tilespmem:s30], [sflag:$0x5] =	stream.linear.gather [spmem:s29], $0x1880, $0x38;
	[tilespmem:$0x1B080] =	vst v63  }
0x38: {  	_ =	swait.ge [sflag:s31], $0x1880  }
0x39: {  	s26 =	rddreg [dreg:$0xa]  }
0x3a: {  	s18 =	sadd.s32 s16, s26  }
0x3b: {  	[sflag:s31] =	ssyncset.done $0x0;
	s18 =	sshrl.u32 s18, $0x3  }
0x3c: {  	[sflag:s31] =	ssyncadd.s32 $0xFFFFE780;
	s18 =	sadd.s32 s9, s18  }
0x3d: {  	[hbm4b:s18+s3] =	stream.linear.scatter [tilespmem:s30], [sflag:$0x5], $0x1880, $0x38;
	[tilespmem:$0x1B080] =	vst v63  }
0x3e: {  	_ =	swait.ge [sflag:s31], $0x1880  }
0x3f: {  	[sflag:s31] =	ssyncset.done $0x0  }
0x40: {  	s22 =	rddreg [dreg:$0xd];
	[sflag:s31] =	ssyncadd.s32 $0xFFFFE780  }
0x41: {  	[tilespmem:s30], [sflag:$0x5] =	stream.linear.gather [spmem:s22], $0x1880, $0x38;
	[tilespmem:$0x1B080] =	vst v63  }
0x42: {  	_ =	swait.ge [sflag:s31], $0x1880  }
0x43: {  	s20 =	smov.u32 s28;
	s28 =	rddreg [dreg:$0xb]  }
0x44: {  	s18 =	sadd.s32 s16, s28  }
0x45: {  	[sflag:s31] =	ssyncset.done $0x0;
	s18 =	sshrl.u32 s18, $0x3  }
0x46: {  	[sflag:s31] =	ssyncadd.s32 $0xFFFFE780;
	s18 =	sadd.s32 s9, s18  }
0x47: {  	[hbm4b:s18+s3] =	stream.linear.scatter [tilespmem:s30], [sflag:$0x5], $0x1880, $0x38;
	[tilespmem:$0x1B080] =	vst v63  }
0x48: {  	_ =	swait.ge [sflag:s31], $0x1880  }
0x49: {  	[sflag:s31] =	ssyncset.done $0x0  }
0x4a: {  	s23 =	rddreg [dreg:$0xe];
	[sflag:s31] =	ssyncadd.s32 $0xFFFFE780  }
0x4b: {  	[tilespmem:s30], [sflag:$0x5] =	stream.linear.gather [spmem:s23], $0x1880, $0x38;
	[tilespmem:$0x1B080] =	vst v63  }
0x4c: {  	_ =	swait.ge [sflag:s31], $0x1880  }
0x4d: {  	s21 =	smov.u32 s29;
	s29 =	rddreg [dreg:$0xc]  }
0x4e: {  	s18 =	sadd.s32 s16, s29  }
0x4f: {  	[sflag:s31] =	ssyncset.done $0x0;
	s18 =	sshrl.u32 s18, $0x3  }
0x50: {  	[sflag:s31] =	ssyncadd.s32 $0xFFFFE780;
	s18 =	sadd.s32 s9, s18  }
0x51: {  	[hbm4b:s18+s3] =	stream.linear.scatter [tilespmem:s30], [sflag:$0x5], $0x1880, $0x38;
	[tilespmem:$0x1B080] =	vst v63  }
0x52: {  	_ =	swait.ge [sflag:s31], $0x1880  }
0x53: {  	[sflag:s31] =	ssyncset.done $0x0  }
0x54: {  	s24 =	rddreg [dreg:$0x12];
	[sflag:s31] =	ssyncadd.s32 $0xFFFFE780  }
0x55: {  	[tilespmem:s30], [sflag:$0x5] =	stream.linear.gather [spmem:s24], $0x1880, $0x38;
	[tilespmem:$0x1B080] =	vst v63  }
0x56: {  	_ =	swait.ge [sflag:s31], $0x1880  }
0x57: {  	s19 =	rddreg [dreg:$0xf]  }
0x58: {  	s18 =	sadd.s32 s16, s19  }
0x59: {  	[sflag:s31] =	ssyncset.done $0x0;
	s18 =	sshrl.u32 s18, $0x3  }
0x5a: {  	[sflag:s31] =	ssyncadd.s32 $0xFFFFE780;
	s18 =	sadd.s32 s9, s18  }
0x5b: {  	[hbm4b:s18+s3] =	stream.linear.scatter [tilespmem:s30], [sflag:$0x5], $0x1880, $0x38;
	[tilespmem:$0x1B080] =	vst v63  }
0x5c: {  	_ =	swait.ge [sflag:s31], $0x1880  }
0x5d: {  	[sflag:s31] =	ssyncset.done $0x0  }
0x5e: {  	s25 =	rddreg [dreg:$0x13];
	[sflag:s31] =	ssyncadd.s32 $0xFFFFE780  }
0x5f: {  	[tilespmem:s30], [sflag:$0x5] =	stream.linear.gather [spmem:s25], $0x1880, $0x38;
	[tilespmem:$0x1B080] =	vst v63  }
0x60: {  	_ =	swait.ge [sflag:s31], $0x1880  }
0x61: {  	s26 =	rddreg [dreg:$0x10]  }
0x62: {  	s18 =	sadd.s32 s16, s26  }
0x63: {  	[sflag:s31] =	ssyncset.done $0x0;
	s18 =	sshrl.u32 s18, $0x3  }
0x64: {  	[sflag:s31] =	ssyncadd.s32 $0xFFFFE780;
	s18 =	sadd.s32 s9, s18  }
0x65: {  	[hbm4b:s18+s3] =	stream.linear.scatter [tilespmem:s30], [sflag:$0x5], $0x1880, $0x38;
	[tilespmem:$0x1B080] =	vst v63  }
0x66: {  	_ =	swait.ge [sflag:s31], $0x1880  }
0x67: {  	[sflag:s31] =	ssyncset.done $0x0  }
0x68: {  	s28 =	rddreg [dreg:$0x14];
	[sflag:s31] =	ssyncadd.s32 $0xFFFFE780  }
0x69: {  	[tilespmem:s30], [sflag:$0x5] =	stream.linear.gather [spmem:s28], $0x1880, $0x38;
	[tilespmem:$0x1B080] =	vst v63  }
0x6a: {  	_ =	swait.ge [sflag:s31], $0x1880  }
0x6b: {  	s29 =	rddreg [dreg:$0x11]  }
0x6c: {  	s16 =	sadd.s32 s16, s29  }
0x6d: {  	[sflag:s31] =	ssyncset.done $0x0;
	s16 =	sshrl.u32 s16, $0x3  }
.Ltmp3:
0x6e: {  	[sflag:s31] =	ssyncadd.s32 $0xFFFFE780;
	s16 =	sadd.s32 s9, s16;
	(pc) =	sbr.rel @!p0 .LBB2_22-.Ltmp3, $4  }
0x6f: {  	[hbm4b:s16+s3] =	stream.linear.scatter [tilespmem:s30], [sflag:$0x5], $0x1880, $0x38;
	[tilespmem:$0x1B080] =	vst v63  }
0x70: {  	_ =	swait.ge [sflag:s31], $0x1880  }
0x71: {  	[sflag:s31] =	ssyncset.done $0x0  }
0x72: {  	p1 =	por $0x0, $0x0;
	s16 =	simm.s32 $0x1;
	[sflag:s31] =	ssyncadd.s32 $0xFFFFE780  }
.LBB2_2:
0x73: {  	p0 =	por p1, p1;
	s18 =	simm.s32 $0x40;
	s19 =	simm.s32 $0x0  }
.LBB2_3:
0x74: {  	p1 =	sne.s32 s18, $0x61C0;
	[tilespmem:s19+$0xD400] =	vst v0;
	s19 =	smov.u32 s18;
	s18 =	sadd.s32 $0x40, s18  }
.Ltmp4:
0x75: {  	(pc) =	sbr.rel @p1 .LBB2_3-.Ltmp4, $2  }
0x76: {  	_ =	sdelay $0x2  }
0x77: {  	s19 =	sshra.s32 s19, $0x2  }
0x78: {  	[tilespmem:s19+$0xD400] =	vst v0;
	s18 =	rddreg [dreg:$0x9]  }
0x79: {  	[spmem:s18] =	stream.linear.scatter [tilespmem:s30], [sflag:$0x5], $0x1880, $0x38;
	[tilespmem:$0x1B080] =	vst v63  }
0x7a: {  	_ =	swait.ge [sflag:s31], $0x1880  }
0x7b: {  	[sflag:s31] =	ssyncset.done $0x0  }
0x7c: {  	[sflag:s31] =	ssyncadd.s32 $0xFFFFE780  }
0x7d: {  	[spmem:s20] =	stream.linear.scatter [tilespmem:s30], [sflag:$0x5], $0x1880, $0x38;
	[tilespmem:$0x1B080] =	vst v63  }
0x7e: {  	_ =	swait.ge [sflag:s31], $0x1880  }
0x7f: {  	[sflag:s31] =	ssyncset.done $0x0  }
0x80: {  	[sflag:s31] =	ssyncadd.s32 $0xFFFFE780  }
0x81: {  	[spmem:s21] =	stream.linear.scatter [tilespmem:s30], [sflag:$0x5], $0x1880, $0x38;
	[tilespmem:$0x1B080] =	vst v63  }
0x82: {  	_ =	swait.ge [sflag:s31], $0x1880  }
0x83: {  	[sflag:s31] =	ssyncset.done $0x0  }
0x84: {  	[sflag:s31] =	ssyncadd.s32 $0xFFFFE780  }
0x85: {  	[spmem:s22] =	stream.linear.scatter [tilespmem:s30], [sflag:$0x5], $0x1880, $0x38;
	[tilespmem:$0x1B080] =	vst v63  }
0x86: {  	_ =	swait.ge [sflag:s31], $0x1880  }
0x87: {  	[sflag:s31] =	ssyncset.done $0x0  }
0x88: {  	[sflag:s31] =	ssyncadd.s32 $0xFFFFE780  }
0x89: {  	[spmem:s23] =	stream.linear.scatter [tilespmem:s30], [sflag:$0x5], $0x1880, $0x38;
	[tilespmem:$0x1B080] =	vst v63  }
0x8a: {  	_ =	swait.ge [sflag:s31], $0x1880  }
0x8b: {  	[sflag:s31] =	ssyncset.done $0x0  }
0x8c: {  	[sflag:s31] =	ssyncadd.s32 $0xFFFFE780  }
0x8d: {  	[spmem:s24] =	stream.linear.scatter [tilespmem:s30], [sflag:$0x5], $0x1880, $0x38;
	[tilespmem:$0x1B080] =	vst v63  }
0x8e: {  	_ =	swait.ge [sflag:s31], $0x1880  }
0x8f: {  	[sflag:s31] =	ssyncset.done $0x0  }
0x90: {  	s24 =	rddreg [dreg:$0x13];
	[sflag:s31] =	ssyncadd.s32 $0xFFFFE780  }
0x91: {  	[spmem:s24] =	stream.linear.scatter [tilespmem:s30], [sflag:$0x5], $0x1880, $0x38;
	[tilespmem:$0x1B080] =	vst v63  }
0x92: {  	_ =	swait.ge [sflag:s31], $0x1880  }
0x93: {  	[sflag:s31] =	ssyncset.done $0x0  }
0x94: {  	s25 =	rddreg [dreg:$0x14];
	[sflag:s31] =	ssyncadd.s32 $0xFFFFE780  }
0x95: {  	[spmem:s25] =	stream.linear.scatter [tilespmem:s30], [sflag:$0x5], $0x1880, $0x38;
	[tilespmem:$0x1B080] =	vst v63  }
0x96: {  	_ =	swait.ge [sflag:s31], $0x1880  }
.Ltmp5:
0x97: {  	s26 =	rddreg [dreg:$0x5];
	(pc) =	sbr.rel .LBB2_5-.Ltmp5, $4  }
0x98: {  	[sflag:s31] =	ssyncset.done $0x0;
	s18 =	sor.u32 s26, s16  }
0x99: {  	[sflag:s31] =	ssyncadd.s32 $0xFFFFE780;
	s16 =	smul.u32 $0xC350, s18  }
0x9a: {  	[bflag:$0x0] =	sbarrier.arrive $0xFFFF  }
0x9b: {  	s28 =	smov.u32 s20;
	s29 =	smov.u32 s21;
	s19 =	simm.s32 $0x0;
	v17 =	vmov s16  }
.LBB2_20:
0x9c: {  	s19 =	sadd.s32 $0x1, s19  }
0x9d: {  	_ =	swait.ge [sflag:s13], $0x4000;
	p1 =	sne.s32 s19, $0x7  }
.Ltmp6:
0x9e: {  	[sflag:s13] =	ssyncset.done $0x0;
	(pc) =	sbr.rel @!p1 .LBB2_21-.Ltmp6, $4  }
0x9f: {  	[sflag:s13] =	ssyncadd.s32 $0xFFFFC000  }
0xa0: {  	_ =	swait.ge [sflag:s15], $0x4000  }
0xa1: {  	[sflag:s15] =	ssyncset.done $0x0  }
0xa2: {  	[sflag:s15] =	ssyncadd.s32 $0xFFFFC000  }
.LBB2_5:
0xa3: {  	s16 =	smul.u32 $0x38, s19;
	_ =	sdelay $0x1  }
0xa4: {  	s16 =	sadd.s32 s11, s16  }
0xa5: {  	s16 =	sshll.u32 s16, $0x4  }
0xa6: {  	s20 =	sadd.s32 s5, s16  }
0xa7: {  	[tilespmem:s3], [sflag:$0x5] =	stream.linear.gather [hbm4b:s20+s3], $0x1C00, $0x38;
	[tilespmem:$0x1B080] =	vst v63  }
0xa8: {  	_ =	swait.ge [sflag:s31], $0x1C00  }
0xa9: {  	[sflag:s31] =	ssyncset.done $0x0  }
0xaa: {  	s26 =	sadd.s32 s6, s16;
	[sflag:s31] =	ssyncadd.s32 $0xFFFFE400  }
0xab: {  	[tilespmem:s0], [sflag:$0x5] =	stream.linear.gather [hbm4b:s26+s3], $0x1C00, $0x38;
	[tilespmem:$0x1B080] =	vst v63  }
0xac: {  	_ =	swait.ge [sflag:s31], $0x1C00  }
0xad: {  	[sflag:s31] =	ssyncset.done $0x0  }
0xae: {  	s16 =	sadd.s32 s7, s16;
	[sflag:s31] =	ssyncadd.s32 $0xFFFFE400  }
0xaf: {  	[tilespmem:s4], [sflag:$0x5] =	stream.linear.gather [hbm4b:s16+s3], $0x1C00, $0x38;
	[tilespmem:$0x1B080] =	vst v63  }
0xb0: {  	_ =	swait.ge [sflag:s31], $0x1C00  }
0xb1: {  	[sflag:s31] =	ssyncset.done $0x0  }
0xb2: {  	s16 =	simm.s32 $0x40;
	[sflag:s31] =	ssyncadd.s32 $0xFFFFE400  }
0xb3: {  	v20 =	vld [tilespmem:s16+$0xFFFFFFC0]  }
0xb4: {  	v21 =	vld [tilespmem:s16+$0xFFFFFFD0]  }
0xb5: {  	v22 =	vld [tilespmem:s16+$0xFFFFFFE0]  }
0xb6: {  	v19 =	vld [tilespmem:s16+$0x0]  }
0xb7: {  	v18 =	vld [tilespmem:s16+$0x10]  }
0xb8: {  	v23 =	vadd.s32 v17, v20;
	v20 =	vld [tilespmem:s16+$0x20]  }
0xb9: {  	[tilespmem:s16+$0xFFFFFFC0] =	vst v23;
	v23 =	vadd.s32 v17, v21;
	v21 =	vld [tilespmem:s16+$0x30]  }
0xba: {  	s21 =	simm.s32 $0xC0;
	s20 =	simm.s32 $0x0;
	[tilespmem:s16+$0xFFFFFFD0] =	vst v23;
	v23 =	vadd.s32 v17, v22;
	v22 =	vld [tilespmem:s16+$0xFFFFFFF0]  }
.LBB2_6:
0xbb: {  	v24 =	vld [tilespmem:s21+$0xFFFFFFC0];
	[tilespmem:s16+$0xFFFFFFE0] =	vst v23;
	v19 =	vadd.s32 v17, v19  }
0xbc: {  	s20 =	sadd.s32 $0x8, s20;
	v23 =	vld [tilespmem:s21+$0xFFFFFFD0];
	[tilespmem:s16+$0x0] =	vst v19;
	v18 =	vadd.s32 v17, v18  }
0xbd: {  	p1 =	slt.u32 s20, $0x1B8;
	v25 =	vld [tilespmem:s21+$0xFFFFFFE0];
	[tilespmem:s16+$0x10] =	vst v18;
	v18 =	vadd.s32 v17, v20  }
.Ltmp7:
0xbe: {  	v19 =	vld [tilespmem:s21+$0x0];
	[tilespmem:s16+$0x20] =	vst v18;
	v20 =	vadd.s32 v17, v21;
	(pc) =	sbr.rel @p1 .LBB2_6-.Ltmp7, $4  }
0xbf: {  	v18 =	vld [tilespmem:s21+$0x10];
	v21 =	vadd.s32 v17, v22;
	[tilespmem:s16+$0x30] =	vst v20  }
0xc0: {  	v22 =	vadd.s32 v17, v24;
	v20 =	vld [tilespmem:s21+$0x20];
	[tilespmem:s16+$0xFFFFFFF0] =	vst v21;
	s16 =	smov.u32 s21  }
0xc1: {  	[tilespmem:s21+$0xFFFFFFC0] =	vst v22;
	v22 =	vadd.s32 v17, v23;
	v21 =	vld [tilespmem:s21+$0x30]  }
0xc2: {  	s21 =	sadd.s32 $0x80, s21;
	[tilespmem:s16+$0xFFFFFFD0] =	vst v22;
	v23 =	vadd.s32 v17, v25;
	v22 =	vld [tilespmem:s16+$0xFFFFFFF0]  }
0xc3: {  	[tilespmem:s16+$0xFFFFFFE0] =	vst v23;
	v19 =	vadd.s32 v17, v19  }
0xc4: {  	[tilespmem:s16+$0x0] =	vst v19;
	v18 =	vadd.s32 v17, v18  }
.Ltmp8:
0xc5: {  	[tilespmem:s16+$0x10] =	vst v18;
	v18 =	vadd.s32 v17, v20;
	(pc) =	sbr.rel .LBB2_8-.Ltmp8, $4  }
0xc6: {  	[tilespmem:s16+$0x20] =	vst v18;
	v18 =	vadd.s32 v17, v21  }
0xc7: {  	v19 =	vadd.s32 v17, v22;
	[tilespmem:s16+$0x30] =	vst v18  }
0xc8: {  	s23 =	simm.s32 $0x0;
	[tilespmem:s16+$0xFFFFFFF0] =	vst v19  }
0xc9: {  	[tilespmem:s10], [sflag:$0x1] =	stream.indirect.gather [hbm4b:s1+s12], $0x10, s23, s12, $0xb8;
	[tilespmem:$0x1B080] =	vst v63  }
.LBB2_19:
0xca: {  	s23 =	sadd.s32 $0x1, s23  }
0xcb: {  	p1 =	sne.s32 s23, $0x7  }
.Ltmp9:
0xcc: {  	_ = 	snop;
	(pc) =	sbr.rel @!p1 .LBB2_20-.Ltmp9, $1  }
0xcd: {  	_ =	sdelay $0x3  }
.LBB2_8:
0xce: {  	s24 =	sand.u32 $0x1, s23  }
0xcf: {  	p1 =	seq.s32 s24, $0x1  }
.Ltmp10:
0xd0: {  	_ = 	snop;
	(pc) =	sbr.rel @p1 .LBB2_16-.Ltmp10, $1  }
0xd1: {  	_ =	sdelay $0x3  }
0xd2: {  	p1 =	seq.s32 s23, $0x0  }
.Ltmp11:
0xd3: {  	_ = 	snop;
	(pc) =	sbr.rel @p1 .LBB2_12-.Ltmp11, $4  }
0xd4: {  	_ = 	snop  }
0xd5: {  	_ =	swait.ge [sflag:s17], $0x4000  }
0xd6: {  	[sflag:s17] =	ssyncset.done $0x0  }
0xd7: {  	[sflag:s17] =	ssyncadd.s32 $0xFFFFC000  }
0xd8: {  	p1 =	seq.s32 s23, $0x6  }
.Ltmp12:
0xd9: {  	_ = 	snop;
	(pc) =	sbr.rel @p1 .LBB2_13-.Ltmp12, $2  }
0xda: {  	_ =	sdelay $0x2  }
0xdb: {  	s16 =	simm.s32 $0x6000  }
0xdc: {  	_ =	swait.ge [sflag:s13], $0x4000  }
0xdd: {  	[sflag:s13] =	ssyncset.done $0x0  }
0xde: {  	[sflag:s13] =	ssyncadd.s32 $0xFFFFC000  }
.LBB2_12:
0xdf: {  	s16 =	sshll.u32 s23, $0xC  }
0xe0: {  	s20 =	sshrl.u32 s16, $0x2  }
0xe1: {  	s20 =	sadd.s32 $0x400, s20  }
0xe2: {  	[tilespmem:s14], [sflag:$0x2] =	stream.indirect.gather [hbm4b:s1+s12], $0x10, s20, s12, $0xb8;
	[tilespmem:$0x1B080] =	vst v63  }
.LBB2_13:
0xe3: {  	s25 =	sshrl.u32 s16, $0x2;
	s16 =	simm.s32 $0x5500  }
0xe4: {  	s20 =	sadd.s32 $0x3810, s25;
	v18 =	vld [tilespmem:s16+$0xFFFFFF50]  }
0xe5: {  	v19 =	vld [tilespmem:s20+$0xFFFFFFF0]  }
0xe6: {  	v20 =	vld [tilespmem:s16+$0xFFFFFFF0]  }
0xe7: {  	v21 =	vld [tilespmem:s16+$0xFFFFFFB0]  }
0xe8: {  	v23 =	vld [tilespmem:s16+$0xFFFFFF00]  }
0xe9: {  	v27 =	vld [tilespmem:s16+$0xFFFFFF80]  }
0xea: {  	v29 =	vld [tilespmem:s16+$0xFFFFFF90];
	v22 =	vperm.xlane v19, v3;
	v24 =	vperm.xlane v19, v12  }
0xeb: {  	v32 =	vld [tilespmem:s16+$0xFFFFFFA0];
	v25 =	vperm.xlane v19, v8;
	v30 =	vperm.xlane v19, v1  }
0xec: {  	v26 =	vld [tilespmem:s16+$0xFFFFFF70];
	v31 =	vperm.xlane v19, v9;
	v34 =	vperm.xlane v19, v10  }
0xed: {  	v28 =	vld [tilespmem:s16+$0xFFFFFF20];
	v35 =	vperm.xlane v19, v11;
	v33 =	vmul.f32 v21, v24  }
0xee: {  	v21 =	vperm.xlane v19, v6;
	v24 =	vld [tilespmem:s16+$0xFFFFFFC0];
	v30 =	vmul.f32 v23, v30  }
0xef: {  	v31 =	vmul.f32 v27, v31;
	v29 =	vmul.f32 v29, v34;
	v23 =	vld [tilespmem:s16+$0xFFFFFFE0];
	[tilespmem:s16+$0xFFFFFFB0] =	vst v33  }
0xf0: {  	s22 =	simm.s32 $0x0;
	s26 =	simm.s32 $0x5500;
	s21 =	smov.u32 s20;
	v27 =	vld [tilespmem:s16+$0xFFFFFF60];
	v32 =	vmul.f32 v32, v35;
	[tilespmem:s16+$0xFFFFFF00] =	vst v30;
	v30 =	vperm.xlane v19, v13  }
.LBB2_14:
0xf1: {  	s22 =	sadd.s32 $0x2, s22;
	v25 =	vmul.f32 v26, v25;
	[tilespmem:s16+$0xFFFFFF80] =	vst v31;
	v26 =	vperm.xlane v19, v16;
	s26 =	sadd.s32 $0x200, s26;
	s20 =	sadd.s32 $0x20, s20  }
0xf2: {  	v31 =	vperm.xlane v19, v15;
	p1 =	slt.u32 s22, $0x3E;
	v22 =	vmul.f32 v28, v22;
	[tilespmem:s16+$0xFFFFFFA0] =	vst v32;
	v28 =	vld [tilespmem:s16+$0xFFFFFFD0]  }
0xf3: {  	v33 =	vperm.xlane v19, v7;
	v32 =	vld [tilespmem:s16+$0xFFFFFF40];
	[tilespmem:s16+$0xFFFFFF90] =	vst v29;
	v20 =	vmul.f32 v20, v26  }
0xf4: {  	v24 =	vmul.f32 v24, v30;
	v26 =	vld [tilespmem:s16+$0xFFFFFF30];
	[tilespmem:s16+$0xFFFFFF70] =	vst v25;
	v23 =	vmul.f32 v23, v31  }
0xf5: {  	v25 =	vperm.xlane v19, v14;
	[tilespmem:s16+$0xFFFFFF20] =	vst v22;
	v22 =	vmul.f32 v27, v33  }
0xf6: {  	v18 =	vmul.f32 v18, v21;
	v29 =	vperm.xlane v19, v5;
	v27 =	vld [tilespmem:s16+$0xFFFFFF10];
	[tilespmem:s16+$0xFFFFFFC0] =	vst v24  }
0xf7: {  	v21 =	vperm.xlane v19, v4;
	[tilespmem:s16+$0xFFFFFF60] =	vst v22;
	v22 =	vmul.f32 v28, v25  }
0xf8: {  	v24 =	vmul.f32 v32, v29;
	[tilespmem:s16+$0xFFFFFF50] =	vst v18  }
0xf9: {  	v19 =	vperm.xlane v19, v2;
	v18 =	vld [tilespmem:s26+$0xFFFFFF50];
	v21 =	vmul.f32 v26, v21;
	[tilespmem:s16+$0xFFFFFFD0] =	vst v22  }
0xfa: {  	[tilespmem:s16+$0xFFFFFF40] =	vst v24  }
0xfb: {  	v19 =	vmul.f32 v27, v19;
	[tilespmem:s16+$0xFFFFFF30] =	vst v21  }
0xfc: {  	[tilespmem:s16+$0xFFFFFFF0] =	vst v20  }
0xfd: {  	[tilespmem:s16+$0xFFFFFF10] =	vst v19  }
0xfe: {  	[tilespmem:s16+$0xFFFFFFE0] =	vst v23;
	v19 =	vld [tilespmem:s16+$0x20]  }
0xff: {  	v20 =	vld [tilespmem:s21+$0x0];
	s21 =	smov.u32 s20  }
0x100: {  	v21 =	vld [tilespmem:s16+$0x50]  }
0x101: {  	v22 =	vld [tilespmem:s16+$0x10]  }
0x102: {  	v23 =	vld [tilespmem:s16+$0x60]  }
0x103: {  	v24 =	vld [tilespmem:s16+$0x30]  }
0x104: {  	v25 =	vld [tilespmem:s16+$0x0];
	v26 =	vperm.xlane v20, v2;
	v27 =	vperm.xlane v20, v6  }
0x105: {  	v28 =	vperm.xlane v20, v1;
	v29 =	vperm.xlane v20, v3;
	v30 =	vld [tilespmem:s16+$0x70]  }
0x106: {  	v22 =	vmul.f32 v22, v26;
	v26 =	vld [tilespmem:s16+$0x40];
	v21 =	vmul.f32 v21, v27  }
0x107: {  	v31 =	vperm.xlane v20, v5;
	v27 =	vperm.xlane v20, v4;
	v32 =	vld [tilespmem:s16+$0xA0]  }
0x108: {  	v33 =	vperm.xlane v20, v8;
	[tilespmem:s16+$0x10] =	vst v22;
	v22 =	vperm.xlane v20, v7;
	v34 =	vld [tilespmem:s16+$0x80]  }
0x109: {  	v24 =	vmul.f32 v24, v27;
	v25 =	vmul.f32 v25, v28;
	[tilespmem:s16+$0x50] =	vst v21;
	v21 =	vld [tilespmem:s16+$0x90]  }
0x10a: {  	v22 =	vmul.f32 v23, v22;
	v23 =	vmul.f32 v30, v33;
	v27 =	vld [tilespmem:s16+$0xB0]  }
0x10b: {  	v19 =	vmul.f32 v19, v29;
	[tilespmem:s16+$0x30] =	vst v24;
	v24 =	vmul.f32 v26, v31  }
0x10c: {  	v26 =	vperm.xlane v20, v10;
	[tilespmem:s16+$0x60] =	vst v22;
	v22 =	vperm.xlane v20, v9;
	v28 =	vld [tilespmem:s16+$0xC0]  }
0x10d: {  	v29 =	vperm.xlane v20, v12;
	[tilespmem:s16+$0x70] =	vst v23;
	v23 =	vperm.xlane v20, v11;
	v30 =	vld [tilespmem:s16+$0xD0]  }
0x10e: {  	[tilespmem:s16+$0x40] =	vst v24;
	v22 =	vmul.f32 v34, v22;
	v21 =	vmul.f32 v21, v26;
	v24 =	vld [tilespmem:s16+$0xE0]  }
0x10f: {  	[tilespmem:s16+$0x0] =	vst v25;
	v23 =	vmul.f32 v32, v23;
	v25 =	vmul.f32 v27, v29;
	v26 =	vld [tilespmem:s16+$0xF0]  }
0x110: {  	v27 =	vperm.xlane v20, v14;
	[tilespmem:s16+$0x20] =	vst v19;
	v19 =	vperm.xlane v20, v13  }
0x111: {  	[tilespmem:s16+$0x80] =	vst v22;
	v22 =	vperm.xlane v20, v15;
	v20 =	vperm.xlane v20, v16  }
0x112: {  	[tilespmem:s16+$0x90] =	vst v21;
	v19 =	vmul.f32 v28, v19;
	v21 =	vmul.f32 v30, v27  }
0x113: {  	[tilespmem:s16+$0xA0] =	vst v23;
	v22 =	vmul.f32 v24, v22  }
0x114: {  	[tilespmem:s16+$0xB0] =	vst v25;
	v20 =	vmul.f32 v26, v20  }
0x115: {  	[tilespmem:s16+$0xC0] =	vst v19  }
0x116: {  	[tilespmem:s16+$0xF0] =	vst v20  }
0x117: {  	[tilespmem:s16+$0xD0] =	vst v21  }
0x118: {  	[tilespmem:s16+$0xE0] =	vst v22;
	s16 =	smov.u32 s26  }
0x119: {  	v19 =	vld [tilespmem:s20+$0xFFFFFFF0]  }
0x11a: {  	v20 =	vld [tilespmem:s26+$0xFFFFFFF0]  }
0x11b: {  	v23 =	vld [tilespmem:s26+$0xFFFFFF00]  }
0x11c: {  	v24 =	vld [tilespmem:s26+$0xFFFFFFB0]  }
0x11d: {  	v27 =	vld [tilespmem:s26+$0xFFFFFF80]  }
0x11e: {  	v22 =	vperm.xlane v19, v3;
	v25 =	vperm.xlane v19, v8;
	v29 =	vld [tilespmem:s26+$0xFFFFFF90]  }
0x11f: {  	v30 =	vperm.xlane v19, v1;
	v31 =	vperm.xlane v19, v12;
	v32 =	vld [tilespmem:s26+$0xFFFFFFA0]  }
.Ltmp13:
0x120: {  	v33 =	vperm.xlane v19, v9;
	v34 =	vperm.xlane v19, v10;
	v26 =	vld [tilespmem:s26+$0xFFFFFF70];
	(pc) =	sbr.rel @p1 .LBB2_14-.Ltmp13, $4  }
0x121: {  	v21 =	vperm.xlane v19, v6;
	v28 =	vld [tilespmem:s26+$0xFFFFFF20];
	v35 =	vmul.f32 v24, v31  }
0x122: {  	v36 =	vperm.xlane v19, v11;
	v30 =	vmul.f32 v23, v30;
	v24 =	vld [tilespmem:s26+$0xFFFFFFC0]  }
0x123: {  	v31 =	vmul.f32 v27, v33;
	v29 =	vmul.f32 v29, v34;
	[tilespmem:s26+$0xFFFFFFB0] =	vst v35;
	v23 =	vld [tilespmem:s26+$0xFFFFFFE0]  }
0x124: {  	[tilespmem:s26+$0xFFFFFF00] =	vst v30;
	v27 =	vld [tilespmem:s26+$0xFFFFFF60];
	v32 =	vmul.f32 v32, v36;
	v30 =	vperm.xlane v19, v13  }
0x125: {  	[tilespmem:s16+$0xFFFFFF80] =	vst v31;
	v25 =	vmul.f32 v26, v25;
	v56 =	vperm.xlane v19, v7  }
0x126: {  	[tilespmem:s16+$0xFFFFFF90] =	vst v29;
	v59 =	vperm.xlane v19, v14;
	v61 =	vperm.xlane v19, v5  }
0x127: {  	v18 =	vmul.f32 v18, v21;
	v62 =	vperm.xlane v19, v4;
	[tilespmem:s16+$0xFFFFFFA0] =	vst v32  }
0x128: {  	v54 =	vld [tilespmem:s16+$0xFFFFFFD0];
	v31 =	vperm.xlane v19, v16;
	v22 =	vmul.f32 v28, v22;
	[tilespmem:s16+$0xFFFFFF70] =	vst v25  }
0x129: {  	v55 =	vld [tilespmem:s16+$0xFFFFFF40];
	v24 =	vmul.f32 v24, v30;
	[tilespmem:s16+$0xFFFFFF50] =	vst v18;
	v18 =	vperm.xlane v19, v2  }
0x12a: {  	v57 =	vld [tilespmem:s16+$0xFFFFFF30];
	v19 =	vperm.xlane v19, v15;
	v20 =	vmul.f32 v20, v31;
	[tilespmem:s16+$0xFFFFFF20] =	vst v22  }
0x12b: {  	v60 =	vld [tilespmem:s16+$0xFFFFFF10];
	v58 =	vmul.f32 v27, v56;
	[tilespmem:s16+$0xFFFFFFC0] =	vst v24  }
0x12c: {  	v19 =	vmul.f32 v23, v19;
	[tilespmem:s16+$0xFFFFFFF0] =	vst v20  }
0x12d: {  	v63 =	vmul.f32 v54, v59;
	[tilespmem:s16+$0xFFFFFF60] =	vst v58  }
0x12e: {  	v32 =	vmul.f32 v55, v61;
	[tilespmem:s16+$0xFFFFFFE0] =	vst v19  }
0x12f: {  	v21 =	vmul.f32 v57, v62;
	[tilespmem:s16+$0xFFFFFFD0] =	vst v63  }
0x130: {  	v18 =	vmul.f32 v60, v18;
	[tilespmem:s16+$0xFFFFFF40] =	vst v32  }
0x131: {  	[tilespmem:s16+$0xFFFFFF30] =	vst v21  }
0x132: {  	[tilespmem:s16+$0xFFFFFF10] =	vst v18  }
0x133: {  	v18 =	vld [tilespmem:s21+$0x0];
	_ =	sdelay $0x1  }
0x134: {  	v33 =	vld [tilespmem:s16+$0x10]  }
0x135: {  	v34 =	vld [tilespmem:s16+$0x50]  }
0x136: {  	v35 =	vld [tilespmem:s16+$0x30]  }
0x137: {  	v36 =	vld [tilespmem:s16+$0x60];
	v37 =	vperm.xlane v18, v2  }
0x138: {  	v40 =	vld [tilespmem:s16+$0x40];
	v38 =	vperm.xlane v18, v6  }
0x139: {  	v42 =	vld [tilespmem:s16+$0x0];
	v41 =	vperm.xlane v18, v4;
	v20 =	vmul.f32 v33, v37  }
0x13a: {  	v19 =	vld [tilespmem:s16+$0x20];
	v43 =	vperm.xlane v18, v7;
	v21 =	vmul.f32 v34, v38  }
0x13b: {  	v45 =	vld [tilespmem:s16+$0x80];
	v46 =	vperm.xlane v18, v5;
	v22 =	vmul.f32 v35, v41;
	[tilespmem:s16+$0x10] =	vst v20  }
0x13c: {  	v53 =	vld [tilespmem:s16+$0xB0];
	v48 =	vperm.xlane v18, v1;
	v47 =	vmul.f32 v36, v43;
	[tilespmem:s16+$0x50] =	vst v21  }
0x13d: {  	v39 =	vld [tilespmem:s16+$0x70];
	v50 =	vperm.xlane v18, v3;
	v24 =	vmul.f32 v40, v46;
	[tilespmem:s16+$0x30] =	vst v22  }
0x13e: {  	v51 =	vld [tilespmem:s16+$0xA0];
	v54 =	vperm.xlane v18, v9;
	v52 =	vmul.f32 v42, v48;
	[tilespmem:s16+$0x60] =	vst v47  }
0x13f: {  	v56 =	vld [tilespmem:s16+$0xC0];
	v59 =	vperm.xlane v18, v12;
	v19 =	vmul.f32 v19, v50;
	[tilespmem:s16+$0x40] =	vst v24  }
0x140: {  	v49 =	vld [tilespmem:s16+$0x90];
	v44 =	vperm.xlane v18, v8;
	v27 =	vmul.f32 v45, v54;
	[tilespmem:s16+$0x0] =	vst v52  }
0x141: {  	v58 =	vld [tilespmem:s16+$0xF0];
	v57 =	vperm.xlane v18, v11;
	v23 =	vmul.f32 v53, v59;
	[tilespmem:s16+$0x20] =	vst v19  }
0x142: {  	v60 =	vld [tilespmem:s16+$0xD0];
	v61 =	vperm.xlane v18, v13;
	v20 =	vmul.f32 v39, v44;
	[tilespmem:s16+$0x80] =	vst v27  }
0x143: {  	v55 =	vperm.xlane v18, v10;
	v19 =	vld [tilespmem:s16+$0xE0];
	v24 =	vmul.f32 v51, v57;
	[tilespmem:s16+$0xB0] =	vst v23  }
0x144: {  	v62 =	vperm.xlane v18, v16;
	v22 =	vmul.f32 v56, v61;
	[tilespmem:s16+$0x70] =	vst v20  }
0x145: {  	v63 =	vperm.xlane v18, v14;
	v20 =	vmul.f32 v49, v55;
	[tilespmem:s16+$0xA0] =	vst v24  }
0x146: {  	p1 =	seq.s32 s24, $0x0;
	v18 =	vperm.xlane v18, v15;
	v21 =	vmul.f32 v58, v62;
	[tilespmem:s16+$0xC0] =	vst v22  }
.Ltmp14:
0x147: {  	[tilespmem:s16+$0x90] =	vst v20;
	v20 =	vmul.f32 v60, v63;
	(pc) =	sbr.rel @p1 .LBB2_19-.Ltmp14, $4  }
0x148: {  	[tilespmem:s16+$0xF0] =	vst v21;
	v18 =	vmul.f32 v19, v18  }
0x149: {  	[tilespmem:s16+$0xD0] =	vst v20  }
0x14a: {  	s26 =	sadd.s32 $0x1C00, s25;
	[tilespmem:s16+$0xE0] =	vst v18  }
0x14b: {  	[spmem:s2] =	stream.indirect.scatter.add.f32 [tilespmem:s10], [sflag:$0x3], $0x10, s26, s12, $0xb8;
	[tilespmem:$0x1B080] =	vst v63  }
.LBB2_16:
0x14c: {  	_ =	swait.ge [sflag:s8], $0x4000  }
0x14d: {  	p1 =	seq.s32 s23, $0x6;
	[sflag:s8] =	ssyncset.done $0x0  }
0x14e: {  	s16 =	simm.s32 @!p1 $0x3;
	[sflag:s8] =	ssyncadd.s32 $0xFFFFC000  }
0x14f: {  	_ =	swait.ge @!p1 [sflag:s16], $0x4000  }
0x150: {  	s20 =	sshll.u32 @!p1 s23, $0xC;
	[sflag:s16] =	ssyncset.done @!p1 $0x0  }
0x151: {  	s21 =	simm.s32 @!p1 $0x400;
	[sflag:s16] =	ssyncadd.s32 @!p1 $0xFFFFC000;
	s16 =	sshrl.u32 @!p1 s20, $0x2  }
0x152: {  	s22 =	simm.s32 @!p1 $0x5400;
	s20 =	simm.s32 @p1 $0x6000;
	s16 =	sadd.s32 @!p1 $0x400, s16  }
0x153: {  	[tilespmem:s22], [sflag:$0x1] =	stream.indirect.gather @!p1 [hbm4b:s1+s21], $0x10, s16, s21, $0xb8;
	[tilespmem:$0x1B080] =	vst v63  }
0x154: {  	s24 =	sshrl.u32 s20, $0x2;
	s16 =	simm.s32 $0x9500  }
0x155: {  	s21 =	sadd.s32 $0x3810, s24;
	v18 =	vld [tilespmem:s16+$0xFFFFFF50]  }
0x156: {  	v19 =	vld [tilespmem:s21+$0xFFFFFFF0]  }
0x157: {  	v20 =	vld [tilespmem:s16+$0xFFFFFFF0]  }
0x158: {  	v21 =	vld [tilespmem:s16+$0xFFFFFFB0]  }
0x159: {  	v23 =	vld [tilespmem:s16+$0xFFFFFF00]  }
0x15a: {  	v27 =	vld [tilespmem:s16+$0xFFFFFF80]  }
0x15b: {  	v29 =	vld [tilespmem:s16+$0xFFFFFF90];
	v22 =	vperm.xlane v19, v3;
	v24 =	vperm.xlane v19, v12  }
0x15c: {  	v32 =	vld [tilespmem:s16+$0xFFFFFFA0];
	v25 =	vperm.xlane v19, v8;
	v30 =	vperm.xlane v19, v1  }
0x15d: {  	v26 =	vld [tilespmem:s16+$0xFFFFFF70];
	v31 =	vperm.xlane v19, v9;
	v34 =	vperm.xlane v19, v10  }
0x15e: {  	v28 =	vld [tilespmem:s16+$0xFFFFFF20];
	v35 =	vperm.xlane v19, v11;
	v33 =	vmul.f32 v21, v24  }
0x15f: {  	v21 =	vperm.xlane v19, v6;
	v24 =	vld [tilespmem:s16+$0xFFFFFFC0];
	v30 =	vmul.f32 v23, v30  }
0x160: {  	v31 =	vmul.f32 v27, v31;
	v29 =	vmul.f32 v29, v34;
	v23 =	vld [tilespmem:s16+$0xFFFFFFE0];
	[tilespmem:s16+$0xFFFFFFB0] =	vst v33  }
0x161: {  	s25 =	simm.s32 $0x9500;
	s22 =	simm.s32 $0x0;
	s20 =	smov.u32 s21;
	v27 =	vld [tilespmem:s16+$0xFFFFFF60];
	v32 =	vmul.f32 v32, v35;
	[tilespmem:s16+$0xFFFFFF00] =	vst v30;
	v30 =	vperm.xlane v19, v13  }
.LBB2_17:
0x162: {  	s22 =	sadd.s32 $0x2, s22;
	v25 =	vmul.f32 v26, v25;
	[tilespmem:s16+$0xFFFFFF80] =	vst v31;
	v26 =	vperm.xlane v19, v16;
	s25 =	sadd.s32 $0x200, s25;
	s21 =	sadd.s32 $0x20, s21  }
0x163: {  	v31 =	vperm.xlane v19, v15;
	p1 =	slt.u32 s22, $0x3E;
	v22 =	vmul.f32 v28, v22;
	[tilespmem:s16+$0xFFFFFFA0] =	vst v32;
	v28 =	vld [tilespmem:s16+$0xFFFFFFD0]  }
0x164: {  	v33 =	vperm.xlane v19, v7;
	v32 =	vld [tilespmem:s16+$0xFFFFFF40];
	[tilespmem:s16+$0xFFFFFF90] =	vst v29;
	v20 =	vmul.f32 v20, v26  }
0x165: {  	v24 =	vmul.f32 v24, v30;
	v26 =	vld [tilespmem:s16+$0xFFFFFF30];
	[tilespmem:s16+$0xFFFFFF70] =	vst v25;
	v23 =	vmul.f32 v23, v31  }
0x166: {  	v25 =	vperm.xlane v19, v14;
	[tilespmem:s16+$0xFFFFFF20] =	vst v22;
	v22 =	vmul.f32 v27, v33  }
0x167: {  	v18 =	vmul.f32 v18, v21;
	v29 =	vperm.xlane v19, v5;
	v27 =	vld [tilespmem:s16+$0xFFFFFF10];
	[tilespmem:s16+$0xFFFFFFC0] =	vst v24  }
0x168: {  	v21 =	vperm.xlane v19, v4;
	[tilespmem:s16+$0xFFFFFF60] =	vst v22;
	v22 =	vmul.f32 v28, v25  }
0x169: {  	v24 =	vmul.f32 v32, v29;
	[tilespmem:s16+$0xFFFFFF50] =	vst v18  }
0x16a: {  	v19 =	vperm.xlane v19, v2;
	v18 =	vld [tilespmem:s25+$0xFFFFFF50];
	v21 =	vmul.f32 v26, v21;
	[tilespmem:s16+$0xFFFFFFD0] =	vst v22  }
0x16b: {  	[tilespmem:s16+$0xFFFFFF40] =	vst v24  }
0x16c: {  	v19 =	vmul.f32 v27, v19;
	[tilespmem:s16+$0xFFFFFF30] =	vst v21  }
0x16d: {  	[tilespmem:s16+$0xFFFFFFF0] =	vst v20  }
0x16e: {  	[tilespmem:s16+$0xFFFFFF10] =	vst v19  }
0x16f: {  	[tilespmem:s16+$0xFFFFFFE0] =	vst v23;
	v19 =	vld [tilespmem:s16+$0x20]  }
0x170: {  	v20 =	vld [tilespmem:s20+$0x0];
	s20 =	smov.u32 s21  }
0x171: {  	v21 =	vld [tilespmem:s16+$0x50]  }
0x172: {  	v22 =	vld [tilespmem:s16+$0x10]  }
0x173: {  	v23 =	vld [tilespmem:s16+$0x60]  }
0x174: {  	v24 =	vld [tilespmem:s16+$0x30]  }
0x175: {  	v25 =	vld [tilespmem:s16+$0x0];
	v26 =	vperm.xlane v20, v2;
	v27 =	vperm.xlane v20, v6  }
0x176: {  	v28 =	vperm.xlane v20, v1;
	v29 =	vperm.xlane v20, v3;
	v30 =	vld [tilespmem:s16+$0x70]  }
0x177: {  	v22 =	vmul.f32 v22, v26;
	v26 =	vld [tilespmem:s16+$0x40];
	v21 =	vmul.f32 v21, v27  }
0x178: {  	v31 =	vperm.xlane v20, v5;
	v27 =	vperm.xlane v20, v4;
	v32 =	vld [tilespmem:s16+$0xA0]  }
0x179: {  	v33 =	vperm.xlane v20, v8;
	[tilespmem:s16+$0x10] =	vst v22;
	v22 =	vperm.xlane v20, v7;
	v34 =	vld [tilespmem:s16+$0x80]  }
0x17a: {  	v24 =	vmul.f32 v24, v27;
	v25 =	vmul.f32 v25, v28;
	[tilespmem:s16+$0x50] =	vst v21;
	v21 =	vld [tilespmem:s16+$0x90]  }
0x17b: {  	v22 =	vmul.f32 v23, v22;
	v23 =	vmul.f32 v30, v33;
	v27 =	vld [tilespmem:s16+$0xB0]  }
0x17c: {  	v19 =	vmul.f32 v19, v29;
	[tilespmem:s16+$0x30] =	vst v24;
	v24 =	vmul.f32 v26, v31  }
0x17d: {  	v26 =	vperm.xlane v20, v10;
	[tilespmem:s16+$0x60] =	vst v22;
	v22 =	vperm.xlane v20, v9;
	v28 =	vld [tilespmem:s16+$0xC0]  }
0x17e: {  	v29 =	vperm.xlane v20, v12;
	[tilespmem:s16+$0x70] =	vst v23;
	v23 =	vperm.xlane v20, v11;
	v30 =	vld [tilespmem:s16+$0xD0]  }
0x17f: {  	[tilespmem:s16+$0x40] =	vst v24;
	v22 =	vmul.f32 v34, v22;
	v21 =	vmul.f32 v21, v26;
	v24 =	vld [tilespmem:s16+$0xE0]  }
0x180: {  	[tilespmem:s16+$0x0] =	vst v25;
	v23 =	vmul.f32 v32, v23;
	v25 =	vmul.f32 v27, v29;
	v26 =	vld [tilespmem:s16+$0xF0]  }
0x181: {  	v27 =	vperm.xlane v20, v14;
	[tilespmem:s16+$0x20] =	vst v19;
	v19 =	vperm.xlane v20, v13  }
0x182: {  	[tilespmem:s16+$0x80] =	vst v22;
	v22 =	vperm.xlane v20, v15;
	v20 =	vperm.xlane v20, v16  }
0x183: {  	[tilespmem:s16+$0x90] =	vst v21;
	v19 =	vmul.f32 v28, v19;
	v21 =	vmul.f32 v30, v27  }
0x184: {  	[tilespmem:s16+$0xA0] =	vst v23;
	v22 =	vmul.f32 v24, v22  }
0x185: {  	[tilespmem:s16+$0xB0] =	vst v25;
	v20 =	vmul.f32 v26, v20  }
0x186: {  	[tilespmem:s16+$0xC0] =	vst v19  }
0x187: {  	[tilespmem:s16+$0xF0] =	vst v20  }
0x188: {  	[tilespmem:s16+$0xD0] =	vst v21  }
0x189: {  	[tilespmem:s16+$0xE0] =	vst v22;
	s16 =	smov.u32 s25  }
0x18a: {  	v19 =	vld [tilespmem:s21+$0xFFFFFFF0]  }
0x18b: {  	v20 =	vld [tilespmem:s25+$0xFFFFFFF0]  }
0x18c: {  	v23 =	vld [tilespmem:s25+$0xFFFFFF00]  }
0x18d: {  	v24 =	vld [tilespmem:s25+$0xFFFFFFB0]  }
0x18e: {  	v27 =	vld [tilespmem:s25+$0xFFFFFF80]  }
0x18f: {  	v22 =	vperm.xlane v19, v3;
	v25 =	vperm.xlane v19, v8;
	v29 =	vld [tilespmem:s25+$0xFFFFFF90]  }
0x190: {  	v30 =	vperm.xlane v19, v1;
	v31 =	vperm.xlane v19, v12;
	v32 =	vld [tilespmem:s25+$0xFFFFFFA0]  }
.Ltmp15:
0x191: {  	v33 =	vperm.xlane v19, v9;
	v34 =	vperm.xlane v19, v10;
	v26 =	vld [tilespmem:s25+$0xFFFFFF70];
	(pc) =	sbr.rel @p1 .LBB2_17-.Ltmp15, $4  }
0x192: {  	v21 =	vperm.xlane v19, v6;
	v28 =	vld [tilespmem:s25+$0xFFFFFF20];
	v35 =	vmul.f32 v24, v31  }
0x193: {  	v36 =	vperm.xlane v19, v11;
	v30 =	vmul.f32 v23, v30;
	v24 =	vld [tilespmem:s25+$0xFFFFFFC0]  }
0x194: {  	v31 =	vmul.f32 v27, v33;
	v29 =	vmul.f32 v29, v34;
	[tilespmem:s25+$0xFFFFFFB0] =	vst v35;
	v23 =	vld [tilespmem:s25+$0xFFFFFFE0]  }
0x195: {  	[tilespmem:s25+$0xFFFFFF00] =	vst v30;
	v27 =	vld [tilespmem:s25+$0xFFFFFF60];
	v32 =	vmul.f32 v32, v36;
	v30 =	vperm.xlane v19, v13  }
0x196: {  	[tilespmem:s16+$0xFFFFFF80] =	vst v31;
	v25 =	vmul.f32 v26, v25;
	v56 =	vperm.xlane v19, v7  }
0x197: {  	[tilespmem:s16+$0xFFFFFF90] =	vst v29;
	v59 =	vperm.xlane v19, v14;
	v61 =	vperm.xlane v19, v5  }
0x198: {  	v18 =	vmul.f32 v18, v21;
	v62 =	vperm.xlane v19, v4;
	[tilespmem:s16+$0xFFFFFFA0] =	vst v32  }
0x199: {  	v54 =	vld [tilespmem:s16+$0xFFFFFFD0];
	v31 =	vperm.xlane v19, v16;
	v22 =	vmul.f32 v28, v22;
	[tilespmem:s16+$0xFFFFFF70] =	vst v25  }
0x19a: {  	v55 =	vld [tilespmem:s16+$0xFFFFFF40];
	v24 =	vmul.f32 v24, v30;
	[tilespmem:s16+$0xFFFFFF50] =	vst v18;
	v18 =	vperm.xlane v19, v2  }
0x19b: {  	v57 =	vld [tilespmem:s16+$0xFFFFFF30];
	v19 =	vperm.xlane v19, v15;
	v20 =	vmul.f32 v20, v31;
	[tilespmem:s16+$0xFFFFFF20] =	vst v22  }
0x19c: {  	v60 =	vld [tilespmem:s16+$0xFFFFFF10];
	v58 =	vmul.f32 v27, v56;
	[tilespmem:s16+$0xFFFFFFC0] =	vst v24  }
0x19d: {  	v19 =	vmul.f32 v23, v19;
	[tilespmem:s16+$0xFFFFFFF0] =	vst v20  }
0x19e: {  	v63 =	vmul.f32 v54, v59;
	[tilespmem:s16+$0xFFFFFF60] =	vst v58  }
0x19f: {  	v32 =	vmul.f32 v55, v61;
	[tilespmem:s16+$0xFFFFFFE0] =	vst v19  }
0x1a0: {  	v21 =	vmul.f32 v57, v62;
	[tilespmem:s16+$0xFFFFFFD0] =	vst v63  }
0x1a1: {  	v18 =	vmul.f32 v60, v18;
	[tilespmem:s16+$0xFFFFFF40] =	vst v32  }
0x1a2: {  	[tilespmem:s16+$0xFFFFFF30] =	vst v21  }
0x1a3: {  	[tilespmem:s16+$0xFFFFFF10] =	vst v18  }
0x1a4: {  	v18 =	vld [tilespmem:s20+$0x0];
	_ =	sdelay $0x1  }
0x1a5: {  	v33 =	vld [tilespmem:s16+$0x10]  }
0x1a6: {  	v34 =	vld [tilespmem:s16+$0x50]  }
0x1a7: {  	v35 =	vld [tilespmem:s16+$0x30]  }
0x1a8: {  	v36 =	vld [tilespmem:s16+$0x60];
	v37 =	vperm.xlane v18, v2  }
0x1a9: {  	v40 =	vld [tilespmem:s16+$0x40];
	v38 =	vperm.xlane v18, v6  }
0x1aa: {  	v42 =	vld [tilespmem:s16+$0x0];
	v41 =	vperm.xlane v18, v4;
	v20 =	vmul.f32 v33, v37  }
0x1ab: {  	v19 =	vld [tilespmem:s16+$0x20];
	v43 =	vperm.xlane v18, v7;
	v21 =	vmul.f32 v34, v38  }
0x1ac: {  	v45 =	vld [tilespmem:s16+$0x80];
	v46 =	vperm.xlane v18, v5;
	v22 =	vmul.f32 v35, v41;
	[tilespmem:s16+$0x10] =	vst v20  }
0x1ad: {  	v53 =	vld [tilespmem:s16+$0xB0];
	v48 =	vperm.xlane v18, v1;
	v47 =	vmul.f32 v36, v43;
	[tilespmem:s16+$0x50] =	vst v21  }
0x1ae: {  	v39 =	vld [tilespmem:s16+$0x70];
	v50 =	vperm.xlane v18, v3;
	v24 =	vmul.f32 v40, v46;
	[tilespmem:s16+$0x30] =	vst v22  }
0x1af: {  	v51 =	vld [tilespmem:s16+$0xA0];
	v54 =	vperm.xlane v18, v9;
	v52 =	vmul.f32 v42, v48;
	[tilespmem:s16+$0x60] =	vst v47  }
0x1b0: {  	v56 =	vld [tilespmem:s16+$0xC0];
	v59 =	vperm.xlane v18, v12;
	v19 =	vmul.f32 v19, v50;
	[tilespmem:s16+$0x40] =	vst v24  }
0x1b1: {  	v49 =	vld [tilespmem:s16+$0x90];
	v44 =	vperm.xlane v18, v8;
	v27 =	vmul.f32 v45, v54;
	[tilespmem:s16+$0x0] =	vst v52  }
0x1b2: {  	v58 =	vld [tilespmem:s16+$0xF0];
	v57 =	vperm.xlane v18, v11;
	v23 =	vmul.f32 v53, v59;
	[tilespmem:s16+$0x20] =	vst v19  }
0x1b3: {  	v60 =	vld [tilespmem:s16+$0xD0];
	v61 =	vperm.xlane v18, v13;
	v20 =	vmul.f32 v39, v44;
	[tilespmem:s16+$0x80] =	vst v27  }
0x1b4: {  	v55 =	vperm.xlane v18, v10;
	v19 =	vld [tilespmem:s16+$0xE0];
	v24 =	vmul.f32 v51, v57;
	[tilespmem:s16+$0xB0] =	vst v23  }
0x1b5: {  	v62 =	vperm.xlane v18, v16;
	v22 =	vmul.f32 v56, v61;
	[tilespmem:s16+$0x70] =	vst v20  }
0x1b6: {  	v63 =	vperm.xlane v18, v14;
	v20 =	vmul.f32 v49, v55;
	[tilespmem:s16+$0xA0] =	vst v24  }
0x1b7: {  	v18 =	vperm.xlane v18, v15;
	v21 =	vmul.f32 v58, v62;
	[tilespmem:s16+$0xC0] =	vst v22  }
.Ltmp16:
0x1b8: {  	[tilespmem:s16+$0x90] =	vst v20;
	v20 =	vmul.f32 v60, v63;
	(pc) =	sbr.rel .LBB2_19-.Ltmp16, $4  }
0x1b9: {  	[tilespmem:s16+$0xF0] =	vst v21;
	v18 =	vmul.f32 v19, v18  }
0x1ba: {  	[tilespmem:s16+$0xD0] =	vst v20  }
0x1bb: {  	s26 =	sadd.s32 $0x1C00, s24;
	[tilespmem:s16+$0xE0] =	vst v18  }
0x1bc: {  	[spmem:s2] =	stream.indirect.scatter.add.f32 [tilespmem:s14], [sflag:$0x4], $0x10, s26, s12, $0xb8;
	[tilespmem:$0x1B080] =	vst v63  }
.LBB2_23:
0x1bd: {  	_ =	sfence.sel $0x180000  }
0x1be: {  	[bflag:$0x0] =	sbarrier.arrive $0xFFFF  }
0x1bf: {  	_ =	strace $0x9000004D  }
0x1c0: {  	s0 =	stileid.u32;
	[bflag:$0x2] =	sbarrier.arrive $0xFFFF  }
0x1c1: {  	p0 =	sne.s32 s0, $0x0;
	s0 =	rddreg [dreg:$0x3]  }
0x1c2: {  	s0 =	sadd.s32 @!p0 $0x100000, s0  }
0x1c3: {  	[sflag:s0] =	ssyncadd.tile.s32 @!p0 $0x1;
	_ =	shalt  }
.Lfunc_end2:
_tile_overlayer_lowered:
.L_overlay_start_2:
0x1c4: {  	(tag) =	ssettag $0x2  }
0x1c5: {  	s0 =	rddreg [dreg:$0x0];
	s2 =	stileid.u32  }
0x1c6: {  	s1 =	rddreg [dreg:$0x1];
	p0 =	sne.s32 s2, $0x0  }
0x1c7: {  	s3 =	rddreg [dreg:$0x2];
	[bflag:$0x3] =	sbarrier.arrive $0xFFFF;
	s2 =	simm.s32 @!p0 $0x1C05  }
0x1c8: {  	[timem:s3], [sflag:s2] =	dma.local @!p0 [hbm:s0], s1  }
0x1c9: {  	s0 =	simm.s32 @!p0 $0x5  }
0x1ca: {  	_ =	swait.ge @!p0 [sflag:s0], s1  }
0x1cb: {  	s1 =	ssub.s32 @!p0 $0x0, s1;
	[sflag:s0] =	ssyncset.done @!p0 $0x0  }
0x1cc: {  	[sflag:s0] =	ssyncadd.s32 @!p0 s1  }
0x1cd: {  	[bflag:$0x3] =	sbarrier.arrive $0xFFFF  }
0x1ce: {  	_ =	shalt  }

// kernel: kernel.9.cloned.1.call-start
scs
__scs_entry_jumppad:
0x0: {  	(pc) =	sbr.rel $0x88, $3  }
0x1: {  	(tag) =	ssettag $0x0;
	lr =	simm.s32 $0x1  }
0x2: {  	[smem:$0x3F96] =	sst lr;
	_ =	strace $0xD0000000  }
0x3: {  	_ = 	snop  }
0x4: {  	_ = 	snop  }
0x5: {  	_ = 	snop  }
0x6: {  	_ = 	snop  }
0x7: {  	_ = 	snop  }
__scs_overlays_trampoline_lowered:
0x8: {  	[smem:$0x3FA5] =	sst s0  }
0x9: {  	[smem:$0x3FA6] =	sst s1  }
0xa: {  	[smem:$0x3FA7] =	sst s2  }
0xb: {  	[smem:$0x3FA8] =	sst s3  }
0xc: {  	[smem:$0x3FA9] =	sst s4  }
0xd: {  	[smem:$0x3FAA] =	sst s5  }
0xe: {  	[smem:$0x3FAB] =	sst s6  }
0xf: {  	[smem:$0x3FAC] =	sst s7  }
0x10: {  	[smem:$0x3FAD] =	sst s8  }
0x11: {  	[smem:$0x3FAE] =	sst s9;
	s0 =	simm.s32 @!p0 $0x0  }
0x12: {  	s1 =	sld [smem:$0x3F94];
	s0 =	simm.s32 @p0 $0x1  }
0x13: {  	[smem:$0x3FAF] =	sst s0;
	s0 =	simm.s32 @!p1 $0x0  }
0x14: {  	s2 =	sld [smem:$0x3F93];
	s0 =	simm.s32 @p1 $0x1  }
0x15: {  	[smem:$0x3FB0] =	sst s0;
	s0 =	simm.s32 @!p2 $0x0  }
0x16: {  	s3 =	sld [smem:$0x3FDB];
	s0 =	simm.s32 @p2 $0x1  }
0x17: {  	s4 =	simm.s32 $0x1BF5;
	[smem:$0x3FB2] =	sst s0  }
0x18: {  	s0 =	sld [smem:$0x3F95];
	_ =	swait.ge [sflag:s4], $0x0  }
0x19: {  	s7 =	sld [smem:$0x3F96]  }
0x1a: {  	s8 =	sadd.s32 $0xFFFFE003, lr  }
0x1b: {  	s9 =	sadd.s32 $0xFFFFFEF7, lr;
	s5 =	simm.s32 $0xFFFFFFFF;
	p2 =	slt.u32 s8, $0xFFFFF086  }
0x1c: {  	p1 =	slt.u32 s9, $0xF7A;
	s5 =	simm.s32 @!p2 $0x0  }
0x1d: {  	s5 =	simm.s32 @p1 $0x1;
	p0 =	seq.s32 s7, s2  }
0x1e: {  	s7 =	smul.u32 @!p0 $0xF7A, s2;
	p2 =	seq.s32 @!p0 s5, $0x0  }
0x1f: {  	s9 =	smul.u32 $0xF7A, s1;
	s8 =	simm.s32 @!p0 $0x1BF5;
	p2 =	por !p2, p0  }
0x20: {  	[sflag:s8] =	ssyncset.s32 @!p0 $0xFFFFF086;
	s6 =	sadd.s32 @!p0 s3, s7;
	s7 =	simm.s32 @!p0 $0x108  }
0x21: {  	s3 =	sadd.s32 s3, s9;
	s6 =	sadd.s32 @!p0 $0x88, s6;
	s7 =	simm.s32 @p2 $0x1082  }
0x22: {  	[simem:s7], [sflag:s8] =	dma.local @!p0 [hbm:s6], $0xF7A  }
0x23: {  	s9 =	sor.u32 $0xD0000000, s2;
	s6 =	simm.s32 $0x108;
	_ =	swait.ge @!p0 [sflag:s8], $0x0  }
0x24: {  	s3 =	sadd.s32 $0x88, s3;
	s6 =	simm.s32 @!p1 $0x1082;
	[sflag:s4] =	ssyncset.s32 $0xFFFFF086  }
0x25: {  	[simem:s6], [sflag:s4] =	dma.local [hbm:s3], $0xF7A  }
0x26: {  	[smem:$0x3F96] =	sst s1;
	(tag) =	ssettag s2;
	_ =	strace s9  }
0x27: {  	s1 =	sld [smem:$0x3FA6]  }
0x28: {  	s2 =	sld [smem:$0x3FA7]  }
0x29: {  	s4 =	sld [smem:$0x3FA9]  }
0x2a: {  	p0 =	seq.s32 s5, $0x0;
	s5 =	sld [smem:$0x3FAA]  }
0x2b: {  	s6 =	sld [smem:$0x3FAB]  }
0x2c: {  	s7 =	sld [smem:$0x3FAC]  }
0x2d: {  	s3 =	simm.s32 $0x108;
	s8 =	sld [smem:$0x3FAD]  }
0x2e: {  	s3 =	simm.s32 @!p0 $0x1082;
	s9 =	sld [smem:$0x3FAE]  }
0x2f: {  	lr =	sadd.s32 s0, s3;
	s0 =	sld [smem:$0x3FA5]  }
0x30: {  	s3 =	sld [smem:$0x3FA8]  }
0x31: {  	[smem:$0x3FB1] =	sst s10  }
0x32: {  	s10 =	sld [smem:$0x3FAF];
	_ =	sdelay $0x3  }
0x33: {  	p0 =	seq.s32 s10, $0x1;
	s10 =	sld [smem:$0x3FB1];
	_ =	sdelay $0x3  }
0x34: {  	[smem:$0x3FB1] =	sst s10  }
0x35: {  	s10 =	sld [smem:$0x3FB0];
	_ =	sdelay $0x3  }
0x36: {  	p1 =	seq.s32 s10, $0x1;
	s10 =	sld [smem:$0x3FB1];
	_ =	sdelay $0x3  }
0x37: {  	[smem:$0x3FB1] =	sst s10  }
0x38: {  	s10 =	sld [smem:$0x3FB2]  }
0x39: {  	_ = 	snop;
	(pc) =	sbr.ind lr, $3  }
0x3a: {  	_ = 	snop  }
0x3b: {  	_ = 	snop  }
0x3c: {  	p2 =	seq.s32 s10, $0x1;
	s10 =	sld [smem:$0x3FB1]  }
0x3d: {  	_ =	shalt  }
0x3e: {  	_ =	shalt  }
0x3f: {  	_ =	shalt  }
0x40: {  	_ =	shalt  }
0x41: {  	_ =	shalt  }
0x42: {  	_ =	shalt  }
0x43: {  	_ =	shalt  }
0x44: {  	_ =	shalt  }
0x45: {  	_ =	shalt  }
0x46: {  	_ =	shalt  }
0x47: {  	_ =	shalt  }
0x48: {  	_ =	shalt  }
0x49: {  	_ =	shalt  }
0x4a: {  	_ =	shalt  }
0x4b: {  	_ =	shalt  }
0x4c: {  	_ =	shalt  }
0x4d: {  	_ =	shalt  }
0x4e: {  	_ =	shalt  }
0x4f: {  	_ =	shalt  }
0x50: {  	_ =	shalt  }
0x51: {  	_ =	shalt  }
0x52: {  	_ =	shalt  }
0x53: {  	_ =	shalt  }
0x54: {  	_ =	shalt  }
0x55: {  	_ =	shalt  }
0x56: {  	_ =	shalt  }
0x57: {  	_ =	shalt  }
0x58: {  	_ =	shalt  }
0x59: {  	_ =	shalt  }
0x5a: {  	_ =	shalt  }
0x5b: {  	_ =	shalt  }
0x5c: {  	_ =	shalt  }
0x5d: {  	_ =	shalt  }
0x5e: {  	_ =	shalt  }
0x5f: {  	_ =	shalt  }
0x60: {  	_ =	shalt  }
0x61: {  	_ =	shalt  }
0x62: {  	_ =	shalt  }
0x63: {  	_ =	shalt  }
0x64: {  	_ =	shalt  }
0x65: {  	_ =	shalt  }
0x66: {  	_ =	shalt  }
0x67: {  	_ =	shalt  }
0x68: {  	_ =	shalt  }
0x69: {  	_ =	shalt  }
0x6a: {  	_ =	shalt  }
0x6b: {  	_ =	shalt  }
0x6c: {  	_ =	shalt  }
0x6d: {  	_ =	shalt  }
0x6e: {  	_ =	shalt  }
0x6f: {  	_ =	shalt  }
0x70: {  	_ =	shalt  }
0x71: {  	_ =	shalt  }
0x72: {  	_ =	shalt  }
0x73: {  	_ =	shalt  }
0x74: {  	_ =	shalt  }
0x75: {  	_ =	shalt  }
0x76: {  	_ =	shalt  }
0x77: {  	_ =	shalt  }
0x78: {  	_ =	shalt  }
0x79: {  	_ =	shalt  }
0x7a: {  	_ =	shalt  }
0x7b: {  	_ =	shalt  }
0x7c: {  	_ =	shalt  }
0x7d: {  	_ =	shalt  }
0x7e: {  	_ =	shalt  }
0x7f: {  	_ =	shalt  }
0x80: {  	_ =	shalt  }
0x81: {  	_ =	shalt  }
0x82: {  	_ =	shalt  }
0x83: {  	_ =	shalt  }
0x84: {  	_ =	shalt  }
0x85: {  	_ =	shalt  }
0x86: {  	_ =	shalt  }
0x87: {  	_ =	shalt  }
.Lfunc_end0:
.L_simem_size_0:
called_computation_lowered:
.L_overlay_start_0:
0x88: {  	s2 =	sld [smem:$0x3FD9]  }
0x89: {  	s3 =	sld [smem:$0x3FFE];
	_ =	sdelay $0x1  }
0x8a: {  	s1 =	srdreg.scid  }
0x8b: {  	s0 =	sand.u32 $0x1, s1  }
0x8c: {  	s17 =	sshll.u32 s0, $0xA;
	s2 =	sadd.s32 s3, s2  }
0x8d: {  	s2 =	sadd.s32 s2, s17  }
0x8e: {  	[smem:$0x3FBD] =	sst s2  }
0x8f: {  	_ = 	snop  }
0x90: {  	s2 =	sld [smem:$0x3FD0];
	(tm) =	ssettm $0x1  }
0x91: {  	s18 =	sld [smem:$0x3FFB];
	_ =	sdelay $0x3  }
0x92: {  	_ =	strace s18  }
0x93: {  	s3 =	sld [smem:$0x3FFC];
	_ =	sdelay $0x3  }
0x94: {  	_ =	strace s3  }
0x95: {  	s3 =	sld [smem:$0x3FFD];
	_ =	sdelay $0x3  }
0x96: {  	_ =	strace s3  }
0x97: {  	_ =	strace $0x8FFFFFFF  }
0x98: {  	s19 =	sld [smem:$0x3FDB];
	_ =	sdelay $0x1  }
0x99: {  	s4 =	simm.s32 $_scs_section_size  }
0x9a: {  	s5 =	simm.s32 $_size__tile_overlayer_lowered;
	s6 =	simm.s32 $_tile_overlayer_lowered  }
0x9b: {  	s22 =	simm.s32 $0x1BFF;
	s21 =	sshll.u32 s6, $0x1;
	s3 =	sadd.s32 s4, s19  }
0x9c: {  	s7 =	simm.s32 $0x0;
	s20 =	sshll.u32 s5, $0x1;
	s5 =	sadd.s32 s21, s3  }
0x9d: {  	[timem:s7], [sflag:s22] =	dma.local [hbm:s5], s20  }
0x9e: {  	_ =	swait.ge [sflag:s22], s20  }
0x9f: {  	s4 =	ssub.s32 $0x0, s20;
	[sflag:s22] =	ssyncset.done $0x0  }
0xa0: {  	[sflag:s22] =	ssyncadd.s32 s4;
	_ =	sdelay $0x1  }
0xa1: {  	s23 =	simm.s32 $0x1B8B  }
0xa2: {  	_ =	swait.ge [sflag:s23], $0x1  }
0xa3: {  	[sflag:s23] =	ssyncset.done $0x0  }
0xa4: {  	s25 =	simm.s32 $0x1B8E;
	s24 =	sld [smem:$0x3FFE];
	[sflag:s23] =	ssyncadd.s32 $0xFFFFFFFF  }
0xa5: {  	s26 =	simm.s32 $execute0_lowered;
	[smem:$0x3FD2] =	sst s25  }
0xa6: {  	s5 =	sshll.u32 s26, $0x1;
	_ =	strace $0x80000046;
	[dreg:$0x1] =	wrdreg $0xFFFFFFFF  }
0xa7: {  	s28 =	simm.s32 $_size_execute0_lowered;
	s3 =	sadd.s32 s3, s5;
	[dreg:$0x0] =	wrdreg $0x0  }
0xa8: {  	s5 =	sshll.u32 s28, $0x1;
	[dreg:$0x2] =	wrdreg s3  }
0xa9: {  	[dreg:$0x3] =	wrdreg s5  }
0xaa: {  	[dreg:$0x4] =	wrdreg $0xC0  }
0xab: {  	_ =	task [dreg:s7], $0x5FFFF  }
0xac: {  	[dreg:$0x1] =	wrdreg $0xFFFFFFFF  }
0xad: {  	[dreg:$0x0] =	wrdreg $0x60  }
0xae: {  	[dreg:$0x2] =	wrdreg s2  }
0xaf: {  	[dreg:$0x3] =	wrdreg s24  }
0xb0: {  	[dreg:$0x4] =	wrdreg $0x44800  }
0xb1: {  	[dreg:$0x5] =	wrdreg $0x9  }
0xb2: {  	_ =	task.clear_ibuf [dreg:s7], $0x6FFFF;
	_ =	strace $0x90000046  }
0xb3: {  	s29 =	simm.s32 $0x9;
	_ =	strace $0x80000048  }
0xb4: {  	_ =	swait.ge [sflag:s29], $0x1  }
0xb5: {  	[sflag:s29] =	ssyncadd.s32 $0xFFFFFFFF  }
0xb6: {  	_ =	strace $0x90000048  }
0xb7: {  	_ =	sfence  }
0xb8: {  	s30 =	sld [smem:$0x0];
	_ =	sdelay $0x2  }
0xb9: {  	s31 =	sshll.u32 s1, $0xD;
	s1 =	sshrl.u32 s1, $0x2  }
0xba: {  	s3 =	sand.u32 $0x4000, s31;
	s1 =	sadd.s32 s1, s30  }
0xbb: {  	s0 =	sor.u32 s3, s0;
	s1 =	sshll.u32 s1, $0x11  }
0xbc: {  	s0 =	sor.u32 s1, s0  }
0xbd: {  	s0 =	sadd.s32 $0x8F2B, s0  }
0xbe: {  	[sflag:s0] =	ssyncadd.remote.s32 $0x1  }
0xbf: {  	_ =	sfence.sel $0xFFFF  }
0xc0: {  	[dreg:$0x0] =	wrdreg $0xFFFFFFFF;
	(pc) =	sbr.abs _section_cstart, $3  }
0xc1: {  	[dreg:$0x1] =	wrdreg $0xFFFFFFFF  }
0xc2: {  	_ =	task.clear_ibuf [dreg:s7], $0x2FFFF;
	_ =	strace $0x9FFFFFFF  }
0xc3: {  	(tm) =	ssettm $0x7FFFFFFF  }
tec
execute0_lowered:
.L_overlay_start_1:
0x0: {  	(tag) =	ssettag $0x1  }
0x1: {  	s1 =	rddreg [dreg:$0x0];
	s2 =	srdreg.scid  }
0x2: {  	s0 =	stileid.u32;
	s6 =	rddreg [dreg:$0x1]  }
0x3: {  	s3 =	rddreg [dreg:$0x2];
	s4 =	simm.s32 $0x0;
	s11 =	simm.s32 $0x1  }
0x4: {  	s12 =	simm.s32 $0x1C00;
	s5 =	sand.u32 $0x1, s2;
	s7 =	smul.u32 $0xC40, s0  }
0x5: {  	s13 =	simm.s32 $0x80;
	s2 =	rddreg [dreg:$0x3];
	s8 =	smul.u32 $0xC400, s5  }
0x6: {  	s14 =	simm.s32 $0x0;
	[smem:$0x7FF] =	sst s4;
	s9 =	ssub.s32 $0x2, s5  }
0x7: {  	_ =	strace $0x80000047;
	s10 =	sshrl.u32 s9, $0x1;
	s8 =	sadd.s32 s7, s8  }
0x8: {  	s5 =	sadd.s32 $0x1A200, s6;
	s9 =	ssub.s32 s9, s10;
	s8 =	sshrl.u32 s8, $0x3  }
0x9: {  	s10 =	simm.s32 $0x3800;
	s9 =	smax.u32 s9, $0x1;
	s8 =	sadd.s32 s8, s6  }
0xa: {  	v0 =	vimm.f32 $0.0e+00;
	s6 =	sadd.s32 s7, s3;
	s7 =	smul.u32 $0x188, s0;
	s8 =	sadd.s32 $0x32A00, s8  }
.LBB2_1:
0xb: {  	s15 =	simm.s32 $0x40;
	s16 =	simm.s32 $0x0  }
.LBB2_2:
0xc: {  	p0 =	sne.s32 s15, $0x30C0;
	[tilespmem:s16+$0x3800] =	vst v0;
	s16 =	smov.u32 s15;
	s15 =	sadd.s32 $0x40, s15  }
.Ltmp0:
0xd: {  	(pc) =	sbr.rel @p0 .LBB2_2-.Ltmp0, $2  }
0xe: {  	_ =	sdelay $0x2  }
0xf: {  	s16 =	sshra.s32 s16, $0x2  }
0x10: {  	[tilespmem:s16+$0x3800] =	vst v0  }
0x11: {  	[spmem:s6] =	stream.linear.scatter [tilespmem:s10], [sflag:$0x1], $0xC40, $0x38;
	[tilespmem:$0x50C0] =	vst v63  }
0x12: {  	_ =	swait.ge [sflag:s11], $0xC40  }
0x13: {  	[sflag:s11] =	ssyncset.done $0x0  }
0x14: {  	[sflag:s11] =	ssyncadd.s32 $0xFFFFF3C0  }
0x15: {  	s15 =	simm.s32 $0x0;
	s16 =	simm.s32 $0x0;
	[bflag:$0x0] =	sbarrier.arrive $0xFFFF  }
.LBB2_4:
0x16: {  	s17 =	smul.u32 $0x38, s16;
	_ =	sdelay $0x1  }
0x17: {  	s17 =	sadd.s32 s7, s17  }
0x18: {  	s17 =	sshll.u32 s17, $0x4  }
0x19: {  	s18 =	sadd.s32 s1, s17  }
0x1a: {  	[tilespmem:s15], [sflag:$0x1] =	stream.linear.gather [hbm4b:s18+s15], $0x1C00, $0x38;
	[tilespmem:$0x50C0] =	vst v63  }
0x1b: {  	_ =	swait.ge [sflag:s11], $0x1C00  }
0x1c: {  	[sflag:s11] =	ssyncset.done $0x0  }
0x1d: {  	s17 =	sadd.s32 s5, s17;
	[sflag:s11] =	ssyncadd.s32 $0xFFFFE400  }
0x1e: {  	[tilespmem:s12], [sflag:$0x1] =	stream.linear.gather [hbm4b:s17+s15], $0x1C00, $0x38;
	[tilespmem:$0x50C0] =	vst v63  }
0x1f: {  	_ =	swait.ge [sflag:s11], $0x1C00  }
0x20: {  	[sflag:s11] =	ssyncset.done $0x0  }
0x21: {  	s30 =	simm.s32 $0x0;
	s31 =	simm.s32 $0x1C00;
	[sflag:s11] =	ssyncadd.s32 $0xFFFFE400  }
0x22: {  	[spmem:s3] =	stream.indirect.scatter.add.f32 [tilespmem:s31], [sflag:$0x1], $0x1, s30, s13, $0xb8;
	[tilespmem:$0x50C0] =	vst v63  }
0x23: {  	s17 =	simm.s32 $0x200;
	_ =	swait.ge [sflag:s11], $0x80  }
.LBB2_5:
0x24: {  	s18 =	sshra.s32 s17, $0x2;
	[sflag:s11] =	ssyncset.done $0x0;
	p0 =	sne.s32 s17, $0x6E00  }
.Ltmp1:
0x25: {  	s19 =	sadd.s32 $0x1C00, s18;
	[sflag:s11] =	ssyncadd.s32 $0xFFFFFF80;
	(pc) =	sbr.rel @p0 .LBB2_5-.Ltmp1, $3  }
0x26: {  	[spmem:s3] =	stream.indirect.scatter.add.f32 [tilespmem:s19], [sflag:$0x1], $0x1, s18, s13, $0xb8;
	[tilespmem:$0x50C0] =	vst v63  }
0x27: {  	s17 =	sadd.s32 $0x200, s17;
	_ =	sdelay $0x1  }
0x28: {  	_ =	swait.ge [sflag:s11], $0x80  }
0x29: {  	s16 =	sadd.s32 $0x1, s16  }
0x2a: {  	p0 =	sne.s32 s16, $0x7  }
.Ltmp2:
0x2b: {  	_ = 	snop;
	(pc) =	sbr.rel @p0 .LBB2_4-.Ltmp2, $3  }
0x2c: {  	_ =	sdelay $0x1  }
0x2d: {  	[sflag:s11] =	ssyncset.done $0x0  }
0x2e: {  	[sflag:s11] =	ssyncadd.s32 $0xFFFFFF80  }
0x2f: {  	[bflag:$0x0] =	sbarrier.arrive $0xFFFF  }
0x30: {  	[tilespmem:s10], [sflag:$0x1] =	stream.linear.gather [spmem:s6], $0xC40, $0x38;
	[tilespmem:$0x50C0] =	vst v63  }
0x31: {  	s14 =	sadd.s32 $0x1, s14;
	_ =	swait.ge [sflag:s11], $0xC40  }
0x32: {  	p0 =	sne.s32 s14, s9;
	[sflag:s11] =	ssyncset.done $0x0  }
.Ltmp3:
0x33: {  	[sflag:s11] =	ssyncadd.s32 $0xFFFFF3C0;
	(pc) =	sbr.rel @p0 .LBB2_1-.Ltmp3, $4  }
0x34: {  	[hbm4b:s8+s4] =	stream.linear.scatter [tilespmem:s10], [sflag:$0x1], $0xC40, $0x38;
	[tilespmem:$0x50C0] =	vst v63  }
0x35: {  	_ =	swait.ge [sflag:s11], $0xC40  }
0x36: {  	[sflag:s11] =	ssyncset.done $0x0  }
0x37: {  	[sflag:s11] =	ssyncadd.s32 $0xFFFFF3C0  }
0x38: {  	_ =	sfence.sel $0x180000  }
0x39: {  	[bflag:$0x0] =	sbarrier.arrive $0xFFFF  }
0x3a: {  	p0 =	sne.s32 s0, $0x0;
	_ =	strace $0x90000047  }
0x3b: {  	s0 =	sadd.s32 @!p0 $0x100000, s2;
	[bflag:$0x2] =	sbarrier.arrive $0xFFFF  }
0x3c: {  	[sflag:s0] =	ssyncadd.tile.s32 @!p0 $0x1;
	_ =	shalt  }
.Lfunc_end2:
_tile_overlayer_lowered:
.L_overlay_start_2:
0x3d: {  	(tag) =	ssettag $0x2  }
0x3e: {  	s0 =	rddreg [dreg:$0x0];
	s2 =	stileid.u32  }
0x3f: {  	s1 =	rddreg [dreg:$0x1];
	p0 =	sne.s32 s2, $0x0  }
0x40: {  	s3 =	rddreg [dreg:$0x2];
	[bflag:$0x3] =	sbarrier.arrive $0xFFFF;
	s2 =	simm.s32 @!p0 $0x1C01  }
0x41: {  	[timem:s3], [sflag:s2] =	dma.local @!p0 [hbm:s0], s1  }
0x42: {  	s0 =	simm.s32 @!p0 $0x1  }
0x43: {  	_ =	swait.ge @!p0 [sflag:s0], s1  }
0x44: {  	s1 =	ssub.s32 @!p0 $0x0, s1;
	[sflag:s0] =	ssyncset.done @!p0 $0x0  }
0x45: {  	[sflag:s0] =	ssyncadd.s32 @!p0 s1  }
0x46: {  	[bflag:$0x3] =	sbarrier.arrive $0xFFFF  }
0x47: {  	_ =	shalt  }

</sc_bundles>
